<compile_context>
chip_gen: v7x
topology: tpu7x:2x2x1
jax: 0.10.2.dev20260603
libtpu: 0.0.44.dev20260713+nightly
codegen_flags: <defaults>
</compile_context>

<pallas_src>
import functools
import math

import jax
import jax.numpy as jnp
from jax import lax
from jax.experimental import pallas as pl
from jax.experimental.pallas import tpu as pltpu
from jax.experimental.pallas import tpu_sc as plsc

N_SRC = 10000
N_DST = 10000
E = 320000
D = 128
H = 16
HD = D // H
NC = 2
NS = 16
HALF = D // NC
JH = HALF // 16
PER_TILE = E // NS
C = 32
N_CHUNK = PER_TILE // C
NPAIR = (N_CHUNK - 1) // 2
IB = 5
N_PAD = 10240
RPT = N_PAD // NS
L = 16

_HI = lax.Precision.HIGHEST

_GD = lax.GatherDimensionNumbers(
    offset_dims=(), collapsed_slice_dims=(0,), start_index_map=(0,))


def _perm(x, idx):
    return lax.gather(x, idx[:, None], _GD, (1,),
                      mode=lax.GatherScatterMode.PROMISE_IN_BOUNDS)


def _ln(x, g, b):
    m = jnp.mean(x, axis=-1, keepdims=True)
    v = jnp.mean((x - m) * (x - m), axis=-1, keepdims=True)
    return (x - m) * lax.rsqrt(v + 1e-5) * g + b



_BR = 1000


def _qxd_body(xdin_ref, Wemb_ref, bemb_ref, gd_ref, bd_ref, Wq_ref, bq_ref,
              q_ref, xd_ref):
    xd0 = jnp.dot(xdin_ref[...], Wemb_ref[...], precision=_HI) + bemb_ref[...]
    xd_ref[...] = xd0
    xd_n = _ln(xd0, gd_ref[...], bd_ref[...])
    q_ref[...] = (jnp.dot(xd_n, Wq_ref[...], precision=_HI)
                  + bq_ref[...]) * (1.0 / math.sqrt(HD))


def _qxd(x_dst, W_emb, b_emb, g_d, b_d, W_q, b_q):
    row = pl.BlockSpec((_BR, D), lambda i: (i, 0))
    wsp = pl.BlockSpec((D, D), lambda i: (0, 0))
    vsp = pl.BlockSpec((1, D), lambda i: (0, 0))
    out = jax.ShapeDtypeStruct((N_DST, D), jnp.float32)
    return pl.pallas_call(
        _qxd_body,
        grid=(N_DST // _BR,),
        in_specs=[row, wsp, vsp, vsp, vsp, wsp, vsp],
        out_specs=[row, row],
        out_shape=[out, out],
    )(x_dst, W_emb, b_emb, g_d, b_d, W_q, b_q)


def _kv_body(xs_ref, gs_ref, bs_ref, Wk_ref, bk_ref, Wv_ref, bv_ref, kv_ref):
    c = pl.program_id(0)
    xs_n = _ln(xs_ref[...], gs_ref[...], bs_ref[...])
    k = jnp.dot(xs_n, Wk_ref[...], precision=_HI) + bk_ref[...]
    v = jnp.dot(xs_n, Wv_ref[...], precision=_HI) + bv_ref[...]
    lo = jnp.concatenate([k[:, :HALF], v[:, :HALF]], axis=-1)
    hi = jnp.concatenate([k[:, HALF:], v[:, HALF:]], axis=-1)
    kv_ref[...] = jnp.where(c == 0, lo, hi)


def _kv(x_src, g_s, b_s, W_k, b_k, W_v, b_v):
    row = pl.BlockSpec((_BR, D), lambda c, i: (i, 0))
    wsp = pl.BlockSpec((D, D), lambda c, i: (0, 0))
    vsp = pl.BlockSpec((1, D), lambda c, i: (0, 0))
    nb = N_SRC // _BR
    return pl.pallas_call(
        _kv_body,
        grid=(NC, nb),
        in_specs=[row, vsp, vsp, wsp, vsp, wsp, vsp],
        out_specs=pl.BlockSpec((_BR, D), lambda c, i: (c * nb + i, 0)),
        out_shape=jax.ShapeDtypeStruct((NC * N_SRC, D), jnp.float32),
    )(x_src, g_s, b_s, W_k, b_k, W_v, b_v)



_BE = 2000


def _edge_body(ef_ref, W_ref, be_ref, e_ref):
    e_ref[0] = (jnp.dot(ef_ref[...], W_ref[0], precision=_HI) + be_ref[0])


def _edge_proj(edge_attr, trainable, W_e, b_e):
    ef = jnp.concatenate(
        [edge_attr, trainable, jnp.zeros((E, 4), jnp.float32)], axis=1)
    W16 = jnp.concatenate([W_e, jnp.zeros((4, D), jnp.float32)], axis=0)
    Ws = jnp.stack([W16[:, :HALF], W16[:, HALF:]])
    bs = jnp.stack([b_e[None, :HALF], b_e[None, HALF:]])
    return pl.pallas_call(
        _edge_body,
        grid=(NC, E // _BE),
        in_specs=[pl.BlockSpec((_BE, 16), lambda c, i: (i, 0)),
                  pl.BlockSpec((1, 16, HALF), lambda c, i: (c, 0, 0)),
                  pl.BlockSpec((1, 1, HALF), lambda c, i: (c, 0, 0))],
        out_specs=pl.BlockSpec((1, _BE, HALF), lambda c, i: (c, i, 0)),
        out_shape=jax.ShapeDtypeStruct((NC, E, HALF), jnp.float32),
    )(ef, Ws, bs)




def _sc_attn_body(kv_hbm, q_hbm, e_hbm, ei_hbm, nd_hbm,
                  src_blk, dst_blk, src_i0, src_i1, dst_i0, dst_i1,
                  kv_b0, kv_b1, q_b0, q_b1, e_b0, e_b1, wx_b0, wx_b1,
                  num_sh, skv0, skv1, sq0, sq1, se0, se1, ss0, ss1):
    cid = lax.axis_index("c")
    sid = lax.axis_index("s")

    src_i = (src_i0, src_i1)
    dst_i = (dst_i0, dst_i1)
    kv_b = (kv_b0, kv_b1)
    q_b = (q_b0, q_b1)
    e_b = (e_b0, e_b1)
    wx_b = (wx_b0, wx_b1)
    skv = (skv0, skv1)
    sq = (sq0, sq1)
    se = (se0, se1)
    ss = (ss0, ss1)

    iota = lax.iota(jnp.int32, L)
    half8 = lax.shift_right_logical(iota, 3)
    pair = lax.shift_right_logical(iota, 1)
    zero16 = jnp.zeros((L,), jnp.float32)
    col0 = cid * HALF
    row0 = sid * RPT
    base0 = sid * PER_TILE

    def zrow(r, carry):
        for j in range(D // L):
            wx_b0[r, pl.ds(L * j, L)] = zero16
            wx_b1[r, pl.ds(L * j, L)] = zero16
        return carry

    lax.fori_loop(0, C, zrow, 0)
    for t in range(RPT // C):
        pltpu.sync_copy(wx_b0, num_sh.at[pl.ds(row0 + t * C, C)])
    plsc.subcore_barrier()

    def issue(cc, b):
        @pl.when(cc % IB == 0)
        def _():
            blkbase = base0 + cc * C
            pltpu.sync_copy(ei_hbm.at[pl.ds(blkbase, IB * C)], src_blk)
            pltpu.sync_copy(ei_hbm.at[pl.ds(E + blkbase, IB * C)], dst_blk)

        off = (cc % IB) * C
        for t in range(C // L):
            sl = pl.ds(L * t, L)
            src_i[b][sl] = src_blk[pl.ds(off + L * t, L)] + cid * N_SRC
            dst_i[b][sl] = dst_blk[pl.ds(off + L * t, L)]
        pltpu.async_copy(kv_hbm.at[src_i[b]], kv_b[b], skv[b])
        pltpu.async_copy(q_hbm.at[dst_i[b]], q_b[b], sq[b])
        pltpu.async_copy(e_hbm.at[cid, pl.ds(base0 + cc * C, C)],
                         e_b[b], se[b])

    def wait_gathers(b):
        pltpu.make_async_copy(kv_hbm.at[src_i[b]], kv_b[b], skv[b]).wait()
        pltpu.make_async_copy(q_hbm.at[dst_i[b]], q_b[b], sq[b]).wait()
        pltpu.make_async_copy(e_hbm.at[cid, pl.ds(0, C)], e_b[b],
                              se[b]).wait()

    def wait_scatter(b):
        pltpu.make_async_copy(wx_b[b], num_sh.at[dst_i[b]], ss[b]).wait()

    def compute(b):
        @plsc.parallel_loop(0, C, 1, unroll=2)
        def edge(i):
            ejs = []
            logit = zero16
            for j in range(JH):
                sl = pl.ds(L * j, L)
                ej = e_b[b][i, sl]
                ejs.append(ej)
                p = q_b[b][i, pl.ds(col0 + L * j, L)] * (kv_b[b][i, sl] + ej)
                for bd in (1, 2, 4):
                    p = p + _perm(p, iota ^ bd)
                t = _perm(p, jnp.where(iota == 2 * j + 1, 8, 0))
                logit = jnp.where(pair == j, t, logit)
            ex = jnp.exp(logit)
            wx_b[b][i, pl.ds(HALF, L)] = jnp.where(half8 == 0, ex, 0.0)
            for j in range(JH):
                bj = _perm(ex, 2 * j + half8)
                wx_b[b][i, pl.ds(L * j, L)] = bj * (
                    kv_b[b][i, pl.ds(HALF + L * j, L)] + ejs[j])

    def scatter(b):
        pltpu.async_copy(wx_b[b], num_sh.at[dst_i[b]], ss[b], add=True)

    issue(0, 0)

    def pair_step(t, carry):
        cc0 = 2 * t
        wait_gathers(0)

        @pl.when(t > 0)
        def _():
            wait_scatter(1)

        issue(cc0 + 1, 1)
        compute(0)
        scatter(0)

        wait_gathers(1)
        wait_scatter(0)
        issue(cc0 + 2, 0)
        compute(1)
        scatter(1)
        return carry

    lax.fori_loop(0, NPAIR, pair_step, 0)

    wait_gathers(0)
    wait_scatter(1)
    compute(0)
    pltpu.sync_copy(wx_b0, num_sh.at[dst_i0], add=True)

    plsc.subcore_barrier()
    pltpu.sync_copy(num_sh.at[pl.ds(row0, RPT)],
                    nd_hbm.at[cid, pl.ds(row0, RPT)])


def _sc_attention(kv, q, e, ei):
    mesh = plsc.VectorSubcoreMesh(core_axis_name="c", subcore_axis_name="s")
    kern = pl.kernel(
        _sc_attn_body,
        out_type=jax.ShapeDtypeStruct((NC, N_PAD, D), jnp.float32),
        mesh=mesh,
        scratch_types=[
            pltpu.VMEM((IB * C,), jnp.int32),
            pltpu.VMEM((IB * C,), jnp.int32),
            pltpu.VMEM((C,), jnp.int32),
            pltpu.VMEM((C,), jnp.int32),
            pltpu.VMEM((C,), jnp.int32),
            pltpu.VMEM((C,), jnp.int32),
            pltpu.VMEM((C, D), jnp.float32),
            pltpu.VMEM((C, D), jnp.float32),
            pltpu.VMEM((C, D), jnp.float32),
            pltpu.VMEM((C, D), jnp.float32),
            pltpu.VMEM((C, HALF), jnp.float32),
            pltpu.VMEM((C, HALF), jnp.float32),
            pltpu.VMEM((C, D), jnp.float32),
            pltpu.VMEM((C, D), jnp.float32),
            pltpu.VMEM_SHARED((N_PAD, D), jnp.float32),
            pltpu.SemaphoreType.DMA,
            pltpu.SemaphoreType.DMA,
            pltpu.SemaphoreType.DMA,
            pltpu.SemaphoreType.DMA,
            pltpu.SemaphoreType.DMA,
            pltpu.SemaphoreType.DMA,
            pltpu.SemaphoreType.DMA,
            pltpu.SemaphoreType.DMA,
        ],
    )
    return kern(kv, q, e, ei)



_BP = 1000


def _post_body(nd_ref, xd_ref, S0_ref, S1_ref, S_ref, Wp_ref, bp_ref,
               g2_ref, b2_ref, Wm1_ref, bm1_ref, Wm2_ref, bm2_ref, out_ref):
    blk0 = nd_ref[0]
    blk1 = nd_ref[1]
    num = jnp.concatenate([blk0[:, :HALF], blk1[:, :HALF]], axis=-1)
    den = (jnp.dot(blk0, S0_ref[...], precision=_HI)
           + jnp.dot(blk1, S1_ref[...], precision=_HI))
    deninv = 1.0 / (den + 1e-16)
    attn = num * jnp.dot(deninv, S_ref[...], precision=_HI)
    out1 = jnp.dot(attn, Wp_ref[...], precision=_HI) + bp_ref[...] + xd_ref[...]
    h = _ln(out1, g2_ref[...], b2_ref[...])
    hm = jax.nn.gelu(jnp.dot(h, Wm1_ref[...], precision=_HI) + bm1_ref[...])
    out_ref[...] = out1 + jnp.dot(hm, Wm2_ref[...], precision=_HI) + bm2_ref[...]


def _post(nd, xd, W_p, b_p, g2, b2, W_m1, b_m1, W_m2, b_m2):
    S = jnp.repeat(jnp.eye(H, dtype=jnp.float32), HD, axis=1)
    eye8 = jnp.eye(8, dtype=jnp.float32)
    pad = jnp.zeros((8, 8), jnp.float32)
    blk = jnp.concatenate([jnp.zeros((HALF, H), jnp.float32),
                           jnp.concatenate([eye8, pad], axis=1),
                           jnp.zeros((D - HALF - 8, H), jnp.float32)], axis=0)
    S0 = blk
    S1 = jnp.roll(blk, 8, axis=1)
    MH = 4 * D
    return pl.pallas_call(
        _post_body,
        grid=(N_DST // _BP,),
        in_specs=[pl.BlockSpec((NC, _BP, D), lambda i: (0, i, 0)),
                  pl.BlockSpec((_BP, D), lambda i: (i, 0)),
                  pl.BlockSpec((D, H), lambda i: (0, 0)),
                  pl.BlockSpec((D, H), lambda i: (0, 0)),
                  pl.BlockSpec((H, D), lambda i: (0, 0)),
                  pl.BlockSpec((D, D), lambda i: (0, 0)),
                  pl.BlockSpec((1, D), lambda i: (0, 0)),
                  pl.BlockSpec((1, D), lambda i: (0, 0)),
                  pl.BlockSpec((1, D), lambda i: (0, 0)),
                  pl.BlockSpec((D, MH), lambda i: (0, 0)),
                  pl.BlockSpec((1, MH), lambda i: (0, 0)),
                  pl.BlockSpec((MH, D), lambda i: (0, 0)),
                  pl.BlockSpec((1, D), lambda i: (0, 0))],
        out_specs=pl.BlockSpec((_BP, D), lambda i: (i, 0)),
        out_shape=jax.ShapeDtypeStruct((N_DST, D), jnp.float32),
    )(nd, xd, S0, S1, S, W_p, b_p, g2, b2, W_m1, b_m1, W_m2, b_m2)




def kernel(x_src, x_dst, edge_index, edge_attr, trainable,
           W_emb_dst, b_emb_dst, g_ln_src, b_ln_src, g_ln_dst, b_ln_dst,
           W_q, b_q, W_k, b_k, W_v, b_v, W_e, b_e, W_p, b_p,
           g_ln2, b_ln2, W_m1, b_m1, W_m2, b_m2):
    r1 = lambda a: a.reshape(1, -1)
    ei = edge_index.astype(jnp.int32).reshape(2 * E)
    q, xd = _qxd(x_dst, W_emb_dst, r1(b_emb_dst), r1(g_ln_dst),
                 r1(b_ln_dst), W_q, r1(b_q))
    kv = _kv(x_src, r1(g_ln_src), r1(b_ln_src), W_k, r1(b_k), W_v, r1(b_v))
    e = _edge_proj(edge_attr, trainable, W_e, b_e)
    nd = _sc_attention(kv, q, e, ei)
    return _post(nd, xd, W_p, r1(b_p), r1(g_ln2), r1(b_ln2),
                 W_m1, r1(b_m1), W_m2, r1(b_m2))

# --- scband reference (transcript-rebuilt; emitter-appended) ---
"""Pipeline reference for scband-graph-transformer-base-mapper-27358941676250 (READ-ONLY COPY).

The authoritative reference and input builder live on the scoring server;
editing this copy changes nothing except your own understanding.
"""

import jax, jax.numpy as jnp
import numpy as np

N_SRC = 10000
N_DST = 10000
E = 320000
D = 128
H = 16
HD = D // H
EDGE_ATTR_DIM = 4
TRAIN_DIM = 8
EDGE_DIM = EDGE_ATTR_DIM + TRAIN_DIM
MLP_HIDDEN = 4 * D


def layer_norm(x, g, b, eps=1e-5):
    m = jnp.mean(x, axis=-1, keepdims=True)
    v = jnp.var(x, axis=-1, keepdims=True)
    return (x - m) / jnp.sqrt(v + eps) * g + b


def setup_inputs(seed: int = 0) -> dict:
    key = jax.random.key(seed)
    ks = jax.random.split(key, 32)
    def w(k, shape, scale=0.05):
        return jax.random.normal(k, shape, dtype=jnp.float32) * scale
    inp = {}
    inp["x_src"] = jax.random.normal(ks[0], (N_SRC, D), dtype=jnp.float32)
    inp["x_dst"] = jax.random.normal(ks[1], (N_DST, D), dtype=jnp.float32)
    inp["edge_index"] = jax.random.randint(ks[2], (2, E), 0, N_SRC)
    # registered buffer (edge attributes from sub_graph) + TrainableTensor
    inp["edge_attr"] = jax.random.normal(ks[3], (E, EDGE_ATTR_DIM), dtype=jnp.float32)
    inp["trainable"] = w(ks[4], (E, TRAIN_DIM), 1.0)
    # emb_nodes_dst Linear
    inp["W_emb_dst"] = w(ks[5], (D, D)); inp["b_emb_dst"] = jnp.zeros((D,), jnp.float32)
    # GraphTransformerMapperBlock params
    inp["g_ln_src"] = jnp.ones((D,), jnp.float32); inp["b_ln_src"] = jnp.zeros((D,), jnp.float32)
    inp["g_ln_dst"] = jnp.ones((D,), jnp.float32); inp["b_ln_dst"] = jnp.zeros((D,), jnp.float32)
    inp["W_q"] = w(ks[6], (D, D)); inp["b_q"] = jnp.zeros((D,), jnp.float32)
    inp["W_k"] = w(ks[7], (D, D)); inp["b_k"] = jnp.zeros((D,), jnp.float32)
    inp["W_v"] = w(ks[8], (D, D)); inp["b_v"] = jnp.zeros((D,), jnp.float32)
    inp["W_e"] = w(ks[9], (EDGE_DIM, D)); inp["b_e"] = jnp.zeros((D,), jnp.float32)
    inp["W_p"] = w(ks[10], (D, D)); inp["b_p"] = jnp.zeros((D,), jnp.float32)
    inp["g_ln2"] = jnp.ones((D,), jnp.float32); inp["b_ln2"] = jnp.zeros((D,), jnp.float32)
    inp["W_m1"] = w(ks[11], (D, MLP_HIDDEN)); inp["b_m1"] = jnp.zeros((MLP_HIDDEN,), jnp.float32)
    inp["W_m2"] = w(ks[12], (MLP_HIDDEN, D)); inp["b_m2"] = jnp.zeros((D,), jnp.float32)
    return inp


def reference(x_src, x_dst, edge_index, edge_attr, trainable,
              W_emb_dst, b_emb_dst, g_ln_src, b_ln_src, g_ln_dst, b_ln_dst,
              W_q, b_q, W_k, b_k, W_v, b_v, W_e, b_e, W_p, b_p,
              g_ln2, b_ln2, W_m1, b_m1, W_m2, b_m2):
    # pre-process: embed destination nodes to hidden dim (src already hidden_dim)
    xd = x_dst @ W_emb_dst + b_emb_dst
    xs = x_src
    # TrainableTensor: concat registered edge_attr buffer with trainable tensor (batch_size=1)
    e_feat = jnp.concatenate([edge_attr, trainable], axis=-1)
    src = edge_index[0]
    dst = edge_index[1]
    # GraphTransformerMapperBlock
    xd_skip = xd
    xs_n = layer_norm(xs, g_ln_src, b_ln_src)
    xd_n = layer_norm(xd, g_ln_dst, b_ln_dst)
    q = (xd_n @ W_q + b_q).reshape(N_DST, H, HD)
    k = (xs_n @ W_k + b_k).reshape(N_SRC, H, HD)
    v = (xs_n @ W_v + b_v).reshape(N_SRC, H, HD)
    e = (e_feat @ W_e + b_e).reshape(E, H, HD)
    k_e = k[src] + e
    v_e = v[src] + e
    q_e = q[dst]
    logits = jnp.sum(q_e * k_e, axis=-1) / jnp.sqrt(jnp.float32(HD))  # [E, H]
    lmax = jax.ops.segment_max(logits, dst, num_segments=N_DST)
    lmax = jnp.where(jnp.isfinite(lmax), lmax, 0.0)
    ex = jnp.exp(logits - lmax[dst])
    den = jax.ops.segment_sum(ex, dst, num_segments=N_DST)
    alpha = ex / (den[dst] + 1e-16)
    out = jax.ops.segment_sum(alpha[..., None] * v_e, dst, num_segments=N_DST)
    out = out.reshape(N_DST, D)
    out = out @ W_p + b_p
    out = out + xd_skip
    h = layer_norm(out, g_ln2, b_ln2)
    h = jax.nn.gelu(h @ W_m1 + b_m1) @ W_m2 + b_m2
    out = out + h
    return out

if __name__ == "__main__":
    import jax
    _d = setup_inputs()
    print(jax.jit(kernel)(*tuple(_d.values())))

</pallas_src>

<mosaic_0001>
#map = affine_map<(d0, d1) -> (0, 0)>
#map1 = affine_map<(d0, d1) -> (0, 0, 0)>
#map2 = affine_map<(d0, d1) -> (0)>
module attributes {stable_mosaic.version = 14 : i64} {
  func.func @_sc_attn_body(%arg0: i32, %arg1: i32, %arg2: memref<20000x128xf32, #tpu.memory_space<hbm>>, %arg3: memref<10000x128xf32, #tpu.memory_space<hbm>>, %arg4: memref<2x320000x64xf32, #tpu.memory_space<hbm>>, %arg5: memref<640000xi32, #tpu.memory_space<hbm>>, %arg6: memref<2x10240x128xf32, #tpu.memory_space<hbm>>, %arg7: memref<160xi32, #tpu.memory_space<vmem>>, %arg8: memref<160xi32, #tpu.memory_space<vmem>>, %arg9: memref<32xi32, #tpu.memory_space<vmem>>, %arg10: memref<32xi32, #tpu.memory_space<vmem>>, %arg11: memref<32xi32, #tpu.memory_space<vmem>>, %arg12: memref<32xi32, #tpu.memory_space<vmem>>, %arg13: memref<32x128xf32, #tpu.memory_space<vmem>>, %arg14: memref<32x128xf32, #tpu.memory_space<vmem>>, %arg15: memref<32x128xf32, #tpu.memory_space<vmem>>, %arg16: memref<32x128xf32, #tpu.memory_space<vmem>>, %arg17: memref<32x64xf32, #tpu.memory_space<vmem>>, %arg18: memref<32x64xf32, #tpu.memory_space<vmem>>, %arg19: memref<32x128xf32, #tpu.memory_space<vmem>>, %arg20: memref<32x128xf32, #tpu.memory_space<vmem>>, %arg21: memref<10240x128xf32, #tpu.memory_space<vmem_shared>>, %arg22: memref<!tpu.dma_semaphore, #tpu.memory_space<semaphore_mem>>, %arg23: memref<!tpu.dma_semaphore, #tpu.memory_space<semaphore_mem>>, %arg24: memref<!tpu.dma_semaphore, #tpu.memory_space<semaphore_mem>>, %arg25: memref<!tpu.dma_semaphore, #tpu.memory_space<semaphore_mem>>, %arg26: memref<!tpu.dma_semaphore, #tpu.memory_space<semaphore_mem>>, %arg27: memref<!tpu.dma_semaphore, #tpu.memory_space<semaphore_mem>>, %arg28: memref<!tpu.dma_semaphore, #tpu.memory_space<semaphore_mem>>, %arg29: memref<!tpu.dma_semaphore, #tpu.memory_space<semaphore_mem>>) attributes {dimension_semantics = [#tpu.dimension_semantics<core_parallel>, #tpu.dimension_semantics<subcore_parallel>], iteration_bounds = array<i64: 2, 16>, scalar_prefetch = 0 : i64, scratch_operands = 23 : i64, tpu.core_type = #tpu.core_type<sc_vector_subcore>, window_params = [{transform_indices = #map}, {transform_indices = #map}, {transform_indices = #map1}, {transform_indices = #map2}, {transform_indices = #map1}]} {
    %iota3A = tpu.iota {dimensions = array<i32: 0>} : vector<16xi32>
    %shift_right_logical3A = arith.constant 3 : i32
    %shift_right_logical3A_0 = vector.broadcast %shift_right_logical3A : i32 to vector<16xi32>
    %shift_right_logical3A_1 = arith.shrui %iota3A, %shift_right_logical3A_0 : vector<16xi32>
    %shift_right_logical3A_2 = arith.constant 1 : i32
    %shift_right_logical3A_3 = vector.broadcast %shift_right_logical3A_2 : i32 to vector<16xi32>
    %shift_right_logical3A_4 = arith.shrui %iota3A, %shift_right_logical3A_3 : vector<16xi32>
    %broadcast_in_dim3A = arith.constant 0.000000e+00 : f32
    %broadcast_in_dim3A_5 = vector.broadcast %broadcast_in_dim3A : f32 to vector<16xf32>
    %mul3A = arith.constant 64 : i32
    %mul3A_6 = arith.muli %arg0, %mul3A : i32
    %mul3A_7 = arith.constant 640 : i32
    %mul3A_8 = arith.muli %arg1, %mul3A_7 : i32
    %mul3A_9 = arith.constant 20000 : i32
    %mul3A_10 = arith.muli %arg1, %mul3A_9 : i32
    %scan3A = arith.constant 0 : i32
    %scan3A_11 = arith.constant 0 : i32
    %scan3A_12 = arith.constant 32 : i32
    %scan3A_13 = arith.addi %scan3A_11, %scan3A_12 : i32
    %scan3A_14 = arith.constant 1 : i32
    scf.for %scan3A_131 = %scan3A_11 to %scan3A_13 step %scan3A_14  : i32 {
      %swap3A_132 = arith.index_cast %scan3A_131 : i32 to index
      %swap3A_133 = arith.constant 0 : index
      %swap3A_134 = tpu.vector_load %arg19[%swap3A_132, %swap3A_133] {strides = array<i32>} : memref<32x128xf32, #tpu.memory_space<vmem>>, vector<1x16xf32>,
      %swap3A_135 = vector.shape_cast %swap3A_134 : vector<1x16xf32> to vector<16xf32>
      %swap3A_136 = vector.shape_cast %broadcast_in_dim3A_5 : vector<16xf32> to vector<1x16xf32>
      tpu.vector_store %arg19[%swap3A_132, %swap3A_133], %swap3A_136 {strides = array<i32>} : memref<32x128xf32, #tpu.memory_space<vmem>>, vector<1x16xf32>,
      %swap3A_137 = arith.index_cast %scan3A_131 : i32 to index
      %swap3A_138 = arith.constant 0 : index
      %swap3A_139 = tpu.vector_load %arg20[%swap3A_137, %swap3A_138] {strides = array<i32>} : memref<32x128xf32, #tpu.memory_space<vmem>>, vector<1x16xf32>,
      %swap3A_140 = vector.shape_cast %swap3A_139 : vector<1x16xf32> to vector<16xf32>
      %swap3A_141 = vector.shape_cast %broadcast_in_dim3A_5 : vector<16xf32> to vector<1x16xf32>
      tpu.vector_store %arg20[%swap3A_137, %swap3A_138], %swap3A_141 {strides = array<i32>} : memref<32x128xf32, #tpu.memory_space<vmem>>, vector<1x16xf32>,
      %swap3A_142 = arith.index_cast %scan3A_131 : i32 to index
      %swap3A_143 = arith.constant 16 : index
      %swap3A_144 = tpu.vector_load %arg19[%swap3A_142, %swap3A_143] {strides = array<i32>} : memref<32x128xf32, #tpu.memory_space<vmem>>, vector<1x16xf32>,
      %swap3A_145 = vector.shape_cast %swap3A_144 : vector<1x16xf32> to vector<16xf32>
      %swap3A_146 = vector.shape_cast %broadcast_in_dim3A_5 : vector<16xf32> to vector<1x16xf32>
      tpu.vector_store %arg19[%swap3A_142, %swap3A_143], %swap3A_146 {strides = array<i32>} : memref<32x128xf32, #tpu.memory_space<vmem>>, vector<1x16xf32>,
      %swap3A_147 = arith.index_cast %scan3A_131 : i32 to index
      %swap3A_148 = arith.constant 16 : index
      %swap3A_149 = tpu.vector_load %arg20[%swap3A_147, %swap3A_148] {strides = array<i32>} : memref<32x128xf32, #tpu.memory_space<vmem>>, vector<1x16xf32>,
      %swap3A_150 = vector.shape_cast %swap3A_149 : vector<1x16xf32> to vector<16xf32>
      %swap3A_151 = vector.shape_cast %broadcast_in_dim3A_5 : vector<16xf32> to vector<1x16xf32>
      tpu.vector_store %arg20[%swap3A_147, %swap3A_148], %swap3A_151 {strides = array<i32>} : memref<32x128xf32, #tpu.memory_space<vmem>>, vector<1x16xf32>,
      %swap3A_152 = arith.index_cast %scan3A_131 : i32 to index
      %swap3A_153 = arith.constant 32 : index
      %swap3A_154 = tpu.vector_load %arg19[%swap3A_152, %swap3A_153] {strides = array<i32>} : memref<32x128xf32, #tpu.memory_space<vmem>>, vector<1x16xf32>,
      %swap3A_155 = vector.shape_cast %swap3A_154 : vector<1x16xf32> to vector<16xf32>
      %swap3A_156 = vector.shape_cast %broadcast_in_dim3A_5 : vector<16xf32> to vector<1x16xf32>
      tpu.vector_store %arg19[%swap3A_152, %swap3A_153], %swap3A_156 {strides = array<i32>} : memref<32x128xf32, #tpu.memory_space<vmem>>, vector<1x16xf32>,
      %swap3A_157 = arith.index_cast %scan3A_131 : i32 to index
      %swap3A_158 = arith.constant 32 : index
      %swap3A_159 = tpu.vector_load %arg20[%swap3A_157, %swap3A_158] {strides = array<i32>} : memref<32x128xf32, #tpu.memory_space<vmem>>, vector<1x16xf32>,
      %swap3A_160 = vector.shape_cast %swap3A_159 : vector<1x16xf32> to vector<16xf32>
      %swap3A_161 = vector.shape_cast %broadcast_in_dim3A_5 : vector<16xf32> to vector<1x16xf32>
      tpu.vector_store %arg20[%swap3A_157, %swap3A_158], %swap3A_161 {strides = array<i32>} : memref<32x128xf32, #tpu.memory_space<vmem>>, vector<1x16xf32>,
      %swap3A_162 = arith.index_cast %scan3A_131 : i32 to index
      %swap3A_163 = arith.constant 48 : index
      %swap3A_164 = tpu.vector_load %arg19[%swap3A_162, %swap3A_163] {strides = array<i32>} : memref<32x128xf32, #tpu.memory_space<vmem>>, vector<1x16xf32>,
      %swap3A_165 = vector.shape_cast %swap3A_164 : vector<1x16xf32> to vector<16xf32>
      %swap3A_166 = vector.shape_cast %broadcast_in_dim3A_5 : vector<16xf32> to vector<1x16xf32>
      tpu.vector_store %arg19[%swap3A_162, %swap3A_163], %swap3A_166 {strides = array<i32>} : memref<32x128xf32, #tpu.memory_space<vmem>>, vector<1x16xf32>,
      %swap3A_167 = arith.index_cast %scan3A_131 : i32 to index
      %swap3A_168 = arith.constant 48 : index
      %swap3A_169 = tpu.vector_load %arg20[%swap3A_167, %swap3A_168] {strides = array<i32>} : memref<32x128xf32, #tpu.memory_space<vmem>>, vector<1x16xf32>,
      %swap3A_170 = vector.shape_cast %swap3A_169 : vector<1x16xf32> to vector<16xf32>
      %swap3A_171 = vector.shape_cast %broadcast_in_dim3A_5 : vector<16xf32> to vector<1x16xf32>
      tpu.vector_store %arg20[%swap3A_167, %swap3A_168], %swap3A_171 {strides = array<i32>} : memref<32x128xf32, #tpu.memory_space<vmem>>, vector<1x16xf32>,
      %swap3A_172 = arith.index_cast %scan3A_131 : i32 to index
      %swap3A_173 = arith.constant 64 : index
      %swap3A_174 = tpu.vector_load %arg19[%swap3A_172, %swap3A_173] {strides = array<i32>} : memref<32x128xf32, #tpu.memory_space<vmem>>, vector<1x16xf32>,
      %swap3A_175 = vector.shape_cast %swap3A_174 : vector<1x16xf32> to vector<16xf32>
      %swap3A_176 = vector.shape_cast %broadcast_in_dim3A_5 : vector<16xf32> to vector<1x16xf32>
      tpu.vector_store %arg19[%swap3A_172, %swap3A_173], %swap3A_176 {strides = array<i32>} : memref<32x128xf32, #tpu.memory_space<vmem>>, vector<1x16xf32>,
      %swap3A_177 = arith.index_cast %scan3A_131 : i32 to index
      %swap3A_178 = arith.constant 64 : index
      %swap3A_179 = tpu.vector_load %arg20[%swap3A_177, %swap3A_178] {strides = array<i32>} : memref<32x128xf32, #tpu.memory_space<vmem>>, vector<1x16xf32>,
      %swap3A_180 = vector.shape_cast %swap3A_179 : vector<1x16xf32> to vector<16xf32>
      %swap3A_181 = vector.shape_cast %broadcast_in_dim3A_5 : vector<16xf32> to vector<1x16xf32>
      tpu.vector_store %arg20[%swap3A_177, %swap3A_178], %swap3A_181 {strides = array<i32>} : memref<32x128xf32, #tpu.memory_space<vmem>>, vector<1x16xf32>,
      %swap3A_182 = arith.index_cast %scan3A_131 : i32 to index
      %swap3A_183 = arith.constant 80 : index
      %swap3A_184 = tpu.vector_load %arg19[%swap3A_182, %swap3A_183] {strides = array<i32>} : memref<32x128xf32, #tpu.memory_space<vmem>>, vector<1x16xf32>,
      %swap3A_185 = vector.shape_cast %swap3A_184 : vector<1x16xf32> to vector<16xf32>
      %swap3A_186 = vector.shape_cast %broadcast_in_dim3A_5 : vector<16xf32> to vector<1x16xf32>
      tpu.vector_store %arg19[%swap3A_182, %swap3A_183], %swap3A_186 {strides = array<i32>} : memref<32x128xf32, #tpu.memory_space<vmem>>, vector<1x16xf32>,
      %swap3A_187 = arith.index_cast %scan3A_131 : i32 to index
      %swap3A_188 = arith.constant 80 : index
      %swap3A_189 = tpu.vector_load %arg20[%swap3A_187, %swap3A_188] {strides = array<i32>} : memref<32x128xf32, #tpu.memory_space<vmem>>, vector<1x16xf32>,
      %swap3A_190 = vector.shape_cast %swap3A_189 : vector<1x16xf32> to vector<16xf32>
      %swap3A_191 = vector.shape_cast %broadcast_in_dim3A_5 : vector<16xf32> to vector<1x16xf32>
      tpu.vector_store %arg20[%swap3A_187, %swap3A_188], %swap3A_191 {strides = array<i32>} : memref<32x128xf32, #tpu.memory_space<vmem>>, vector<1x16xf32>,
      %swap3A_192 = arith.index_cast %scan3A_131 : i32 to index
      %swap3A_193 = arith.constant 96 : index
      %swap3A_194 = tpu.vector_load %arg19[%swap3A_192, %swap3A_193] {strides = array<i32>} : memref<32x128xf32, #tpu.memory_space<vmem>>, vector<1x16xf32>,
      %swap3A_195 = vector.shape_cast %swap3A_194 : vector<1x16xf32> to vector<16xf32>
      %swap3A_196 = vector.shape_cast %broadcast_in_dim3A_5 : vector<16xf32> to vector<1x16xf32>
      tpu.vector_store %arg19[%swap3A_192, %swap3A_193], %swap3A_196 {strides = array<i32>} : memref<32x128xf32, #tpu.memory_space<vmem>>, vector<1x16xf32>,
      %swap3A_197 = arith.index_cast %scan3A_131 : i32 to index
      %swap3A_198 = arith.constant 96 : index
      %swap3A_199 = tpu.vector_load %arg20[%swap3A_197, %swap3A_198] {strides = array<i32>} : memref<32x128xf32, #tpu.memory_space<vmem>>, vector<1x16xf32>,
      %swap3A_200 = vector.shape_cast %swap3A_199 : vector<1x16xf32> to vector<16xf32>
      %swap3A_201 = vector.shape_cast %broadcast_in_dim3A_5 : vector<16xf32> to vector<1x16xf32>
      tpu.vector_store %arg20[%swap3A_197, %swap3A_198], %swap3A_201 {strides = array<i32>} : memref<32x128xf32, #tpu.memory_space<vmem>>, vector<1x16xf32>,
      %swap3A_202 = arith.index_cast %scan3A_131 : i32 to index
      %swap3A_203 = arith.constant 112 : index
      %swap3A_204 = tpu.vector_load %arg19[%swap3A_202, %swap3A_203] {strides = array<i32>} : memref<32x128xf32, #tpu.memory_space<vmem>>, vector<1x16xf32>,
      %swap3A_205 = vector.shape_cast %swap3A_204 : vector<1x16xf32> to vector<16xf32>
      %swap3A_206 = vector.shape_cast %broadcast_in_dim3A_5 : vector<16xf32> to vector<1x16xf32>
      tpu.vector_store %arg19[%swap3A_202, %swap3A_203], %swap3A_206 {strides = array<i32>} : memref<32x128xf32, #tpu.memory_space<vmem>>, vector<1x16xf32>,
      %swap3A_207 = arith.index_cast %scan3A_131 : i32 to index
      %swap3A_208 = arith.constant 112 : index
      %swap3A_209 = tpu.vector_load %arg20[%swap3A_207, %swap3A_208] {strides = array<i32>} : memref<32x128xf32, #tpu.memory_space<vmem>>, vector<1x16xf32>,
      %swap3A_210 = vector.shape_cast %swap3A_209 : vector<1x16xf32> to vector<16xf32>
      %swap3A_211 = vector.shape_cast %broadcast_in_dim3A_5 : vector<16xf32> to vector<1x16xf32>
      tpu.vector_store %arg20[%swap3A_207, %swap3A_208], %swap3A_211 {strides = array<i32>} : memref<32x128xf32, #tpu.memory_space<vmem>>, vector<1x16xf32>,
    }
    %scan3A_15 = arith.constant 32 : i32
    %add3A = arith.constant 0 : i32
    %add3A_16 = arith.addi %mul3A_8, %add3A : i32
    "tpu.region"() ({
      %run_scoped3A = tpu.sem_alloc : memref<!tpu.dma_semaphore, #tpu.memory_space<semaphore_mem>>
      %dma_start3A_131 = arith.constant 0 : i32
      %dma_start3A_132 = tpu.memref_slice %arg21[%add3A_16, %dma_start3A_131] : memref<10240x128xf32, #tpu.memory_space<vmem_shared>> -> memref<32x128xf32, #tpu.memory_space<vmem_shared>>
      %dma_start3A_133 = arith.constant 0 : i32
      %dma_start3A_134 = tpu.memref_slice %arg21[%add3A_16, %dma_start3A_133] : memref<10240x128xf32, #tpu.memory_space<vmem_shared>> -> memref<32x128xf32, #tpu.memory_space<vmem_shared>>
      tpu.enqueue_dma source(%arg19 : memref<32x128xf32, #tpu.memory_space<vmem>>) target(%dma_start3A_134 : memref<32x128xf32, #tpu.memory_space<vmem_shared>>) target_semaphore(%run_scoped3A : memref<!tpu.dma_semaphore, #tpu.memory_space<semaphore_mem>>)
      %dma_wait3A_135 = arith.constant 0 : i32
      %dma_wait3A_136 = tpu.memref_slice %arg21[%add3A_16, %dma_wait3A_135] : memref<10240x128xf32, #tpu.memory_space<vmem_shared>> -> memref<32x128xf32, #tpu.memory_space<vmem_shared>>
      %dma_wait3A_137 = arith.constant 0 : i32
      %dma_wait3A_138 = tpu.memref_slice %arg21[%add3A_16, %dma_wait3A_137] : memref<10240x128xf32, #tpu.memory_space<vmem_shared>> -> memref<32x128xf32, #tpu.memory_space<vmem_shared>>
      tpu.wait_dma2 semaphore(%run_scoped3A : memref<!tpu.dma_semaphore, #tpu.memory_space<semaphore_mem>>) src(%arg19 : memref<32x128xf32, #tpu.memory_space<vmem>>) dst(%dma_wait3A_138 : memref<32x128xf32, #tpu.memory_space<vmem_shared>>)
      tpu.yield
    }) : () -> ()
    %add3A_17 = arith.constant 32 : i32
    %add3A_18 = arith.addi %mul3A_8, %add3A_17 : i32
    "tpu.region"() ({
      %run_scoped3A = tpu.sem_alloc : memref<!tpu.dma_semaphore, #tpu.memory_space<semaphore_mem>>
      %dma_start3A_131 = arith.constant 0 : i32
      %dma_start3A_132 = tpu.memref_slice %arg21[%add3A_18, %dma_start3A_131] : memref<10240x128xf32, #tpu.memory_space<vmem_shared>> -> memref<32x128xf32, #tpu.memory_space<vmem_shared>>
      %dma_start3A_133 = arith.constant 0 : i32
      %dma_start3A_134 = tpu.memref_slice %arg21[%add3A_18, %dma_start3A_133] : memref<10240x128xf32, #tpu.memory_space<vmem_shared>> -> memref<32x128xf32, #tpu.memory_space<vmem_shared>>
      tpu.enqueue_dma source(%arg19 : memref<32x128xf32, #tpu.memory_space<vmem>>) target(%dma_start3A_134 : memref<32x128xf32, #tpu.memory_space<vmem_shared>>) target_semaphore(%run_scoped3A : memref<!tpu.dma_semaphore, #tpu.memory_space<semaphore_mem>>)
      %dma_wait3A_135 = arith.constant 0 : i32
      %dma_wait3A_136 = tpu.memref_slice %arg21[%add3A_18, %dma_wait3A_135] : memref<10240x128xf32, #tpu.memory_space<vmem_shared>> -> memref<32x128xf32, #tpu.memory_space<vmem_shared>>
      %dma_wait3A_137 = arith.constant 0 : i32
      %dma_wait3A_138 = tpu.memref_slice %arg21[%add3A_18, %dma_wait3A_137] : memref<10240x128xf32, #tpu.memory_space<vmem_shared>> -> memref<32x128xf32, #tpu.memory_space<vmem_shared>>
      tpu.wait_dma2 semaphore(%run_scoped3A : memref<!tpu.dma_semaphore, #tpu.memory_space<semaphore_mem>>) src(%arg19 : memref<32x128xf32, #tpu.memory_space<vmem>>) dst(%dma_wait3A_138 : memref<32x128xf32, #tpu.memory_space<vmem_shared>>)
      tpu.yield
    }) : () -> ()
    %add3A_19 = arith.constant 64 : i32
    %add3A_20 = arith.addi %mul3A_8, %add3A_19 : i32
    "tpu.region"() ({
      %run_scoped3A = tpu.sem_alloc : memref<!tpu.dma_semaphore, #tpu.memory_space<semaphore_mem>>
      %dma_start3A_131 = arith.constant 0 : i32
      %dma_start3A_132 = tpu.memref_slice %arg21[%add3A_20, %dma_start3A_131] : memref<10240x128xf32, #tpu.memory_space<vmem_shared>> -> memref<32x128xf32, #tpu.memory_space<vmem_shared>>
      %dma_start3A_133 = arith.constant 0 : i32
      %dma_start3A_134 = tpu.memref_slice %arg21[%add3A_20, %dma_start3A_133] : memref<10240x128xf32, #tpu.memory_space<vmem_shared>> -> memref<32x128xf32, #tpu.memory_space<vmem_shared>>
      tpu.enqueue_dma source(%arg19 : memref<32x128xf32, #tpu.memory_space<vmem>>) target(%dma_start3A_134 : memref<32x128xf32, #tpu.memory_space<vmem_shared>>) target_semaphore(%run_scoped3A : memref<!tpu.dma_semaphore, #tpu.memory_space<semaphore_mem>>)
      %dma_wait3A_135 = arith.constant 0 : i32
      %dma_wait3A_136 = tpu.memref_slice %arg21[%add3A_20, %dma_wait3A_135] : memref<10240x128xf32, #tpu.memory_space<vmem_shared>> -> memref<32x128xf32, #tpu.memory_space<vmem_shared>>
      %dma_wait3A_137 = arith.constant 0 : i32
      %dma_wait3A_138 = tpu.memref_slice %arg21[%add3A_20, %dma_wait3A_137] : memref<10240x128xf32, #tpu.memory_space<vmem_shared>> -> memref<32x128xf32, #tpu.memory_space<vmem_shared>>
      tpu.wait_dma2 semaphore(%run_scoped3A : memref<!tpu.dma_semaphore, #tpu.memory_space<semaphore_mem>>) src(%arg19 : memref<32x128xf32, #tpu.memory_space<vmem>>) dst(%dma_wait3A_138 : memref<32x128xf32, #tpu.memory_space<vmem_shared>>)
      tpu.yield
    }) : () -> ()
    %add3A_21 = arith.constant 96 : i32
    %add3A_22 = arith.addi %mul3A_8, %add3A_21 : i32
    "tpu.region"() ({
      %run_scoped3A = tpu.sem_alloc : memref<!tpu.dma_semaphore, #tpu.memory_space<semaphore_mem>>
      %dma_start3A_131 = arith.constant 0 : i32
      %dma_start3A_132 = tpu.memref_slice %arg21[%add3A_22, %dma_start3A_131] : memref<10240x128xf32, #tpu.memory_space<vmem_shared>> -> memref<32x128xf32, #tpu.memory_space<vmem_shared>>
      %dma_start3A_133 = arith.constant 0 : i32
      %dma_start3A_134 = tpu.memref_slice %arg21[%add3A_22, %dma_start3A_133] : memref<10240x128xf32, #tpu.memory_space<vmem_shared>> -> memref<32x128xf32, #tpu.memory_space<vmem_shared>>
      tpu.enqueue_dma source(%arg19 : memref<32x128xf32, #tpu.memory_space<vmem>>) target(%dma_start3A_134 : memref<32x128xf32, #tpu.memory_space<vmem_shared>>) target_semaphore(%run_scoped3A : memref<!tpu.dma_semaphore, #tpu.memory_space<semaphore_mem>>)
      %dma_wait3A_135 = arith.constant 0 : i32
      %dma_wait3A_136 = tpu.memref_slice %arg21[%add3A_22, %dma_wait3A_135] : memref<10240x128xf32, #tpu.memory_space<vmem_shared>> -> memref<32x128xf32, #tpu.memory_space<vmem_shared>>
      %dma_wait3A_137 = arith.constant 0 : i32
      %dma_wait3A_138 = tpu.memref_slice %arg21[%add3A_22, %dma_wait3A_137] : memref<10240x128xf32, #tpu.memory_space<vmem_shared>> -> memref<32x128xf32, #tpu.memory_space<vmem_shared>>
      tpu.wait_dma2 semaphore(%run_scoped3A : memref<!tpu.dma_semaphore, #tpu.memory_space<semaphore_mem>>) src(%arg19 : memref<32x128xf32, #tpu.memory_space<vmem>>) dst(%dma_wait3A_138 : memref<32x128xf32, #tpu.memory_space<vmem_shared>>)
      tpu.yield
    }) : () -> ()
    %add3A_23 = arith.constant 128 : i32
    %add3A_24 = arith.addi %mul3A_8, %add3A_23 : i32
    "tpu.region"() ({
      %run_scoped3A = tpu.sem_alloc : memref<!tpu.dma_semaphore, #tpu.memory_space<semaphore_mem>>
      %dma_start3A_131 = arith.constant 0 : i32
      %dma_start3A_132 = tpu.memref_slice %arg21[%add3A_24, %dma_start3A_131] : memref<10240x128xf32, #tpu.memory_space<vmem_shared>> -> memref<32x128xf32, #tpu.memory_space<vmem_shared>>
      %dma_start3A_133 = arith.constant 0 : i32
      %dma_start3A_134 = tpu.memref_slice %arg21[%add3A_24, %dma_start3A_133] : memref<10240x128xf32, #tpu.memory_space<vmem_shared>> -> memref<32x128xf32, #tpu.memory_space<vmem_shared>>
      tpu.enqueue_dma source(%arg19 : memref<32x128xf32, #tpu.memory_space<vmem>>) target(%dma_start3A_134 : memref<32x128xf32, #tpu.memory_space<vmem_shared>>) target_semaphore(%run_scoped3A : memref<!tpu.dma_semaphore, #tpu.memory_space<semaphore_mem>>)
      %dma_wait3A_135 = arith.constant 0 : i32
      %dma_wait3A_136 = tpu.memref_slice %arg21[%add3A_24, %dma_wait3A_135] : memref<10240x128xf32, #tpu.memory_space<vmem_shared>> -> memref<32x128xf32, #tpu.memory_space<vmem_shared>>
      %dma_wait3A_137 = arith.constant 0 : i32
      %dma_wait3A_138 = tpu.memref_slice %arg21[%add3A_24, %dma_wait3A_137] : memref<10240x128xf32, #tpu.memory_space<vmem_shared>> -> memref<32x128xf32, #tpu.memory_space<vmem_shared>>
      tpu.wait_dma2 semaphore(%run_scoped3A : memref<!tpu.dma_semaphore, #tpu.memory_space<semaphore_mem>>) src(%arg19 : memref<32x128xf32, #tpu.memory_space<vmem>>) dst(%dma_wait3A_138 : memref<32x128xf32, #tpu.memory_space<vmem_shared>>)
      tpu.yield
    }) : () -> ()
    %add3A_25 = arith.constant 160 : i32
    %add3A_26 = arith.addi %mul3A_8, %add3A_25 : i32
    "tpu.region"() ({
      %run_scoped3A = tpu.sem_alloc : memref<!tpu.dma_semaphore, #tpu.memory_space<semaphore_mem>>
      %dma_start3A_131 = arith.constant 0 : i32
      %dma_start3A_132 = tpu.memref_slice %arg21[%add3A_26, %dma_start3A_131] : memref<10240x128xf32, #tpu.memory_space<vmem_shared>> -> memref<32x128xf32, #tpu.memory_space<vmem_shared>>
      %dma_start3A_133 = arith.constant 0 : i32
      %dma_start3A_134 = tpu.memref_slice %arg21[%add3A_26, %dma_start3A_133] : memref<10240x128xf32, #tpu.memory_space<vmem_shared>> -> memref<32x128xf32, #tpu.memory_space<vmem_shared>>
      tpu.enqueue_dma source(%arg19 : memref<32x128xf32, #tpu.memory_space<vmem>>) target(%dma_start3A_134 : memref<32x128xf32, #tpu.memory_space<vmem_shared>>) target_semaphore(%run_scoped3A : memref<!tpu.dma_semaphore, #tpu.memory_space<semaphore_mem>>)
      %dma_wait3A_135 = arith.constant 0 : i32
      %dma_wait3A_136 = tpu.memref_slice %arg21[%add3A_26, %dma_wait3A_135] : memref<10240x128xf32, #tpu.memory_space<vmem_shared>> -> memref<32x128xf32, #tpu.memory_space<vmem_shared>>
      %dma_wait3A_137 = arith.constant 0 : i32
      %dma_wait3A_138 = tpu.memref_slice %arg21[%add3A_26, %dma_wait3A_137] : memref<10240x128xf32, #tpu.memory_space<vmem_shared>> -> memref<32x128xf32, #tpu.memory_space<vmem_shared>>
      tpu.wait_dma2 semaphore(%run_scoped3A : memref<!tpu.dma_semaphore, #tpu.memory_space<semaphore_mem>>) src(%arg19 : memref<32x128xf32, #tpu.memory_space<vmem>>) dst(%dma_wait3A_138 : memref<32x128xf32, #tpu.memory_space<vmem_shared>>)
      tpu.yield
    }) : () -> ()
    %add3A_27 = arith.constant 192 : i32
    %add3A_28 = arith.addi %mul3A_8, %add3A_27 : i32
    "tpu.region"() ({
      %run_scoped3A = tpu.sem_alloc : memref<!tpu.dma_semaphore, #tpu.memory_space<semaphore_mem>>
      %dma_start3A_131 = arith.constant 0 : i32
      %dma_start3A_132 = tpu.memref_slice %arg21[%add3A_28, %dma_start3A_131] : memref<10240x128xf32, #tpu.memory_space<vmem_shared>> -> memref<32x128xf32, #tpu.memory_space<vmem_shared>>
      %dma_start3A_133 = arith.constant 0 : i32
      %dma_start3A_134 = tpu.memref_slice %arg21[%add3A_28, %dma_start3A_133] : memref<10240x128xf32, #tpu.memory_space<vmem_shared>> -> memref<32x128xf32, #tpu.memory_space<vmem_shared>>
      tpu.enqueue_dma source(%arg19 : memref<32x128xf32, #tpu.memory_space<vmem>>) target(%dma_start3A_134 : memref<32x128xf32, #tpu.memory_space<vmem_shared>>) target_semaphore(%run_scoped3A : memref<!tpu.dma_semaphore, #tpu.memory_space<semaphore_mem>>)
      %dma_wait3A_135 = arith.constant 0 : i32
      %dma_wait3A_136 = tpu.memref_slice %arg21[%add3A_28, %dma_wait3A_135] : memref<10240x128xf32, #tpu.memory_space<vmem_shared>> -> memref<32x128xf32, #tpu.memory_space<vmem_shared>>
      %dma_wait3A_137 = arith.constant 0 : i32
      %dma_wait3A_138 = tpu.memref_slice %arg21[%add3A_28, %dma_wait3A_137] : memref<10240x128xf32, #tpu.memory_space<vmem_shared>> -> memref<32x128xf32, #tpu.memory_space<vmem_shared>>
      tpu.wait_dma2 semaphore(%run_scoped3A : memref<!tpu.dma_semaphore, #tpu.memory_space<semaphore_mem>>) src(%arg19 : memref<32x128xf32, #tpu.memory_space<vmem>>) dst(%dma_wait3A_138 : memref<32x128xf32, #tpu.memory_space<vmem_shared>>)
      tpu.yield
    }) : () -> ()
    %add3A_29 = arith.constant 224 : i32
    %add3A_30 = arith.addi %mul3A_8, %add3A_29 : i32
    "tpu.region"() ({
      %run_scoped3A = tpu.sem_alloc : memref<!tpu.dma_semaphore, #tpu.memory_space<semaphore_mem>>
      %dma_start3A_131 = arith.constant 0 : i32
      %dma_start3A_132 = tpu.memref_slice %arg21[%add3A_30, %dma_start3A_131] : memref<10240x128xf32, #tpu.memory_space<vmem_shared>> -> memref<32x128xf32, #tpu.memory_space<vmem_shared>>
      %dma_start3A_133 = arith.constant 0 : i32
      %dma_start3A_134 = tpu.memref_slice %arg21[%add3A_30, %dma_start3A_133] : memref<10240x128xf32, #tpu.memory_space<vmem_shared>> -> memref<32x128xf32, #tpu.memory_space<vmem_shared>>
      tpu.enqueue_dma source(%arg19 : memref<32x128xf32, #tpu.memory_space<vmem>>) target(%dma_start3A_134 : memref<32x128xf32, #tpu.memory_space<vmem_shared>>) target_semaphore(%run_scoped3A : memref<!tpu.dma_semaphore, #tpu.memory_space<semaphore_mem>>)
      %dma_wait3A_135 = arith.constant 0 : i32
      %dma_wait3A_136 = tpu.memref_slice %arg21[%add3A_30, %dma_wait3A_135] : memref<10240x128xf32, #tpu.memory_space<vmem_shared>> -> memref<32x128xf32, #tpu.memory_space<vmem_shared>>
      %dma_wait3A_137 = arith.constant 0 : i32
      %dma_wait3A_138 = tpu.memref_slice %arg21[%add3A_30, %dma_wait3A_137] : memref<10240x128xf32, #tpu.memory_space<vmem_shared>> -> memref<32x128xf32, #tpu.memory_space<vmem_shared>>
      tpu.wait_dma2 semaphore(%run_scoped3A : memref<!tpu.dma_semaphore, #tpu.memory_space<semaphore_mem>>) src(%arg19 : memref<32x128xf32, #tpu.memory_space<vmem>>) dst(%dma_wait3A_138 : memref<32x128xf32, #tpu.memory_space<vmem_shared>>)
      tpu.yield
    }) : () -> ()
    %add3A_31 = arith.constant 256 : i32
    %add3A_32 = arith.addi %mul3A_8, %add3A_31 : i32
    "tpu.region"() ({
      %run_scoped3A = tpu.sem_alloc : memref<!tpu.dma_semaphore, #tpu.memory_space<semaphore_mem>>
      %dma_start3A_131 = arith.constant 0 : i32
      %dma_start3A_132 = tpu.memref_slice %arg21[%add3A_32, %dma_start3A_131] : memref<10240x128xf32, #tpu.memory_space<vmem_shared>> -> memref<32x128xf32, #tpu.memory_space<vmem_shared>>
      %dma_start3A_133 = arith.constant 0 : i32
      %dma_start3A_134 = tpu.memref_slice %arg21[%add3A_32, %dma_start3A_133] : memref<10240x128xf32, #tpu.memory_space<vmem_shared>> -> memref<32x128xf32, #tpu.memory_space<vmem_shared>>
      tpu.enqueue_dma source(%arg19 : memref<32x128xf32, #tpu.memory_space<vmem>>) target(%dma_start3A_134 : memref<32x128xf32, #tpu.memory_space<vmem_shared>>) target_semaphore(%run_scoped3A : memref<!tpu.dma_semaphore, #tpu.memory_space<semaphore_mem>>)
      %dma_wait3A_135 = arith.constant 0 : i32
      %dma_wait3A_136 = tpu.memref_slice %arg21[%add3A_32, %dma_wait3A_135] : memref<10240x128xf32, #tpu.memory_space<vmem_shared>> -> memref<32x128xf32, #tpu.memory_space<vmem_shared>>
      %dma_wait3A_137 = arith.constant 0 : i32
      %dma_wait3A_138 = tpu.memref_slice %arg21[%add3A_32, %dma_wait3A_137] : memref<10240x128xf32, #tpu.memory_space<vmem_shared>> -> memref<32x128xf32, #tpu.memory_space<vmem_shared>>
      tpu.wait_dma2 semaphore(%run_scoped3A : memref<!tpu.dma_semaphore, #tpu.memory_space<semaphore_mem>>) src(%arg19 : memref<32x128xf32, #tpu.memory_space<vmem>>) dst(%dma_wait3A_138 : memref<32x128xf32, #tpu.memory_space<vmem_shared>>)
      tpu.yield
    }) : () -> ()
    %add3A_33 = arith.constant 288 : i32
    %add3A_34 = arith.addi %mul3A_8, %add3A_33 : i32
    "tpu.region"() ({
      %run_scoped3A = tpu.sem_alloc : memref<!tpu.dma_semaphore, #tpu.memory_space<semaphore_mem>>
      %dma_start3A_131 = arith.constant 0 : i32
      %dma_start3A_132 = tpu.memref_slice %arg21[%add3A_34, %dma_start3A_131] : memref<10240x128xf32, #tpu.memory_space<vmem_shared>> -> memref<32x128xf32, #tpu.memory_space<vmem_shared>>
      %dma_start3A_133 = arith.constant 0 : i32
      %dma_start3A_134 = tpu.memref_slice %arg21[%add3A_34, %dma_start3A_133] : memref<10240x128xf32, #tpu.memory_space<vmem_shared>> -> memref<32x128xf32, #tpu.memory_space<vmem_shared>>
      tpu.enqueue_dma source(%arg19 : memref<32x128xf32, #tpu.memory_space<vmem>>) target(%dma_start3A_134 : memref<32x128xf32, #tpu.memory_space<vmem_shared>>) target_semaphore(%run_scoped3A : memref<!tpu.dma_semaphore, #tpu.memory_space<semaphore_mem>>)
      %dma_wait3A_135 = arith.constant 0 : i32
      %dma_wait3A_136 = tpu.memref_slice %arg21[%add3A_34, %dma_wait3A_135] : memref<10240x128xf32, #tpu.memory_space<vmem_shared>> -> memref<32x128xf32, #tpu.memory_space<vmem_shared>>
      %dma_wait3A_137 = arith.constant 0 : i32
      %dma_wait3A_138 = tpu.memref_slice %arg21[%add3A_34, %dma_wait3A_137] : memref<10240x128xf32, #tpu.memory_space<vmem_shared>> -> memref<32x128xf32, #tpu.memory_space<vmem_shared>>
      tpu.wait_dma2 semaphore(%run_scoped3A : memref<!tpu.dma_semaphore, #tpu.memory_space<semaphore_mem>>) src(%arg19 : memref<32x128xf32, #tpu.memory_space<vmem>>) dst(%dma_wait3A_138 : memref<32x128xf32, #tpu.memory_space<vmem_shared>>)
      tpu.yield
    }) : () -> ()
    %add3A_35 = arith.constant 320 : i32
    %add3A_36 = arith.addi %mul3A_8, %add3A_35 : i32
    "tpu.region"() ({
      %run_scoped3A = tpu.sem_alloc : memref<!tpu.dma_semaphore, #tpu.memory_space<semaphore_mem>>
      %dma_start3A_131 = arith.constant 0 : i32
      %dma_start3A_132 = tpu.memref_slice %arg21[%add3A_36, %dma_start3A_131] : memref<10240x128xf32, #tpu.memory_space<vmem_shared>> -> memref<32x128xf32, #tpu.memory_space<vmem_shared>>
      %dma_start3A_133 = arith.constant 0 : i32
      %dma_start3A_134 = tpu.memref_slice %arg21[%add3A_36, %dma_start3A_133] : memref<10240x128xf32, #tpu.memory_space<vmem_shared>> -> memref<32x128xf32, #tpu.memory_space<vmem_shared>>
      tpu.enqueue_dma source(%arg19 : memref<32x128xf32, #tpu.memory_space<vmem>>) target(%dma_start3A_134 : memref<32x128xf32, #tpu.memory_space<vmem_shared>>) target_semaphore(%run_scoped3A : memref<!tpu.dma_semaphore, #tpu.memory_space<semaphore_mem>>)
      %dma_wait3A_135 = arith.constant 0 : i32
      %dma_wait3A_136 = tpu.memref_slice %arg21[%add3A_36, %dma_wait3A_135] : memref<10240x128xf32, #tpu.memory_space<vmem_shared>> -> memref<32x128xf32, #tpu.memory_space<vmem_shared>>
      %dma_wait3A_137 = arith.constant 0 : i32
      %dma_wait3A_138 = tpu.memref_slice %arg21[%add3A_36, %dma_wait3A_137] : memref<10240x128xf32, #tpu.memory_space<vmem_shared>> -> memref<32x128xf32, #tpu.memory_space<vmem_shared>>
      tpu.wait_dma2 semaphore(%run_scoped3A : memref<!tpu.dma_semaphore, #tpu.memory_space<semaphore_mem>>) src(%arg19 : memref<32x128xf32, #tpu.memory_space<vmem>>) dst(%dma_wait3A_138 : memref<32x128xf32, #tpu.memory_space<vmem_shared>>)
      tpu.yield
    }) : () -> ()
    %add3A_37 = arith.constant 352 : i32
    %add3A_38 = arith.addi %mul3A_8, %add3A_37 : i32
    "tpu.region"() ({
      %run_scoped3A = tpu.sem_alloc : memref<!tpu.dma_semaphore, #tpu.memory_space<semaphore_mem>>
      %dma_start3A_131 = arith.constant 0 : i32
      %dma_start3A_132 = tpu.memref_slice %arg21[%add3A_38, %dma_start3A_131] : memref<10240x128xf32, #tpu.memory_space<vmem_shared>> -> memref<32x128xf32, #tpu.memory_space<vmem_shared>>
      %dma_start3A_133 = arith.constant 0 : i32
      %dma_start3A_134 = tpu.memref_slice %arg21[%add3A_38, %dma_start3A_133] : memref<10240x128xf32, #tpu.memory_space<vmem_shared>> -> memref<32x128xf32, #tpu.memory_space<vmem_shared>>
      tpu.enqueue_dma source(%arg19 : memref<32x128xf32, #tpu.memory_space<vmem>>) target(%dma_start3A_134 : memref<32x128xf32, #tpu.memory_space<vmem_shared>>) target_semaphore(%run_scoped3A : memref<!tpu.dma_semaphore, #tpu.memory_space<semaphore_mem>>)
      %dma_wait3A_135 = arith.constant 0 : i32
      %dma_wait3A_136 = tpu.memref_slice %arg21[%add3A_38, %dma_wait3A_135] : memref<10240x128xf32, #tpu.memory_space<vmem_shared>> -> memref<32x128xf32, #tpu.memory_space<vmem_shared>>
      %dma_wait3A_137 = arith.constant 0 : i32
      %dma_wait3A_138 = tpu.memref_slice %arg21[%add3A_38, %dma_wait3A_137] : memref<10240x128xf32, #tpu.memory_space<vmem_shared>> -> memref<32x128xf32, #tpu.memory_space<vmem_shared>>
      tpu.wait_dma2 semaphore(%run_scoped3A : memref<!tpu.dma_semaphore, #tpu.memory_space<semaphore_mem>>) src(%arg19 : memref<32x128xf32, #tpu.memory_space<vmem>>) dst(%dma_wait3A_138 : memref<32x128xf32, #tpu.memory_space<vmem_shared>>)
      tpu.yield
    }) : () -> ()
    %add3A_39 = arith.constant 384 : i32
    %add3A_40 = arith.addi %mul3A_8, %add3A_39 : i32
    "tpu.region"() ({
      %run_scoped3A = tpu.sem_alloc : memref<!tpu.dma_semaphore, #tpu.memory_space<semaphore_mem>>
      %dma_start3A_131 = arith.constant 0 : i32
      %dma_start3A_132 = tpu.memref_slice %arg21[%add3A_40, %dma_start3A_131] : memref<10240x128xf32, #tpu.memory_space<vmem_shared>> -> memref<32x128xf32, #tpu.memory_space<vmem_shared>>
      %dma_start3A_133 = arith.constant 0 : i32
      %dma_start3A_134 = tpu.memref_slice %arg21[%add3A_40, %dma_start3A_133] : memref<10240x128xf32, #tpu.memory_space<vmem_shared>> -> memref<32x128xf32, #tpu.memory_space<vmem_shared>>
      tpu.enqueue_dma source(%arg19 : memref<32x128xf32, #tpu.memory_space<vmem>>) target(%dma_start3A_134 : memref<32x128xf32, #tpu.memory_space<vmem_shared>>) target_semaphore(%run_scoped3A : memref<!tpu.dma_semaphore, #tpu.memory_space<semaphore_mem>>)
      %dma_wait3A_135 = arith.constant 0 : i32
      %dma_wait3A_136 = tpu.memref_slice %arg21[%add3A_40, %dma_wait3A_135] : memref<10240x128xf32, #tpu.memory_space<vmem_shared>> -> memref<32x128xf32, #tpu.memory_space<vmem_shared>>
      %dma_wait3A_137 = arith.constant 0 : i32
      %dma_wait3A_138 = tpu.memref_slice %arg21[%add3A_40, %dma_wait3A_137] : memref<10240x128xf32, #tpu.memory_space<vmem_shared>> -> memref<32x128xf32, #tpu.memory_space<vmem_shared>>
      tpu.wait_dma2 semaphore(%run_scoped3A : memref<!tpu.dma_semaphore, #tpu.memory_space<semaphore_mem>>) src(%arg19 : memref<32x128xf32, #tpu.memory_space<vmem>>) dst(%dma_wait3A_138 : memref<32x128xf32, #tpu.memory_space<vmem_shared>>)
      tpu.yield
    }) : () -> ()
    %add3A_41 = arith.constant 416 : i32
    %add3A_42 = arith.addi %mul3A_8, %add3A_41 : i32
    "tpu.region"() ({
      %run_scoped3A = tpu.sem_alloc : memref<!tpu.dma_semaphore, #tpu.memory_space<semaphore_mem>>
      %dma_start3A_131 = arith.constant 0 : i32
      %dma_start3A_132 = tpu.memref_slice %arg21[%add3A_42, %dma_start3A_131] : memref<10240x128xf32, #tpu.memory_space<vmem_shared>> -> memref<32x128xf32, #tpu.memory_space<vmem_shared>>
      %dma_start3A_133 = arith.constant 0 : i32
      %dma_start3A_134 = tpu.memref_slice %arg21[%add3A_42, %dma_start3A_133] : memref<10240x128xf32, #tpu.memory_space<vmem_shared>> -> memref<32x128xf32, #tpu.memory_space<vmem_shared>>
      tpu.enqueue_dma source(%arg19 : memref<32x128xf32, #tpu.memory_space<vmem>>) target(%dma_start3A_134 : memref<32x128xf32, #tpu.memory_space<vmem_shared>>) target_semaphore(%run_scoped3A : memref<!tpu.dma_semaphore, #tpu.memory_space<semaphore_mem>>)
      %dma_wait3A_135 = arith.constant 0 : i32
      %dma_wait3A_136 = tpu.memref_slice %arg21[%add3A_42, %dma_wait3A_135] : memref<10240x128xf32, #tpu.memory_space<vmem_shared>> -> memref<32x128xf32, #tpu.memory_space<vmem_shared>>
      %dma_wait3A_137 = arith.constant 0 : i32
      %dma_wait3A_138 = tpu.memref_slice %arg21[%add3A_42, %dma_wait3A_137] : memref<10240x128xf32, #tpu.memory_space<vmem_shared>> -> memref<32x128xf32, #tpu.memory_space<vmem_shared>>
      tpu.wait_dma2 semaphore(%run_scoped3A : memref<!tpu.dma_semaphore, #tpu.memory_space<semaphore_mem>>) src(%arg19 : memref<32x128xf32, #tpu.memory_space<vmem>>) dst(%dma_wait3A_138 : memref<32x128xf32, #tpu.memory_space<vmem_shared>>)
      tpu.yield
    }) : () -> ()
    %add3A_43 = arith.constant 448 : i32
    %add3A_44 = arith.addi %mul3A_8, %add3A_43 : i32
    "tpu.region"() ({
      %run_scoped3A = tpu.sem_alloc : memref<!tpu.dma_semaphore, #tpu.memory_space<semaphore_mem>>
      %dma_start3A_131 = arith.constant 0 : i32
      %dma_start3A_132 = tpu.memref_slice %arg21[%add3A_44, %dma_start3A_131] : memref<10240x128xf32, #tpu.memory_space<vmem_shared>> -> memref<32x128xf32, #tpu.memory_space<vmem_shared>>
      %dma_start3A_133 = arith.constant 0 : i32
      %dma_start3A_134 = tpu.memref_slice %arg21[%add3A_44, %dma_start3A_133] : memref<10240x128xf32, #tpu.memory_space<vmem_shared>> -> memref<32x128xf32, #tpu.memory_space<vmem_shared>>
      tpu.enqueue_dma source(%arg19 : memref<32x128xf32, #tpu.memory_space<vmem>>) target(%dma_start3A_134 : memref<32x128xf32, #tpu.memory_space<vmem_shared>>) target_semaphore(%run_scoped3A : memref<!tpu.dma_semaphore, #tpu.memory_space<semaphore_mem>>)
      %dma_wait3A_135 = arith.constant 0 : i32
      %dma_wait3A_136 = tpu.memref_slice %arg21[%add3A_44, %dma_wait3A_135] : memref<10240x128xf32, #tpu.memory_space<vmem_shared>> -> memref<32x128xf32, #tpu.memory_space<vmem_shared>>
      %dma_wait3A_137 = arith.constant 0 : i32
      %dma_wait3A_138 = tpu.memref_slice %arg21[%add3A_44, %dma_wait3A_137] : memref<10240x128xf32, #tpu.memory_space<vmem_shared>> -> memref<32x128xf32, #tpu.memory_space<vmem_shared>>
      tpu.wait_dma2 semaphore(%run_scoped3A : memref<!tpu.dma_semaphore, #tpu.memory_space<semaphore_mem>>) src(%arg19 : memref<32x128xf32, #tpu.memory_space<vmem>>) dst(%dma_wait3A_138 : memref<32x128xf32, #tpu.memory_space<vmem_shared>>)
      tpu.yield
    }) : () -> ()
    %add3A_45 = arith.constant 480 : i32
    %add3A_46 = arith.addi %mul3A_8, %add3A_45 : i32
    "tpu.region"() ({
      %run_scoped3A = tpu.sem_alloc : memref<!tpu.dma_semaphore, #tpu.memory_space<semaphore_mem>>
      %dma_start3A_131 = arith.constant 0 : i32
      %dma_start3A_132 = tpu.memref_slice %arg21[%add3A_46, %dma_start3A_131] : memref<10240x128xf32, #tpu.memory_space<vmem_shared>> -> memref<32x128xf32, #tpu.memory_space<vmem_shared>>
      %dma_start3A_133 = arith.constant 0 : i32
      %dma_start3A_134 = tpu.memref_slice %arg21[%add3A_46, %dma_start3A_133] : memref<10240x128xf32, #tpu.memory_space<vmem_shared>> -> memref<32x128xf32, #tpu.memory_space<vmem_shared>>
      tpu.enqueue_dma source(%arg19 : memref<32x128xf32, #tpu.memory_space<vmem>>) target(%dma_start3A_134 : memref<32x128xf32, #tpu.memory_space<vmem_shared>>) target_semaphore(%run_scoped3A : memref<!tpu.dma_semaphore, #tpu.memory_space<semaphore_mem>>)
      %dma_wait3A_135 = arith.constant 0 : i32
      %dma_wait3A_136 = tpu.memref_slice %arg21[%add3A_46, %dma_wait3A_135] : memref<10240x128xf32, #tpu.memory_space<vmem_shared>> -> memref<32x128xf32, #tpu.memory_space<vmem_shared>>
      %dma_wait3A_137 = arith.constant 0 : i32
      %dma_wait3A_138 = tpu.memref_slice %arg21[%add3A_46, %dma_wait3A_137] : memref<10240x128xf32, #tpu.memory_space<vmem_shared>> -> memref<32x128xf32, #tpu.memory_space<vmem_shared>>
      tpu.wait_dma2 semaphore(%run_scoped3A : memref<!tpu.dma_semaphore, #tpu.memory_space<semaphore_mem>>) src(%arg19 : memref<32x128xf32, #tpu.memory_space<vmem>>) dst(%dma_wait3A_138 : memref<32x128xf32, #tpu.memory_space<vmem_shared>>)
      tpu.yield
    }) : () -> ()
    %add3A_47 = arith.constant 512 : i32
    %add3A_48 = arith.addi %mul3A_8, %add3A_47 : i32
    "tpu.region"() ({
      %run_scoped3A = tpu.sem_alloc : memref<!tpu.dma_semaphore, #tpu.memory_space<semaphore_mem>>
      %dma_start3A_131 = arith.constant 0 : i32
      %dma_start3A_132 = tpu.memref_slice %arg21[%add3A_48, %dma_start3A_131] : memref<10240x128xf32, #tpu.memory_space<vmem_shared>> -> memref<32x128xf32, #tpu.memory_space<vmem_shared>>
      %dma_start3A_133 = arith.constant 0 : i32
      %dma_start3A_134 = tpu.memref_slice %arg21[%add3A_48, %dma_start3A_133] : memref<10240x128xf32, #tpu.memory_space<vmem_shared>> -> memref<32x128xf32, #tpu.memory_space<vmem_shared>>
      tpu.enqueue_dma source(%arg19 : memref<32x128xf32, #tpu.memory_space<vmem>>) target(%dma_start3A_134 : memref<32x128xf32, #tpu.memory_space<vmem_shared>>) target_semaphore(%run_scoped3A : memref<!tpu.dma_semaphore, #tpu.memory_space<semaphore_mem>>)
      %dma_wait3A_135 = arith.constant 0 : i32
      %dma_wait3A_136 = tpu.memref_slice %arg21[%add3A_48, %dma_wait3A_135] : memref<10240x128xf32, #tpu.memory_space<vmem_shared>> -> memref<32x128xf32, #tpu.memory_space<vmem_shared>>
      %dma_wait3A_137 = arith.constant 0 : i32
      %dma_wait3A_138 = tpu.memref_slice %arg21[%add3A_48, %dma_wait3A_137] : memref<10240x128xf32, #tpu.memory_space<vmem_shared>> -> memref<32x128xf32, #tpu.memory_space<vmem_shared>>
      tpu.wait_dma2 semaphore(%run_scoped3A : memref<!tpu.dma_semaphore, #tpu.memory_space<semaphore_mem>>) src(%arg19 : memref<32x128xf32, #tpu.memory_space<vmem>>) dst(%dma_wait3A_138 : memref<32x128xf32, #tpu.memory_space<vmem_shared>>)
      tpu.yield
    }) : () -> ()
    %add3A_49 = arith.constant 544 : i32
    %add3A_50 = arith.addi %mul3A_8, %add3A_49 : i32
    "tpu.region"() ({
      %run_scoped3A = tpu.sem_alloc : memref<!tpu.dma_semaphore, #tpu.memory_space<semaphore_mem>>
      %dma_start3A_131 = arith.constant 0 : i32
      %dma_start3A_132 = tpu.memref_slice %arg21[%add3A_50, %dma_start3A_131] : memref<10240x128xf32, #tpu.memory_space<vmem_shared>> -> memref<32x128xf32, #tpu.memory_space<vmem_shared>>
      %dma_start3A_133 = arith.constant 0 : i32
      %dma_start3A_134 = tpu.memref_slice %arg21[%add3A_50, %dma_start3A_133] : memref<10240x128xf32, #tpu.memory_space<vmem_shared>> -> memref<32x128xf32, #tpu.memory_space<vmem_shared>>
      tpu.enqueue_dma source(%arg19 : memref<32x128xf32, #tpu.memory_space<vmem>>) target(%dma_start3A_134 : memref<32x128xf32, #tpu.memory_space<vmem_shared>>) target_semaphore(%run_scoped3A : memref<!tpu.dma_semaphore, #tpu.memory_space<semaphore_mem>>)
      %dma_wait3A_135 = arith.constant 0 : i32
      %dma_wait3A_136 = tpu.memref_slice %arg21[%add3A_50, %dma_wait3A_135] : memref<10240x128xf32, #tpu.memory_space<vmem_shared>> -> memref<32x128xf32, #tpu.memory_space<vmem_shared>>
      %dma_wait3A_137 = arith.constant 0 : i32
      %dma_wait3A_138 = tpu.memref_slice %arg21[%add3A_50, %dma_wait3A_137] : memref<10240x128xf32, #tpu.memory_space<vmem_shared>> -> memref<32x128xf32, #tpu.memory_space<vmem_shared>>
      tpu.wait_dma2 semaphore(%run_scoped3A : memref<!tpu.dma_semaphore, #tpu.memory_space<semaphore_mem>>) src(%arg19 : memref<32x128xf32, #tpu.memory_space<vmem>>) dst(%dma_wait3A_138 : memref<32x128xf32, #tpu.memory_space<vmem_shared>>)
      tpu.yield
    }) : () -> ()
    %add3A_51 = arith.constant 576 : i32
    %add3A_52 = arith.addi %mul3A_8, %add3A_51 : i32
    "tpu.region"() ({
      %run_scoped3A = tpu.sem_alloc : memref<!tpu.dma_semaphore, #tpu.memory_space<semaphore_mem>>
      %dma_start3A_131 = arith.constant 0 : i32
      %dma_start3A_132 = tpu.memref_slice %arg21[%add3A_52, %dma_start3A_131] : memref<10240x128xf32, #tpu.memory_space<vmem_shared>> -> memref<32x128xf32, #tpu.memory_space<vmem_shared>>
      %dma_start3A_133 = arith.constant 0 : i32
      %dma_start3A_134 = tpu.memref_slice %arg21[%add3A_52, %dma_start3A_133] : memref<10240x128xf32, #tpu.memory_space<vmem_shared>> -> memref<32x128xf32, #tpu.memory_space<vmem_shared>>
      tpu.enqueue_dma source(%arg19 : memref<32x128xf32, #tpu.memory_space<vmem>>) target(%dma_start3A_134 : memref<32x128xf32, #tpu.memory_space<vmem_shared>>) target_semaphore(%run_scoped3A : memref<!tpu.dma_semaphore, #tpu.memory_space<semaphore_mem>>)
      %dma_wait3A_135 = arith.constant 0 : i32
      %dma_wait3A_136 = tpu.memref_slice %arg21[%add3A_52, %dma_wait3A_135] : memref<10240x128xf32, #tpu.memory_space<vmem_shared>> -> memref<32x128xf32, #tpu.memory_space<vmem_shared>>
      %dma_wait3A_137 = arith.constant 0 : i32
      %dma_wait3A_138 = tpu.memref_slice %arg21[%add3A_52, %dma_wait3A_137] : memref<10240x128xf32, #tpu.memory_space<vmem_shared>> -> memref<32x128xf32, #tpu.memory_space<vmem_shared>>
      tpu.wait_dma2 semaphore(%run_scoped3A : memref<!tpu.dma_semaphore, #tpu.memory_space<semaphore_mem>>) src(%arg19 : memref<32x128xf32, #tpu.memory_space<vmem>>) dst(%dma_wait3A_138 : memref<32x128xf32, #tpu.memory_space<vmem_shared>>)
      tpu.yield
    }) : () -> ()
    %add3A_53 = arith.constant 608 : i32
    %add3A_54 = arith.addi %mul3A_8, %add3A_53 : i32
    "tpu.region"() ({
      %run_scoped3A = tpu.sem_alloc : memref<!tpu.dma_semaphore, #tpu.memory_space<semaphore_mem>>
      %dma_start3A_131 = arith.constant 0 : i32
      %dma_start3A_132 = tpu.memref_slice %arg21[%add3A_54, %dma_start3A_131] : memref<10240x128xf32, #tpu.memory_space<vmem_shared>> -> memref<32x128xf32, #tpu.memory_space<vmem_shared>>
      %dma_start3A_133 = arith.constant 0 : i32
      %dma_start3A_134 = tpu.memref_slice %arg21[%add3A_54, %dma_start3A_133] : memref<10240x128xf32, #tpu.memory_space<vmem_shared>> -> memref<32x128xf32, #tpu.memory_space<vmem_shared>>
      tpu.enqueue_dma source(%arg19 : memref<32x128xf32, #tpu.memory_space<vmem>>) target(%dma_start3A_134 : memref<32x128xf32, #tpu.memory_space<vmem_shared>>) target_semaphore(%run_scoped3A : memref<!tpu.dma_semaphore, #tpu.memory_space<semaphore_mem>>)
      %dma_wait3A_135 = arith.constant 0 : i32
      %dma_wait3A_136 = tpu.memref_slice %arg21[%add3A_54, %dma_wait3A_135] : memref<10240x128xf32, #tpu.memory_space<vmem_shared>> -> memref<32x128xf32, #tpu.memory_space<vmem_shared>>
      %dma_wait3A_137 = arith.constant 0 : i32
      %dma_wait3A_138 = tpu.memref_slice %arg21[%add3A_54, %dma_wait3A_137] : memref<10240x128xf32, #tpu.memory_space<vmem_shared>> -> memref<32x128xf32, #tpu.memory_space<vmem_shared>>
      tpu.wait_dma2 semaphore(%run_scoped3A : memref<!tpu.dma_semaphore, #tpu.memory_space<semaphore_mem>>) src(%arg19 : memref<32x128xf32, #tpu.memory_space<vmem>>) dst(%dma_wait3A_138 : memref<32x128xf32, #tpu.memory_space<vmem_shared>>)
      tpu.yield
    }) : () -> ()
    %barrier3A = arith.constant 0 : index
    tpu.barrier barrier_id(%barrier3A)
    %add3A_55 = arith.constant 0 : i32
    %add3A_56 = arith.addi %mul3A_10, %add3A_55 : i32
    "tpu.region"() ({
      %run_scoped3A = tpu.sem_alloc : memref<!tpu.dma_semaphore, #tpu.memory_space<semaphore_mem>>
      %dma_start3A_131 = tpu.memref_slice %arg5[%add3A_56] : memref<640000xi32, #tpu.memory_space<hbm>> -> memref<160xi32, #tpu.memory_space<hbm>>
      %dma_start3A_132 = tpu.memref_slice %arg5[%add3A_56] : memref<640000xi32, #tpu.memory_space<hbm>> -> memref<160xi32, #tpu.memory_space<hbm>>
      tpu.enqueue_dma source(%dma_start3A_132 : memref<160xi32, #tpu.memory_space<hbm>>) target(%arg7 : memref<160xi32, #tpu.memory_space<vmem>>) target_semaphore(%run_scoped3A : memref<!tpu.dma_semaphore, #tpu.memory_space<semaphore_mem>>)
      %dma_wait3A_133 = tpu.memref_slice %arg5[%add3A_56] : memref<640000xi32, #tpu.memory_space<hbm>> -> memref<160xi32, #tpu.memory_space<hbm>>
      %dma_wait3A_134 = tpu.memref_slice %arg5[%add3A_56] : memref<640000xi32, #tpu.memory_space<hbm>> -> memref<160xi32, #tpu.memory_space<hbm>>
      tpu.wait_dma2 semaphore(%run_scoped3A : memref<!tpu.dma_semaphore, #tpu.memory_space<semaphore_mem>>) src(%dma_wait3A_134 : memref<160xi32, #tpu.memory_space<hbm>>) dst(%arg7 : memref<160xi32, #tpu.memory_space<vmem>>)
      tpu.yield
    }) : () -> ()
    %add3A_57 = arith.constant 320000 : i32
    %add3A_58 = arith.addi %add3A_57, %add3A_56 : i32
    "tpu.region"() ({
      %run_scoped3A = tpu.sem_alloc : memref<!tpu.dma_semaphore, #tpu.memory_space<semaphore_mem>>
      %dma_start3A_131 = tpu.memref_slice %arg5[%add3A_58] : memref<640000xi32, #tpu.memory_space<hbm>> -> memref<160xi32, #tpu.memory_space<hbm>>
      %dma_start3A_132 = tpu.memref_slice %arg5[%add3A_58] : memref<640000xi32, #tpu.memory_space<hbm>> -> memref<160xi32, #tpu.memory_space<hbm>>
      tpu.enqueue_dma source(%dma_start3A_132 : memref<160xi32, #tpu.memory_space<hbm>>) target(%arg8 : memref<160xi32, #tpu.memory_space<vmem>>) target_semaphore(%run_scoped3A : memref<!tpu.dma_semaphore, #tpu.memory_space<semaphore_mem>>)
      %dma_wait3A_133 = tpu.memref_slice %arg5[%add3A_58] : memref<640000xi32, #tpu.memory_space<hbm>> -> memref<160xi32, #tpu.memory_space<hbm>>
      %dma_wait3A_134 = tpu.memref_slice %arg5[%add3A_58] : memref<640000xi32, #tpu.memory_space<hbm>> -> memref<160xi32, #tpu.memory_space<hbm>>
      tpu.wait_dma2 semaphore(%run_scoped3A : memref<!tpu.dma_semaphore, #tpu.memory_space<semaphore_mem>>) src(%dma_wait3A_134 : memref<160xi32, #tpu.memory_space<hbm>>) dst(%arg8 : memref<160xi32, #tpu.memory_space<vmem>>)
      tpu.yield
    }) : () -> ()
    %get3A = arith.constant 0 : index
    %get3A_59 = tpu.vector_load %arg7[%get3A] {strides = array<i32>} : memref<160xi32, #tpu.memory_space<vmem>>, vector<16xi32>,
    %get3A_60 = vector.shape_cast %get3A_59 : vector<16xi32> to vector<16xi32>
    %mul3A_61 = arith.constant 10000 : i32
    %mul3A_62 = arith.muli %arg0, %mul3A_61 : i32
    %add3A_63 = vector.broadcast %mul3A_62 : i32 to vector<16xi32>
    %add3A_64 = arith.addi %get3A_60, %add3A_63 : vector<16xi32>
    %swap3A = arith.constant 0 : index
    %swap3A_65 = tpu.vector_load %arg9[%swap3A] {strides = array<i32>} : memref<32xi32, #tpu.memory_space<vmem>>, vector<16xi32>,
    %swap3A_66 = vector.shape_cast %swap3A_65 : vector<16xi32> to vector<16xi32>
    %swap3A_67 = vector.shape_cast %add3A_64 : vector<16xi32> to vector<16xi32>
    tpu.vector_store %arg9[%swap3A], %swap3A_67 {strides = array<i32>} : memref<32xi32, #tpu.memory_space<vmem>>, vector<16xi32>,
    %get3A_68 = arith.constant 0 : index
    %get3A_69 = tpu.vector_load %arg8[%get3A_68] {strides = array<i32>} : memref<160xi32, #tpu.memory_space<vmem>>, vector<16xi32>,
    %get3A_70 = vector.shape_cast %get3A_69 : vector<16xi32> to vector<16xi32>
    %swap3A_71 = arith.constant 0 : index
    %swap3A_72 = tpu.vector_load %arg11[%swap3A_71] {strides = array<i32>} : memref<32xi32, #tpu.memory_space<vmem>>, vector<16xi32>,
    %swap3A_73 = vector.shape_cast %swap3A_72 : vector<16xi32> to vector<16xi32>
    %swap3A_74 = vector.shape_cast %get3A_70 : vector<16xi32> to vector<16xi32>
    tpu.vector_store %arg11[%swap3A_71], %swap3A_74 {strides = array<i32>} : memref<32xi32, #tpu.memory_space<vmem>>, vector<16xi32>,
    %get3A_75 = arith.constant 16 : index
    %get3A_76 = tpu.vector_load %arg7[%get3A_75] {strides = array<i32>} : memref<160xi32, #tpu.memory_space<vmem>>, vector<16xi32>,
    %get3A_77 = vector.shape_cast %get3A_76 : vector<16xi32> to vector<16xi32>
    %mul3A_78 = arith.constant 10000 : i32
    %mul3A_79 = arith.muli %arg0, %mul3A_78 : i32
    %add3A_80 = vector.broadcast %mul3A_79 : i32 to vector<16xi32>
    %add3A_81 = arith.addi %get3A_77, %add3A_80 : vector<16xi32>
    %swap3A_82 = arith.constant 16 : index
    %swap3A_83 = tpu.vector_load %arg9[%swap3A_82] {strides = array<i32>} : memref<32xi32, #tpu.memory_space<vmem>>, vector<16xi32>,
    %swap3A_84 = vector.shape_cast %swap3A_83 : vector<16xi32> to vector<16xi32>
    %swap3A_85 = vector.shape_cast %add3A_81 : vector<16xi32> to vector<16xi32>
    tpu.vector_store %arg9[%swap3A_82], %swap3A_85 {strides = array<i32>} : memref<32xi32, #tpu.memory_space<vmem>>, vector<16xi32>,
    %get3A_86 = arith.constant 16 : index
    %get3A_87 = tpu.vector_load %arg8[%get3A_86] {strides = array<i32>} : memref<160xi32, #tpu.memory_space<vmem>>, vector<16xi32>,
    %get3A_88 = vector.shape_cast %get3A_87 : vector<16xi32> to vector<16xi32>
    %swap3A_89 = arith.constant 16 : index
    %swap3A_90 = tpu.vector_load %arg11[%swap3A_89] {strides = array<i32>} : memref<32xi32, #tpu.memory_space<vmem>>, vector<16xi32>,
    %swap3A_91 = vector.shape_cast %swap3A_90 : vector<16xi32> to vector<16xi32>
    %swap3A_92 = vector.shape_cast %get3A_88 : vector<16xi32> to vector<16xi32>
    tpu.vector_store %arg11[%swap3A_89], %swap3A_92 {strides = array<i32>} : memref<32xi32, #tpu.memory_space<vmem>>, vector<16xi32>,
    %dma_start3A = arith.constant 0 : i32
    %dma_start3A_93 = arith.constant 0 : i32
    %dma_start3A_94 = tpu.memref_slice %arg2[%dma_start3A, %dma_start3A_93] : memref<20000x128xf32, #tpu.memory_space<hbm>> -> memref<20000x128xf32, #tpu.memory_space<hbm>>
    tpu.enqueue_indirect_dma source(%dma_start3A_94 : memref<20000x128xf32, #tpu.memory_space<hbm>>) target(%arg13 : memref<32x128xf32, #tpu.memory_space<vmem>>) offsets(%arg9 : memref<32xi32, #tpu.memory_space<vmem>>) semaphore(%arg22 : memref<!tpu.dma_semaphore, #tpu.memory_space<semaphore_mem>>)
    %dma_start3A_95 = arith.constant 0 : i32
    %dma_start3A_96 = arith.constant 0 : i32
    %dma_start3A_97 = tpu.memref_slice %arg3[%dma_start3A_95, %dma_start3A_96] : memref<10000x128xf32, #tpu.memory_space<hbm>> -> memref<10000x128xf32, #tpu.memory_space<hbm>>
    tpu.enqueue_indirect_dma source(%dma_start3A_97 : memref<10000x128xf32, #tpu.memory_space<hbm>>) target(%arg15 : memref<32x128xf32, #tpu.memory_space<vmem>>) offsets(%arg11 : memref<32xi32, #tpu.memory_space<vmem>>) semaphore(%arg24 : memref<!tpu.dma_semaphore, #tpu.memory_space<semaphore_mem>>)
    %add3A_98 = arith.constant 0 : i32
    %add3A_99 = arith.addi %mul3A_10, %add3A_98 : i32
    %dma_start3A_100 = arith.constant 0 : i32
    %dma_start3A_101 = tpu.memref_slice %arg4[%arg0, %add3A_99, %dma_start3A_100] : memref<2x320000x64xf32, #tpu.memory_space<hbm>> -> memref<1x32x64xf32, #tpu.memory_space<hbm>>
    %dma_start3A_102 = tpu.memref_squeeze %dma_start3A_101 : memref<1x32x64xf32, #tpu.memory_space<hbm>> -> memref<32x64xf32, #tpu.memory_space<hbm>>
    %dma_start3A_103 = arith.constant 0 : i32
    %dma_start3A_104 = tpu.memref_slice %arg4[%arg0, %add3A_99, %dma_start3A_103] : memref<2x320000x64xf32, #tpu.memory_space<hbm>> -> memref<1x32x64xf32, #tpu.memory_space<hbm>>
    %dma_start3A_105 = tpu.memref_squeeze %dma_start3A_104 : memref<1x32x64xf32, #tpu.memory_space<hbm>> -> memref<32x64xf32, #tpu.memory_space<hbm>>
    tpu.enqueue_dma source(%dma_start3A_105 : memref<32x64xf32, #tpu.memory_space<hbm>>) target(%arg17 : memref<32x64xf32, #tpu.memory_space<vmem>>) target_semaphore(%arg26 : memref<!tpu.dma_semaphore, #tpu.memory_space<semaphore_mem>>)
    %scan3A_106 = arith.constant 0 : i32
    %scan3A_107 = arith.constant 0 : i32
    %scan3A_108 = arith.constant 312 : i32
    %scan3A_109 = arith.addi %scan3A_107, %scan3A_108 : i32
    %scan3A_110 = arith.constant 1 : i32
    scf.for %scan3A_131 = %scan3A_107 to %scan3A_109 step %scan3A_110  : i32 {
      %mul3A_132 = arith.constant 2 : i32
      %mul3A_133 = arith.muli %mul3A_132, %scan3A_131 : i32
      %dma_wait3A_134 = arith.constant 0 : i32
      %dma_wait3A_135 = arith.constant 0 : i32
      %dma_wait3A_136 = tpu.memref_slice %arg2[%dma_wait3A_134, %dma_wait3A_135] : memref<20000x128xf32, #tpu.memory_space<hbm>> -> memref<20000x128xf32, #tpu.memory_space<hbm>>
      tpu.wait_indirect_dma semaphore(%arg22 : memref<!tpu.dma_semaphore, #tpu.memory_space<semaphore_mem>>) src(%dma_wait3A_136 : memref<20000x128xf32, #tpu.memory_space<hbm>>) dst(%arg13 : memref<32x128xf32, #tpu.memory_space<vmem>>)
      %dma_wait3A_137 = arith.constant 0 : i32
      %dma_wait3A_138 = arith.constant 0 : i32
      %dma_wait3A_139 = tpu.memref_slice %arg3[%dma_wait3A_137, %dma_wait3A_138] : memref<10000x128xf32, #tpu.memory_space<hbm>> -> memref<10000x128xf32, #tpu.memory_space<hbm>>
      tpu.wait_indirect_dma semaphore(%arg24 : memref<!tpu.dma_semaphore, #tpu.memory_space<semaphore_mem>>) src(%dma_wait3A_139 : memref<10000x128xf32, #tpu.memory_space<hbm>>) dst(%arg15 : memref<32x128xf32, #tpu.memory_space<vmem>>)
      %dma_wait3A_140 = arith.constant 0 : i32
      %dma_wait3A_141 = arith.constant 0 : i32
      %dma_wait3A_142 = tpu.memref_slice %arg4[%arg0, %dma_wait3A_140, %dma_wait3A_141] : memref<2x320000x64xf32, #tpu.memory_space<hbm>> -> memref<1x32x64xf32, #tpu.memory_space<hbm>>
      %dma_wait3A_143 = tpu.memref_squeeze %dma_wait3A_142 : memref<1x32x64xf32, #tpu.memory_space<hbm>> -> memref<32x64xf32, #tpu.memory_space<hbm>>
      %dma_wait3A_144 = arith.constant 0 : i32
      %dma_wait3A_145 = arith.constant 0 : i32
      %dma_wait3A_146 = tpu.memref_slice %arg4[%arg0, %dma_wait3A_144, %dma_wait3A_145] : memref<2x320000x64xf32, #tpu.memory_space<hbm>> -> memref<1x32x64xf32, #tpu.memory_space<hbm>>
      %dma_wait3A_147 = tpu.memref_squeeze %dma_wait3A_146 : memref<1x32x64xf32, #tpu.memory_space<hbm>> -> memref<32x64xf32, #tpu.memory_space<hbm>>
      tpu.wait_dma2 semaphore(%arg26 : memref<!tpu.dma_semaphore, #tpu.memory_space<semaphore_mem>>) src(%dma_wait3A_147 : memref<32x64xf32, #tpu.memory_space<hbm>>) dst(%arg17 : memref<32x64xf32, #tpu.memory_space<vmem>>)
      %gt3A = arith.constant 0 : i32
      %gt3A_148 = arith.cmpi sgt, %scan3A_131, %gt3A : i32
      %convert_element_type3A = arith.extui %gt3A_148 : i1 to i32
      %cond3A = arith.constant 0 : i32
      %cond3A_149 = arith.cmpi ne, %convert_element_type3A, %cond3A : i32
      scf.if %cond3A_149 {
        %dma_wait3A_372 = arith.constant 0 : i32
        %dma_wait3A_373 = arith.constant 0 : i32
        %dma_wait3A_374 = tpu.memref_slice %arg21[%dma_wait3A_372, %dma_wait3A_373] : memref<10240x128xf32, #tpu.memory_space<vmem_shared>> -> memref<10240x128xf32, #tpu.memory_space<vmem_shared>>
        tpu.wait_indirect_dma semaphore(%arg29 : memref<!tpu.dma_semaphore, #tpu.memory_space<semaphore_mem>>) src(%arg20 : memref<32x128xf32, #tpu.memory_space<vmem>>) dst(%dma_wait3A_374 : memref<10240x128xf32, #tpu.memory_space<vmem_shared>>)
      } else {
      }
      %add3A_150 = arith.constant 1 : i32
      %add3A_151 = arith.addi %mul3A_133, %add3A_150 : i32
      %jit3A = arith.constant 5 : i32
      %eq3A = arith.constant 0 : i32
      %eq3A_152 = arith.cmpi eq, %jit3A, %eq3A : i32
      %jit3A_153 = arith.constant 1 : i32
      %select_n3A = arith.select %eq3A_152, %jit3A_153, %jit3A : i32
      %rem3A = arith.remsi %add3A_151, %select_n3A : i32
      %ne3A = arith.constant 0 : i32
      %ne3A_154 = arith.cmpi ne, %rem3A, %ne3A : i32
      %lt3A = arith.constant 0 : i32
      %lt3A_155 = arith.cmpi slt, %rem3A, %lt3A : i32
      %lt3A_156 = arith.constant 0 : i32
      %lt3A_157 = arith.cmpi slt, %select_n3A, %lt3A_156 : i32
      %ne3A_158 = arith.xori %lt3A_155, %lt3A_157 : i1
      %and3A = arith.andi %ne3A_158, %ne3A_154 : i1
      %add3A_159 = arith.addi %rem3A, %select_n3A : i32
      %select_n3A_160 = arith.select %and3A, %add3A_159, %rem3A : i32
      %eq3A_161 = arith.constant 0 : i32
      %eq3A_162 = arith.cmpi eq, %select_n3A_160, %eq3A_161 : i32
      %convert_element_type3A_163 = arith.extui %eq3A_162 : i1 to i32
      %cond3A_164 = arith.constant 0 : i32
      %cond3A_165 = arith.cmpi ne, %convert_element_type3A_163, %cond3A_164 : i32
      scf.if %cond3A_165 {
        %mul3A_372 = arith.constant 32 : i32
        %mul3A_373 = arith.muli %add3A_151, %mul3A_372 : i32
        %add3A_374 = arith.addi %mul3A_10, %mul3A_373 : i32
        "tpu.region"() ({
          %run_scoped3A = tpu.sem_alloc : memref<!tpu.dma_semaphore, #tpu.memory_space<semaphore_mem>>
          %dma_start3A_377 = tpu.memref_slice %arg5[%add3A_374] : memref<640000xi32, #tpu.memory_space<hbm>> -> memref<160xi32, #tpu.memory_space<hbm>>
          %dma_start3A_378 = tpu.memref_slice %arg5[%add3A_374] : memref<640000xi32, #tpu.memory_space<hbm>> -> memref<160xi32, #tpu.memory_space<hbm>>
          tpu.enqueue_dma source(%dma_start3A_378 : memref<160xi32, #tpu.memory_space<hbm>>) target(%arg7 : memref<160xi32, #tpu.memory_space<vmem>>) target_semaphore(%run_scoped3A : memref<!tpu.dma_semaphore, #tpu.memory_space<semaphore_mem>>)
          %dma_wait3A_379 = tpu.memref_slice %arg5[%add3A_374] : memref<640000xi32, #tpu.memory_space<hbm>> -> memref<160xi32, #tpu.memory_space<hbm>>
          %dma_wait3A_380 = tpu.memref_slice %arg5[%add3A_374] : memref<640000xi32, #tpu.memory_space<hbm>> -> memref<160xi32, #tpu.memory_space<hbm>>
          tpu.wait_dma2 semaphore(%run_scoped3A : memref<!tpu.dma_semaphore, #tpu.memory_space<semaphore_mem>>) src(%dma_wait3A_380 : memref<160xi32, #tpu.memory_space<hbm>>) dst(%arg7 : memref<160xi32, #tpu.memory_space<vmem>>)
          tpu.yield
        }) : () -> ()
        %add3A_375 = arith.constant 320000 : i32
        %add3A_376 = arith.addi %add3A_375, %add3A_374 : i32
        "tpu.region"() ({
          %run_scoped3A = tpu.sem_alloc : memref<!tpu.dma_semaphore, #tpu.memory_space<semaphore_mem>>
          %dma_start3A_377 = tpu.memref_slice %arg5[%add3A_376] : memref<640000xi32, #tpu.memory_space<hbm>> -> memref<160xi32, #tpu.memory_space<hbm>>
          %dma_start3A_378 = tpu.memref_slice %arg5[%add3A_376] : memref<640000xi32, #tpu.memory_space<hbm>> -> memref<160xi32, #tpu.memory_space<hbm>>
          tpu.enqueue_dma source(%dma_start3A_378 : memref<160xi32, #tpu.memory_space<hbm>>) target(%arg8 : memref<160xi32, #tpu.memory_space<vmem>>) target_semaphore(%run_scoped3A : memref<!tpu.dma_semaphore, #tpu.memory_space<semaphore_mem>>)
          %dma_wait3A_379 = tpu.memref_slice %arg5[%add3A_376] : memref<640000xi32, #tpu.memory_space<hbm>> -> memref<160xi32, #tpu.memory_space<hbm>>
          %dma_wait3A_380 = tpu.memref_slice %arg5[%add3A_376] : memref<640000xi32, #tpu.memory_space<hbm>> -> memref<160xi32, #tpu.memory_space<hbm>>
          tpu.wait_dma2 semaphore(%run_scoped3A : memref<!tpu.dma_semaphore, #tpu.memory_space<semaphore_mem>>) src(%dma_wait3A_380 : memref<160xi32, #tpu.memory_space<hbm>>) dst(%arg8 : memref<160xi32, #tpu.memory_space<vmem>>)
          tpu.yield
        }) : () -> ()
      } else {
      }
      %jit3A_166 = arith.constant 5 : i32
      %eq3A_167 = arith.constant 0 : i32
      %eq3A_168 = arith.cmpi eq, %jit3A_166, %eq3A_167 : i32
      %jit3A_169 = arith.constant 1 : i32
      %select_n3A_170 = arith.select %eq3A_168, %jit3A_169, %jit3A_166 : i32
      %rem3A_171 = arith.remsi %add3A_151, %select_n3A_170 : i32
      %ne3A_172 = arith.constant 0 : i32
      %ne3A_173 = arith.cmpi ne, %rem3A_171, %ne3A_172 : i32
      %lt3A_174 = arith.constant 0 : i32
      %lt3A_175 = arith.cmpi slt, %rem3A_171, %lt3A_174 : i32
      %lt3A_176 = arith.constant 0 : i32
      %lt3A_177 = arith.cmpi slt, %select_n3A_170, %lt3A_176 : i32
      %ne3A_178 = arith.xori %lt3A_175, %lt3A_177 : i1
      %and3A_179 = arith.andi %ne3A_178, %ne3A_173 : i1
      %add3A_180 = arith.addi %rem3A_171, %select_n3A_170 : i32
      %select_n3A_181 = arith.select %and3A_179, %add3A_180, %rem3A_171 : i32
      %mul3A_182 = arith.constant 32 : i32
      %mul3A_183 = arith.muli %select_n3A_181, %mul3A_182 : i32
      %add3A_184 = arith.constant 0 : i32
      %add3A_185 = arith.addi %mul3A_183, %add3A_184 : i32
      %get3A_186 = arith.index_cast %add3A_185 : i32 to index
      %get3A_187 = tpu.vector_load %arg7[%get3A_186] {strides = array<i32>} : memref<160xi32, #tpu.memory_space<vmem>>, vector<16xi32>,
      %get3A_188 = vector.shape_cast %get3A_187 : vector<16xi32> to vector<16xi32>
      %mul3A_189 = arith.constant 10000 : i32
      %mul3A_190 = arith.muli %arg0, %mul3A_189 : i32
      %add3A_191 = vector.broadcast %mul3A_190 : i32 to vector<16xi32>
      %add3A_192 = arith.addi %get3A_188, %add3A_191 : vector<16xi32>
      %swap3A_193 = arith.constant 0 : index
      %swap3A_194 = tpu.vector_load %arg10[%swap3A_193] {strides = array<i32>} : memref<32xi32, #tpu.memory_space<vmem>>, vector<16xi32>,
      %swap3A_195 = vector.shape_cast %swap3A_194 : vector<16xi32> to vector<16xi32>
      %swap3A_196 = vector.shape_cast %add3A_192 : vector<16xi32> to vector<16xi32>
      tpu.vector_store %arg10[%swap3A_193], %swap3A_196 {strides = array<i32>} : memref<32xi32, #tpu.memory_space<vmem>>, vector<16xi32>,
      %add3A_197 = arith.constant 0 : i32
      %add3A_198 = arith.addi %mul3A_183, %add3A_197 : i32
      %get3A_199 = arith.index_cast %add3A_198 : i32 to index
      %get3A_200 = tpu.vector_load %arg8[%get3A_199] {strides = array<i32>} : memref<160xi32, #tpu.memory_space<vmem>>, vector<16xi32>,
      %get3A_201 = vector.shape_cast %get3A_200 : vector<16xi32> to vector<16xi32>
      %swap3A_202 = arith.constant 0 : index
      %swap3A_203 = tpu.vector_load %arg12[%swap3A_202] {strides = array<i32>} : memref<32xi32, #tpu.memory_space<vmem>>, vector<16xi32>,
      %swap3A_204 = vector.shape_cast %swap3A_203 : vector<16xi32> to vector<16xi32>
      %swap3A_205 = vector.shape_cast %get3A_201 : vector<16xi32> to vector<16xi32>
      tpu.vector_store %arg12[%swap3A_202], %swap3A_205 {strides = array<i32>} : memref<32xi32, #tpu.memory_space<vmem>>, vector<16xi32>,
      %add3A_206 = arith.constant 16 : i32
      %add3A_207 = arith.addi %mul3A_183, %add3A_206 : i32
      %get3A_208 = arith.index_cast %add3A_207 : i32 to index
      %get3A_209 = tpu.vector_load %arg7[%get3A_208] {strides = array<i32>} : memref<160xi32, #tpu.memory_space<vmem>>, vector<16xi32>,
      %get3A_210 = vector.shape_cast %get3A_209 : vector<16xi32> to vector<16xi32>
      %mul3A_211 = arith.constant 10000 : i32
      %mul3A_212 = arith.muli %arg0, %mul3A_211 : i32
      %add3A_213 = vector.broadcast %mul3A_212 : i32 to vector<16xi32>
      %add3A_214 = arith.addi %get3A_210, %add3A_213 : vector<16xi32>
      %swap3A_215 = arith.constant 16 : index
      %swap3A_216 = tpu.vector_load %arg10[%swap3A_215] {strides = array<i32>} : memref<32xi32, #tpu.memory_space<vmem>>, vector<16xi32>,
      %swap3A_217 = vector.shape_cast %swap3A_216 : vector<16xi32> to vector<16xi32>
      %swap3A_218 = vector.shape_cast %add3A_214 : vector<16xi32> to vector<16xi32>
      tpu.vector_store %arg10[%swap3A_215], %swap3A_218 {strides = array<i32>} : memref<32xi32, #tpu.memory_space<vmem>>, vector<16xi32>,
      %add3A_219 = arith.constant 16 : i32
      %add3A_220 = arith.addi %mul3A_183, %add3A_219 : i32
      %get3A_221 = arith.index_cast %add3A_220 : i32 to index
      %get3A_222 = tpu.vector_load %arg8[%get3A_221] {strides = array<i32>} : memref<160xi32, #tpu.memory_space<vmem>>, vector<16xi32>,
      %get3A_223 = vector.shape_cast %get3A_222 : vector<16xi32> to vector<16xi32>
      %swap3A_224 = arith.constant 16 : index
      %swap3A_225 = tpu.vector_load %arg12[%swap3A_224] {strides = array<i32>} : memref<32xi32, #tpu.memory_space<vmem>>, vector<16xi32>,
      %swap3A_226 = vector.shape_cast %swap3A_225 : vector<16xi32> to vector<16xi32>
      %swap3A_227 = vector.shape_cast %get3A_223 : vector<16xi32> to vector<16xi32>
      tpu.vector_store %arg12[%swap3A_224], %swap3A_227 {strides = array<i32>} : memref<32xi32, #tpu.memory_space<vmem>>, vector<16xi32>,
      %dma_start3A_228 = arith.constant 0 : i32
      %dma_start3A_229 = arith.constant 0 : i32
      %dma_start3A_230 = tpu.memref_slice %arg2[%dma_start3A_228, %dma_start3A_229] : memref<20000x128xf32, #tpu.memory_space<hbm>> -> memref<20000x128xf32, #tpu.memory_space<hbm>>
      tpu.enqueue_indirect_dma source(%dma_start3A_230 : memref<20000x128xf32, #tpu.memory_space<hbm>>) target(%arg14 : memref<32x128xf32, #tpu.memory_space<vmem>>) offsets(%arg10 : memref<32xi32, #tpu.memory_space<vmem>>) semaphore(%arg23 : memref<!tpu.dma_semaphore, #tpu.memory_space<semaphore_mem>>)
      %dma_start3A_231 = arith.constant 0 : i32
      %dma_start3A_232 = arith.constant 0 : i32
      %dma_start3A_233 = tpu.memref_slice %arg3[%dma_start3A_231, %dma_start3A_232] : memref<10000x128xf32, #tpu.memory_space<hbm>> -> memref<10000x128xf32, #tpu.memory_space<hbm>>
      tpu.enqueue_indirect_dma source(%dma_start3A_233 : memref<10000x128xf32, #tpu.memory_space<hbm>>) target(%arg16 : memref<32x128xf32, #tpu.memory_space<vmem>>) offsets(%arg12 : memref<32xi32, #tpu.memory_space<vmem>>) semaphore(%arg25 : memref<!tpu.dma_semaphore, #tpu.memory_space<semaphore_mem>>)
      %mul3A_234 = arith.constant 32 : i32
      %mul3A_235 = arith.muli %add3A_151, %mul3A_234 : i32
      %add3A_236 = arith.addi %mul3A_10, %mul3A_235 : i32
      %dma_start3A_237 = arith.constant 0 : i32
      %dma_start3A_238 = tpu.memref_slice %arg4[%arg0, %add3A_236, %dma_start3A_237] : memref<2x320000x64xf32, #tpu.memory_space<hbm>> -> memref<1x32x64xf32, #tpu.memory_space<hbm>>
      %dma_start3A_239 = tpu.memref_squeeze %dma_start3A_238 : memref<1x32x64xf32, #tpu.memory_space<hbm>> -> memref<32x64xf32, #tpu.memory_space<hbm>>
      %dma_start3A_240 = arith.constant 0 : i32
      %dma_start3A_241 = tpu.memref_slice %arg4[%arg0, %add3A_236, %dma_start3A_240] : memref<2x320000x64xf32, #tpu.memory_space<hbm>> -> memref<1x32x64xf32, #tpu.memory_space<hbm>>
      %dma_start3A_242 = tpu.memref_squeeze %dma_start3A_241 : memref<1x32x64xf32, #tpu.memory_space<hbm>> -> memref<32x64xf32, #tpu.memory_space<hbm>>
      tpu.enqueue_dma source(%dma_start3A_242 : memref<32x64xf32, #tpu.memory_space<hbm>>) target(%arg18 : memref<32x64xf32, #tpu.memory_space<vmem>>) target_semaphore(%arg27 : memref<!tpu.dma_semaphore, #tpu.memory_space<semaphore_mem>>)
      %parallel_loop3A_243 = arith.constant 0 : i32
      %parallel_loop3A_244 = arith.constant 32 : i32
      %parallel_loop3A_245 = arith.constant 1 : i32
      scf.for %parallel_loop3A_372 = %parallel_loop3A_243 to %parallel_loop3A_244 step %parallel_loop3A_245  : i32 {
        %parallel_loop3A_373 = arith.index_cast %parallel_loop3A_372 : i32 to index
        %parallel_loop3A_374 = arith.constant 0 : index
        %parallel_loop3A_375 = tpu.vector_load %arg17[%parallel_loop3A_373, %parallel_loop3A_374] {strides = array<i32>} : memref<32x64xf32, #tpu.memory_space<vmem>>, vector<1x16xf32>,
        %parallel_loop3A_376 = vector.shape_cast %parallel_loop3A_375 : vector<1x16xf32> to vector<16xf32>
        %parallel_loop3A_377 = arith.constant 0 : i32
        %parallel_loop3A_378 = arith.addi %mul3A_6, %parallel_loop3A_377 : i32
        %parallel_loop3A_379 = arith.index_cast %parallel_loop3A_372 : i32 to index
        %parallel_loop3A_380 = arith.index_cast %parallel_loop3A_378 : i32 to index
        %parallel_loop3A_381 = tpu.vector_load %arg15[%parallel_loop3A_379, %parallel_loop3A_380] {strides = array<i32>} : memref<32x128xf32, #tpu.memory_space<vmem>>, vector<1x16xf32>,
        %parallel_loop3A_382 = vector.shape_cast %parallel_loop3A_381 : vector<1x16xf32> to vector<16xf32>
        %parallel_loop3A_383 = arith.index_cast %parallel_loop3A_372 : i32 to index
        %parallel_loop3A_384 = arith.constant 0 : index
        %parallel_loop3A_385 = tpu.vector_load %arg13[%parallel_loop3A_383, %parallel_loop3A_384] {strides = array<i32>} : memref<32x128xf32, #tpu.memory_space<vmem>>, vector<1x16xf32>,
        %parallel_loop3A_386 = vector.shape_cast %parallel_loop3A_385 : vector<1x16xf32> to vector<16xf32>
        %parallel_loop3A_387 = arith.addf %parallel_loop3A_386, %parallel_loop3A_376 : vector<16xf32>
        %parallel_loop3A_388 = arith.mulf %parallel_loop3A_382, %parallel_loop3A_387 : vector<16xf32>
        %parallel_loop3A_389 = arith.constant 1 : i32
        %parallel_loop3A_390 = vector.broadcast %parallel_loop3A_389 : i32 to vector<16xi32>
        %parallel_loop3A_391 = arith.xori %iota3A, %parallel_loop3A_390 : vector<16xi32>
        %parallel_loop3A_392 = vector.shape_cast %parallel_loop3A_391 : vector<16xi32> to vector<16x1xi32>
        %parallel_loop3A_393 = vector.shape_cast %parallel_loop3A_392 : vector<16x1xi32> to vector<16xi32>
        %parallel_loop3A_394 = tpu.dynamic_gather %parallel_loop3A_388[%parallel_loop3A_393] in [0] : vector<16xf32>, vector<16xi32> -> vector<16xf32>
        %parallel_loop3A_395 = arith.addf %parallel_loop3A_388, %parallel_loop3A_394 : vector<16xf32>
        %parallel_loop3A_396 = arith.constant 2 : i32
        %parallel_loop3A_397 = vector.broadcast %parallel_loop3A_396 : i32 to vector<16xi32>
        %parallel_loop3A_398 = arith.xori %iota3A, %parallel_loop3A_397 : vector<16xi32>
        %parallel_loop3A_399 = vector.shape_cast %parallel_loop3A_398 : vector<16xi32> to vector<16x1xi32>
        %parallel_loop3A_400 = vector.shape_cast %parallel_loop3A_399 : vector<16x1xi32> to vector<16xi32>
        %parallel_loop3A_401 = tpu.dynamic_gather %parallel_loop3A_395[%parallel_loop3A_400] in [0] : vector<16xf32>, vector<16xi32> -> vector<16xf32>
        %parallel_loop3A_402 = arith.addf %parallel_loop3A_395, %parallel_loop3A_401 : vector<16xf32>
        %parallel_loop3A_403 = arith.constant 4 : i32
        %parallel_loop3A_404 = vector.broadcast %parallel_loop3A_403 : i32 to vector<16xi32>
        %parallel_loop3A_405 = arith.xori %iota3A, %parallel_loop3A_404 : vector<16xi32>
        %parallel_loop3A_406 = vector.shape_cast %parallel_loop3A_405 : vector<16xi32> to vector<16x1xi32>
        %parallel_loop3A_407 = vector.shape_cast %parallel_loop3A_406 : vector<16x1xi32> to vector<16xi32>
        %parallel_loop3A_408 = tpu.dynamic_gather %parallel_loop3A_402[%parallel_loop3A_407] in [0] : vector<16xf32>, vector<16xi32> -> vector<16xf32>
        %parallel_loop3A_409 = arith.addf %parallel_loop3A_402, %parallel_loop3A_408 : vector<16xf32>
        %parallel_loop3A_410 = arith.constant 1 : i32
        %parallel_loop3A_411 = vector.broadcast %parallel_loop3A_410 : i32 to vector<16xi32>
        %parallel_loop3A_412 = arith.cmpi eq, %iota3A, %parallel_loop3A_411 : vector<16xi32>
        %parallel_loop3A_413 = arith.constant 8 : i32
        %parallel_loop3A_414 = arith.constant 0 : i32
        %parallel_loop3A_415 = vector.broadcast %parallel_loop3A_413 : i32 to vector<16xi32>
        %parallel_loop3A_416 = vector.broadcast %parallel_loop3A_414 : i32 to vector<16xi32>
        %parallel_loop3A_417 = arith.select %parallel_loop3A_412, %parallel_loop3A_415, %parallel_loop3A_416 : vector<16xi1>, vector<16xi32>
        %parallel_loop3A_418 = vector.shape_cast %parallel_loop3A_417 : vector<16xi32> to vector<16x1xi32>
        %parallel_loop3A_419 = vector.shape_cast %parallel_loop3A_418 : vector<16x1xi32> to vector<16xi32>
        %parallel_loop3A_420 = tpu.dynamic_gather %parallel_loop3A_409[%parallel_loop3A_419] in [0] : vector<16xf32>, vector<16xi32> -> vector<16xf32>
        %parallel_loop3A_421 = arith.constant 0 : i32
        %parallel_loop3A_422 = vector.broadcast %parallel_loop3A_421 : i32 to vector<16xi32>
        %parallel_loop3A_423 = arith.cmpi eq, %shift_right_logical3A_4, %parallel_loop3A_422 : vector<16xi32>
        %parallel_loop3A_424 = arith.select %parallel_loop3A_423, %parallel_loop3A_420, %broadcast_in_dim3A_5 : vector<16xi1>, vector<16xf32>
        %parallel_loop3A_425 = arith.index_cast %parallel_loop3A_372 : i32 to index
        %parallel_loop3A_426 = arith.constant 16 : index
        %parallel_loop3A_427 = tpu.vector_load %arg17[%parallel_loop3A_425, %parallel_loop3A_426] {strides = array<i32>} : memref<32x64xf32, #tpu.memory_space<vmem>>, vector<1x16xf32>,
        %parallel_loop3A_428 = vector.shape_cast %parallel_loop3A_427 : vector<1x16xf32> to vector<16xf32>
        %parallel_loop3A_429 = arith.constant 16 : i32
        %parallel_loop3A_430 = arith.addi %mul3A_6, %parallel_loop3A_429 : i32
        %parallel_loop3A_431 = arith.index_cast %parallel_loop3A_372 : i32 to index
        %parallel_loop3A_432 = arith.index_cast %parallel_loop3A_430 : i32 to index
        %parallel_loop3A_433 = tpu.vector_load %arg15[%parallel_loop3A_431, %parallel_loop3A_432] {strides = array<i32>} : memref<32x128xf32, #tpu.memory_space<vmem>>, vector<1x16xf32>,
        %parallel_loop3A_434 = vector.shape_cast %parallel_loop3A_433 : vector<1x16xf32> to vector<16xf32>
        %parallel_loop3A_435 = arith.index_cast %parallel_loop3A_372 : i32 to index
        %parallel_loop3A_436 = arith.constant 16 : index
        %parallel_loop3A_437 = tpu.vector_load %arg13[%parallel_loop3A_435, %parallel_loop3A_436] {strides = array<i32>} : memref<32x128xf32, #tpu.memory_space<vmem>>, vector<1x16xf32>,
        %parallel_loop3A_438 = vector.shape_cast %parallel_loop3A_437 : vector<1x16xf32> to vector<16xf32>
        %parallel_loop3A_439 = arith.addf %parallel_loop3A_438, %parallel_loop3A_428 : vector<16xf32>
        %parallel_loop3A_440 = arith.mulf %parallel_loop3A_434, %parallel_loop3A_439 : vector<16xf32>
        %parallel_loop3A_441 = arith.constant 1 : i32
        %parallel_loop3A_442 = vector.broadcast %parallel_loop3A_441 : i32 to vector<16xi32>
        %parallel_loop3A_443 = arith.xori %iota3A, %parallel_loop3A_442 : vector<16xi32>
        %parallel_loop3A_444 = vector.shape_cast %parallel_loop3A_443 : vector<16xi32> to vector<16x1xi32>
        %parallel_loop3A_445 = vector.shape_cast %parallel_loop3A_444 : vector<16x1xi32> to vector<16xi32>
        %parallel_loop3A_446 = tpu.dynamic_gather %parallel_loop3A_440[%parallel_loop3A_445] in [0] : vector<16xf32>, vector<16xi32> -> vector<16xf32>
        %parallel_loop3A_447 = arith.addf %parallel_loop3A_440, %parallel_loop3A_446 : vector<16xf32>
        %parallel_loop3A_448 = arith.constant 2 : i32
        %parallel_loop3A_449 = vector.broadcast %parallel_loop3A_448 : i32 to vector<16xi32>
        %parallel_loop3A_450 = arith.xori %iota3A, %parallel_loop3A_449 : vector<16xi32>
        %parallel_loop3A_451 = vector.shape_cast %parallel_loop3A_450 : vector<16xi32> to vector<16x1xi32>
        %parallel_loop3A_452 = vector.shape_cast %parallel_loop3A_451 : vector<16x1xi32> to vector<16xi32>
        %parallel_loop3A_453 = tpu.dynamic_gather %parallel_loop3A_447[%parallel_loop3A_452] in [0] : vector<16xf32>, vector<16xi32> -> vector<16xf32>
        %parallel_loop3A_454 = arith.addf %parallel_loop3A_447, %parallel_loop3A_453 : vector<16xf32>
        %parallel_loop3A_455 = arith.constant 4 : i32
        %parallel_loop3A_456 = vector.broadcast %parallel_loop3A_455 : i32 to vector<16xi32>
        %parallel_loop3A_457 = arith.xori %iota3A, %parallel_loop3A_456 : vector<16xi32>
        %parallel_loop3A_458 = vector.shape_cast %parallel_loop3A_457 : vector<16xi32> to vector<16x1xi32>
        %parallel_loop3A_459 = vector.shape_cast %parallel_loop3A_458 : vector<16x1xi32> to vector<16xi32>
        %parallel_loop3A_460 = tpu.dynamic_gather %parallel_loop3A_454[%parallel_loop3A_459] in [0] : vector<16xf32>, vector<16xi32> -> vector<16xf32>
        %parallel_loop3A_461 = arith.addf %parallel_loop3A_454, %parallel_loop3A_460 : vector<16xf32>
        %parallel_loop3A_462 = arith.constant 3 : i32
        %parallel_loop3A_463 = vector.broadcast %parallel_loop3A_462 : i32 to vector<16xi32>
        %parallel_loop3A_464 = arith.cmpi eq, %iota3A, %parallel_loop3A_463 : vector<16xi32>
        %parallel_loop3A_465 = arith.constant 8 : i32
        %parallel_loop3A_466 = arith.constant 0 : i32
        %parallel_loop3A_467 = vector.broadcast %parallel_loop3A_465 : i32 to vector<16xi32>
        %parallel_loop3A_468 = vector.broadcast %parallel_loop3A_466 : i32 to vector<16xi32>
        %parallel_loop3A_469 = arith.select %parallel_loop3A_464, %parallel_loop3A_467, %parallel_loop3A_468 : vector<16xi1>, vector<16xi32>
        %parallel_loop3A_470 = vector.shape_cast %parallel_loop3A_469 : vector<16xi32> to vector<16x1xi32>
        %parallel_loop3A_471 = vector.shape_cast %parallel_loop3A_470 : vector<16x1xi32> to vector<16xi32>
        %parallel_loop3A_472 = tpu.dynamic_gather %parallel_loop3A_461[%parallel_loop3A_471] in [0] : vector<16xf32>, vector<16xi32> -> vector<16xf32>
        %parallel_loop3A_473 = arith.constant 1 : i32
        %parallel_loop3A_474 = vector.broadcast %parallel_loop3A_473 : i32 to vector<16xi32>
        %parallel_loop3A_475 = arith.cmpi eq, %shift_right_logical3A_4, %parallel_loop3A_474 : vector<16xi32>
        %parallel_loop3A_476 = arith.select %parallel_loop3A_475, %parallel_loop3A_472, %parallel_loop3A_424 : vector<16xi1>, vector<16xf32>
        %parallel_loop3A_477 = arith.index_cast %parallel_loop3A_372 : i32 to index
        %parallel_loop3A_478 = arith.constant 32 : index
        %parallel_loop3A_479 = tpu.vector_load %arg17[%parallel_loop3A_477, %parallel_loop3A_478] {strides = array<i32>} : memref<32x64xf32, #tpu.memory_space<vmem>>, vector<1x16xf32>,
        %parallel_loop3A_480 = vector.shape_cast %parallel_loop3A_479 : vector<1x16xf32> to vector<16xf32>
        %parallel_loop3A_481 = arith.constant 32 : i32
        %parallel_loop3A_482 = arith.addi %mul3A_6, %parallel_loop3A_481 : i32
        %parallel_loop3A_483 = arith.index_cast %parallel_loop3A_372 : i32 to index
        %parallel_loop3A_484 = arith.index_cast %parallel_loop3A_482 : i32 to index
        %parallel_loop3A_485 = tpu.vector_load %arg15[%parallel_loop3A_483, %parallel_loop3A_484] {strides = array<i32>} : memref<32x128xf32, #tpu.memory_space<vmem>>, vector<1x16xf32>,
        %parallel_loop3A_486 = vector.shape_cast %parallel_loop3A_485 : vector<1x16xf32> to vector<16xf32>
        %parallel_loop3A_487 = arith.index_cast %parallel_loop3A_372 : i32 to index
        %parallel_loop3A_488 = arith.constant 32 : index
        %parallel_loop3A_489 = tpu.vector_load %arg13[%parallel_loop3A_487, %parallel_loop3A_488] {strides = array<i32>} : memref<32x128xf32, #tpu.memory_space<vmem>>, vector<1x16xf32>,
        %parallel_loop3A_490 = vector.shape_cast %parallel_loop3A_489 : vector<1x16xf32> to vector<16xf32>
        %parallel_loop3A_491 = arith.addf %parallel_loop3A_490, %parallel_loop3A_480 : vector<16xf32>
        %parallel_loop3A_492 = arith.mulf %parallel_loop3A_486, %parallel_loop3A_491 : vector<16xf32>
        %parallel_loop3A_493 = arith.constant 1 : i32
        %parallel_loop3A_494 = vector.broadcast %parallel_loop3A_493 : i32 to vector<16xi32>
        %parallel_loop3A_495 = arith.xori %iota3A, %parallel_loop3A_494 : vector<16xi32>
        %parallel_loop3A_496 = vector.shape_cast %parallel_loop3A_495 : vector<16xi32> to vector<16x1xi32>
        %parallel_loop3A_497 = vector.shape_cast %parallel_loop3A_496 : vector<16x1xi32> to vector<16xi32>
        %parallel_loop3A_498 = tpu.dynamic_gather %parallel_loop3A_492[%parallel_loop3A_497] in [0] : vector<16xf32>, vector<16xi32> -> vector<16xf32>
        %parallel_loop3A_499 = arith.addf %parallel_loop3A_492, %parallel_loop3A_498 : vector<16xf32>
        %parallel_loop3A_500 = arith.constant 2 : i32
        %parallel_loop3A_501 = vector.broadcast %parallel_loop3A_500 : i32 to vector<16xi32>
        %parallel_loop3A_502 = arith.xori %iota3A, %parallel_loop3A_501 : vector<16xi32>
        %parallel_loop3A_503 = vector.shape_cast %parallel_loop3A_502 : vector<16xi32> to vector<16x1xi32>
        %parallel_loop3A_504 = vector.shape_cast %parallel_loop3A_503 : vector<16x1xi32> to vector<16xi32>
        %parallel_loop3A_505 = tpu.dynamic_gather %parallel_loop3A_499[%parallel_loop3A_504] in [0] : vector<16xf32>, vector<16xi32> -> vector<16xf32>
        %parallel_loop3A_506 = arith.addf %parallel_loop3A_499, %parallel_loop3A_505 : vector<16xf32>
        %parallel_loop3A_507 = arith.constant 4 : i32
        %parallel_loop3A_508 = vector.broadcast %parallel_loop3A_507 : i32 to vector<16xi32>
        %parallel_loop3A_509 = arith.xori %iota3A, %parallel_loop3A_508 : vector<16xi32>
        %parallel_loop3A_510 = vector.shape_cast %parallel_loop3A_509 : vector<16xi32> to vector<16x1xi32>
        %parallel_loop3A_511 = vector.shape_cast %parallel_loop3A_510 : vector<16x1xi32> to vector<16xi32>
        %parallel_loop3A_512 = tpu.dynamic_gather %parallel_loop3A_506[%parallel_loop3A_511] in [0] : vector<16xf32>, vector<16xi32> -> vector<16xf32>
        %parallel_loop3A_513 = arith.addf %parallel_loop3A_506, %parallel_loop3A_512 : vector<16xf32>
        %parallel_loop3A_514 = arith.constant 5 : i32
        %parallel_loop3A_515 = vector.broadcast %parallel_loop3A_514 : i32 to vector<16xi32>
        %parallel_loop3A_516 = arith.cmpi eq, %iota3A, %parallel_loop3A_515 : vector<16xi32>
        %parallel_loop3A_517 = arith.constant 8 : i32
        %parallel_loop3A_518 = arith.constant 0 : i32
        %parallel_loop3A_519 = vector.broadcast %parallel_loop3A_517 : i32 to vector<16xi32>
        %parallel_loop3A_520 = vector.broadcast %parallel_loop3A_518 : i32 to vector<16xi32>
        %parallel_loop3A_521 = arith.select %parallel_loop3A_516, %parallel_loop3A_519, %parallel_loop3A_520 : vector<16xi1>, vector<16xi32>
        %parallel_loop3A_522 = vector.shape_cast %parallel_loop3A_521 : vector<16xi32> to vector<16x1xi32>
        %parallel_loop3A_523 = vector.shape_cast %parallel_loop3A_522 : vector<16x1xi32> to vector<16xi32>
        %parallel_loop3A_524 = tpu.dynamic_gather %parallel_loop3A_513[%parallel_loop3A_523] in [0] : vector<16xf32>, vector<16xi32> -> vector<16xf32>
        %parallel_loop3A_525 = arith.constant 2 : i32
        %parallel_loop3A_526 = vector.broadcast %parallel_loop3A_525 : i32 to vector<16xi32>
        %parallel_loop3A_527 = arith.cmpi eq, %shift_right_logical3A_4, %parallel_loop3A_526 : vector<16xi32>
        %parallel_loop3A_528 = arith.select %parallel_loop3A_527, %parallel_loop3A_524, %parallel_loop3A_476 : vector<16xi1>, vector<16xf32>
        %parallel_loop3A_529 = arith.index_cast %parallel_loop3A_372 : i32 to index
        %parallel_loop3A_530 = arith.constant 48 : index
        %parallel_loop3A_531 = tpu.vector_load %arg17[%parallel_loop3A_529, %parallel_loop3A_530] {strides = array<i32>} : memref<32x64xf32, #tpu.memory_space<vmem>>, vector<1x16xf32>,
        %parallel_loop3A_532 = vector.shape_cast %parallel_loop3A_531 : vector<1x16xf32> to vector<16xf32>
        %parallel_loop3A_533 = arith.constant 48 : i32
        %parallel_loop3A_534 = arith.addi %mul3A_6, %parallel_loop3A_533 : i32
        %parallel_loop3A_535 = arith.index_cast %parallel_loop3A_372 : i32 to index
        %parallel_loop3A_536 = arith.index_cast %parallel_loop3A_534 : i32 to index
        %parallel_loop3A_537 = tpu.vector_load %arg15[%parallel_loop3A_535, %parallel_loop3A_536] {strides = array<i32>} : memref<32x128xf32, #tpu.memory_space<vmem>>, vector<1x16xf32>,
        %parallel_loop3A_538 = vector.shape_cast %parallel_loop3A_537 : vector<1x16xf32> to vector<16xf32>
        %parallel_loop3A_539 = arith.index_cast %parallel_loop3A_372 : i32 to index
        %parallel_loop3A_540 = arith.constant 48 : index
        %parallel_loop3A_541 = tpu.vector_load %arg13[%parallel_loop3A_539, %parallel_loop3A_540] {strides = array<i32>} : memref<32x128xf32, #tpu.memory_space<vmem>>, vector<1x16xf32>,
        %parallel_loop3A_542 = vector.shape_cast %parallel_loop3A_541 : vector<1x16xf32> to vector<16xf32>
        %parallel_loop3A_543 = arith.addf %parallel_loop3A_542, %parallel_loop3A_532 : vector<16xf32>
        %parallel_loop3A_544 = arith.mulf %parallel_loop3A_538, %parallel_loop3A_543 : vector<16xf32>
        %parallel_loop3A_545 = arith.constant 1 : i32
        %parallel_loop3A_546 = vector.broadcast %parallel_loop3A_545 : i32 to vector<16xi32>
        %parallel_loop3A_547 = arith.xori %iota3A, %parallel_loop3A_546 : vector<16xi32>
        %parallel_loop3A_548 = vector.shape_cast %parallel_loop3A_547 : vector<16xi32> to vector<16x1xi32>
        %parallel_loop3A_549 = vector.shape_cast %parallel_loop3A_548 : vector<16x1xi32> to vector<16xi32>
        %parallel_loop3A_550 = tpu.dynamic_gather %parallel_loop3A_544[%parallel_loop3A_549] in [0] : vector<16xf32>, vector<16xi32> -> vector<16xf32>
        %parallel_loop3A_551 = arith.addf %parallel_loop3A_544, %parallel_loop3A_550 : vector<16xf32>
        %parallel_loop3A_552 = arith.constant 2 : i32
        %parallel_loop3A_553 = vector.broadcast %parallel_loop3A_552 : i32 to vector<16xi32>
        %parallel_loop3A_554 = arith.xori %iota3A, %parallel_loop3A_553 : vector<16xi32>
        %parallel_loop3A_555 = vector.shape_cast %parallel_loop3A_554 : vector<16xi32> to vector<16x1xi32>
        %parallel_loop3A_556 = vector.shape_cast %parallel_loop3A_555 : vector<16x1xi32> to vector<16xi32>
        %parallel_loop3A_557 = tpu.dynamic_gather %parallel_loop3A_551[%parallel_loop3A_556] in [0] : vector<16xf32>, vector<16xi32> -> vector<16xf32>
        %parallel_loop3A_558 = arith.addf %parallel_loop3A_551, %parallel_loop3A_557 : vector<16xf32>
        %parallel_loop3A_559 = arith.constant 4 : i32
        %parallel_loop3A_560 = vector.broadcast %parallel_loop3A_559 : i32 to vector<16xi32>
        %parallel_loop3A_561 = arith.xori %iota3A, %parallel_loop3A_560 : vector<16xi32>
        %parallel_loop3A_562 = vector.shape_cast %parallel_loop3A_561 : vector<16xi32> to vector<16x1xi32>
        %parallel_loop3A_563 = vector.shape_cast %parallel_loop3A_562 : vector<16x1xi32> to vector<16xi32>
        %parallel_loop3A_564 = tpu.dynamic_gather %parallel_loop3A_558[%parallel_loop3A_563] in [0] : vector<16xf32>, vector<16xi32> -> vector<16xf32>
        %parallel_loop3A_565 = arith.addf %parallel_loop3A_558, %parallel_loop3A_564 : vector<16xf32>
        %parallel_loop3A_566 = arith.constant 7 : i32
        %parallel_loop3A_567 = vector.broadcast %parallel_loop3A_566 : i32 to vector<16xi32>
        %parallel_loop3A_568 = arith.cmpi eq, %iota3A, %parallel_loop3A_567 : vector<16xi32>
        %parallel_loop3A_569 = arith.constant 8 : i32
        %parallel_loop3A_570 = arith.constant 0 : i32
        %parallel_loop3A_571 = vector.broadcast %parallel_loop3A_569 : i32 to vector<16xi32>
        %parallel_loop3A_572 = vector.broadcast %parallel_loop3A_570 : i32 to vector<16xi32>
        %parallel_loop3A_573 = arith.select %parallel_loop3A_568, %parallel_loop3A_571, %parallel_loop3A_572 : vector<16xi1>, vector<16xi32>
        %parallel_loop3A_574 = vector.shape_cast %parallel_loop3A_573 : vector<16xi32> to vector<16x1xi32>
        %parallel_loop3A_575 = vector.shape_cast %parallel_loop3A_574 : vector<16x1xi32> to vector<16xi32>
        %parallel_loop3A_576 = tpu.dynamic_gather %parallel_loop3A_565[%parallel_loop3A_575] in [0] : vector<16xf32>, vector<16xi32> -> vector<16xf32>
        %parallel_loop3A_577 = arith.constant 3 : i32
        %parallel_loop3A_578 = vector.broadcast %parallel_loop3A_577 : i32 to vector<16xi32>
        %parallel_loop3A_579 = arith.cmpi eq, %shift_right_logical3A_4, %parallel_loop3A_578 : vector<16xi32>
        %parallel_loop3A_580 = arith.select %parallel_loop3A_579, %parallel_loop3A_576, %parallel_loop3A_528 : vector<16xi1>, vector<16xf32>
        %parallel_loop3A_581 = math.exp %parallel_loop3A_580 : vector<16xf32>
        %parallel_loop3A_582 = arith.constant 0 : i32
        %parallel_loop3A_583 = vector.broadcast %parallel_loop3A_582 : i32 to vector<16xi32>
        %parallel_loop3A_584 = arith.cmpi eq, %shift_right_logical3A_1, %parallel_loop3A_583 : vector<16xi32>
        %parallel_loop3A_585 = arith.constant 0.000000e+00 : f32
        %parallel_loop3A_586 = vector.broadcast %parallel_loop3A_585 : f32 to vector<16xf32>
        %parallel_loop3A_587 = arith.select %parallel_loop3A_584, %parallel_loop3A_581, %parallel_loop3A_586 : vector<16xi1>, vector<16xf32>
        %parallel_loop3A_588 = arith.index_cast %parallel_loop3A_372 : i32 to index
        %parallel_loop3A_589 = arith.constant 64 : index
        %parallel_loop3A_590 = tpu.vector_load %arg19[%parallel_loop3A_588, %parallel_loop3A_589] {strides = array<i32>} : memref<32x128xf32, #tpu.memory_space<vmem>>, vector<1x16xf32>,
        %parallel_loop3A_591 = vector.shape_cast %parallel_loop3A_590 : vector<1x16xf32> to vector<16xf32>
        %parallel_loop3A_592 = vector.shape_cast %parallel_loop3A_587 : vector<16xf32> to vector<1x16xf32>
        tpu.vector_store %arg19[%parallel_loop3A_588, %parallel_loop3A_589], %parallel_loop3A_592 {strides = array<i32>} : memref<32x128xf32, #tpu.memory_space<vmem>>, vector<1x16xf32>,
        %parallel_loop3A_593 = arith.constant 0 : i32
        %parallel_loop3A_594 = vector.broadcast %parallel_loop3A_593 : i32 to vector<16xi32>
        %parallel_loop3A_595 = arith.addi %parallel_loop3A_594, %shift_right_logical3A_1 : vector<16xi32>
        %parallel_loop3A_596 = vector.shape_cast %parallel_loop3A_595 : vector<16xi32> to vector<16x1xi32>
        %parallel_loop3A_597 = vector.shape_cast %parallel_loop3A_596 : vector<16x1xi32> to vector<16xi32>
        %parallel_loop3A_598 = tpu.dynamic_gather %parallel_loop3A_581[%parallel_loop3A_597] in [0] : vector<16xf32>, vector<16xi32> -> vector<16xf32>
        %parallel_loop3A_599 = arith.index_cast %parallel_loop3A_372 : i32 to index
        %parallel_loop3A_600 = arith.constant 64 : index
        %parallel_loop3A_601 = tpu.vector_load %arg13[%parallel_loop3A_599, %parallel_loop3A_600] {strides = array<i32>} : memref<32x128xf32, #tpu.memory_space<vmem>>, vector<1x16xf32>,
        %parallel_loop3A_602 = vector.shape_cast %parallel_loop3A_601 : vector<1x16xf32> to vector<16xf32>
        %parallel_loop3A_603 = arith.addf %parallel_loop3A_602, %parallel_loop3A_376 : vector<16xf32>
        %parallel_loop3A_604 = arith.mulf %parallel_loop3A_598, %parallel_loop3A_603 : vector<16xf32>
        %parallel_loop3A_605 = arith.index_cast %parallel_loop3A_372 : i32 to index
        %parallel_loop3A_606 = arith.constant 0 : index
        %parallel_loop3A_607 = tpu.vector_load %arg19[%parallel_loop3A_605, %parallel_loop3A_606] {strides = array<i32>} : memref<32x128xf32, #tpu.memory_space<vmem>>, vector<1x16xf32>,
        %parallel_loop3A_608 = vector.shape_cast %parallel_loop3A_607 : vector<1x16xf32> to vector<16xf32>
        %parallel_loop3A_609 = vector.shape_cast %parallel_loop3A_604 : vector<16xf32> to vector<1x16xf32>
        tpu.vector_store %arg19[%parallel_loop3A_605, %parallel_loop3A_606], %parallel_loop3A_609 {strides = array<i32>} : memref<32x128xf32, #tpu.memory_space<vmem>>, vector<1x16xf32>,
        %parallel_loop3A_610 = arith.constant 2 : i32
        %parallel_loop3A_611 = vector.broadcast %parallel_loop3A_610 : i32 to vector<16xi32>
        %parallel_loop3A_612 = arith.addi %parallel_loop3A_611, %shift_right_logical3A_1 : vector<16xi32>
        %parallel_loop3A_613 = vector.shape_cast %parallel_loop3A_612 : vector<16xi32> to vector<16x1xi32>
        %parallel_loop3A_614 = vector.shape_cast %parallel_loop3A_613 : vector<16x1xi32> to vector<16xi32>
        %parallel_loop3A_615 = tpu.dynamic_gather %parallel_loop3A_581[%parallel_loop3A_614] in [0] : vector<16xf32>, vector<16xi32> -> vector<16xf32>
        %parallel_loop3A_616 = arith.index_cast %parallel_loop3A_372 : i32 to index
        %parallel_loop3A_617 = arith.constant 80 : index
        %parallel_loop3A_618 = tpu.vector_load %arg13[%parallel_loop3A_616, %parallel_loop3A_617] {strides = array<i32>} : memref<32x128xf32, #tpu.memory_space<vmem>>, vector<1x16xf32>,
        %parallel_loop3A_619 = vector.shape_cast %parallel_loop3A_618 : vector<1x16xf32> to vector<16xf32>
        %parallel_loop3A_620 = arith.addf %parallel_loop3A_619, %parallel_loop3A_428 : vector<16xf32>
        %parallel_loop3A_621 = arith.mulf %parallel_loop3A_615, %parallel_loop3A_620 : vector<16xf32>
        %parallel_loop3A_622 = arith.index_cast %parallel_loop3A_372 : i32 to index
        %parallel_loop3A_623 = arith.constant 16 : index
        %parallel_loop3A_624 = tpu.vector_load %arg19[%parallel_loop3A_622, %parallel_loop3A_623] {strides = array<i32>} : memref<32x128xf32, #tpu.memory_space<vmem>>, vector<1x16xf32>,
        %parallel_loop3A_625 = vector.shape_cast %parallel_loop3A_624 : vector<1x16xf32> to vector<16xf32>
        %parallel_loop3A_626 = vector.shape_cast %parallel_loop3A_621 : vector<16xf32> to vector<1x16xf32>
        tpu.vector_store %arg19[%parallel_loop3A_622, %parallel_loop3A_623], %parallel_loop3A_626 {strides = array<i32>} : memref<32x128xf32, #tpu.memory_space<vmem>>, vector<1x16xf32>,
        %parallel_loop3A_627 = arith.constant 4 : i32
        %parallel_loop3A_628 = vector.broadcast %parallel_loop3A_627 : i32 to vector<16xi32>
        %parallel_loop3A_629 = arith.addi %parallel_loop3A_628, %shift_right_logical3A_1 : vector<16xi32>
        %parallel_loop3A_630 = vector.shape_cast %parallel_loop3A_629 : vector<16xi32> to vector<16x1xi32>
        %parallel_loop3A_631 = vector.shape_cast %parallel_loop3A_630 : vector<16x1xi32> to vector<16xi32>
        %parallel_loop3A_632 = tpu.dynamic_gather %parallel_loop3A_581[%parallel_loop3A_631] in [0] : vector<16xf32>, vector<16xi32> -> vector<16xf32>
        %parallel_loop3A_633 = arith.index_cast %parallel_loop3A_372 : i32 to index
        %parallel_loop3A_634 = arith.constant 96 : index
        %parallel_loop3A_635 = tpu.vector_load %arg13[%parallel_loop3A_633, %parallel_loop3A_634] {strides = array<i32>} : memref<32x128xf32, #tpu.memory_space<vmem>>, vector<1x16xf32>,
        %parallel_loop3A_636 = vector.shape_cast %parallel_loop3A_635 : vector<1x16xf32> to vector<16xf32>
        %parallel_loop3A_637 = arith.addf %parallel_loop3A_636, %parallel_loop3A_480 : vector<16xf32>
        %parallel_loop3A_638 = arith.mulf %parallel_loop3A_632, %parallel_loop3A_637 : vector<16xf32>
        %parallel_loop3A_639 = arith.index_cast %parallel_loop3A_372 : i32 to index
        %parallel_loop3A_640 = arith.constant 32 : index
        %parallel_loop3A_641 = tpu.vector_load %arg19[%parallel_loop3A_639, %parallel_loop3A_640] {strides = array<i32>} : memref<32x128xf32, #tpu.memory_space<vmem>>, vector<1x16xf32>,
        %parallel_loop3A_642 = vector.shape_cast %parallel_loop3A_641 : vector<1x16xf32> to vector<16xf32>
        %parallel_loop3A_643 = vector.shape_cast %parallel_loop3A_638 : vector<16xf32> to vector<1x16xf32>
        tpu.vector_store %arg19[%parallel_loop3A_639, %parallel_loop3A_640], %parallel_loop3A_643 {strides = array<i32>} : memref<32x128xf32, #tpu.memory_space<vmem>>, vector<1x16xf32>,
        %parallel_loop3A_644 = arith.constant 6 : i32
        %parallel_loop3A_645 = vector.broadcast %parallel_loop3A_644 : i32 to vector<16xi32>
        %parallel_loop3A_646 = arith.addi %parallel_loop3A_645, %shift_right_logical3A_1 : vector<16xi32>
        %parallel_loop3A_647 = vector.shape_cast %parallel_loop3A_646 : vector<16xi32> to vector<16x1xi32>
        %parallel_loop3A_648 = vector.shape_cast %parallel_loop3A_647 : vector<16x1xi32> to vector<16xi32>
        %parallel_loop3A_649 = tpu.dynamic_gather %parallel_loop3A_581[%parallel_loop3A_648] in [0] : vector<16xf32>, vector<16xi32> -> vector<16xf32>
        %parallel_loop3A_650 = arith.index_cast %parallel_loop3A_372 : i32 to index
        %parallel_loop3A_651 = arith.constant 112 : index
        %parallel_loop3A_652 = tpu.vector_load %arg13[%parallel_loop3A_650, %parallel_loop3A_651] {strides = array<i32>} : memref<32x128xf32, #tpu.memory_space<vmem>>, vector<1x16xf32>,
        %parallel_loop3A_653 = vector.shape_cast %parallel_loop3A_652 : vector<1x16xf32> to vector<16xf32>
        %parallel_loop3A_654 = arith.addf %parallel_loop3A_653, %parallel_loop3A_532 : vector<16xf32>
        %parallel_loop3A_655 = arith.mulf %parallel_loop3A_649, %parallel_loop3A_654 : vector<16xf32>
        %parallel_loop3A_656 = arith.index_cast %parallel_loop3A_372 : i32 to index
        %parallel_loop3A_657 = arith.constant 48 : index
        %parallel_loop3A_658 = tpu.vector_load %arg19[%parallel_loop3A_656, %parallel_loop3A_657] {strides = array<i32>} : memref<32x128xf32, #tpu.memory_space<vmem>>, vector<1x16xf32>,
        %parallel_loop3A_659 = vector.shape_cast %parallel_loop3A_658 : vector<1x16xf32> to vector<16xf32>
        %parallel_loop3A_660 = vector.shape_cast %parallel_loop3A_655 : vector<16xf32> to vector<1x16xf32>
        tpu.vector_store %arg19[%parallel_loop3A_656, %parallel_loop3A_657], %parallel_loop3A_660 {strides = array<i32>} : memref<32x128xf32, #tpu.memory_space<vmem>>, vector<1x16xf32>,
      } {sc.loop_unroll_factor = 2 : i64, sc.parallel_access}
      %dma_start3A_246 = arith.constant 0 : i32
      %dma_start3A_247 = arith.constant 0 : i32
      %dma_start3A_248 = tpu.memref_slice %arg21[%dma_start3A_246, %dma_start3A_247] : memref<10240x128xf32, #tpu.memory_space<vmem_shared>> -> memref<10240x128xf32, #tpu.memory_space<vmem_shared>>
      tpu.enqueue_indirect_dma source(%arg19 : memref<32x128xf32, #tpu.memory_space<vmem>>) target(%dma_start3A_248 : memref<10240x128xf32, #tpu.memory_space<vmem_shared>>) offsets(%arg11 : memref<32xi32, #tpu.memory_space<vmem>>) semaphore(%arg28 : memref<!tpu.dma_semaphore, #tpu.memory_space<semaphore_mem>>) {add = true}
      %dma_wait3A_249 = arith.constant 0 : i32
      %dma_wait3A_250 = arith.constant 0 : i32
      %dma_wait3A_251 = tpu.memref_slice %arg2[%dma_wait3A_249, %dma_wait3A_250] : memref<20000x128xf32, #tpu.memory_space<hbm>> -> memref<20000x128xf32, #tpu.memory_space<hbm>>
      tpu.wait_indirect_dma semaphore(%arg23 : memref<!tpu.dma_semaphore, #tpu.memory_space<semaphore_mem>>) src(%dma_wait3A_251 : memref<20000x128xf32, #tpu.memory_space<hbm>>) dst(%arg14 : memref<32x128xf32, #tpu.memory_space<vmem>>)
      %dma_wait3A_252 = arith.constant 0 : i32
      %dma_wait3A_253 = arith.constant 0 : i32
      %dma_wait3A_254 = tpu.memref_slice %arg3[%dma_wait3A_252, %dma_wait3A_253] : memref<10000x128xf32, #tpu.memory_space<hbm>> -> memref<10000x128xf32, #tpu.memory_space<hbm>>
      tpu.wait_indirect_dma semaphore(%arg25 : memref<!tpu.dma_semaphore, #tpu.memory_space<semaphore_mem>>) src(%dma_wait3A_254 : memref<10000x128xf32, #tpu.memory_space<hbm>>) dst(%arg16 : memref<32x128xf32, #tpu.memory_space<vmem>>)
      %dma_wait3A_255 = arith.constant 0 : i32
      %dma_wait3A_256 = arith.constant 0 : i32
      %dma_wait3A_257 = tpu.memref_slice %arg4[%arg0, %dma_wait3A_255, %dma_wait3A_256] : memref<2x320000x64xf32, #tpu.memory_space<hbm>> -> memref<1x32x64xf32, #tpu.memory_space<hbm>>
      %dma_wait3A_258 = tpu.memref_squeeze %dma_wait3A_257 : memref<1x32x64xf32, #tpu.memory_space<hbm>> -> memref<32x64xf32, #tpu.memory_space<hbm>>
      %dma_wait3A_259 = arith.constant 0 : i32
      %dma_wait3A_260 = arith.constant 0 : i32
      %dma_wait3A_261 = tpu.memref_slice %arg4[%arg0, %dma_wait3A_259, %dma_wait3A_260] : memref<2x320000x64xf32, #tpu.memory_space<hbm>> -> memref<1x32x64xf32, #tpu.memory_space<hbm>>
      %dma_wait3A_262 = tpu.memref_squeeze %dma_wait3A_261 : memref<1x32x64xf32, #tpu.memory_space<hbm>> -> memref<32x64xf32, #tpu.memory_space<hbm>>
      tpu.wait_dma2 semaphore(%arg27 : memref<!tpu.dma_semaphore, #tpu.memory_space<semaphore_mem>>) src(%dma_wait3A_262 : memref<32x64xf32, #tpu.memory_space<hbm>>) dst(%arg18 : memref<32x64xf32, #tpu.memory_space<vmem>>)
      %dma_wait3A_263 = arith.constant 0 : i32
      %dma_wait3A_264 = arith.constant 0 : i32
      %dma_wait3A_265 = tpu.memref_slice %arg21[%dma_wait3A_263, %dma_wait3A_264] : memref<10240x128xf32, #tpu.memory_space<vmem_shared>> -> memref<10240x128xf32, #tpu.memory_space<vmem_shared>>
      tpu.wait_indirect_dma semaphore(%arg28 : memref<!tpu.dma_semaphore, #tpu.memory_space<semaphore_mem>>) src(%arg19 : memref<32x128xf32, #tpu.memory_space<vmem>>) dst(%dma_wait3A_265 : memref<10240x128xf32, #tpu.memory_space<vmem_shared>>)
      %add3A_266 = arith.constant 2 : i32
      %add3A_267 = arith.addi %mul3A_133, %add3A_266 : i32
      %jit3A_268 = arith.constant 5 : i32
      %eq3A_269 = arith.constant 0 : i32
      %eq3A_270 = arith.cmpi eq, %jit3A_268, %eq3A_269 : i32
      %jit3A_271 = arith.constant 1 : i32
      %select_n3A_272 = arith.select %eq3A_270, %jit3A_271, %jit3A_268 : i32
      %rem3A_273 = arith.remsi %add3A_267, %select_n3A_272 : i32
      %ne3A_274 = arith.constant 0 : i32
      %ne3A_275 = arith.cmpi ne, %rem3A_273, %ne3A_274 : i32
      %lt3A_276 = arith.constant 0 : i32
      %lt3A_277 = arith.cmpi slt, %rem3A_273, %lt3A_276 : i32
      %lt3A_278 = arith.constant 0 : i32
      %lt3A_279 = arith.cmpi slt, %select_n3A_272, %lt3A_278 : i32
      %ne3A_280 = arith.xori %lt3A_277, %lt3A_279 : i1
      %and3A_281 = arith.andi %ne3A_280, %ne3A_275 : i1
      %add3A_282 = arith.addi %rem3A_273, %select_n3A_272 : i32
      %select_n3A_283 = arith.select %and3A_281, %add3A_282, %rem3A_273 : i32
      %eq3A_284 = arith.constant 0 : i32
      %eq3A_285 = arith.cmpi eq, %select_n3A_283, %eq3A_284 : i32
      %convert_element_type3A_286 = arith.extui %eq3A_285 : i1 to i32
      %cond3A_287 = arith.constant 0 : i32
      %cond3A_288 = arith.cmpi ne, %convert_element_type3A_286, %cond3A_287 : i32
      scf.if %cond3A_288 {
        %mul3A_372 = arith.constant 32 : i32
        %mul3A_373 = arith.muli %add3A_267, %mul3A_372 : i32
        %add3A_374 = arith.addi %mul3A_10, %mul3A_373 : i32
        "tpu.region"() ({
          %run_scoped3A = tpu.sem_alloc : memref<!tpu.dma_semaphore, #tpu.memory_space<semaphore_mem>>
          %dma_start3A_377 = tpu.memref_slice %arg5[%add3A_374] : memref<640000xi32, #tpu.memory_space<hbm>> -> memref<160xi32, #tpu.memory_space<hbm>>
          %dma_start3A_378 = tpu.memref_slice %arg5[%add3A_374] : memref<640000xi32, #tpu.memory_space<hbm>> -> memref<160xi32, #tpu.memory_space<hbm>>
          tpu.enqueue_dma source(%dma_start3A_378 : memref<160xi32, #tpu.memory_space<hbm>>) target(%arg7 : memref<160xi32, #tpu.memory_space<vmem>>) target_semaphore(%run_scoped3A : memref<!tpu.dma_semaphore, #tpu.memory_space<semaphore_mem>>)
          %dma_wait3A_379 = tpu.memref_slice %arg5[%add3A_374] : memref<640000xi32, #tpu.memory_space<hbm>> -> memref<160xi32, #tpu.memory_space<hbm>>
          %dma_wait3A_380 = tpu.memref_slice %arg5[%add3A_374] : memref<640000xi32, #tpu.memory_space<hbm>> -> memref<160xi32, #tpu.memory_space<hbm>>
          tpu.wait_dma2 semaphore(%run_scoped3A : memref<!tpu.dma_semaphore, #tpu.memory_space<semaphore_mem>>) src(%dma_wait3A_380 : memref<160xi32, #tpu.memory_space<hbm>>) dst(%arg7 : memref<160xi32, #tpu.memory_space<vmem>>)
          tpu.yield
        }) : () -> ()
        %add3A_375 = arith.constant 320000 : i32
        %add3A_376 = arith.addi %add3A_375, %add3A_374 : i32
        "tpu.region"() ({
          %run_scoped3A = tpu.sem_alloc : memref<!tpu.dma_semaphore, #tpu.memory_space<semaphore_mem>>
          %dma_start3A_377 = tpu.memref_slice %arg5[%add3A_376] : memref<640000xi32, #tpu.memory_space<hbm>> -> memref<160xi32, #tpu.memory_space<hbm>>
          %dma_start3A_378 = tpu.memref_slice %arg5[%add3A_376] : memref<640000xi32, #tpu.memory_space<hbm>> -> memref<160xi32, #tpu.memory_space<hbm>>
          tpu.enqueue_dma source(%dma_start3A_378 : memref<160xi32, #tpu.memory_space<hbm>>) target(%arg8 : memref<160xi32, #tpu.memory_space<vmem>>) target_semaphore(%run_scoped3A : memref<!tpu.dma_semaphore, #tpu.memory_space<semaphore_mem>>)
          %dma_wait3A_379 = tpu.memref_slice %arg5[%add3A_376] : memref<640000xi32, #tpu.memory_space<hbm>> -> memref<160xi32, #tpu.memory_space<hbm>>
          %dma_wait3A_380 = tpu.memref_slice %arg5[%add3A_376] : memref<640000xi32, #tpu.memory_space<hbm>> -> memref<160xi32, #tpu.memory_space<hbm>>
          tpu.wait_dma2 semaphore(%run_scoped3A : memref<!tpu.dma_semaphore, #tpu.memory_space<semaphore_mem>>) src(%dma_wait3A_380 : memref<160xi32, #tpu.memory_space<hbm>>) dst(%arg8 : memref<160xi32, #tpu.memory_space<vmem>>)
          tpu.yield
        }) : () -> ()
      } else {
      }
      %jit3A_289 = arith.constant 5 : i32
      %eq3A_290 = arith.constant 0 : i32
      %eq3A_291 = arith.cmpi eq, %jit3A_289, %eq3A_290 : i32
      %jit3A_292 = arith.constant 1 : i32
      %select_n3A_293 = arith.select %eq3A_291, %jit3A_292, %jit3A_289 : i32
      %rem3A_294 = arith.remsi %add3A_267, %select_n3A_293 : i32
      %ne3A_295 = arith.constant 0 : i32
      %ne3A_296 = arith.cmpi ne, %rem3A_294, %ne3A_295 : i32
      %lt3A_297 = arith.constant 0 : i32
      %lt3A_298 = arith.cmpi slt, %rem3A_294, %lt3A_297 : i32
      %lt3A_299 = arith.constant 0 : i32
      %lt3A_300 = arith.cmpi slt, %select_n3A_293, %lt3A_299 : i32
      %ne3A_301 = arith.xori %lt3A_298, %lt3A_300 : i1
      %and3A_302 = arith.andi %ne3A_301, %ne3A_296 : i1
      %add3A_303 = arith.addi %rem3A_294, %select_n3A_293 : i32
      %select_n3A_304 = arith.select %and3A_302, %add3A_303, %rem3A_294 : i32
      %mul3A_305 = arith.constant 32 : i32
      %mul3A_306 = arith.muli %select_n3A_304, %mul3A_305 : i32
      %add3A_307 = arith.constant 0 : i32
      %add3A_308 = arith.addi %mul3A_306, %add3A_307 : i32
      %get3A_309 = arith.index_cast %add3A_308 : i32 to index
      %get3A_310 = tpu.vector_load %arg7[%get3A_309] {strides = array<i32>} : memref<160xi32, #tpu.memory_space<vmem>>, vector<16xi32>,
      %get3A_311 = vector.shape_cast %get3A_310 : vector<16xi32> to vector<16xi32>
      %mul3A_312 = arith.constant 10000 : i32
      %mul3A_313 = arith.muli %arg0, %mul3A_312 : i32
      %add3A_314 = vector.broadcast %mul3A_313 : i32 to vector<16xi32>
      %add3A_315 = arith.addi %get3A_311, %add3A_314 : vector<16xi32>
      %swap3A_316 = arith.constant 0 : index
      %swap3A_317 = tpu.vector_load %arg9[%swap3A_316] {strides = array<i32>} : memref<32xi32, #tpu.memory_space<vmem>>, vector<16xi32>,
      %swap3A_318 = vector.shape_cast %swap3A_317 : vector<16xi32> to vector<16xi32>
      %swap3A_319 = vector.shape_cast %add3A_315 : vector<16xi32> to vector<16xi32>
      tpu.vector_store %arg9[%swap3A_316], %swap3A_319 {strides = array<i32>} : memref<32xi32, #tpu.memory_space<vmem>>, vector<16xi32>,
      %add3A_320 = arith.constant 0 : i32
      %add3A_321 = arith.addi %mul3A_306, %add3A_320 : i32
      %get3A_322 = arith.index_cast %add3A_321 : i32 to index
      %get3A_323 = tpu.vector_load %arg8[%get3A_322] {strides = array<i32>} : memref<160xi32, #tpu.memory_space<vmem>>, vector<16xi32>,
      %get3A_324 = vector.shape_cast %get3A_323 : vector<16xi32> to vector<16xi32>
      %swap3A_325 = arith.constant 0 : index
      %swap3A_326 = tpu.vector_load %arg11[%swap3A_325] {strides = array<i32>} : memref<32xi32, #tpu.memory_space<vmem>>, vector<16xi32>,
      %swap3A_327 = vector.shape_cast %swap3A_326 : vector<16xi32> to vector<16xi32>
      %swap3A_328 = vector.shape_cast %get3A_324 : vector<16xi32> to vector<16xi32>
      tpu.vector_store %arg11[%swap3A_325], %swap3A_328 {strides = array<i32>} : memref<32xi32, #tpu.memory_space<vmem>>, vector<16xi32>,
      %add3A_329 = arith.constant 16 : i32
      %add3A_330 = arith.addi %mul3A_306, %add3A_329 : i32
      %get3A_331 = arith.index_cast %add3A_330 : i32 to index
      %get3A_332 = tpu.vector_load %arg7[%get3A_331] {strides = array<i32>} : memref<160xi32, #tpu.memory_space<vmem>>, vector<16xi32>,
      %get3A_333 = vector.shape_cast %get3A_332 : vector<16xi32> to vector<16xi32>
      %mul3A_334 = arith.constant 10000 : i32
      %mul3A_335 = arith.muli %arg0, %mul3A_334 : i32
      %add3A_336 = vector.broadcast %mul3A_335 : i32 to vector<16xi32>
      %add3A_337 = arith.addi %get3A_333, %add3A_336 : vector<16xi32>
      %swap3A_338 = arith.constant 16 : index
      %swap3A_339 = tpu.vector_load %arg9[%swap3A_338] {strides = array<i32>} : memref<32xi32, #tpu.memory_space<vmem>>, vector<16xi32>,
      %swap3A_340 = vector.shape_cast %swap3A_339 : vector<16xi32> to vector<16xi32>
      %swap3A_341 = vector.shape_cast %add3A_337 : vector<16xi32> to vector<16xi32>
      tpu.vector_store %arg9[%swap3A_338], %swap3A_341 {strides = array<i32>} : memref<32xi32, #tpu.memory_space<vmem>>, vector<16xi32>,
      %add3A_342 = arith.constant 16 : i32
      %add3A_343 = arith.addi %mul3A_306, %add3A_342 : i32
      %get3A_344 = arith.index_cast %add3A_343 : i32 to index
      %get3A_345 = tpu.vector_load %arg8[%get3A_344] {strides = array<i32>} : memref<160xi32, #tpu.memory_space<vmem>>, vector<16xi32>,
      %get3A_346 = vector.shape_cast %get3A_345 : vector<16xi32> to vector<16xi32>
      %swap3A_347 = arith.constant 16 : index
      %swap3A_348 = tpu.vector_load %arg11[%swap3A_347] {strides = array<i32>} : memref<32xi32, #tpu.memory_space<vmem>>, vector<16xi32>,
      %swap3A_349 = vector.shape_cast %swap3A_348 : vector<16xi32> to vector<16xi32>
      %swap3A_350 = vector.shape_cast %get3A_346 : vector<16xi32> to vector<16xi32>
      tpu.vector_store %arg11[%swap3A_347], %swap3A_350 {strides = array<i32>} : memref<32xi32, #tpu.memory_space<vmem>>, vector<16xi32>,
      %dma_start3A_351 = arith.constant 0 : i32
      %dma_start3A_352 = arith.constant 0 : i32
      %dma_start3A_353 = tpu.memref_slice %arg2[%dma_start3A_351, %dma_start3A_352] : memref<20000x128xf32, #tpu.memory_space<hbm>> -> memref<20000x128xf32, #tpu.memory_space<hbm>>
      tpu.enqueue_indirect_dma source(%dma_start3A_353 : memref<20000x128xf32, #tpu.memory_space<hbm>>) target(%arg13 : memref<32x128xf32, #tpu.memory_space<vmem>>) offsets(%arg9 : memref<32xi32, #tpu.memory_space<vmem>>) semaphore(%arg22 : memref<!tpu.dma_semaphore, #tpu.memory_space<semaphore_mem>>)
      %dma_start3A_354 = arith.constant 0 : i32
      %dma_start3A_355 = arith.constant 0 : i32
      %dma_start3A_356 = tpu.memref_slice %arg3[%dma_start3A_354, %dma_start3A_355] : memref<10000x128xf32, #tpu.memory_space<hbm>> -> memref<10000x128xf32, #tpu.memory_space<hbm>>
      tpu.enqueue_indirect_dma source(%dma_start3A_356 : memref<10000x128xf32, #tpu.memory_space<hbm>>) target(%arg15 : memref<32x128xf32, #tpu.memory_space<vmem>>) offsets(%arg11 : memref<32xi32, #tpu.memory_space<vmem>>) semaphore(%arg24 : memref<!tpu.dma_semaphore, #tpu.memory_space<semaphore_mem>>)
      %mul3A_357 = arith.constant 32 : i32
      %mul3A_358 = arith.muli %add3A_267, %mul3A_357 : i32
      %add3A_359 = arith.addi %mul3A_10, %mul3A_358 : i32
      %dma_start3A_360 = arith.constant 0 : i32
      %dma_start3A_361 = tpu.memref_slice %arg4[%arg0, %add3A_359, %dma_start3A_360] : memref<2x320000x64xf32, #tpu.memory_space<hbm>> -> memref<1x32x64xf32, #tpu.memory_space<hbm>>
      %dma_start3A_362 = tpu.memref_squeeze %dma_start3A_361 : memref<1x32x64xf32, #tpu.memory_space<hbm>> -> memref<32x64xf32, #tpu.memory_space<hbm>>
      %dma_start3A_363 = arith.constant 0 : i32
      %dma_start3A_364 = tpu.memref_slice %arg4[%arg0, %add3A_359, %dma_start3A_363] : memref<2x320000x64xf32, #tpu.memory_space<hbm>> -> memref<1x32x64xf32, #tpu.memory_space<hbm>>
      %dma_start3A_365 = tpu.memref_squeeze %dma_start3A_364 : memref<1x32x64xf32, #tpu.memory_space<hbm>> -> memref<32x64xf32, #tpu.memory_space<hbm>>
      tpu.enqueue_dma source(%dma_start3A_365 : memref<32x64xf32, #tpu.memory_space<hbm>>) target(%arg17 : memref<32x64xf32, #tpu.memory_space<vmem>>) target_semaphore(%arg26 : memref<!tpu.dma_semaphore, #tpu.memory_space<semaphore_mem>>)
      %parallel_loop3A_366 = arith.constant 0 : i32
      %parallel_loop3A_367 = arith.constant 32 : i32
      %parallel_loop3A_368 = arith.constant 1 : i32
      scf.for %parallel_loop3A_372 = %parallel_loop3A_366 to %parallel_loop3A_367 step %parallel_loop3A_368  : i32 {
        %parallel_loop3A_373 = arith.index_cast %parallel_loop3A_372 : i32 to index
        %parallel_loop3A_374 = arith.constant 0 : index
        %parallel_loop3A_375 = tpu.vector_load %arg18[%parallel_loop3A_373, %parallel_loop3A_374] {strides = array<i32>} : memref<32x64xf32, #tpu.memory_space<vmem>>, vector<1x16xf32>,
        %parallel_loop3A_376 = vector.shape_cast %parallel_loop3A_375 : vector<1x16xf32> to vector<16xf32>
        %parallel_loop3A_377 = arith.constant 0 : i32
        %parallel_loop3A_378 = arith.addi %mul3A_6, %parallel_loop3A_377 : i32
        %parallel_loop3A_379 = arith.index_cast %parallel_loop3A_372 : i32 to index
        %parallel_loop3A_380 = arith.index_cast %parallel_loop3A_378 : i32 to index
        %parallel_loop3A_381 = tpu.vector_load %arg16[%parallel_loop3A_379, %parallel_loop3A_380] {strides = array<i32>} : memref<32x128xf32, #tpu.memory_space<vmem>>, vector<1x16xf32>,
        %parallel_loop3A_382 = vector.shape_cast %parallel_loop3A_381 : vector<1x16xf32> to vector<16xf32>
        %parallel_loop3A_383 = arith.index_cast %parallel_loop3A_372 : i32 to index
        %parallel_loop3A_384 = arith.constant 0 : index
        %parallel_loop3A_385 = tpu.vector_load %arg14[%parallel_loop3A_383, %parallel_loop3A_384] {strides = array<i32>} : memref<32x128xf32, #tpu.memory_space<vmem>>, vector<1x16xf32>,
        %parallel_loop3A_386 = vector.shape_cast %parallel_loop3A_385 : vector<1x16xf32> to vector<16xf32>
        %parallel_loop3A_387 = arith.addf %parallel_loop3A_386, %parallel_loop3A_376 : vector<16xf32>
        %parallel_loop3A_388 = arith.mulf %parallel_loop3A_382, %parallel_loop3A_387 : vector<16xf32>
        %parallel_loop3A_389 = arith.constant 1 : i32
        %parallel_loop3A_390 = vector.broadcast %parallel_loop3A_389 : i32 to vector<16xi32>
        %parallel_loop3A_391 = arith.xori %iota3A, %parallel_loop3A_390 : vector<16xi32>
        %parallel_loop3A_392 = vector.shape_cast %parallel_loop3A_391 : vector<16xi32> to vector<16x1xi32>
        %parallel_loop3A_393 = vector.shape_cast %parallel_loop3A_392 : vector<16x1xi32> to vector<16xi32>
        %parallel_loop3A_394 = tpu.dynamic_gather %parallel_loop3A_388[%parallel_loop3A_393] in [0] : vector<16xf32>, vector<16xi32> -> vector<16xf32>
        %parallel_loop3A_395 = arith.addf %parallel_loop3A_388, %parallel_loop3A_394 : vector<16xf32>
        %parallel_loop3A_396 = arith.constant 2 : i32
        %parallel_loop3A_397 = vector.broadcast %parallel_loop3A_396 : i32 to vector<16xi32>
        %parallel_loop3A_398 = arith.xori %iota3A, %parallel_loop3A_397 : vector<16xi32>
        %parallel_loop3A_399 = vector.shape_cast %parallel_loop3A_398 : vector<16xi32> to vector<16x1xi32>
        %parallel_loop3A_400 = vector.shape_cast %parallel_loop3A_399 : vector<16x1xi32> to vector<16xi32>
        %parallel_loop3A_401 = tpu.dynamic_gather %parallel_loop3A_395[%parallel_loop3A_400] in [0] : vector<16xf32>, vector<16xi32> -> vector<16xf32>
        %parallel_loop3A_402 = arith.addf %parallel_loop3A_395, %parallel_loop3A_401 : vector<16xf32>
        %parallel_loop3A_403 = arith.constant 4 : i32
        %parallel_loop3A_404 = vector.broadcast %parallel_loop3A_403 : i32 to vector<16xi32>
        %parallel_loop3A_405 = arith.xori %iota3A, %parallel_loop3A_404 : vector<16xi32>
        %parallel_loop3A_406 = vector.shape_cast %parallel_loop3A_405 : vector<16xi32> to vector<16x1xi32>
        %parallel_loop3A_407 = vector.shape_cast %parallel_loop3A_406 : vector<16x1xi32> to vector<16xi32>
        %parallel_loop3A_408 = tpu.dynamic_gather %parallel_loop3A_402[%parallel_loop3A_407] in [0] : vector<16xf32>, vector<16xi32> -> vector<16xf32>
        %parallel_loop3A_409 = arith.addf %parallel_loop3A_402, %parallel_loop3A_408 : vector<16xf32>
        %parallel_loop3A_410 = arith.constant 1 : i32
        %parallel_loop3A_411 = vector.broadcast %parallel_loop3A_410 : i32 to vector<16xi32>
        %parallel_loop3A_412 = arith.cmpi eq, %iota3A, %parallel_loop3A_411 : vector<16xi32>
        %parallel_loop3A_413 = arith.constant 8 : i32
        %parallel_loop3A_414 = arith.constant 0 : i32
        %parallel_loop3A_415 = vector.broadcast %parallel_loop3A_413 : i32 to vector<16xi32>
        %parallel_loop3A_416 = vector.broadcast %parallel_loop3A_414 : i32 to vector<16xi32>
        %parallel_loop3A_417 = arith.select %parallel_loop3A_412, %parallel_loop3A_415, %parallel_loop3A_416 : vector<16xi1>, vector<16xi32>
        %parallel_loop3A_418 = vector.shape_cast %parallel_loop3A_417 : vector<16xi32> to vector<16x1xi32>
        %parallel_loop3A_419 = vector.shape_cast %parallel_loop3A_418 : vector<16x1xi32> to vector<16xi32>
        %parallel_loop3A_420 = tpu.dynamic_gather %parallel_loop3A_409[%parallel_loop3A_419] in [0] : vector<16xf32>, vector<16xi32> -> vector<16xf32>
        %parallel_loop3A_421 = arith.constant 0 : i32
        %parallel_loop3A_422 = vector.broadcast %parallel_loop3A_421 : i32 to vector<16xi32>
        %parallel_loop3A_423 = arith.cmpi eq, %shift_right_logical3A_4, %parallel_loop3A_422 : vector<16xi32>
        %parallel_loop3A_424 = arith.select %parallel_loop3A_423, %parallel_loop3A_420, %broadcast_in_dim3A_5 : vector<16xi1>, vector<16xf32>
        %parallel_loop3A_425 = arith.index_cast %parallel_loop3A_372 : i32 to index
        %parallel_loop3A_426 = arith.constant 16 : index
        %parallel_loop3A_427 = tpu.vector_load %arg18[%parallel_loop3A_425, %parallel_loop3A_426] {strides = array<i32>} : memref<32x64xf32, #tpu.memory_space<vmem>>, vector<1x16xf32>,
        %parallel_loop3A_428 = vector.shape_cast %parallel_loop3A_427 : vector<1x16xf32> to vector<16xf32>
        %parallel_loop3A_429 = arith.constant 16 : i32
        %parallel_loop3A_430 = arith.addi %mul3A_6, %parallel_loop3A_429 : i32
        %parallel_loop3A_431 = arith.index_cast %parallel_loop3A_372 : i32 to index
        %parallel_loop3A_432 = arith.index_cast %parallel_loop3A_430 : i32 to index
        %parallel_loop3A_433 = tpu.vector_load %arg16[%parallel_loop3A_431, %parallel_loop3A_432] {strides = array<i32>} : memref<32x128xf32, #tpu.memory_space<vmem>>, vector<1x16xf32>,
        %parallel_loop3A_434 = vector.shape_cast %parallel_loop3A_433 : vector<1x16xf32> to vector<16xf32>
        %parallel_loop3A_435 = arith.index_cast %parallel_loop3A_372 : i32 to index
        %parallel_loop3A_436 = arith.constant 16 : index
        %parallel_loop3A_437 = tpu.vector_load %arg14[%parallel_loop3A_435, %parallel_loop3A_436] {strides = array<i32>} : memref<32x128xf32, #tpu.memory_space<vmem>>, vector<1x16xf32>,
        %parallel_loop3A_438 = vector.shape_cast %parallel_loop3A_437 : vector<1x16xf32> to vector<16xf32>
        %parallel_loop3A_439 = arith.addf %parallel_loop3A_438, %parallel_loop3A_428 : vector<16xf32>
        %parallel_loop3A_440 = arith.mulf %parallel_loop3A_434, %parallel_loop3A_439 : vector<16xf32>
        %parallel_loop3A_441 = arith.constant 1 : i32
        %parallel_loop3A_442 = vector.broadcast %parallel_loop3A_441 : i32 to vector<16xi32>
        %parallel_loop3A_443 = arith.xori %iota3A, %parallel_loop3A_442 : vector<16xi32>
        %parallel_loop3A_444 = vector.shape_cast %parallel_loop3A_443 : vector<16xi32> to vector<16x1xi32>
        %parallel_loop3A_445 = vector.shape_cast %parallel_loop3A_444 : vector<16x1xi32> to vector<16xi32>
        %parallel_loop3A_446 = tpu.dynamic_gather %parallel_loop3A_440[%parallel_loop3A_445] in [0] : vector<16xf32>, vector<16xi32> -> vector<16xf32>
        %parallel_loop3A_447 = arith.addf %parallel_loop3A_440, %parallel_loop3A_446 : vector<16xf32>
        %parallel_loop3A_448 = arith.constant 2 : i32
        %parallel_loop3A_449 = vector.broadcast %parallel_loop3A_448 : i32 to vector<16xi32>
        %parallel_loop3A_450 = arith.xori %iota3A, %parallel_loop3A_449 : vector<16xi32>
        %parallel_loop3A_451 = vector.shape_cast %parallel_loop3A_450 : vector<16xi32> to vector<16x1xi32>
        %parallel_loop3A_452 = vector.shape_cast %parallel_loop3A_451 : vector<16x1xi32> to vector<16xi32>
        %parallel_loop3A_453 = tpu.dynamic_gather %parallel_loop3A_447[%parallel_loop3A_452] in [0] : vector<16xf32>, vector<16xi32> -> vector<16xf32>
        %parallel_loop3A_454 = arith.addf %parallel_loop3A_447, %parallel_loop3A_453 : vector<16xf32>
        %parallel_loop3A_455 = arith.constant 4 : i32
        %parallel_loop3A_456 = vector.broadcast %parallel_loop3A_455 : i32 to vector<16xi32>
        %parallel_loop3A_457 = arith.xori %iota3A, %parallel_loop3A_456 : vector<16xi32>
        %parallel_loop3A_458 = vector.shape_cast %parallel_loop3A_457 : vector<16xi32> to vector<16x1xi32>
        %parallel_loop3A_459 = vector.shape_cast %parallel_loop3A_458 : vector<16x1xi32> to vector<16xi32>
        %parallel_loop3A_460 = tpu.dynamic_gather %parallel_loop3A_454[%parallel_loop3A_459] in [0] : vector<16xf32>, vector<16xi32> -> vector<16xf32>
        %parallel_loop3A_461 = arith.addf %parallel_loop3A_454, %parallel_loop3A_460 : vector<16xf32>
        %parallel_loop3A_462 = arith.constant 3 : i32
        %parallel_loop3A_463 = vector.broadcast %parallel_loop3A_462 : i32 to vector<16xi32>
        %parallel_loop3A_464 = arith.cmpi eq, %iota3A, %parallel_loop3A_463 : vector<16xi32>
        %parallel_loop3A_465 = arith.constant 8 : i32
        %parallel_loop3A_466 = arith.constant 0 : i32
        %parallel_loop3A_467 = vector.broadcast %parallel_loop3A_465 : i32 to vector<16xi32>
        %parallel_loop3A_468 = vector.broadcast %parallel_loop3A_466 : i32 to vector<16xi32>
        %parallel_loop3A_469 = arith.select %parallel_loop3A_464, %parallel_loop3A_467, %parallel_loop3A_468 : vector<16xi1>, vector<16xi32>
        %parallel_loop3A_470 = vector.shape_cast %parallel_loop3A_469 : vector<16xi32> to vector<16x1xi32>
        %parallel_loop3A_471 = vector.shape_cast %parallel_loop3A_470 : vector<16x1xi32> to vector<16xi32>
        %parallel_loop3A_472 = tpu.dynamic_gather %parallel_loop3A_461[%parallel_loop3A_471] in [0] : vector<16xf32>, vector<16xi32> -> vector<16xf32>
        %parallel_loop3A_473 = arith.constant 1 : i32
        %parallel_loop3A_474 = vector.broadcast %parallel_loop3A_473 : i32 to vector<16xi32>
        %parallel_loop3A_475 = arith.cmpi eq, %shift_right_logical3A_4, %parallel_loop3A_474 : vector<16xi32>
        %parallel_loop3A_476 = arith.select %parallel_loop3A_475, %parallel_loop3A_472, %parallel_loop3A_424 : vector<16xi1>, vector<16xf32>
        %parallel_loop3A_477 = arith.index_cast %parallel_loop3A_372 : i32 to index
        %parallel_loop3A_478 = arith.constant 32 : index
        %parallel_loop3A_479 = tpu.vector_load %arg18[%parallel_loop3A_477, %parallel_loop3A_478] {strides = array<i32>} : memref<32x64xf32, #tpu.memory_space<vmem>>, vector<1x16xf32>,
        %parallel_loop3A_480 = vector.shape_cast %parallel_loop3A_479 : vector<1x16xf32> to vector<16xf32>
        %parallel_loop3A_481 = arith.constant 32 : i32
        %parallel_loop3A_482 = arith.addi %mul3A_6, %parallel_loop3A_481 : i32
        %parallel_loop3A_483 = arith.index_cast %parallel_loop3A_372 : i32 to index
        %parallel_loop3A_484 = arith.index_cast %parallel_loop3A_482 : i32 to index
        %parallel_loop3A_485 = tpu.vector_load %arg16[%parallel_loop3A_483, %parallel_loop3A_484] {strides = array<i32>} : memref<32x128xf32, #tpu.memory_space<vmem>>, vector<1x16xf32>,
        %parallel_loop3A_486 = vector.shape_cast %parallel_loop3A_485 : vector<1x16xf32> to vector<16xf32>
        %parallel_loop3A_487 = arith.index_cast %parallel_loop3A_372 : i32 to index
        %parallel_loop3A_488 = arith.constant 32 : index
        %parallel_loop3A_489 = tpu.vector_load %arg14[%parallel_loop3A_487, %parallel_loop3A_488] {strides = array<i32>} : memref<32x128xf32, #tpu.memory_space<vmem>>, vector<1x16xf32>,
        %parallel_loop3A_490 = vector.shape_cast %parallel_loop3A_489 : vector<1x16xf32> to vector<16xf32>
        %parallel_loop3A_491 = arith.addf %parallel_loop3A_490, %parallel_loop3A_480 : vector<16xf32>
        %parallel_loop3A_492 = arith.mulf %parallel_loop3A_486, %parallel_loop3A_491 : vector<16xf32>
        %parallel_loop3A_493 = arith.constant 1 : i32
        %parallel_loop3A_494 = vector.broadcast %parallel_loop3A_493 : i32 to vector<16xi32>
        %parallel_loop3A_495 = arith.xori %iota3A, %parallel_loop3A_494 : vector<16xi32>
        %parallel_loop3A_496 = vector.shape_cast %parallel_loop3A_495 : vector<16xi32> to vector<16x1xi32>
        %parallel_loop3A_497 = vector.shape_cast %parallel_loop3A_496 : vector<16x1xi32> to vector<16xi32>
        %parallel_loop3A_498 = tpu.dynamic_gather %parallel_loop3A_492[%parallel_loop3A_497] in [0] : vector<16xf32>, vector<16xi32> -> vector<16xf32>
        %parallel_loop3A_499 = arith.addf %parallel_loop3A_492, %parallel_loop3A_498 : vector<16xf32>
        %parallel_loop3A_500 = arith.constant 2 : i32
        %parallel_loop3A_501 = vector.broadcast %parallel_loop3A_500 : i32 to vector<16xi32>
        %parallel_loop3A_502 = arith.xori %iota3A, %parallel_loop3A_501 : vector<16xi32>
        %parallel_loop3A_503 = vector.shape_cast %parallel_loop3A_502 : vector<16xi32> to vector<16x1xi32>
        %parallel_loop3A_504 = vector.shape_cast %parallel_loop3A_503 : vector<16x1xi32> to vector<16xi32>
        %parallel_loop3A_505 = tpu.dynamic_gather %parallel_loop3A_499[%parallel_loop3A_504] in [0] : vector<16xf32>, vector<16xi32> -> vector<16xf32>
        %parallel_loop3A_506 = arith.addf %parallel_loop3A_499, %parallel_loop3A_505 : vector<16xf32>
        %parallel_loop3A_507 = arith.constant 4 : i32
        %parallel_loop3A_508 = vector.broadcast %parallel_loop3A_507 : i32 to vector<16xi32>
        %parallel_loop3A_509 = arith.xori %iota3A, %parallel_loop3A_508 : vector<16xi32>
        %parallel_loop3A_510 = vector.shape_cast %parallel_loop3A_509 : vector<16xi32> to vector<16x1xi32>
        %parallel_loop3A_511 = vector.shape_cast %parallel_loop3A_510 : vector<16x1xi32> to vector<16xi32>
        %parallel_loop3A_512 = tpu.dynamic_gather %parallel_loop3A_506[%parallel_loop3A_511] in [0] : vector<16xf32>, vector<16xi32> -> vector<16xf32>
        %parallel_loop3A_513 = arith.addf %parallel_loop3A_506, %parallel_loop3A_512 : vector<16xf32>
        %parallel_loop3A_514 = arith.constant 5 : i32
        %parallel_loop3A_515 = vector.broadcast %parallel_loop3A_514 : i32 to vector<16xi32>
        %parallel_loop3A_516 = arith.cmpi eq, %iota3A, %parallel_loop3A_515 : vector<16xi32>
        %parallel_loop3A_517 = arith.constant 8 : i32
        %parallel_loop3A_518 = arith.constant 0 : i32
        %parallel_loop3A_519 = vector.broadcast %parallel_loop3A_517 : i32 to vector<16xi32>
        %parallel_loop3A_520 = vector.broadcast %parallel_loop3A_518 : i32 to vector<16xi32>
        %parallel_loop3A_521 = arith.select %parallel_loop3A_516, %parallel_loop3A_519, %parallel_loop3A_520 : vector<16xi1>, vector<16xi32>
        %parallel_loop3A_522 = vector.shape_cast %parallel_loop3A_521 : vector<16xi32> to vector<16x1xi32>
        %parallel_loop3A_523 = vector.shape_cast %parallel_loop3A_522 : vector<16x1xi32> to vector<16xi32>
        %parallel_loop3A_524 = tpu.dynamic_gather %parallel_loop3A_513[%parallel_loop3A_523] in [0] : vector<16xf32>, vector<16xi32> -> vector<16xf32>
        %parallel_loop3A_525 = arith.constant 2 : i32
        %parallel_loop3A_526 = vector.broadcast %parallel_loop3A_525 : i32 to vector<16xi32>
        %parallel_loop3A_527 = arith.cmpi eq, %shift_right_logical3A_4, %parallel_loop3A_526 : vector<16xi32>
        %parallel_loop3A_528 = arith.select %parallel_loop3A_527, %parallel_loop3A_524, %parallel_loop3A_476 : vector<16xi1>, vector<16xf32>
        %parallel_loop3A_529 = arith.index_cast %parallel_loop3A_372 : i32 to index
        %parallel_loop3A_530 = arith.constant 48 : index
        %parallel_loop3A_531 = tpu.vector_load %arg18[%parallel_loop3A_529, %parallel_loop3A_530] {strides = array<i32>} : memref<32x64xf32, #tpu.memory_space<vmem>>, vector<1x16xf32>,
        %parallel_loop3A_532 = vector.shape_cast %parallel_loop3A_531 : vector<1x16xf32> to vector<16xf32>
        %parallel_loop3A_533 = arith.constant 48 : i32
        %parallel_loop3A_534 = arith.addi %mul3A_6, %parallel_loop3A_533 : i32
        %parallel_loop3A_535 = arith.index_cast %parallel_loop3A_372 : i32 to index
        %parallel_loop3A_536 = arith.index_cast %parallel_loop3A_534 : i32 to index
        %parallel_loop3A_537 = tpu.vector_load %arg16[%parallel_loop3A_535, %parallel_loop3A_536] {strides = array<i32>} : memref<32x128xf32, #tpu.memory_space<vmem>>, vector<1x16xf32>,
        %parallel_loop3A_538 = vector.shape_cast %parallel_loop3A_537 : vector<1x16xf32> to vector<16xf32>
        %parallel_loop3A_539 = arith.index_cast %parallel_loop3A_372 : i32 to index
        %parallel_loop3A_540 = arith.constant 48 : index
        %parallel_loop3A_541 = tpu.vector_load %arg14[%parallel_loop3A_539, %parallel_loop3A_540] {strides = array<i32>} : memref<32x128xf32, #tpu.memory_space<vmem>>, vector<1x16xf32>,
        %parallel_loop3A_542 = vector.shape_cast %parallel_loop3A_541 : vector<1x16xf32> to vector<16xf32>
        %parallel_loop3A_543 = arith.addf %parallel_loop3A_542, %parallel_loop3A_532 : vector<16xf32>
        %parallel_loop3A_544 = arith.mulf %parallel_loop3A_538, %parallel_loop3A_543 : vector<16xf32>
        %parallel_loop3A_545 = arith.constant 1 : i32
        %parallel_loop3A_546 = vector.broadcast %parallel_loop3A_545 : i32 to vector<16xi32>
        %parallel_loop3A_547 = arith.xori %iota3A, %parallel_loop3A_546 : vector<16xi32>
        %parallel_loop3A_548 = vector.shape_cast %parallel_loop3A_547 : vector<16xi32> to vector<16x1xi32>
        %parallel_loop3A_549 = vector.shape_cast %parallel_loop3A_548 : vector<16x1xi32> to vector<16xi32>
        %parallel_loop3A_550 = tpu.dynamic_gather %parallel_loop3A_544[%parallel_loop3A_549] in [0] : vector<16xf32>, vector<16xi32> -> vector<16xf32>
        %parallel_loop3A_551 = arith.addf %parallel_loop3A_544, %parallel_loop3A_550 : vector<16xf32>
        %parallel_loop3A_552 = arith.constant 2 : i32
        %parallel_loop3A_553 = vector.broadcast %parallel_loop3A_552 : i32 to vector<16xi32>
        %parallel_loop3A_554 = arith.xori %iota3A, %parallel_loop3A_553 : vector<16xi32>
        %parallel_loop3A_555 = vector.shape_cast %parallel_loop3A_554 : vector<16xi32> to vector<16x1xi32>
        %parallel_loop3A_556 = vector.shape_cast %parallel_loop3A_555 : vector<16x1xi32> to vector<16xi32>
        %parallel_loop3A_557 = tpu.dynamic_gather %parallel_loop3A_551[%parallel_loop3A_556] in [0] : vector<16xf32>, vector<16xi32> -> vector<16xf32>
        %parallel_loop3A_558 = arith.addf %parallel_loop3A_551, %parallel_loop3A_557 : vector<16xf32>
        %parallel_loop3A_559 = arith.constant 4 : i32
        %parallel_loop3A_560 = vector.broadcast %parallel_loop3A_559 : i32 to vector<16xi32>
        %parallel_loop3A_561 = arith.xori %iota3A, %parallel_loop3A_560 : vector<16xi32>
        %parallel_loop3A_562 = vector.shape_cast %parallel_loop3A_561 : vector<16xi32> to vector<16x1xi32>
        %parallel_loop3A_563 = vector.shape_cast %parallel_loop3A_562 : vector<16x1xi32> to vector<16xi32>
        %parallel_loop3A_564 = tpu.dynamic_gather %parallel_loop3A_558[%parallel_loop3A_563] in [0] : vector<16xf32>, vector<16xi32> -> vector<16xf32>
        %parallel_loop3A_565 = arith.addf %parallel_loop3A_558, %parallel_loop3A_564 : vector<16xf32>
        %parallel_loop3A_566 = arith.constant 7 : i32
        %parallel_loop3A_567 = vector.broadcast %parallel_loop3A_566 : i32 to vector<16xi32>
        %parallel_loop3A_568 = arith.cmpi eq, %iota3A, %parallel_loop3A_567 : vector<16xi32>
        %parallel_loop3A_569 = arith.constant 8 : i32
        %parallel_loop3A_570 = arith.constant 0 : i32
        %parallel_loop3A_571 = vector.broadcast %parallel_loop3A_569 : i32 to vector<16xi32>
        %parallel_loop3A_572 = vector.broadcast %parallel_loop3A_570 : i32 to vector<16xi32>
        %parallel_loop3A_573 = arith.select %parallel_loop3A_568, %parallel_loop3A_571, %parallel_loop3A_572 : vector<16xi1>, vector<16xi32>
        %parallel_loop3A_574 = vector.shape_cast %parallel_loop3A_573 : vector<16xi32> to vector<16x1xi32>
        %parallel_loop3A_575 = vector.shape_cast %parallel_loop3A_574 : vector<16x1xi32> to vector<16xi32>
        %parallel_loop3A_576 = tpu.dynamic_gather %parallel_loop3A_565[%parallel_loop3A_575] in [0] : vector<16xf32>, vector<16xi32> -> vector<16xf32>
        %parallel_loop3A_577 = arith.constant 3 : i32
        %parallel_loop3A_578 = vector.broadcast %parallel_loop3A_577 : i32 to vector<16xi32>
        %parallel_loop3A_579 = arith.cmpi eq, %shift_right_logical3A_4, %parallel_loop3A_578 : vector<16xi32>
        %parallel_loop3A_580 = arith.select %parallel_loop3A_579, %parallel_loop3A_576, %parallel_loop3A_528 : vector<16xi1>, vector<16xf32>
        %parallel_loop3A_581 = math.exp %parallel_loop3A_580 : vector<16xf32>
        %parallel_loop3A_582 = arith.constant 0 : i32
        %parallel_loop3A_583 = vector.broadcast %parallel_loop3A_582 : i32 to vector<16xi32>
        %parallel_loop3A_584 = arith.cmpi eq, %shift_right_logical3A_1, %parallel_loop3A_583 : vector<16xi32>
        %parallel_loop3A_585 = arith.constant 0.000000e+00 : f32
        %parallel_loop3A_586 = vector.broadcast %parallel_loop3A_585 : f32 to vector<16xf32>
        %parallel_loop3A_587 = arith.select %parallel_loop3A_584, %parallel_loop3A_581, %parallel_loop3A_586 : vector<16xi1>, vector<16xf32>
        %parallel_loop3A_588 = arith.index_cast %parallel_loop3A_372 : i32 to index
        %parallel_loop3A_589 = arith.constant 64 : index
        %parallel_loop3A_590 = tpu.vector_load %arg20[%parallel_loop3A_588, %parallel_loop3A_589] {strides = array<i32>} : memref<32x128xf32, #tpu.memory_space<vmem>>, vector<1x16xf32>,
        %parallel_loop3A_591 = vector.shape_cast %parallel_loop3A_590 : vector<1x16xf32> to vector<16xf32>
        %parallel_loop3A_592 = vector.shape_cast %parallel_loop3A_587 : vector<16xf32> to vector<1x16xf32>
        tpu.vector_store %arg20[%parallel_loop3A_588, %parallel_loop3A_589], %parallel_loop3A_592 {strides = array<i32>} : memref<32x128xf32, #tpu.memory_space<vmem>>, vector<1x16xf32>,
        %parallel_loop3A_593 = arith.constant 0 : i32
        %parallel_loop3A_594 = vector.broadcast %parallel_loop3A_593 : i32 to vector<16xi32>
        %parallel_loop3A_595 = arith.addi %parallel_loop3A_594, %shift_right_logical3A_1 : vector<16xi32>
        %parallel_loop3A_596 = vector.shape_cast %parallel_loop3A_595 : vector<16xi32> to vector<16x1xi32>
        %parallel_loop3A_597 = vector.shape_cast %parallel_loop3A_596 : vector<16x1xi32> to vector<16xi32>
        %parallel_loop3A_598 = tpu.dynamic_gather %parallel_loop3A_581[%parallel_loop3A_597] in [0] : vector<16xf32>, vector<16xi32> -> vector<16xf32>
        %parallel_loop3A_599 = arith.index_cast %parallel_loop3A_372 : i32 to index
        %parallel_loop3A_600 = arith.constant 64 : index
        %parallel_loop3A_601 = tpu.vector_load %arg14[%parallel_loop3A_599, %parallel_loop3A_600] {strides = array<i32>} : memref<32x128xf32, #tpu.memory_space<vmem>>, vector<1x16xf32>,
        %parallel_loop3A_602 = vector.shape_cast %parallel_loop3A_601 : vector<1x16xf32> to vector<16xf32>
        %parallel_loop3A_603 = arith.addf %parallel_loop3A_602, %parallel_loop3A_376 : vector<16xf32>
        %parallel_loop3A_604 = arith.mulf %parallel_loop3A_598, %parallel_loop3A_603 : vector<16xf32>
        %parallel_loop3A_605 = arith.index_cast %parallel_loop3A_372 : i32 to index
        %parallel_loop3A_606 = arith.constant 0 : index
        %parallel_loop3A_607 = tpu.vector_load %arg20[%parallel_loop3A_605, %parallel_loop3A_606] {strides = array<i32>} : memref<32x128xf32, #tpu.memory_space<vmem>>, vector<1x16xf32>,
        %parallel_loop3A_608 = vector.shape_cast %parallel_loop3A_607 : vector<1x16xf32> to vector<16xf32>
        %parallel_loop3A_609 = vector.shape_cast %parallel_loop3A_604 : vector<16xf32> to vector<1x16xf32>
        tpu.vector_store %arg20[%parallel_loop3A_605, %parallel_loop3A_606], %parallel_loop3A_609 {strides = array<i32>} : memref<32x128xf32, #tpu.memory_space<vmem>>, vector<1x16xf32>,
        %parallel_loop3A_610 = arith.constant 2 : i32
        %parallel_loop3A_611 = vector.broadcast %parallel_loop3A_610 : i32 to vector<16xi32>
        %parallel_loop3A_612 = arith.addi %parallel_loop3A_611, %shift_right_logical3A_1 : vector<16xi32>
        %parallel_loop3A_613 = vector.shape_cast %parallel_loop3A_612 : vector<16xi32> to vector<16x1xi32>
        %parallel_loop3A_614 = vector.shape_cast %parallel_loop3A_613 : vector<16x1xi32> to vector<16xi32>
        %parallel_loop3A_615 = tpu.dynamic_gather %parallel_loop3A_581[%parallel_loop3A_614] in [0] : vector<16xf32>, vector<16xi32> -> vector<16xf32>
        %parallel_loop3A_616 = arith.index_cast %parallel_loop3A_372 : i32 to index
        %parallel_loop3A_617 = arith.constant 80 : index
        %parallel_loop3A_618 = tpu.vector_load %arg14[%parallel_loop3A_616, %parallel_loop3A_617] {strides = array<i32>} : memref<32x128xf32, #tpu.memory_space<vmem>>, vector<1x16xf32>,
        %parallel_loop3A_619 = vector.shape_cast %parallel_loop3A_618 : vector<1x16xf32> to vector<16xf32>
        %parallel_loop3A_620 = arith.addf %parallel_loop3A_619, %parallel_loop3A_428 : vector<16xf32>
        %parallel_loop3A_621 = arith.mulf %parallel_loop3A_615, %parallel_loop3A_620 : vector<16xf32>
        %parallel_loop3A_622 = arith.index_cast %parallel_loop3A_372 : i32 to index
        %parallel_loop3A_623 = arith.constant 16 : index
        %parallel_loop3A_624 = tpu.vector_load %arg20[%parallel_loop3A_622, %parallel_loop3A_623] {strides = array<i32>} : memref<32x128xf32, #tpu.memory_space<vmem>>, vector<1x16xf32>,
        %parallel_loop3A_625 = vector.shape_cast %parallel_loop3A_624 : vector<1x16xf32> to vector<16xf32>
        %parallel_loop3A_626 = vector.shape_cast %parallel_loop3A_621 : vector<16xf32> to vector<1x16xf32>
        tpu.vector_store %arg20[%parallel_loop3A_622, %parallel_loop3A_623], %parallel_loop3A_626 {strides = array<i32>} : memref<32x128xf32, #tpu.memory_space<vmem>>, vector<1x16xf32>,
        %parallel_loop3A_627 = arith.constant 4 : i32
        %parallel_loop3A_628 = vector.broadcast %parallel_loop3A_627 : i32 to vector<16xi32>
        %parallel_loop3A_629 = arith.addi %parallel_loop3A_628, %shift_right_logical3A_1 : vector<16xi32>
        %parallel_loop3A_630 = vector.shape_cast %parallel_loop3A_629 : vector<16xi32> to vector<16x1xi32>
        %parallel_loop3A_631 = vector.shape_cast %parallel_loop3A_630 : vector<16x1xi32> to vector<16xi32>
        %parallel_loop3A_632 = tpu.dynamic_gather %parallel_loop3A_581[%parallel_loop3A_631] in [0] : vector<16xf32>, vector<16xi32> -> vector<16xf32>
        %parallel_loop3A_633 = arith.index_cast %parallel_loop3A_372 : i32 to index
        %parallel_loop3A_634 = arith.constant 96 : index
        %parallel_loop3A_635 = tpu.vector_load %arg14[%parallel_loop3A_633, %parallel_loop3A_634] {strides = array<i32>} : memref<32x128xf32, #tpu.memory_space<vmem>>, vector<1x16xf32>,
        %parallel_loop3A_636 = vector.shape_cast %parallel_loop3A_635 : vector<1x16xf32> to vector<16xf32>
        %parallel_loop3A_637 = arith.addf %parallel_loop3A_636, %parallel_loop3A_480 : vector<16xf32>
        %parallel_loop3A_638 = arith.mulf %parallel_loop3A_632, %parallel_loop3A_637 : vector<16xf32>
        %parallel_loop3A_639 = arith.index_cast %parallel_loop3A_372 : i32 to index
        %parallel_loop3A_640 = arith.constant 32 : index
        %parallel_loop3A_641 = tpu.vector_load %arg20[%parallel_loop3A_639, %parallel_loop3A_640] {strides = array<i32>} : memref<32x128xf32, #tpu.memory_space<vmem>>, vector<1x16xf32>,
        %parallel_loop3A_642 = vector.shape_cast %parallel_loop3A_641 : vector<1x16xf32> to vector<16xf32>
        %parallel_loop3A_643 = vector.shape_cast %parallel_loop3A_638 : vector<16xf32> to vector<1x16xf32>
        tpu.vector_store %arg20[%parallel_loop3A_639, %parallel_loop3A_640], %parallel_loop3A_643 {strides = array<i32>} : memref<32x128xf32, #tpu.memory_space<vmem>>, vector<1x16xf32>,
        %parallel_loop3A_644 = arith.constant 6 : i32
        %parallel_loop3A_645 = vector.broadcast %parallel_loop3A_644 : i32 to vector<16xi32>
        %parallel_loop3A_646 = arith.addi %parallel_loop3A_645, %shift_right_logical3A_1 : vector<16xi32>
        %parallel_loop3A_647 = vector.shape_cast %parallel_loop3A_646 : vector<16xi32> to vector<16x1xi32>
        %parallel_loop3A_648 = vector.shape_cast %parallel_loop3A_647 : vector<16x1xi32> to vector<16xi32>
        %parallel_loop3A_649 = tpu.dynamic_gather %parallel_loop3A_581[%parallel_loop3A_648] in [0] : vector<16xf32>, vector<16xi32> -> vector<16xf32>
        %parallel_loop3A_650 = arith.index_cast %parallel_loop3A_372 : i32 to index
        %parallel_loop3A_651 = arith.constant 112 : index
        %parallel_loop3A_652 = tpu.vector_load %arg14[%parallel_loop3A_650, %parallel_loop3A_651] {strides = array<i32>} : memref<32x128xf32, #tpu.memory_space<vmem>>, vector<1x16xf32>,
        %parallel_loop3A_653 = vector.shape_cast %parallel_loop3A_652 : vector<1x16xf32> to vector<16xf32>
        %parallel_loop3A_654 = arith.addf %parallel_loop3A_653, %parallel_loop3A_532 : vector<16xf32>
        %parallel_loop3A_655 = arith.mulf %parallel_loop3A_649, %parallel_loop3A_654 : vector<16xf32>
        %parallel_loop3A_656 = arith.index_cast %parallel_loop3A_372 : i32 to index
        %parallel_loop3A_657 = arith.constant 48 : index
        %parallel_loop3A_658 = tpu.vector_load %arg20[%parallel_loop3A_656, %parallel_loop3A_657] {strides = array<i32>} : memref<32x128xf32, #tpu.memory_space<vmem>>, vector<1x16xf32>,
        %parallel_loop3A_659 = vector.shape_cast %parallel_loop3A_658 : vector<1x16xf32> to vector<16xf32>
        %parallel_loop3A_660 = vector.shape_cast %parallel_loop3A_655 : vector<16xf32> to vector<1x16xf32>
        tpu.vector_store %arg20[%parallel_loop3A_656, %parallel_loop3A_657], %parallel_loop3A_660 {strides = array<i32>} : memref<32x128xf32, #tpu.memory_space<vmem>>, vector<1x16xf32>,
      } {sc.loop_unroll_factor = 2 : i64, sc.parallel_access}
      %dma_start3A_369 = arith.constant 0 : i32
      %dma_start3A_370 = arith.constant 0 : i32
      %dma_start3A_371 = tpu.memref_slice %arg21[%dma_start3A_369, %dma_start3A_370] : memref<10240x128xf32, #tpu.memory_space<vmem_shared>> -> memref<10240x128xf32, #tpu.memory_space<vmem_shared>>
      tpu.enqueue_indirect_dma source(%arg20 : memref<32x128xf32, #tpu.memory_space<vmem>>) target(%dma_start3A_371 : memref<10240x128xf32, #tpu.memory_space<vmem_shared>>) offsets(%arg12 : memref<32xi32, #tpu.memory_space<vmem>>) semaphore(%arg29 : memref<!tpu.dma_semaphore, #tpu.memory_space<semaphore_mem>>) {add = true}
    }
    %scan3A_111 = arith.constant 312 : i32
    %dma_wait3A = arith.constant 0 : i32
    %dma_wait3A_112 = arith.constant 0 : i32
    %dma_wait3A_113 = tpu.memref_slice %arg2[%dma_wait3A, %dma_wait3A_112] : memref<20000x128xf32, #tpu.memory_space<hbm>> -> memref<20000x128xf32, #tpu.memory_space<hbm>>
    tpu.wait_indirect_dma semaphore(%arg22 : memref<!tpu.dma_semaphore, #tpu.memory_space<semaphore_mem>>) src(%dma_wait3A_113 : memref<20000x128xf32, #tpu.memory_space<hbm>>) dst(%arg13 : memref<32x128xf32, #tpu.memory_space<vmem>>)
    %dma_wait3A_114 = arith.constant 0 : i32
    %dma_wait3A_115 = arith.constant 0 : i32
    %dma_wait3A_116 = tpu.memref_slice %arg3[%dma_wait3A_114, %dma_wait3A_115] : memref<10000x128xf32, #tpu.memory_space<hbm>> -> memref<10000x128xf32, #tpu.memory_space<hbm>>
    tpu.wait_indirect_dma semaphore(%arg24 : memref<!tpu.dma_semaphore, #tpu.memory_space<semaphore_mem>>) src(%dma_wait3A_116 : memref<10000x128xf32, #tpu.memory_space<hbm>>) dst(%arg15 : memref<32x128xf32, #tpu.memory_space<vmem>>)
    %dma_wait3A_117 = arith.constant 0 : i32
    %dma_wait3A_118 = arith.constant 0 : i32
    %dma_wait3A_119 = tpu.memref_slice %arg4[%arg0, %dma_wait3A_117, %dma_wait3A_118] : memref<2x320000x64xf32, #tpu.memory_space<hbm>> -> memref<1x32x64xf32, #tpu.memory_space<hbm>>
    %dma_wait3A_120 = tpu.memref_squeeze %dma_wait3A_119 : memref<1x32x64xf32, #tpu.memory_space<hbm>> -> memref<32x64xf32, #tpu.memory_space<hbm>>
    %dma_wait3A_121 = arith.constant 0 : i32
    %dma_wait3A_122 = arith.constant 0 : i32
    %dma_wait3A_123 = tpu.memref_slice %arg4[%arg0, %dma_wait3A_121, %dma_wait3A_122] : memref<2x320000x64xf32, #tpu.memory_space<hbm>> -> memref<1x32x64xf32, #tpu.memory_space<hbm>>
    %dma_wait3A_124 = tpu.memref_squeeze %dma_wait3A_123 : memref<1x32x64xf32, #tpu.memory_space<hbm>> -> memref<32x64xf32, #tpu.memory_space<hbm>>
    tpu.wait_dma2 semaphore(%arg26 : memref<!tpu.dma_semaphore, #tpu.memory_space<semaphore_mem>>) src(%dma_wait3A_124 : memref<32x64xf32, #tpu.memory_space<hbm>>) dst(%arg17 : memref<32x64xf32, #tpu.memory_space<vmem>>)
    %dma_wait3A_125 = arith.constant 0 : i32
    %dma_wait3A_126 = arith.constant 0 : i32
    %dma_wait3A_127 = tpu.memref_slice %arg21[%dma_wait3A_125, %dma_wait3A_126] : memref<10240x128xf32, #tpu.memory_space<vmem_shared>> -> memref<10240x128xf32, #tpu.memory_space<vmem_shared>>
    tpu.wait_indirect_dma semaphore(%arg29 : memref<!tpu.dma_semaphore, #tpu.memory_space<semaphore_mem>>) src(%arg20 : memref<32x128xf32, #tpu.memory_space<vmem>>) dst(%dma_wait3A_127 : memref<10240x128xf32, #tpu.memory_space<vmem_shared>>)
    %parallel_loop3A = arith.constant 0 : i32
    %parallel_loop3A_128 = arith.constant 32 : i32
    %parallel_loop3A_129 = arith.constant 1 : i32
    scf.for %parallel_loop3A_131 = %parallel_loop3A to %parallel_loop3A_128 step %parallel_loop3A_129  : i32 {
      %parallel_loop3A_132 = arith.index_cast %parallel_loop3A_131 : i32 to index
      %parallel_loop3A_133 = arith.constant 0 : index
      %parallel_loop3A_134 = tpu.vector_load %arg17[%parallel_loop3A_132, %parallel_loop3A_133] {strides = array<i32>} : memref<32x64xf32, #tpu.memory_space<vmem>>, vector<1x16xf32>,
      %parallel_loop3A_135 = vector.shape_cast %parallel_loop3A_134 : vector<1x16xf32> to vector<16xf32>
      %parallel_loop3A_136 = arith.constant 0 : i32
      %parallel_loop3A_137 = arith.addi %mul3A_6, %parallel_loop3A_136 : i32
      %parallel_loop3A_138 = arith.index_cast %parallel_loop3A_131 : i32 to index
      %parallel_loop3A_139 = arith.index_cast %parallel_loop3A_137 : i32 to index
      %parallel_loop3A_140 = tpu.vector_load %arg15[%parallel_loop3A_138, %parallel_loop3A_139] {strides = array<i32>} : memref<32x128xf32, #tpu.memory_space<vmem>>, vector<1x16xf32>,
      %parallel_loop3A_141 = vector.shape_cast %parallel_loop3A_140 : vector<1x16xf32> to vector<16xf32>
      %parallel_loop3A_142 = arith.index_cast %parallel_loop3A_131 : i32 to index
      %parallel_loop3A_143 = arith.constant 0 : index
      %parallel_loop3A_144 = tpu.vector_load %arg13[%parallel_loop3A_142, %parallel_loop3A_143] {strides = array<i32>} : memref<32x128xf32, #tpu.memory_space<vmem>>, vector<1x16xf32>,
      %parallel_loop3A_145 = vector.shape_cast %parallel_loop3A_144 : vector<1x16xf32> to vector<16xf32>
      %parallel_loop3A_146 = arith.addf %parallel_loop3A_145, %parallel_loop3A_135 : vector<16xf32>
      %parallel_loop3A_147 = arith.mulf %parallel_loop3A_141, %parallel_loop3A_146 : vector<16xf32>
      %parallel_loop3A_148 = arith.constant 1 : i32
      %parallel_loop3A_149 = vector.broadcast %parallel_loop3A_148 : i32 to vector<16xi32>
      %parallel_loop3A_150 = arith.xori %iota3A, %parallel_loop3A_149 : vector<16xi32>
      %parallel_loop3A_151 = vector.shape_cast %parallel_loop3A_150 : vector<16xi32> to vector<16x1xi32>
      %parallel_loop3A_152 = vector.shape_cast %parallel_loop3A_151 : vector<16x1xi32> to vector<16xi32>
      %parallel_loop3A_153 = tpu.dynamic_gather %parallel_loop3A_147[%parallel_loop3A_152] in [0] : vector<16xf32>, vector<16xi32> -> vector<16xf32>
      %parallel_loop3A_154 = arith.addf %parallel_loop3A_147, %parallel_loop3A_153 : vector<16xf32>
      %parallel_loop3A_155 = arith.constant 2 : i32
      %parallel_loop3A_156 = vector.broadcast %parallel_loop3A_155 : i32 to vector<16xi32>
      %parallel_loop3A_157 = arith.xori %iota3A, %parallel_loop3A_156 : vector<16xi32>
      %parallel_loop3A_158 = vector.shape_cast %parallel_loop3A_157 : vector<16xi32> to vector<16x1xi32>
      %parallel_loop3A_159 = vector.shape_cast %parallel_loop3A_158 : vector<16x1xi32> to vector<16xi32>
      %parallel_loop3A_160 = tpu.dynamic_gather %parallel_loop3A_154[%parallel_loop3A_159] in [0] : vector<16xf32>, vector<16xi32> -> vector<16xf32>
      %parallel_loop3A_161 = arith.addf %parallel_loop3A_154, %parallel_loop3A_160 : vector<16xf32>
      %parallel_loop3A_162 = arith.constant 4 : i32
      %parallel_loop3A_163 = vector.broadcast %parallel_loop3A_162 : i32 to vector<16xi32>
      %parallel_loop3A_164 = arith.xori %iota3A, %parallel_loop3A_163 : vector<16xi32>
      %parallel_loop3A_165 = vector.shape_cast %parallel_loop3A_164 : vector<16xi32> to vector<16x1xi32>
      %parallel_loop3A_166 = vector.shape_cast %parallel_loop3A_165 : vector<16x1xi32> to vector<16xi32>
      %parallel_loop3A_167 = tpu.dynamic_gather %parallel_loop3A_161[%parallel_loop3A_166] in [0] : vector<16xf32>, vector<16xi32> -> vector<16xf32>
      %parallel_loop3A_168 = arith.addf %parallel_loop3A_161, %parallel_loop3A_167 : vector<16xf32>
      %parallel_loop3A_169 = arith.constant 1 : i32
      %parallel_loop3A_170 = vector.broadcast %parallel_loop3A_169 : i32 to vector<16xi32>
      %parallel_loop3A_171 = arith.cmpi eq, %iota3A, %parallel_loop3A_170 : vector<16xi32>
      %parallel_loop3A_172 = arith.constant 8 : i32
      %parallel_loop3A_173 = arith.constant 0 : i32
      %parallel_loop3A_174 = vector.broadcast %parallel_loop3A_172 : i32 to vector<16xi32>
      %parallel_loop3A_175 = vector.broadcast %parallel_loop3A_173 : i32 to vector<16xi32>
      %parallel_loop3A_176 = arith.select %parallel_loop3A_171, %parallel_loop3A_174, %parallel_loop3A_175 : vector<16xi1>, vector<16xi32>
      %parallel_loop3A_177 = vector.shape_cast %parallel_loop3A_176 : vector<16xi32> to vector<16x1xi32>
      %parallel_loop3A_178 = vector.shape_cast %parallel_loop3A_177 : vector<16x1xi32> to vector<16xi32>
      %parallel_loop3A_179 = tpu.dynamic_gather %parallel_loop3A_168[%parallel_loop3A_178] in [0] : vector<16xf32>, vector<16xi32> -> vector<16xf32>
      %parallel_loop3A_180 = arith.constant 0 : i32
      %parallel_loop3A_181 = vector.broadcast %parallel_loop3A_180 : i32 to vector<16xi32>
      %parallel_loop3A_182 = arith.cmpi eq, %shift_right_logical3A_4, %parallel_loop3A_181 : vector<16xi32>
      %parallel_loop3A_183 = arith.select %parallel_loop3A_182, %parallel_loop3A_179, %broadcast_in_dim3A_5 : vector<16xi1>, vector<16xf32>
      %parallel_loop3A_184 = arith.index_cast %parallel_loop3A_131 : i32 to index
      %parallel_loop3A_185 = arith.constant 16 : index
      %parallel_loop3A_186 = tpu.vector_load %arg17[%parallel_loop3A_184, %parallel_loop3A_185] {strides = array<i32>} : memref<32x64xf32, #tpu.memory_space<vmem>>, vector<1x16xf32>,
      %parallel_loop3A_187 = vector.shape_cast %parallel_loop3A_186 : vector<1x16xf32> to vector<16xf32>
      %parallel_loop3A_188 = arith.constant 16 : i32
      %parallel_loop3A_189 = arith.addi %mul3A_6, %parallel_loop3A_188 : i32
      %parallel_loop3A_190 = arith.index_cast %parallel_loop3A_131 : i32 to index
      %parallel_loop3A_191 = arith.index_cast %parallel_loop3A_189 : i32 to index
      %parallel_loop3A_192 = tpu.vector_load %arg15[%parallel_loop3A_190, %parallel_loop3A_191] {strides = array<i32>} : memref<32x128xf32, #tpu.memory_space<vmem>>, vector<1x16xf32>,
      %parallel_loop3A_193 = vector.shape_cast %parallel_loop3A_192 : vector<1x16xf32> to vector<16xf32>
      %parallel_loop3A_194 = arith.index_cast %parallel_loop3A_131 : i32 to index
      %parallel_loop3A_195 = arith.constant 16 : index
      %parallel_loop3A_196 = tpu.vector_load %arg13[%parallel_loop3A_194, %parallel_loop3A_195] {strides = array<i32>} : memref<32x128xf32, #tpu.memory_space<vmem>>, vector<1x16xf32>,
      %parallel_loop3A_197 = vector.shape_cast %parallel_loop3A_196 : vector<1x16xf32> to vector<16xf32>
      %parallel_loop3A_198 = arith.addf %parallel_loop3A_197, %parallel_loop3A_187 : vector<16xf32>
      %parallel_loop3A_199 = arith.mulf %parallel_loop3A_193, %parallel_loop3A_198 : vector<16xf32>
      %parallel_loop3A_200 = arith.constant 1 : i32
      %parallel_loop3A_201 = vector.broadcast %parallel_loop3A_200 : i32 to vector<16xi32>
      %parallel_loop3A_202 = arith.xori %iota3A, %parallel_loop3A_201 : vector<16xi32>
      %parallel_loop3A_203 = vector.shape_cast %parallel_loop3A_202 : vector<16xi32> to vector<16x1xi32>
      %parallel_loop3A_204 = vector.shape_cast %parallel_loop3A_203 : vector<16x1xi32> to vector<16xi32>
      %parallel_loop3A_205 = tpu.dynamic_gather %parallel_loop3A_199[%parallel_loop3A_204] in [0] : vector<16xf32>, vector<16xi32> -> vector<16xf32>
      %parallel_loop3A_206 = arith.addf %parallel_loop3A_199, %parallel_loop3A_205 : vector<16xf32>
      %parallel_loop3A_207 = arith.constant 2 : i32
      %parallel_loop3A_208 = vector.broadcast %parallel_loop3A_207 : i32 to vector<16xi32>
      %parallel_loop3A_209 = arith.xori %iota3A, %parallel_loop3A_208 : vector<16xi32>
      %parallel_loop3A_210 = vector.shape_cast %parallel_loop3A_209 : vector<16xi32> to vector<16x1xi32>
      %parallel_loop3A_211 = vector.shape_cast %parallel_loop3A_210 : vector<16x1xi32> to vector<16xi32>
      %parallel_loop3A_212 = tpu.dynamic_gather %parallel_loop3A_206[%parallel_loop3A_211] in [0] : vector<16xf32>, vector<16xi32> -> vector<16xf32>
      %parallel_loop3A_213 = arith.addf %parallel_loop3A_206, %parallel_loop3A_212 : vector<16xf32>
      %parallel_loop3A_214 = arith.constant 4 : i32
      %parallel_loop3A_215 = vector.broadcast %parallel_loop3A_214 : i32 to vector<16xi32>
      %parallel_loop3A_216 = arith.xori %iota3A, %parallel_loop3A_215 : vector<16xi32>
      %parallel_loop3A_217 = vector.shape_cast %parallel_loop3A_216 : vector<16xi32> to vector<16x1xi32>
      %parallel_loop3A_218 = vector.shape_cast %parallel_loop3A_217 : vector<16x1xi32> to vector<16xi32>
      %parallel_loop3A_219 = tpu.dynamic_gather %parallel_loop3A_213[%parallel_loop3A_218] in [0] : vector<16xf32>, vector<16xi32> -> vector<16xf32>
      %parallel_loop3A_220 = arith.addf %parallel_loop3A_213, %parallel_loop3A_219 : vector<16xf32>
      %parallel_loop3A_221 = arith.constant 3 : i32
      %parallel_loop3A_222 = vector.broadcast %parallel_loop3A_221 : i32 to vector<16xi32>
      %parallel_loop3A_223 = arith.cmpi eq, %iota3A, %parallel_loop3A_222 : vector<16xi32>
      %parallel_loop3A_224 = arith.constant 8 : i32
      %parallel_loop3A_225 = arith.constant 0 : i32
      %parallel_loop3A_226 = vector.broadcast %parallel_loop3A_224 : i32 to vector<16xi32>
      %parallel_loop3A_227 = vector.broadcast %parallel_loop3A_225 : i32 to vector<16xi32>
      %parallel_loop3A_228 = arith.select %parallel_loop3A_223, %parallel_loop3A_226, %parallel_loop3A_227 : vector<16xi1>, vector<16xi32>
      %parallel_loop3A_229 = vector.shape_cast %parallel_loop3A_228 : vector<16xi32> to vector<16x1xi32>
      %parallel_loop3A_230 = vector.shape_cast %parallel_loop3A_229 : vector<16x1xi32> to vector<16xi32>
      %parallel_loop3A_231 = tpu.dynamic_gather %parallel_loop3A_220[%parallel_loop3A_230] in [0] : vector<16xf32>, vector<16xi32> -> vector<16xf32>
      %parallel_loop3A_232 = arith.constant 1 : i32
      %parallel_loop3A_233 = vector.broadcast %parallel_loop3A_232 : i32 to vector<16xi32>
      %parallel_loop3A_234 = arith.cmpi eq, %shift_right_logical3A_4, %parallel_loop3A_233 : vector<16xi32>
      %parallel_loop3A_235 = arith.select %parallel_loop3A_234, %parallel_loop3A_231, %parallel_loop3A_183 : vector<16xi1>, vector<16xf32>
      %parallel_loop3A_236 = arith.index_cast %parallel_loop3A_131 : i32 to index
      %parallel_loop3A_237 = arith.constant 32 : index
      %parallel_loop3A_238 = tpu.vector_load %arg17[%parallel_loop3A_236, %parallel_loop3A_237] {strides = array<i32>} : memref<32x64xf32, #tpu.memory_space<vmem>>, vector<1x16xf32>,
      %parallel_loop3A_239 = vector.shape_cast %parallel_loop3A_238 : vector<1x16xf32> to vector<16xf32>
      %parallel_loop3A_240 = arith.constant 32 : i32
      %parallel_loop3A_241 = arith.addi %mul3A_6, %parallel_loop3A_240 : i32
      %parallel_loop3A_242 = arith.index_cast %parallel_loop3A_131 : i32 to index
      %parallel_loop3A_243 = arith.index_cast %parallel_loop3A_241 : i32 to index
      %parallel_loop3A_244 = tpu.vector_load %arg15[%parallel_loop3A_242, %parallel_loop3A_243] {strides = array<i32>} : memref<32x128xf32, #tpu.memory_space<vmem>>, vector<1x16xf32>,
      %parallel_loop3A_245 = vector.shape_cast %parallel_loop3A_244 : vector<1x16xf32> to vector<16xf32>
      %parallel_loop3A_246 = arith.index_cast %parallel_loop3A_131 : i32 to index
      %parallel_loop3A_247 = arith.constant 32 : index
      %parallel_loop3A_248 = tpu.vector_load %arg13[%parallel_loop3A_246, %parallel_loop3A_247] {strides = array<i32>} : memref<32x128xf32, #tpu.memory_space<vmem>>, vector<1x16xf32>,
      %parallel_loop3A_249 = vector.shape_cast %parallel_loop3A_248 : vector<1x16xf32> to vector<16xf32>
      %parallel_loop3A_250 = arith.addf %parallel_loop3A_249, %parallel_loop3A_239 : vector<16xf32>
      %parallel_loop3A_251 = arith.mulf %parallel_loop3A_245, %parallel_loop3A_250 : vector<16xf32>
      %parallel_loop3A_252 = arith.constant 1 : i32
      %parallel_loop3A_253 = vector.broadcast %parallel_loop3A_252 : i32 to vector<16xi32>
      %parallel_loop3A_254 = arith.xori %iota3A, %parallel_loop3A_253 : vector<16xi32>
      %parallel_loop3A_255 = vector.shape_cast %parallel_loop3A_254 : vector<16xi32> to vector<16x1xi32>
      %parallel_loop3A_256 = vector.shape_cast %parallel_loop3A_255 : vector<16x1xi32> to vector<16xi32>
      %parallel_loop3A_257 = tpu.dynamic_gather %parallel_loop3A_251[%parallel_loop3A_256] in [0] : vector<16xf32>, vector<16xi32> -> vector<16xf32>
      %parallel_loop3A_258 = arith.addf %parallel_loop3A_251, %parallel_loop3A_257 : vector<16xf32>
      %parallel_loop3A_259 = arith.constant 2 : i32
      %parallel_loop3A_260 = vector.broadcast %parallel_loop3A_259 : i32 to vector<16xi32>
      %parallel_loop3A_261 = arith.xori %iota3A, %parallel_loop3A_260 : vector<16xi32>
      %parallel_loop3A_262 = vector.shape_cast %parallel_loop3A_261 : vector<16xi32> to vector<16x1xi32>
      %parallel_loop3A_263 = vector.shape_cast %parallel_loop3A_262 : vector<16x1xi32> to vector<16xi32>
      %parallel_loop3A_264 = tpu.dynamic_gather %parallel_loop3A_258[%parallel_loop3A_263] in [0] : vector<16xf32>, vector<16xi32> -> vector<16xf32>
      %parallel_loop3A_265 = arith.addf %parallel_loop3A_258, %parallel_loop3A_264 : vector<16xf32>
      %parallel_loop3A_266 = arith.constant 4 : i32
      %parallel_loop3A_267 = vector.broadcast %parallel_loop3A_266 : i32 to vector<16xi32>
      %parallel_loop3A_268 = arith.xori %iota3A, %parallel_loop3A_267 : vector<16xi32>
      %parallel_loop3A_269 = vector.shape_cast %parallel_loop3A_268 : vector<16xi32> to vector<16x1xi32>
      %parallel_loop3A_270 = vector.shape_cast %parallel_loop3A_269 : vector<16x1xi32> to vector<16xi32>
      %parallel_loop3A_271 = tpu.dynamic_gather %parallel_loop3A_265[%parallel_loop3A_270] in [0] : vector<16xf32>, vector<16xi32> -> vector<16xf32>
      %parallel_loop3A_272 = arith.addf %parallel_loop3A_265, %parallel_loop3A_271 : vector<16xf32>
      %parallel_loop3A_273 = arith.constant 5 : i32
      %parallel_loop3A_274 = vector.broadcast %parallel_loop3A_273 : i32 to vector<16xi32>
      %parallel_loop3A_275 = arith.cmpi eq, %iota3A, %parallel_loop3A_274 : vector<16xi32>
      %parallel_loop3A_276 = arith.constant 8 : i32
      %parallel_loop3A_277 = arith.constant 0 : i32
      %parallel_loop3A_278 = vector.broadcast %parallel_loop3A_276 : i32 to vector<16xi32>
      %parallel_loop3A_279 = vector.broadcast %parallel_loop3A_277 : i32 to vector<16xi32>
      %parallel_loop3A_280 = arith.select %parallel_loop3A_275, %parallel_loop3A_278, %parallel_loop3A_279 : vector<16xi1>, vector<16xi32>
      %parallel_loop3A_281 = vector.shape_cast %parallel_loop3A_280 : vector<16xi32> to vector<16x1xi32>
      %parallel_loop3A_282 = vector.shape_cast %parallel_loop3A_281 : vector<16x1xi32> to vector<16xi32>
      %parallel_loop3A_283 = tpu.dynamic_gather %parallel_loop3A_272[%parallel_loop3A_282] in [0] : vector<16xf32>, vector<16xi32> -> vector<16xf32>
      %parallel_loop3A_284 = arith.constant 2 : i32
      %parallel_loop3A_285 = vector.broadcast %parallel_loop3A_284 : i32 to vector<16xi32>
      %parallel_loop3A_286 = arith.cmpi eq, %shift_right_logical3A_4, %parallel_loop3A_285 : vector<16xi32>
      %parallel_loop3A_287 = arith.select %parallel_loop3A_286, %parallel_loop3A_283, %parallel_loop3A_235 : vector<16xi1>, vector<16xf32>
      %parallel_loop3A_288 = arith.index_cast %parallel_loop3A_131 : i32 to index
      %parallel_loop3A_289 = arith.constant 48 : index
      %parallel_loop3A_290 = tpu.vector_load %arg17[%parallel_loop3A_288, %parallel_loop3A_289] {strides = array<i32>} : memref<32x64xf32, #tpu.memory_space<vmem>>, vector<1x16xf32>,
      %parallel_loop3A_291 = vector.shape_cast %parallel_loop3A_290 : vector<1x16xf32> to vector<16xf32>
      %parallel_loop3A_292 = arith.constant 48 : i32
      %parallel_loop3A_293 = arith.addi %mul3A_6, %parallel_loop3A_292 : i32
      %parallel_loop3A_294 = arith.index_cast %parallel_loop3A_131 : i32 to index
      %parallel_loop3A_295 = arith.index_cast %parallel_loop3A_293 : i32 to index
      %parallel_loop3A_296 = tpu.vector_load %arg15[%parallel_loop3A_294, %parallel_loop3A_295] {strides = array<i32>} : memref<32x128xf32, #tpu.memory_space<vmem>>, vector<1x16xf32>,
      %parallel_loop3A_297 = vector.shape_cast %parallel_loop3A_296 : vector<1x16xf32> to vector<16xf32>
      %parallel_loop3A_298 = arith.index_cast %parallel_loop3A_131 : i32 to index
      %parallel_loop3A_299 = arith.constant 48 : index
      %parallel_loop3A_300 = tpu.vector_load %arg13[%parallel_loop3A_298, %parallel_loop3A_299] {strides = array<i32>} : memref<32x128xf32, #tpu.memory_space<vmem>>, vector<1x16xf32>,
      %parallel_loop3A_301 = vector.shape_cast %parallel_loop3A_300 : vector<1x16xf32> to vector<16xf32>
      %parallel_loop3A_302 = arith.addf %parallel_loop3A_301, %parallel_loop3A_291 : vector<16xf32>
      %parallel_loop3A_303 = arith.mulf %parallel_loop3A_297, %parallel_loop3A_302 : vector<16xf32>
      %parallel_loop3A_304 = arith.constant 1 : i32
      %parallel_loop3A_305 = vector.broadcast %parallel_loop3A_304 : i32 to vector<16xi32>
      %parallel_loop3A_306 = arith.xori %iota3A, %parallel_loop3A_305 : vector<16xi32>
      %parallel_loop3A_307 = vector.shape_cast %parallel_loop3A_306 : vector<16xi32> to vector<16x1xi32>
      %parallel_loop3A_308 = vector.shape_cast %parallel_loop3A_307 : vector<16x1xi32> to vector<16xi32>
      %parallel_loop3A_309 = tpu.dynamic_gather %parallel_loop3A_303[%parallel_loop3A_308] in [0] : vector<16xf32>, vector<16xi32> -> vector<16xf32>
      %parallel_loop3A_310 = arith.addf %parallel_loop3A_303, %parallel_loop3A_309 : vector<16xf32>
      %parallel_loop3A_311 = arith.constant 2 : i32
      %parallel_loop3A_312 = vector.broadcast %parallel_loop3A_311 : i32 to vector<16xi32>
      %parallel_loop3A_313 = arith.xori %iota3A, %parallel_loop3A_312 : vector<16xi32>
      %parallel_loop3A_314 = vector.shape_cast %parallel_loop3A_313 : vector<16xi32> to vector<16x1xi32>
      %parallel_loop3A_315 = vector.shape_cast %parallel_loop3A_314 : vector<16x1xi32> to vector<16xi32>
      %parallel_loop3A_316 = tpu.dynamic_gather %parallel_loop3A_310[%parallel_loop3A_315] in [0] : vector<16xf32>, vector<16xi32> -> vector<16xf32>
      %parallel_loop3A_317 = arith.addf %parallel_loop3A_310, %parallel_loop3A_316 : vector<16xf32>
      %parallel_loop3A_318 = arith.constant 4 : i32
      %parallel_loop3A_319 = vector.broadcast %parallel_loop3A_318 : i32 to vector<16xi32>
      %parallel_loop3A_320 = arith.xori %iota3A, %parallel_loop3A_319 : vector<16xi32>
      %parallel_loop3A_321 = vector.shape_cast %parallel_loop3A_320 : vector<16xi32> to vector<16x1xi32>
      %parallel_loop3A_322 = vector.shape_cast %parallel_loop3A_321 : vector<16x1xi32> to vector<16xi32>
      %parallel_loop3A_323 = tpu.dynamic_gather %parallel_loop3A_317[%parallel_loop3A_322] in [0] : vector<16xf32>, vector<16xi32> -> vector<16xf32>
      %parallel_loop3A_324 = arith.addf %parallel_loop3A_317, %parallel_loop3A_323 : vector<16xf32>
      %parallel_loop3A_325 = arith.constant 7 : i32
      %parallel_loop3A_326 = vector.broadcast %parallel_loop3A_325 : i32 to vector<16xi32>
      %parallel_loop3A_327 = arith.cmpi eq, %iota3A, %parallel_loop3A_326 : vector<16xi32>
      %parallel_loop3A_328 = arith.constant 8 : i32
      %parallel_loop3A_329 = arith.constant 0 : i32
      %parallel_loop3A_330 = vector.broadcast %parallel_loop3A_328 : i32 to vector<16xi32>
      %parallel_loop3A_331 = vector.broadcast %parallel_loop3A_329 : i32 to vector<16xi32>
      %parallel_loop3A_332 = arith.select %parallel_loop3A_327, %parallel_loop3A_330, %parallel_loop3A_331 : vector<16xi1>, vector<16xi32>
      %parallel_loop3A_333 = vector.shape_cast %parallel_loop3A_332 : vector<16xi32> to vector<16x1xi32>
      %parallel_loop3A_334 = vector.shape_cast %parallel_loop3A_333 : vector<16x1xi32> to vector<16xi32>
      %parallel_loop3A_335 = tpu.dynamic_gather %parallel_loop3A_324[%parallel_loop3A_334] in [0] : vector<16xf32>, vector<16xi32> -> vector<16xf32>
      %parallel_loop3A_336 = arith.constant 3 : i32
      %parallel_loop3A_337 = vector.broadcast %parallel_loop3A_336 : i32 to vector<16xi32>
      %parallel_loop3A_338 = arith.cmpi eq, %shift_right_logical3A_4, %parallel_loop3A_337 : vector<16xi32>
      %parallel_loop3A_339 = arith.select %parallel_loop3A_338, %parallel_loop3A_335, %parallel_loop3A_287 : vector<16xi1>, vector<16xf32>
      %parallel_loop3A_340 = math.exp %parallel_loop3A_339 : vector<16xf32>
      %parallel_loop3A_341 = arith.constant 0 : i32
      %parallel_loop3A_342 = vector.broadcast %parallel_loop3A_341 : i32 to vector<16xi32>
      %parallel_loop3A_343 = arith.cmpi eq, %shift_right_logical3A_1, %parallel_loop3A_342 : vector<16xi32>
      %parallel_loop3A_344 = arith.constant 0.000000e+00 : f32
      %parallel_loop3A_345 = vector.broadcast %parallel_loop3A_344 : f32 to vector<16xf32>
      %parallel_loop3A_346 = arith.select %parallel_loop3A_343, %parallel_loop3A_340, %parallel_loop3A_345 : vector<16xi1>, vector<16xf32>
      %parallel_loop3A_347 = arith.index_cast %parallel_loop3A_131 : i32 to index
      %parallel_loop3A_348 = arith.constant 64 : index
      %parallel_loop3A_349 = tpu.vector_load %arg19[%parallel_loop3A_347, %parallel_loop3A_348] {strides = array<i32>} : memref<32x128xf32, #tpu.memory_space<vmem>>, vector<1x16xf32>,
      %parallel_loop3A_350 = vector.shape_cast %parallel_loop3A_349 : vector<1x16xf32> to vector<16xf32>
      %parallel_loop3A_351 = vector.shape_cast %parallel_loop3A_346 : vector<16xf32> to vector<1x16xf32>
      tpu.vector_store %arg19[%parallel_loop3A_347, %parallel_loop3A_348], %parallel_loop3A_351 {strides = array<i32>} : memref<32x128xf32, #tpu.memory_space<vmem>>, vector<1x16xf32>,
      %parallel_loop3A_352 = arith.constant 0 : i32
      %parallel_loop3A_353 = vector.broadcast %parallel_loop3A_352 : i32 to vector<16xi32>
      %parallel_loop3A_354 = arith.addi %parallel_loop3A_353, %shift_right_logical3A_1 : vector<16xi32>
      %parallel_loop3A_355 = vector.shape_cast %parallel_loop3A_354 : vector<16xi32> to vector<16x1xi32>
      %parallel_loop3A_356 = vector.shape_cast %parallel_loop3A_355 : vector<16x1xi32> to vector<16xi32>
      %parallel_loop3A_357 = tpu.dynamic_gather %parallel_loop3A_340[%parallel_loop3A_356] in [0] : vector<16xf32>, vector<16xi32> -> vector<16xf32>
      %parallel_loop3A_358 = arith.index_cast %parallel_loop3A_131 : i32 to index
      %parallel_loop3A_359 = arith.constant 64 : index
      %parallel_loop3A_360 = tpu.vector_load %arg13[%parallel_loop3A_358, %parallel_loop3A_359] {strides = array<i32>} : memref<32x128xf32, #tpu.memory_space<vmem>>, vector<1x16xf32>,
      %parallel_loop3A_361 = vector.shape_cast %parallel_loop3A_360 : vector<1x16xf32> to vector<16xf32>
      %parallel_loop3A_362 = arith.addf %parallel_loop3A_361, %parallel_loop3A_135 : vector<16xf32>
      %parallel_loop3A_363 = arith.mulf %parallel_loop3A_357, %parallel_loop3A_362 : vector<16xf32>
      %parallel_loop3A_364 = arith.index_cast %parallel_loop3A_131 : i32 to index
      %parallel_loop3A_365 = arith.constant 0 : index
      %parallel_loop3A_366 = tpu.vector_load %arg19[%parallel_loop3A_364, %parallel_loop3A_365] {strides = array<i32>} : memref<32x128xf32, #tpu.memory_space<vmem>>, vector<1x16xf32>,
      %parallel_loop3A_367 = vector.shape_cast %parallel_loop3A_366 : vector<1x16xf32> to vector<16xf32>
      %parallel_loop3A_368 = vector.shape_cast %parallel_loop3A_363 : vector<16xf32> to vector<1x16xf32>
      tpu.vector_store %arg19[%parallel_loop3A_364, %parallel_loop3A_365], %parallel_loop3A_368 {strides = array<i32>} : memref<32x128xf32, #tpu.memory_space<vmem>>, vector<1x16xf32>,
      %parallel_loop3A_369 = arith.constant 2 : i32
      %parallel_loop3A_370 = vector.broadcast %parallel_loop3A_369 : i32 to vector<16xi32>
      %parallel_loop3A_371 = arith.addi %parallel_loop3A_370, %shift_right_logical3A_1 : vector<16xi32>
      %parallel_loop3A_372 = vector.shape_cast %parallel_loop3A_371 : vector<16xi32> to vector<16x1xi32>
      %parallel_loop3A_373 = vector.shape_cast %parallel_loop3A_372 : vector<16x1xi32> to vector<16xi32>
      %parallel_loop3A_374 = tpu.dynamic_gather %parallel_loop3A_340[%parallel_loop3A_373] in [0] : vector<16xf32>, vector<16xi32> -> vector<16xf32>
      %parallel_loop3A_375 = arith.index_cast %parallel_loop3A_131 : i32 to index
      %parallel_loop3A_376 = arith.constant 80 : index
      %parallel_loop3A_377 = tpu.vector_load %arg13[%parallel_loop3A_375, %parallel_loop3A_376] {strides = array<i32>} : memref<32x128xf32, #tpu.memory_space<vmem>>, vector<1x16xf32>,
      %parallel_loop3A_378 = vector.shape_cast %parallel_loop3A_377 : vector<1x16xf32> to vector<16xf32>
      %parallel_loop3A_379 = arith.addf %parallel_loop3A_378, %parallel_loop3A_187 : vector<16xf32>
      %parallel_loop3A_380 = arith.mulf %parallel_loop3A_374, %parallel_loop3A_379 : vector<16xf32>
      %parallel_loop3A_381 = arith.index_cast %parallel_loop3A_131 : i32 to index
      %parallel_loop3A_382 = arith.constant 16 : index
      %parallel_loop3A_383 = tpu.vector_load %arg19[%parallel_loop3A_381, %parallel_loop3A_382] {strides = array<i32>} : memref<32x128xf32, #tpu.memory_space<vmem>>, vector<1x16xf32>,
      %parallel_loop3A_384 = vector.shape_cast %parallel_loop3A_383 : vector<1x16xf32> to vector<16xf32>
      %parallel_loop3A_385 = vector.shape_cast %parallel_loop3A_380 : vector<16xf32> to vector<1x16xf32>
      tpu.vector_store %arg19[%parallel_loop3A_381, %parallel_loop3A_382], %parallel_loop3A_385 {strides = array<i32>} : memref<32x128xf32, #tpu.memory_space<vmem>>, vector<1x16xf32>,
      %parallel_loop3A_386 = arith.constant 4 : i32
      %parallel_loop3A_387 = vector.broadcast %parallel_loop3A_386 : i32 to vector<16xi32>
      %parallel_loop3A_388 = arith.addi %parallel_loop3A_387, %shift_right_logical3A_1 : vector<16xi32>
      %parallel_loop3A_389 = vector.shape_cast %parallel_loop3A_388 : vector<16xi32> to vector<16x1xi32>
      %parallel_loop3A_390 = vector.shape_cast %parallel_loop3A_389 : vector<16x1xi32> to vector<16xi32>
      %parallel_loop3A_391 = tpu.dynamic_gather %parallel_loop3A_340[%parallel_loop3A_390] in [0] : vector<16xf32>, vector<16xi32> -> vector<16xf32>
      %parallel_loop3A_392 = arith.index_cast %parallel_loop3A_131 : i32 to index
      %parallel_loop3A_393 = arith.constant 96 : index
      %parallel_loop3A_394 = tpu.vector_load %arg13[%parallel_loop3A_392, %parallel_loop3A_393] {strides = array<i32>} : memref<32x128xf32, #tpu.memory_space<vmem>>, vector<1x16xf32>,
      %parallel_loop3A_395 = vector.shape_cast %parallel_loop3A_394 : vector<1x16xf32> to vector<16xf32>
      %parallel_loop3A_396 = arith.addf %parallel_loop3A_395, %parallel_loop3A_239 : vector<16xf32>
      %parallel_loop3A_397 = arith.mulf %parallel_loop3A_391, %parallel_loop3A_396 : vector<16xf32>
      %parallel_loop3A_398 = arith.index_cast %parallel_loop3A_131 : i32 to index
      %parallel_loop3A_399 = arith.constant 32 : index
      %parallel_loop3A_400 = tpu.vector_load %arg19[%parallel_loop3A_398, %parallel_loop3A_399] {strides = array<i32>} : memref<32x128xf32, #tpu.memory_space<vmem>>, vector<1x16xf32>,
      %parallel_loop3A_401 = vector.shape_cast %parallel_loop3A_400 : vector<1x16xf32> to vector<16xf32>
      %parallel_loop3A_402 = vector.shape_cast %parallel_loop3A_397 : vector<16xf32> to vector<1x16xf32>
      tpu.vector_store %arg19[%parallel_loop3A_398, %parallel_loop3A_399], %parallel_loop3A_402 {strides = array<i32>} : memref<32x128xf32, #tpu.memory_space<vmem>>, vector<1x16xf32>,
      %parallel_loop3A_403 = arith.constant 6 : i32
      %parallel_loop3A_404 = vector.broadcast %parallel_loop3A_403 : i32 to vector<16xi32>
      %parallel_loop3A_405 = arith.addi %parallel_loop3A_404, %shift_right_logical3A_1 : vector<16xi32>
      %parallel_loop3A_406 = vector.shape_cast %parallel_loop3A_405 : vector<16xi32> to vector<16x1xi32>
      %parallel_loop3A_407 = vector.shape_cast %parallel_loop3A_406 : vector<16x1xi32> to vector<16xi32>
      %parallel_loop3A_408 = tpu.dynamic_gather %parallel_loop3A_340[%parallel_loop3A_407] in [0] : vector<16xf32>, vector<16xi32> -> vector<16xf32>
      %parallel_loop3A_409 = arith.index_cast %parallel_loop3A_131 : i32 to index
      %parallel_loop3A_410 = arith.constant 112 : index
      %parallel_loop3A_411 = tpu.vector_load %arg13[%parallel_loop3A_409, %parallel_loop3A_410] {strides = array<i32>} : memref<32x128xf32, #tpu.memory_space<vmem>>, vector<1x16xf32>,
      %parallel_loop3A_412 = vector.shape_cast %parallel_loop3A_411 : vector<1x16xf32> to vector<16xf32>
      %parallel_loop3A_413 = arith.addf %parallel_loop3A_412, %parallel_loop3A_291 : vector<16xf32>
      %parallel_loop3A_414 = arith.mulf %parallel_loop3A_408, %parallel_loop3A_413 : vector<16xf32>
      %parallel_loop3A_415 = arith.index_cast %parallel_loop3A_131 : i32 to index
      %parallel_loop3A_416 = arith.constant 48 : index
      %parallel_loop3A_417 = tpu.vector_load %arg19[%parallel_loop3A_415, %parallel_loop3A_416] {strides = array<i32>} : memref<32x128xf32, #tpu.memory_space<vmem>>, vector<1x16xf32>,
      %parallel_loop3A_418 = vector.shape_cast %parallel_loop3A_417 : vector<1x16xf32> to vector<16xf32>
      %parallel_loop3A_419 = vector.shape_cast %parallel_loop3A_414 : vector<16xf32> to vector<1x16xf32>
      tpu.vector_store %arg19[%parallel_loop3A_415, %parallel_loop3A_416], %parallel_loop3A_419 {strides = array<i32>} : memref<32x128xf32, #tpu.memory_space<vmem>>, vector<1x16xf32>,
    } {sc.loop_unroll_factor = 2 : i64, sc.parallel_access}
    "tpu.region"() ({
      %run_scoped3A = tpu.sem_alloc : memref<!tpu.dma_semaphore, #tpu.memory_space<semaphore_mem>>
      %dma_start3A_131 = arith.constant 0 : i32
      %dma_start3A_132 = arith.constant 0 : i32
      %dma_start3A_133 = tpu.memref_slice %arg21[%dma_start3A_131, %dma_start3A_132] : memref<10240x128xf32, #tpu.memory_space<vmem_shared>> -> memref<10240x128xf32, #tpu.memory_space<vmem_shared>>
      tpu.enqueue_indirect_dma source(%arg19 : memref<32x128xf32, #tpu.memory_space<vmem>>) target(%dma_start3A_133 : memref<10240x128xf32, #tpu.memory_space<vmem_shared>>) offsets(%arg11 : memref<32xi32, #tpu.memory_space<vmem>>) semaphore(%run_scoped3A : memref<!tpu.dma_semaphore, #tpu.memory_space<semaphore_mem>>) {add = true}
      %dma_wait3A_134 = arith.constant 0 : i32
      %dma_wait3A_135 = arith.constant 0 : i32
      %dma_wait3A_136 = tpu.memref_slice %arg21[%dma_wait3A_134, %dma_wait3A_135] : memref<10240x128xf32, #tpu.memory_space<vmem_shared>> -> memref<10240x128xf32, #tpu.memory_space<vmem_shared>>
      tpu.wait_indirect_dma semaphore(%run_scoped3A : memref<!tpu.dma_semaphore, #tpu.memory_space<semaphore_mem>>) src(%arg19 : memref<32x128xf32, #tpu.memory_space<vmem>>) dst(%dma_wait3A_136 : memref<10240x128xf32, #tpu.memory_space<vmem_shared>>)
      tpu.yield
    }) : () -> ()
    %barrier3A_130 = arith.constant 0 : index
    tpu.barrier barrier_id(%barrier3A_130)
    "tpu.region"() ({
      %run_scoped3A = tpu.sem_alloc : memref<!tpu.dma_semaphore, #tpu.memory_space<semaphore_mem>>
      %dma_start3A_131 = arith.constant 0 : i32
      %dma_start3A_132 = tpu.memref_slice %arg6[%arg0, %mul3A_8, %dma_start3A_131] : memref<2x10240x128xf32, #tpu.memory_space<hbm>> -> memref<1x640x128xf32, #tpu.memory_space<hbm>>
      %dma_start3A_133 = tpu.memref_squeeze %dma_start3A_132 : memref<1x640x128xf32, #tpu.memory_space<hbm>> -> memref<640x128xf32, #tpu.memory_space<hbm>>
      %dma_start3A_134 = arith.constant 0 : i32
      %dma_start3A_135 = tpu.memref_slice %arg21[%mul3A_8, %dma_start3A_134] : memref<10240x128xf32, #tpu.memory_space<vmem_shared>> -> memref<640x128xf32, #tpu.memory_space<vmem_shared>>
      tpu.enqueue_dma source(%dma_start3A_135 : memref<640x128xf32, #tpu.memory_space<vmem_shared>>) target(%dma_start3A_133 : memref<640x128xf32, #tpu.memory_space<hbm>>) target_semaphore(%run_scoped3A : memref<!tpu.dma_semaphore, #tpu.memory_space<semaphore_mem>>)
      %dma_wait3A_136 = arith.constant 0 : i32
      %dma_wait3A_137 = tpu.memref_slice %arg6[%arg0, %mul3A_8, %dma_wait3A_136] : memref<2x10240x128xf32, #tpu.memory_space<hbm>> -> memref<1x640x128xf32, #tpu.memory_space<hbm>>
      %dma_wait3A_138 = tpu.memref_squeeze %dma_wait3A_137 : memref<1x640x128xf32, #tpu.memory_space<hbm>> -> memref<640x128xf32, #tpu.memory_space<hbm>>
      %dma_wait3A_139 = arith.constant 0 : i32
      %dma_wait3A_140 = tpu.memref_slice %arg21[%mul3A_8, %dma_wait3A_139] : memref<10240x128xf32, #tpu.memory_space<vmem_shared>> -> memref<640x128xf32, #tpu.memory_space<vmem_shared>>
      tpu.wait_dma2 semaphore(%run_scoped3A : memref<!tpu.dma_semaphore, #tpu.memory_space<semaphore_mem>>) src(%dma_wait3A_140 : memref<640x128xf32, #tpu.memory_space<vmem_shared>>) dst(%dma_wait3A_138 : memref<640x128xf32, #tpu.memory_space<hbm>>)
      tpu.yield
    }) : () -> ()
    return
  }
}

module attributes {stable_mosaic.version = 14 : i64} {
  func.func @_edge_body(%arg0: i32, %arg1: i32, %arg2: memref<2000x16xf32, #tpu.memory_space<vmem>>, %arg3: memref<1x16x64xf32, #tpu.memory_space<vmem>>, %arg4: memref<1x1x64xf32, #tpu.memory_space<vmem>>, %arg5: memref<1x2000x64xf32, #tpu.memory_space<vmem>>) attributes {dimension_semantics = [#tpu.dimension_semantics<arbitrary>, #tpu.dimension_semantics<arbitrary>], iteration_bounds = array<i64: 2, 160>, scalar_prefetch = 0 : i64, scratch_operands = 0 : i64, tpu.core_type = #tpu.core_type<tc>, window_params = [{transform_indices = @transform_0, window_bounds = array<i64: 2000, 16>}, {transform_indices = @transform_1, window_bounds = array<i64: 1, 16, 64>}, {transform_indices = @transform_2, window_bounds = array<i64: 1, 1, 64>}, {transform_indices = @transform_3, window_bounds = array<i64: 1, 2000, 64>}]} {
    %get3A = arith.constant 0 : index
    %get3A_0 = arith.constant 0 : index
    %get3A_1 = vector.load %arg2[%get3A, %get3A_0] : memref<2000x16xf32, #tpu.memory_space<vmem>>, vector<2000x16xf32>
    %get3A_2 = arith.constant 0 : index
    %get3A_3 = arith.constant 0 : index
    %get3A_4 = arith.constant 0 : index
    %get3A_5 = vector.load %arg3[%get3A_2, %get3A_3, %get3A_4] : memref<1x16x64xf32, #tpu.memory_space<vmem>>, vector<1x16x64xf32>
    %get3A_6 = vector.shape_cast %get3A_5 : vector<1x16x64xf32> to vector<16x64xf32>
    %dot_general3A = arith.constant dense<0.000000e+00> : vector<2000x64xf32>
    %dot_general3A_7 = tpu.matmul %get3A_1, %get3A_6, %dot_general3A {dimension_numbers = #tpu.dot_dimension_numbers<[1], [0], [0], [1], [0, 0, 1, 1], [], []>, precision = #tpu.contract_precision<fp32>, transpose_lhs_hint = false} : vector<2000x16xf32>, vector<16x64xf32>, vector<2000x64xf32> -> vector<2000x64xf32>
    %get3A_8 = arith.constant 0 : index
    %get3A_9 = arith.constant 0 : index
    %get3A_10 = arith.constant 0 : index
    %get3A_11 = vector.load %arg4[%get3A_8, %get3A_9, %get3A_10] : memref<1x1x64xf32, #tpu.memory_space<vmem>>, vector<1x1x64xf32>
    %get3A_12 = vector.shape_cast %get3A_11 : vector<1x1x64xf32> to vector<1x64xf32>
    %add3A = vector.broadcast %get3A_12 : vector<1x64xf32> to vector<2000x64xf32>
    %add3A_13 = arith.addf %dot_general3A_7, %add3A : vector<2000x64xf32>
    %swap3A = arith.constant 0 : index
    %swap3A_14 = arith.constant 0 : index
    %swap3A_15 = arith.constant 0 : index
    %swap3A_16 = vector.load %arg5[%swap3A, %swap3A_14, %swap3A_15] : memref<1x2000x64xf32, #tpu.memory_space<vmem>>, vector<1x2000x64xf32>
    %swap3A_17 = vector.shape_cast %swap3A_16 : vector<1x2000x64xf32> to vector<2000x64xf32>
    %swap3A_18 = vector.shape_cast %add3A_13 : vector<2000x64xf32> to vector<1x2000x64xf32>
    tpu.vector_store %arg5[%swap3A, %swap3A_14, %swap3A_15], %swap3A_18 {strides = array<i32>} : memref<1x2000x64xf32, #tpu.memory_space<vmem>>, vector<1x2000x64xf32>,
    return
  }
  func.func @transform_0(%arg0: i32, %arg1: i32) -> (i32, i32) {
    %c0_i32 = arith.constant 0 : i32
    %c0_i32_0 = arith.constant 0 : i32
    return %arg1, %c0_i32 : i32, i32
  }
  func.func @transform_1(%arg0: i32, %arg1: i32) -> (i32, i32, i32) {
    %c0_i32 = arith.constant 0 : i32
    %c0_i32_0 = arith.constant 0 : i32
    %c0_i32_1 = arith.constant 0 : i32
    return %arg0, %c0_i32, %c0_i32_0 : i32, i32, i32
  }
  func.func @transform_2(%arg0: i32, %arg1: i32) -> (i32, i32, i32) {
    %c0_i32 = arith.constant 0 : i32
    %c0_i32_0 = arith.constant 0 : i32
    %c0_i32_1 = arith.constant 0 : i32
    return %arg0, %c0_i32, %c0_i32_0 : i32, i32, i32
  }
  func.func @transform_3(%arg0: i32, %arg1: i32) -> (i32, i32, i32) {
    %c0_i32 = arith.constant 0 : i32
    %c0_i32_0 = arith.constant 0 : i32
    return %arg0, %arg1, %c0_i32 : i32, i32, i32
  }
}

module attributes {stable_mosaic.version = 14 : i64} {
  func.func @_qxd_body(%arg0: i32, %arg1: memref<1000x128xf32, #tpu.memory_space<vmem>>, %arg2: memref<128x128xf32, #tpu.memory_space<vmem>>, %arg3: memref<1x128xf32, #tpu.memory_space<vmem>>, %arg4: memref<1x128xf32, #tpu.memory_space<vmem>>, %arg5: memref<1x128xf32, #tpu.memory_space<vmem>>, %arg6: memref<128x128xf32, #tpu.memory_space<vmem>>, %arg7: memref<1x128xf32, #tpu.memory_space<vmem>>, %arg8: memref<1000x128xf32, #tpu.memory_space<vmem>>, %arg9: memref<1000x128xf32, #tpu.memory_space<vmem>>) attributes {dimension_semantics = [#tpu.dimension_semantics<arbitrary>], iteration_bounds = array<i64: 10>, scalar_prefetch = 0 : i64, scratch_operands = 0 : i64, tpu.core_type = #tpu.core_type<tc>, window_params = [{transform_indices = @transform_0, window_bounds = array<i64: 1000, 128>}, {pipeline_mode = #tpu.pipeline_mode<synchronous>, transform_indices = @transform_1, window_bounds = array<i64: 128, 128>}, {pipeline_mode = #tpu.pipeline_mode<synchronous>, transform_indices = @transform_2, window_bounds = array<i64: 1, 128>}, {pipeline_mode = #tpu.pipeline_mode<synchronous>, transform_indices = @transform_3, window_bounds = array<i64: 1, 128>}, {pipeline_mode = #tpu.pipeline_mode<synchronous>, transform_indices = @transform_4, window_bounds = array<i64: 1, 128>}, {pipeline_mode = #tpu.pipeline_mode<synchronous>, transform_indices = @transform_5, window_bounds = array<i64: 128, 128>}, {pipeline_mode = #tpu.pipeline_mode<synchronous>, transform_indices = @transform_6, window_bounds = array<i64: 1, 128>}, {transform_indices = @transform_7, window_bounds = array<i64: 1000, 128>}, {transform_indices = @transform_8, window_bounds = array<i64: 1000, 128>}]} {
    %get3A = arith.constant 0 : index
    %get3A_0 = arith.constant 0 : index
    %get3A_1 = vector.load %arg1[%get3A, %get3A_0] : memref<1000x128xf32, #tpu.memory_space<vmem>>, vector<1000x128xf32>
    %get3A_2 = arith.constant 0 : index
    %get3A_3 = arith.constant 0 : index
    %get3A_4 = vector.load %arg2[%get3A_2, %get3A_3] : memref<128x128xf32, #tpu.memory_space<vmem>>, vector<128x128xf32>
    %dot_general3A = arith.constant dense<0.000000e+00> : vector<1000x128xf32>
    %dot_general3A_5 = tpu.matmul %get3A_1, %get3A_4, %dot_general3A {dimension_numbers = #tpu.dot_dimension_numbers<[1], [0], [0], [1], [0, 0, 1, 1], [], []>, precision = #tpu.contract_precision<fp32>, transpose_lhs_hint = false} : vector<1000x128xf32>, vector<128x128xf32>, vector<1000x128xf32> -> vector<1000x128xf32>
    %get3A_6 = arith.constant 0 : index
    %get3A_7 = arith.constant 0 : index
    %get3A_8 = vector.load %arg3[%get3A_6, %get3A_7] : memref<1x128xf32, #tpu.memory_space<vmem>>, vector<1x128xf32>
    %add3A = vector.broadcast %get3A_8 : vector<1x128xf32> to vector<1000x128xf32>
    %add3A_9 = arith.addf %dot_general3A_5, %add3A : vector<1000x128xf32>
    %swap3A = arith.constant 0 : index
    %swap3A_10 = arith.constant 0 : index
    %swap3A_11 = vector.load %arg9[%swap3A, %swap3A_10] : memref<1000x128xf32, #tpu.memory_space<vmem>>, vector<1000x128xf32>
    tpu.vector_store %arg9[%swap3A, %swap3A_10], %add3A_9 {strides = array<i32>} : memref<1000x128xf32, #tpu.memory_space<vmem>>, vector<1000x128xf32>,
    %get3A_12 = arith.constant 0 : index
    %get3A_13 = arith.constant 0 : index
    %get3A_14 = vector.load %arg4[%get3A_12, %get3A_13] : memref<1x128xf32, #tpu.memory_space<vmem>>, vector<1x128xf32>
    %get3A_15 = arith.constant 0 : index
    %get3A_16 = arith.constant 0 : index
    %get3A_17 = vector.load %arg5[%get3A_15, %get3A_16] : memref<1x128xf32, #tpu.memory_space<vmem>>, vector<1x128xf32>
    %reduce_sum3A = arith.constant dense<0.000000e+00> : vector<1000xf32>
    %reduce_sum3A_18 = vector.multi_reduction <add>, %add3A_9, %reduce_sum3A [1] : vector<1000x128xf32> to vector<1000xf32>
    %broadcast_in_dim3A = vector.shape_cast %reduce_sum3A_18 : vector<1000xf32> to vector<1000x1xf32>
    %div3A = arith.constant 1.280000e+02 : f32
    %div3A_19 = vector.broadcast %div3A : f32 to vector<1000x1xf32>
    %div3A_20 = arith.divf %broadcast_in_dim3A, %div3A_19 : vector<1000x1xf32>
    %sub3A = vector.broadcast %div3A_20 : vector<1000x1xf32> to vector<1000x128xf32>
    %sub3A_21 = arith.subf %add3A_9, %sub3A : vector<1000x128xf32>
    %sub3A_22 = vector.broadcast %div3A_20 : vector<1000x1xf32> to vector<1000x128xf32>
    %sub3A_23 = arith.subf %add3A_9, %sub3A_22 : vector<1000x128xf32>
    %mul3A = arith.mulf %sub3A_21, %sub3A_23 : vector<1000x128xf32>
    %reduce_sum3A_24 = arith.constant dense<0.000000e+00> : vector<1000xf32>
    %reduce_sum3A_25 = vector.multi_reduction <add>, %mul3A, %reduce_sum3A_24 [1] : vector<1000x128xf32> to vector<1000xf32>
    %broadcast_in_dim3A_26 = vector.shape_cast %reduce_sum3A_25 : vector<1000xf32> to vector<1000x1xf32>
    %div3A_27 = arith.constant 1.280000e+02 : f32
    %div3A_28 = vector.broadcast %div3A_27 : f32 to vector<1000x1xf32>
    %div3A_29 = arith.divf %broadcast_in_dim3A_26, %div3A_28 : vector<1000x1xf32>
    %sub3A_30 = vector.broadcast %div3A_20 : vector<1000x1xf32> to vector<1000x128xf32>
    %sub3A_31 = arith.subf %add3A_9, %sub3A_30 : vector<1000x128xf32>
    %add3A_32 = arith.constant 9.99999974E-6 : f32
    %add3A_33 = vector.broadcast %add3A_32 : f32 to vector<1000x1xf32>
    %add3A_34 = arith.addf %div3A_29, %add3A_33 : vector<1000x1xf32>
    %rsqrt3A = math.rsqrt %add3A_34 : vector<1000x1xf32>
    %mul3A_35 = vector.broadcast %rsqrt3A : vector<1000x1xf32> to vector<1000x128xf32>
    %mul3A_36 = arith.mulf %sub3A_31, %mul3A_35 : vector<1000x128xf32>
    %mul3A_37 = vector.broadcast %get3A_14 : vector<1x128xf32> to vector<1000x128xf32>
    %mul3A_38 = arith.mulf %mul3A_36, %mul3A_37 : vector<1000x128xf32>
    %add3A_39 = vector.broadcast %get3A_17 : vector<1x128xf32> to vector<1000x128xf32>
    %add3A_40 = arith.addf %mul3A_38, %add3A_39 : vector<1000x128xf32>
    %get3A_41 = arith.constant 0 : index
    %get3A_42 = arith.constant 0 : index
    %get3A_43 = vector.load %arg6[%get3A_41, %get3A_42] : memref<128x128xf32, #tpu.memory_space<vmem>>, vector<128x128xf32>
    %dot_general3A_44 = arith.constant dense<0.000000e+00> : vector<1000x128xf32>
    %dot_general3A_45 = tpu.matmul %add3A_40, %get3A_43, %dot_general3A_44 {dimension_numbers = #tpu.dot_dimension_numbers<[1], [0], [0], [1], [0, 0, 1, 1], [], []>, precision = #tpu.contract_precision<fp32>, transpose_lhs_hint = false} : vector<1000x128xf32>, vector<128x128xf32>, vector<1000x128xf32> -> vector<1000x128xf32>
    %get3A_46 = arith.constant 0 : index
    %get3A_47 = arith.constant 0 : index
    %get3A_48 = vector.load %arg7[%get3A_46, %get3A_47] : memref<1x128xf32, #tpu.memory_space<vmem>>, vector<1x128xf32>
    %add3A_49 = vector.broadcast %get3A_48 : vector<1x128xf32> to vector<1000x128xf32>
    %add3A_50 = arith.addf %dot_general3A_45, %add3A_49 : vector<1000x128xf32>
    %mul3A_51 = arith.constant 0.353553385 : f32
    %mul3A_52 = vector.broadcast %mul3A_51 : f32 to vector<1000x128xf32>
    %mul3A_53 = arith.mulf %add3A_50, %mul3A_52 : vector<1000x128xf32>
    %swap3A_54 = arith.constant 0 : index
    %swap3A_55 = arith.constant 0 : index
    %swap3A_56 = vector.load %arg8[%swap3A_54, %swap3A_55] : memref<1000x128xf32, #tpu.memory_space<vmem>>, vector<1000x128xf32>
    tpu.vector_store %arg8[%swap3A_54, %swap3A_55], %mul3A_53 {strides = array<i32>} : memref<1000x128xf32, #tpu.memory_space<vmem>>, vector<1000x128xf32>,
    return
  }
  func.func @transform_0(%arg0: i32) -> (i32, i32) {
    %c0_i32 = arith.constant 0 : i32
    %c0_i32_0 = arith.constant 0 : i32
    return %arg0, %c0_i32 : i32, i32
  }
  func.func @transform_1(%arg0: i32) -> (i32, i32) {
    %c0_i32 = arith.constant 0 : i32
    %c0_i32_0 = arith.constant 0 : i32
    %c0_i32_1 = arith.constant 0 : i32
    return %c0_i32, %c0_i32_0 : i32, i32
  }
  func.func @transform_2(%arg0: i32) -> (i32, i32) {
    %c0_i32 = arith.constant 0 : i32
    %c0_i32_0 = arith.constant 0 : i32
    %c0_i32_1 = arith.constant 0 : i32
    return %c0_i32, %c0_i32_0 : i32, i32
  }
  func.func @transform_3(%arg0: i32) -> (i32, i32) {
    %c0_i32 = arith.constant 0 : i32
    %c0_i32_0 = arith.constant 0 : i32
    %c0_i32_1 = arith.constant 0 : i32
    return %c0_i32, %c0_i32_0 : i32, i32
  }
  func.func @transform_4(%arg0: i32) -> (i32, i32) {
    %c0_i32 = arith.constant 0 : i32
    %c0_i32_0 = arith.constant 0 : i32
    %c0_i32_1 = arith.constant 0 : i32
    return %c0_i32, %c0_i32_0 : i32, i32
  }
  func.func @transform_5(%arg0: i32) -> (i32, i32) {
    %c0_i32 = arith.constant 0 : i32
    %c0_i32_0 = arith.constant 0 : i32
    %c0_i32_1 = arith.constant 0 : i32
    return %c0_i32, %c0_i32_0 : i32, i32
  }
  func.func @transform_6(%arg0: i32) -> (i32, i32) {
    %c0_i32 = arith.constant 0 : i32
    %c0_i32_0 = arith.constant 0 : i32
    %c0_i32_1 = arith.constant 0 : i32
    return %c0_i32, %c0_i32_0 : i32, i32
  }
  func.func @transform_7(%arg0: i32) -> (i32, i32) {
    %c0_i32 = arith.constant 0 : i32
    %c0_i32_0 = arith.constant 0 : i32
    return %arg0, %c0_i32 : i32, i32
  }
  func.func @transform_8(%arg0: i32) -> (i32, i32) {
    %c0_i32 = arith.constant 0 : i32
    %c0_i32_0 = arith.constant 0 : i32
    return %arg0, %c0_i32 : i32, i32
  }
}

module attributes {stable_mosaic.version = 14 : i64} {
  func.func @_kv_body(%arg0: i32, %arg1: i32, %arg2: memref<1000x128xf32, #tpu.memory_space<vmem>>, %arg3: memref<1x128xf32, #tpu.memory_space<vmem>>, %arg4: memref<1x128xf32, #tpu.memory_space<vmem>>, %arg5: memref<128x128xf32, #tpu.memory_space<vmem>>, %arg6: memref<1x128xf32, #tpu.memory_space<vmem>>, %arg7: memref<128x128xf32, #tpu.memory_space<vmem>>, %arg8: memref<1x128xf32, #tpu.memory_space<vmem>>, %arg9: memref<1000x128xf32, #tpu.memory_space<vmem>>) attributes {dimension_semantics = [#tpu.dimension_semantics<arbitrary>, #tpu.dimension_semantics<arbitrary>], iteration_bounds = array<i64: 2, 10>, scalar_prefetch = 0 : i64, scratch_operands = 0 : i64, tpu.core_type = #tpu.core_type<tc>, window_params = [{transform_indices = @transform_0, window_bounds = array<i64: 1000, 128>}, {pipeline_mode = #tpu.pipeline_mode<synchronous>, transform_indices = @transform_1, window_bounds = array<i64: 1, 128>}, {pipeline_mode = #tpu.pipeline_mode<synchronous>, transform_indices = @transform_2, window_bounds = array<i64: 1, 128>}, {pipeline_mode = #tpu.pipeline_mode<synchronous>, transform_indices = @transform_3, window_bounds = array<i64: 128, 128>}, {pipeline_mode = #tpu.pipeline_mode<synchronous>, transform_indices = @transform_4, window_bounds = array<i64: 1, 128>}, {pipeline_mode = #tpu.pipeline_mode<synchronous>, transform_indices = @transform_5, window_bounds = array<i64: 128, 128>}, {pipeline_mode = #tpu.pipeline_mode<synchronous>, transform_indices = @transform_6, window_bounds = array<i64: 1, 128>}, {transform_indices = @transform_7, window_bounds = array<i64: 1000, 128>}]} {
    %get3A = arith.constant 0 : index
    %get3A_0 = arith.constant 0 : index
    %get3A_1 = vector.load %arg2[%get3A, %get3A_0] : memref<1000x128xf32, #tpu.memory_space<vmem>>, vector<1000x128xf32>
    %get3A_2 = arith.constant 0 : index
    %get3A_3 = arith.constant 0 : index
    %get3A_4 = vector.load %arg3[%get3A_2, %get3A_3] : memref<1x128xf32, #tpu.memory_space<vmem>>, vector<1x128xf32>
    %get3A_5 = arith.constant 0 : index
    %get3A_6 = arith.constant 0 : index
    %get3A_7 = vector.load %arg4[%get3A_5, %get3A_6] : memref<1x128xf32, #tpu.memory_space<vmem>>, vector<1x128xf32>
    %reduce_sum3A = arith.constant dense<0.000000e+00> : vector<1000xf32>
    %reduce_sum3A_8 = vector.multi_reduction <add>, %get3A_1, %reduce_sum3A [1] : vector<1000x128xf32> to vector<1000xf32>
    %broadcast_in_dim3A = vector.shape_cast %reduce_sum3A_8 : vector<1000xf32> to vector<1000x1xf32>
    %div3A = arith.constant 1.280000e+02 : f32
    %div3A_9 = vector.broadcast %div3A : f32 to vector<1000x1xf32>
    %div3A_10 = arith.divf %broadcast_in_dim3A, %div3A_9 : vector<1000x1xf32>
    %sub3A = vector.broadcast %div3A_10 : vector<1000x1xf32> to vector<1000x128xf32>
    %sub3A_11 = arith.subf %get3A_1, %sub3A : vector<1000x128xf32>
    %sub3A_12 = vector.broadcast %div3A_10 : vector<1000x1xf32> to vector<1000x128xf32>
    %sub3A_13 = arith.subf %get3A_1, %sub3A_12 : vector<1000x128xf32>
    %mul3A = arith.mulf %sub3A_11, %sub3A_13 : vector<1000x128xf32>
    %reduce_sum3A_14 = arith.constant dense<0.000000e+00> : vector<1000xf32>
    %reduce_sum3A_15 = vector.multi_reduction <add>, %mul3A, %reduce_sum3A_14 [1] : vector<1000x128xf32> to vector<1000xf32>
    %broadcast_in_dim3A_16 = vector.shape_cast %reduce_sum3A_15 : vector<1000xf32> to vector<1000x1xf32>
    %div3A_17 = arith.constant 1.280000e+02 : f32
    %div3A_18 = vector.broadcast %div3A_17 : f32 to vector<1000x1xf32>
    %div3A_19 = arith.divf %broadcast_in_dim3A_16, %div3A_18 : vector<1000x1xf32>
    %sub3A_20 = vector.broadcast %div3A_10 : vector<1000x1xf32> to vector<1000x128xf32>
    %sub3A_21 = arith.subf %get3A_1, %sub3A_20 : vector<1000x128xf32>
    %add3A = arith.constant 9.99999974E-6 : f32
    %add3A_22 = vector.broadcast %add3A : f32 to vector<1000x1xf32>
    %add3A_23 = arith.addf %div3A_19, %add3A_22 : vector<1000x1xf32>
    %rsqrt3A = math.rsqrt %add3A_23 : vector<1000x1xf32>
    %mul3A_24 = vector.broadcast %rsqrt3A : vector<1000x1xf32> to vector<1000x128xf32>
    %mul3A_25 = arith.mulf %sub3A_21, %mul3A_24 : vector<1000x128xf32>
    %mul3A_26 = vector.broadcast %get3A_4 : vector<1x128xf32> to vector<1000x128xf32>
    %mul3A_27 = arith.mulf %mul3A_25, %mul3A_26 : vector<1000x128xf32>
    %add3A_28 = vector.broadcast %get3A_7 : vector<1x128xf32> to vector<1000x128xf32>
    %add3A_29 = arith.addf %mul3A_27, %add3A_28 : vector<1000x128xf32>
    %get3A_30 = arith.constant 0 : index
    %get3A_31 = arith.constant 0 : index
    %get3A_32 = vector.load %arg5[%get3A_30, %get3A_31] : memref<128x128xf32, #tpu.memory_space<vmem>>, vector<128x128xf32>
    %dot_general3A = arith.constant dense<0.000000e+00> : vector<1000x128xf32>
    %dot_general3A_33 = tpu.matmul %add3A_29, %get3A_32, %dot_general3A {dimension_numbers = #tpu.dot_dimension_numbers<[1], [0], [0], [1], [0, 0, 1, 1], [], []>, precision = #tpu.contract_precision<fp32>, transpose_lhs_hint = false} : vector<1000x128xf32>, vector<128x128xf32>, vector<1000x128xf32> -> vector<1000x128xf32>
    %get3A_34 = arith.constant 0 : index
    %get3A_35 = arith.constant 0 : index
    %get3A_36 = vector.load %arg6[%get3A_34, %get3A_35] : memref<1x128xf32, #tpu.memory_space<vmem>>, vector<1x128xf32>
    %add3A_37 = vector.broadcast %get3A_36 : vector<1x128xf32> to vector<1000x128xf32>
    %add3A_38 = arith.addf %dot_general3A_33, %add3A_37 : vector<1000x128xf32>
    %get3A_39 = arith.constant 0 : index
    %get3A_40 = arith.constant 0 : index
    %get3A_41 = vector.load %arg7[%get3A_39, %get3A_40] : memref<128x128xf32, #tpu.memory_space<vmem>>, vector<128x128xf32>
    %dot_general3A_42 = arith.constant dense<0.000000e+00> : vector<1000x128xf32>
    %dot_general3A_43 = tpu.matmul %add3A_29, %get3A_41, %dot_general3A_42 {dimension_numbers = #tpu.dot_dimension_numbers<[1], [0], [0], [1], [0, 0, 1, 1], [], []>, precision = #tpu.contract_precision<fp32>, transpose_lhs_hint = false} : vector<1000x128xf32>, vector<128x128xf32>, vector<1000x128xf32> -> vector<1000x128xf32>
    %get3A_44 = arith.constant 0 : index
    %get3A_45 = arith.constant 0 : index
    %get3A_46 = vector.load %arg8[%get3A_44, %get3A_45] : memref<1x128xf32, #tpu.memory_space<vmem>>, vector<1x128xf32>
    %add3A_47 = vector.broadcast %get3A_46 : vector<1x128xf32> to vector<1000x128xf32>
    %add3A_48 = arith.addf %dot_general3A_43, %add3A_47 : vector<1000x128xf32>
    %slice3A = vector.extract_strided_slice %add3A_38 {offsets = [0, 0], sizes = [1000, 64], strides = [1, 1]} : vector<1000x128xf32> to vector<1000x64xf32>
    %slice3A_49 = vector.extract_strided_slice %add3A_48 {offsets = [0, 0], sizes = [1000, 64], strides = [1, 1]} : vector<1000x128xf32> to vector<1000x64xf32>
    %concatenate3A = tpu.concatenate %slice3A, %slice3A_49 in 1 : vector<1000x64xf32>, vector<1000x64xf32> -> vector<1000x128xf32>
    %slice3A_50 = vector.extract_strided_slice %add3A_38 {offsets = [0, 64], sizes = [1000, 64], strides = [1, 1]} : vector<1000x128xf32> to vector<1000x64xf32>
    %slice3A_51 = vector.extract_strided_slice %add3A_48 {offsets = [0, 64], sizes = [1000, 64], strides = [1, 1]} : vector<1000x128xf32> to vector<1000x64xf32>
    %concatenate3A_52 = tpu.concatenate %slice3A_50, %slice3A_51 in 1 : vector<1000x64xf32>, vector<1000x64xf32> -> vector<1000x128xf32>
    %eq3A = arith.constant 0 : i32
    %eq3A_53 = arith.cmpi eq, %arg0, %eq3A : i32
    %select_n3A = arith.select %eq3A_53, %concatenate3A, %concatenate3A_52 : vector<1000x128xf32>
    %swap3A = arith.constant 0 : index
    %swap3A_54 = arith.constant 0 : index
    %swap3A_55 = vector.load %arg9[%swap3A, %swap3A_54] : memref<1000x128xf32, #tpu.memory_space<vmem>>, vector<1000x128xf32>
    tpu.vector_store %arg9[%swap3A, %swap3A_54], %select_n3A {strides = array<i32>} : memref<1000x128xf32, #tpu.memory_space<vmem>>, vector<1000x128xf32>,
    return
  }
  func.func @transform_0(%arg0: i32, %arg1: i32) -> (i32, i32) {
    %c0_i32 = arith.constant 0 : i32
    %c0_i32_0 = arith.constant 0 : i32
    return %arg1, %c0_i32 : i32, i32
  }
  func.func @transform_1(%arg0: i32, %arg1: i32) -> (i32, i32) {
    %c0_i32 = arith.constant 0 : i32
    %c0_i32_0 = arith.constant 0 : i32
    %c0_i32_1 = arith.constant 0 : i32
    return %c0_i32, %c0_i32_0 : i32, i32
  }
  func.func @transform_2(%arg0: i32, %arg1: i32) -> (i32, i32) {
    %c0_i32 = arith.constant 0 : i32
    %c0_i32_0 = arith.constant 0 : i32
    %c0_i32_1 = arith.constant 0 : i32
    return %c0_i32, %c0_i32_0 : i32, i32
  }
  func.func @transform_3(%arg0: i32, %arg1: i32) -> (i32, i32) {
    %c0_i32 = arith.constant 0 : i32
    %c0_i32_0 = arith.constant 0 : i32
    %c0_i32_1 = arith.constant 0 : i32
    return %c0_i32, %c0_i32_0 : i32, i32
  }
  func.func @transform_4(%arg0: i32, %arg1: i32) -> (i32, i32) {
    %c0_i32 = arith.constant 0 : i32
    %c0_i32_0 = arith.constant 0 : i32
    %c0_i32_1 = arith.constant 0 : i32
    return %c0_i32, %c0_i32_0 : i32, i32
  }
  func.func @transform_5(%arg0: i32, %arg1: i32) -> (i32, i32) {
    %c0_i32 = arith.constant 0 : i32
    %c0_i32_0 = arith.constant 0 : i32
    %c0_i32_1 = arith.constant 0 : i32
    return %c0_i32, %c0_i32_0 : i32, i32
  }
  func.func @transform_6(%arg0: i32, %arg1: i32) -> (i32, i32) {
    %c0_i32 = arith.constant 0 : i32
    %c0_i32_0 = arith.constant 0 : i32
    %c0_i32_1 = arith.constant 0 : i32
    return %c0_i32, %c0_i32_0 : i32, i32
  }
  func.func @transform_7(%arg0: i32, %arg1: i32) -> (i32, i32) {
    %mul3A = arith.constant 10 : i32
    %mul3A_0 = arith.muli %arg0, %mul3A : i32
    %add3A = arith.addi %mul3A_0, %arg1 : i32
    %c0_i32 = arith.constant 0 : i32
    %c0_i32_1 = arith.constant 0 : i32
    return %add3A, %c0_i32 : i32, i32
  }
}

module attributes {stable_mosaic.version = 14 : i64} {
  func.func @_post_body(%arg0: i32, %arg1: memref<2x1000x128xf32, #tpu.memory_space<vmem>>, %arg2: memref<1000x128xf32, #tpu.memory_space<vmem>>, %arg3: memref<128x16xf32, #tpu.memory_space<vmem>>, %arg4: memref<128x16xf32, #tpu.memory_space<vmem>>, %arg5: memref<16x128xf32, #tpu.memory_space<vmem>>, %arg6: memref<128x128xf32, #tpu.memory_space<vmem>>, %arg7: memref<1x128xf32, #tpu.memory_space<vmem>>, %arg8: memref<1x128xf32, #tpu.memory_space<vmem>>, %arg9: memref<1x128xf32, #tpu.memory_space<vmem>>, %arg10: memref<128x512xf32, #tpu.memory_space<vmem>>, %arg11: memref<1x512xf32, #tpu.memory_space<vmem>>, %arg12: memref<512x128xf32, #tpu.memory_space<vmem>>, %arg13: memref<1x128xf32, #tpu.memory_space<vmem>>, %arg14: memref<1000x128xf32, #tpu.memory_space<vmem>>) attributes {dimension_semantics = [#tpu.dimension_semantics<arbitrary>], iteration_bounds = array<i64: 10>, scalar_prefetch = 0 : i64, scratch_operands = 0 : i64, tpu.core_type = #tpu.core_type<tc>, window_params = [{transform_indices = @transform_0, window_bounds = array<i64: 2, 1000, 128>}, {transform_indices = @transform_1, window_bounds = array<i64: 1000, 128>}, {pipeline_mode = #tpu.pipeline_mode<synchronous>, transform_indices = @transform_2, window_bounds = array<i64: 128, 16>}, {pipeline_mode = #tpu.pipeline_mode<synchronous>, transform_indices = @transform_3, window_bounds = array<i64: 128, 16>}, {pipeline_mode = #tpu.pipeline_mode<synchronous>, transform_indices = @transform_4, window_bounds = array<i64: 16, 128>}, {pipeline_mode = #tpu.pipeline_mode<synchronous>, transform_indices = @transform_5, window_bounds = array<i64: 128, 128>}, {pipeline_mode = #tpu.pipeline_mode<synchronous>, transform_indices = @transform_6, window_bounds = array<i64: 1, 128>}, {pipeline_mode = #tpu.pipeline_mode<synchronous>, transform_indices = @transform_7, window_bounds = array<i64: 1, 128>}, {pipeline_mode = #tpu.pipeline_mode<synchronous>, transform_indices = @transform_8, window_bounds = array<i64: 1, 128>}, {pipeline_mode = #tpu.pipeline_mode<synchronous>, transform_indices = @transform_9, window_bounds = array<i64: 128, 512>}, {pipeline_mode = #tpu.pipeline_mode<synchronous>, transform_indices = @transform_10, window_bounds = array<i64: 1, 512>}, {pipeline_mode = #tpu.pipeline_mode<synchronous>, transform_indices = @transform_11, window_bounds = array<i64: 512, 128>}, {pipeline_mode = #tpu.pipeline_mode<synchronous>, transform_indices = @transform_12, window_bounds = array<i64: 1, 128>}, {transform_indices = @transform_13, window_bounds = array<i64: 1000, 128>}]} {
    %get3A = arith.constant 0 : index
    %get3A_0 = arith.constant 0 : index
    %get3A_1 = arith.constant 0 : index
    %get3A_2 = vector.load %arg1[%get3A, %get3A_0, %get3A_1] : memref<2x1000x128xf32, #tpu.memory_space<vmem>>, vector<1x1000x128xf32>
    %get3A_3 = vector.shape_cast %get3A_2 : vector<1x1000x128xf32> to vector<1000x128xf32>
    %get3A_4 = arith.constant 1 : index
    %get3A_5 = arith.constant 0 : index
    %get3A_6 = arith.constant 0 : index
    %get3A_7 = vector.load %arg1[%get3A_4, %get3A_5, %get3A_6] : memref<2x1000x128xf32, #tpu.memory_space<vmem>>, vector<1x1000x128xf32>
    %get3A_8 = vector.shape_cast %get3A_7 : vector<1x1000x128xf32> to vector<1000x128xf32>
    %slice3A = vector.extract_strided_slice %get3A_3 {offsets = [0, 0], sizes = [1000, 64], strides = [1, 1]} : vector<1000x128xf32> to vector<1000x64xf32>
    %slice3A_9 = vector.extract_strided_slice %get3A_8 {offsets = [0, 0], sizes = [1000, 64], strides = [1, 1]} : vector<1000x128xf32> to vector<1000x64xf32>
    %concatenate3A = tpu.concatenate %slice3A, %slice3A_9 in 1 : vector<1000x64xf32>, vector<1000x64xf32> -> vector<1000x128xf32>
    %get3A_10 = arith.constant 0 : index
    %get3A_11 = arith.constant 0 : index
    %get3A_12 = vector.load %arg3[%get3A_10, %get3A_11] : memref<128x16xf32, #tpu.memory_space<vmem>>, vector<128x16xf32>
    %dot_general3A = arith.constant dense<0.000000e+00> : vector<1000x16xf32>
    %dot_general3A_13 = tpu.matmul %get3A_3, %get3A_12, %dot_general3A {dimension_numbers = #tpu.dot_dimension_numbers<[1], [0], [0], [1], [0, 0, 1, 1], [], []>, precision = #tpu.contract_precision<fp32>, transpose_lhs_hint = false} : vector<1000x128xf32>, vector<128x16xf32>, vector<1000x16xf32> -> vector<1000x16xf32>
    %get3A_14 = arith.constant 0 : index
    %get3A_15 = arith.constant 0 : index
    %get3A_16 = vector.load %arg4[%get3A_14, %get3A_15] : memref<128x16xf32, #tpu.memory_space<vmem>>, vector<128x16xf32>
    %dot_general3A_17 = arith.constant dense<0.000000e+00> : vector<1000x16xf32>
    %dot_general3A_18 = tpu.matmul %get3A_8, %get3A_16, %dot_general3A_17 {dimension_numbers = #tpu.dot_dimension_numbers<[1], [0], [0], [1], [0, 0, 1, 1], [], []>, precision = #tpu.contract_precision<fp32>, transpose_lhs_hint = false} : vector<1000x128xf32>, vector<128x16xf32>, vector<1000x16xf32> -> vector<1000x16xf32>
    %add3A = arith.addf %dot_general3A_13, %dot_general3A_18 : vector<1000x16xf32>
    %add3A_19 = arith.constant 1.000000e-16 : f32
    %add3A_20 = vector.broadcast %add3A_19 : f32 to vector<1000x16xf32>
    %add3A_21 = arith.addf %add3A, %add3A_20 : vector<1000x16xf32>
    %div3A = arith.constant 1.000000e+00 : f32
    %div3A_22 = vector.broadcast %div3A : f32 to vector<1000x16xf32>
    %div3A_23 = arith.divf %div3A_22, %add3A_21 : vector<1000x16xf32>
    %get3A_24 = arith.constant 0 : index
    %get3A_25 = arith.constant 0 : index
    %get3A_26 = vector.load %arg5[%get3A_24, %get3A_25] : memref<16x128xf32, #tpu.memory_space<vmem>>, vector<16x128xf32>
    %dot_general3A_27 = arith.constant dense<0.000000e+00> : vector<1000x128xf32>
    %dot_general3A_28 = tpu.matmul %div3A_23, %get3A_26, %dot_general3A_27 {dimension_numbers = #tpu.dot_dimension_numbers<[1], [0], [0], [1], [0, 0, 1, 1], [], []>, precision = #tpu.contract_precision<fp32>, transpose_lhs_hint = false} : vector<1000x16xf32>, vector<16x128xf32>, vector<1000x128xf32> -> vector<1000x128xf32>
    %mul3A = arith.mulf %concatenate3A, %dot_general3A_28 : vector<1000x128xf32>
    %get3A_29 = arith.constant 0 : index
    %get3A_30 = arith.constant 0 : index
    %get3A_31 = vector.load %arg6[%get3A_29, %get3A_30] : memref<128x128xf32, #tpu.memory_space<vmem>>, vector<128x128xf32>
    %dot_general3A_32 = arith.constant dense<0.000000e+00> : vector<1000x128xf32>
    %dot_general3A_33 = tpu.matmul %mul3A, %get3A_31, %dot_general3A_32 {dimension_numbers = #tpu.dot_dimension_numbers<[1], [0], [0], [1], [0, 0, 1, 1], [], []>, precision = #tpu.contract_precision<fp32>, transpose_lhs_hint = false} : vector<1000x128xf32>, vector<128x128xf32>, vector<1000x128xf32> -> vector<1000x128xf32>
    %get3A_34 = arith.constant 0 : index
    %get3A_35 = arith.constant 0 : index
    %get3A_36 = vector.load %arg7[%get3A_34, %get3A_35] : memref<1x128xf32, #tpu.memory_space<vmem>>, vector<1x128xf32>
    %add3A_37 = vector.broadcast %get3A_36 : vector<1x128xf32> to vector<1000x128xf32>
    %add3A_38 = arith.addf %dot_general3A_33, %add3A_37 : vector<1000x128xf32>
    %get3A_39 = arith.constant 0 : index
    %get3A_40 = arith.constant 0 : index
    %get3A_41 = vector.load %arg2[%get3A_39, %get3A_40] : memref<1000x128xf32, #tpu.memory_space<vmem>>, vector<1000x128xf32>
    %add3A_42 = arith.addf %add3A_38, %get3A_41 : vector<1000x128xf32>
    %get3A_43 = arith.constant 0 : index
    %get3A_44 = arith.constant 0 : index
    %get3A_45 = vector.load %arg8[%get3A_43, %get3A_44] : memref<1x128xf32, #tpu.memory_space<vmem>>, vector<1x128xf32>
    %get3A_46 = arith.constant 0 : index
    %get3A_47 = arith.constant 0 : index
    %get3A_48 = vector.load %arg9[%get3A_46, %get3A_47] : memref<1x128xf32, #tpu.memory_space<vmem>>, vector<1x128xf32>
    %reduce_sum3A = arith.constant dense<0.000000e+00> : vector<1000xf32>
    %reduce_sum3A_49 = vector.multi_reduction <add>, %add3A_42, %reduce_sum3A [1] : vector<1000x128xf32> to vector<1000xf32>
    %broadcast_in_dim3A = vector.shape_cast %reduce_sum3A_49 : vector<1000xf32> to vector<1000x1xf32>
    %div3A_50 = arith.constant 1.280000e+02 : f32
    %div3A_51 = vector.broadcast %div3A_50 : f32 to vector<1000x1xf32>
    %div3A_52 = arith.divf %broadcast_in_dim3A, %div3A_51 : vector<1000x1xf32>
    %sub3A = vector.broadcast %div3A_52 : vector<1000x1xf32> to vector<1000x128xf32>
    %sub3A_53 = arith.subf %add3A_42, %sub3A : vector<1000x128xf32>
    %sub3A_54 = vector.broadcast %div3A_52 : vector<1000x1xf32> to vector<1000x128xf32>
    %sub3A_55 = arith.subf %add3A_42, %sub3A_54 : vector<1000x128xf32>
    %mul3A_56 = arith.mulf %sub3A_53, %sub3A_55 : vector<1000x128xf32>
    %reduce_sum3A_57 = arith.constant dense<0.000000e+00> : vector<1000xf32>
    %reduce_sum3A_58 = vector.multi_reduction <add>, %mul3A_56, %reduce_sum3A_57 [1] : vector<1000x128xf32> to vector<1000xf32>
    %broadcast_in_dim3A_59 = vector.shape_cast %reduce_sum3A_58 : vector<1000xf32> to vector<1000x1xf32>
    %div3A_60 = arith.constant 1.280000e+02 : f32
    %div3A_61 = vector.broadcast %div3A_60 : f32 to vector<1000x1xf32>
    %div3A_62 = arith.divf %broadcast_in_dim3A_59, %div3A_61 : vector<1000x1xf32>
    %sub3A_63 = vector.broadcast %div3A_52 : vector<1000x1xf32> to vector<1000x128xf32>
    %sub3A_64 = arith.subf %add3A_42, %sub3A_63 : vector<1000x128xf32>
    %add3A_65 = arith.constant 9.99999974E-6 : f32
    %add3A_66 = vector.broadcast %add3A_65 : f32 to vector<1000x1xf32>
    %add3A_67 = arith.addf %div3A_62, %add3A_66 : vector<1000x1xf32>
    %rsqrt3A = math.rsqrt %add3A_67 : vector<1000x1xf32>
    %mul3A_68 = vector.broadcast %rsqrt3A : vector<1000x1xf32> to vector<1000x128xf32>
    %mul3A_69 = arith.mulf %sub3A_64, %mul3A_68 : vector<1000x128xf32>
    %mul3A_70 = vector.broadcast %get3A_45 : vector<1x128xf32> to vector<1000x128xf32>
    %mul3A_71 = arith.mulf %mul3A_69, %mul3A_70 : vector<1000x128xf32>
    %add3A_72 = vector.broadcast %get3A_48 : vector<1x128xf32> to vector<1000x128xf32>
    %add3A_73 = arith.addf %mul3A_71, %add3A_72 : vector<1000x128xf32>
    %get3A_74 = arith.constant 0 : index
    %get3A_75 = arith.constant 0 : index
    %get3A_76 = vector.load %arg10[%get3A_74, %get3A_75] : memref<128x512xf32, #tpu.memory_space<vmem>>, vector<128x512xf32>
    %dot_general3A_77 = arith.constant dense<0.000000e+00> : vector<1000x512xf32>
    %dot_general3A_78 = tpu.matmul %add3A_73, %get3A_76, %dot_general3A_77 {dimension_numbers = #tpu.dot_dimension_numbers<[1], [0], [0], [1], [0, 0, 1, 1], [], []>, precision = #tpu.contract_precision<fp32>, transpose_lhs_hint = false} : vector<1000x128xf32>, vector<128x512xf32>, vector<1000x512xf32> -> vector<1000x512xf32>
    %get3A_79 = arith.constant 0 : index
    %get3A_80 = arith.constant 0 : index
    %get3A_81 = vector.load %arg11[%get3A_79, %get3A_80] : memref<1x512xf32, #tpu.memory_space<vmem>>, vector<1x512xf32>
    %add3A_82 = vector.broadcast %get3A_81 : vector<1x512xf32> to vector<1000x512xf32>
    %add3A_83 = arith.addf %dot_general3A_78, %add3A_82 : vector<1000x512xf32>
    %integer_pow3A = arith.mulf %add3A_83, %add3A_83 : vector<1000x512xf32>
    %integer_pow3A_84 = arith.mulf %add3A_83, %integer_pow3A : vector<1000x512xf32>
    %mul3A_85 = arith.constant 4.471500e-02 : f32
    %mul3A_86 = vector.broadcast %mul3A_85 : f32 to vector<1000x512xf32>
    %mul3A_87 = arith.mulf %mul3A_86, %integer_pow3A_84 : vector<1000x512xf32>
    %add3A_88 = arith.addf %add3A_83, %mul3A_87 : vector<1000x512xf32>
    %mul3A_89 = arith.constant 0.797884583 : f32
    %mul3A_90 = vector.broadcast %mul3A_89 : f32 to vector<1000x512xf32>
    %mul3A_91 = arith.mulf %mul3A_90, %add3A_88 : vector<1000x512xf32>
    %tanh3A = math.tanh %mul3A_91 : vector<1000x512xf32>
    %add3A_92 = arith.constant 1.000000e+00 : f32
    %add3A_93 = vector.broadcast %add3A_92 : f32 to vector<1000x512xf32>
    %add3A_94 = arith.addf %add3A_93, %tanh3A : vector<1000x512xf32>
    %mul3A_95 = arith.constant 5.000000e-01 : f32
    %mul3A_96 = vector.broadcast %mul3A_95 : f32 to vector<1000x512xf32>
    %mul3A_97 = arith.mulf %mul3A_96, %add3A_94 : vector<1000x512xf32>
    %mul3A_98 = arith.mulf %add3A_83, %mul3A_97 : vector<1000x512xf32>
    %get3A_99 = arith.constant 0 : index
    %get3A_100 = arith.constant 0 : index
    %get3A_101 = vector.load %arg12[%get3A_99, %get3A_100] : memref<512x128xf32, #tpu.memory_space<vmem>>, vector<512x128xf32>
    %dot_general3A_102 = arith.constant dense<0.000000e+00> : vector<1000x128xf32>
    %dot_general3A_103 = tpu.matmul %mul3A_98, %get3A_101, %dot_general3A_102 {dimension_numbers = #tpu.dot_dimension_numbers<[1], [0], [0], [1], [0, 0, 1, 1], [], []>, precision = #tpu.contract_precision<fp32>, transpose_lhs_hint = false} : vector<1000x512xf32>, vector<512x128xf32>, vector<1000x128xf32> -> vector<1000x128xf32>
    %add3A_104 = arith.addf %add3A_42, %dot_general3A_103 : vector<1000x128xf32>
    %get3A_105 = arith.constant 0 : index
    %get3A_106 = arith.constant 0 : index
    %get3A_107 = vector.load %arg13[%get3A_105, %get3A_106] : memref<1x128xf32, #tpu.memory_space<vmem>>, vector<1x128xf32>
    %add3A_108 = vector.broadcast %get3A_107 : vector<1x128xf32> to vector<1000x128xf32>
    %add3A_109 = arith.addf %add3A_104, %add3A_108 : vector<1000x128xf32>
    %swap3A = arith.constant 0 : index
    %swap3A_110 = arith.constant 0 : index
    %swap3A_111 = vector.load %arg14[%swap3A, %swap3A_110] : memref<1000x128xf32, #tpu.memory_space<vmem>>, vector<1000x128xf32>
    tpu.vector_store %arg14[%swap3A, %swap3A_110], %add3A_109 {strides = array<i32>} : memref<1000x128xf32, #tpu.memory_space<vmem>>, vector<1000x128xf32>,
    return
  }
  func.func @transform_0(%arg0: i32) -> (i32, i32, i32) {
    %c0_i32 = arith.constant 0 : i32
    %c0_i32_0 = arith.constant 0 : i32
    %c0_i32_1 = arith.constant 0 : i32
    return %c0_i32, %arg0, %c0_i32_0 : i32, i32, i32
  }
  func.func @transform_1(%arg0: i32) -> (i32, i32) {
    %c0_i32 = arith.constant 0 : i32
    %c0_i32_0 = arith.constant 0 : i32
    return %arg0, %c0_i32 : i32, i32
  }
  func.func @transform_2(%arg0: i32) -> (i32, i32) {
    %c0_i32 = arith.constant 0 : i32
    %c0_i32_0 = arith.constant 0 : i32
    %c0_i32_1 = arith.constant 0 : i32
    return %c0_i32, %c0_i32_0 : i32, i32
  }
  func.func @transform_3(%arg0: i32) -> (i32, i32) {
    %c0_i32 = arith.constant 0 : i32
    %c0_i32_0 = arith.constant 0 : i32
    %c0_i32_1 = arith.constant 0 : i32
    return %c0_i32, %c0_i32_0 : i32, i32
  }
  func.func @transform_4(%arg0: i32) -> (i32, i32) {
    %c0_i32 = arith.constant 0 : i32
    %c0_i32_0 = arith.constant 0 : i32
    %c0_i32_1 = arith.constant 0 : i32
    return %c0_i32, %c0_i32_0 : i32, i32
  }
  func.func @transform_5(%arg0: i32) -> (i32, i32) {
    %c0_i32 = arith.constant 0 : i32
    %c0_i32_0 = arith.constant 0 : i32
    %c0_i32_1 = arith.constant 0 : i32
    return %c0_i32, %c0_i32_0 : i32, i32
  }
  func.func @transform_6(%arg0: i32) -> (i32, i32) {
    %c0_i32 = arith.constant 0 : i32
    %c0_i32_0 = arith.constant 0 : i32
    %c0_i32_1 = arith.constant 0 : i32
    return %c0_i32, %c0_i32_0 : i32, i32
  }
  func.func @transform_7(%arg0: i32) -> (i32, i32) {
    %c0_i32 = arith.constant 0 : i32
    %c0_i32_0 = arith.constant 0 : i32
    %c0_i32_1 = arith.constant 0 : i32
    return %c0_i32, %c0_i32_0 : i32, i32
  }
  func.func @transform_8(%arg0: i32) -> (i32, i32) {
    %c0_i32 = arith.constant 0 : i32
    %c0_i32_0 = arith.constant 0 : i32
    %c0_i32_1 = arith.constant 0 : i32
    return %c0_i32, %c0_i32_0 : i32, i32
  }
  func.func @transform_9(%arg0: i32) -> (i32, i32) {
    %c0_i32 = arith.constant 0 : i32
    %c0_i32_0 = arith.constant 0 : i32
    %c0_i32_1 = arith.constant 0 : i32
    return %c0_i32, %c0_i32_0 : i32, i32
  }
  func.func @transform_10(%arg0: i32) -> (i32, i32) {
    %c0_i32 = arith.constant 0 : i32
    %c0_i32_0 = arith.constant 0 : i32
    %c0_i32_1 = arith.constant 0 : i32
    return %c0_i32, %c0_i32_0 : i32, i32
  }
  func.func @transform_11(%arg0: i32) -> (i32, i32) {
    %c0_i32 = arith.constant 0 : i32
    %c0_i32_0 = arith.constant 0 : i32
    %c0_i32_1 = arith.constant 0 : i32
    return %c0_i32, %c0_i32_0 : i32, i32
  }
  func.func @transform_12(%arg0: i32) -> (i32, i32) {
    %c0_i32 = arith.constant 0 : i32
    %c0_i32_0 = arith.constant 0 : i32
    %c0_i32_1 = arith.constant 0 : i32
    return %c0_i32, %c0_i32_0 : i32, i32
  }
  func.func @transform_13(%arg0: i32) -> (i32, i32) {
    %c0_i32 = arith.constant 0 : i32
    %c0_i32_0 = arith.constant 0 : i32
    return %arg0, %c0_i32 : i32, i32
  }
}

</mosaic_0001>

<sc_bundles>
// kernel: kernel.7.cloned.1.call-start
scs
__scs_entry_jumppad:
0x0: {  	(pc) =	sbr.rel $0x88, $3  }
0x1: {  	(tag) =	ssettag $0x0;
	lr =	simm.s32 $0x1  }
0x2: {  	[smem:$0x3F86] =	sst lr;
	_ =	strace $0xD0000000  }
0x3: {  	_ = 	snop  }
0x4: {  	_ = 	snop  }
0x5: {  	_ = 	snop  }
0x6: {  	_ = 	snop  }
0x7: {  	_ = 	snop  }
__scs_overlays_trampoline_lowered:
0x8: {  	[smem:$0x3F95] =	sst s0  }
0x9: {  	[smem:$0x3F96] =	sst s1  }
0xa: {  	[smem:$0x3F97] =	sst s2  }
0xb: {  	[smem:$0x3F98] =	sst s3  }
0xc: {  	[smem:$0x3F99] =	sst s4  }
0xd: {  	[smem:$0x3F9A] =	sst s5  }
0xe: {  	[smem:$0x3F9B] =	sst s6  }
0xf: {  	[smem:$0x3F9C] =	sst s7  }
0x10: {  	[smem:$0x3F9D] =	sst s8  }
0x11: {  	[smem:$0x3F9E] =	sst s9;
	s0 =	simm.s32 @!p0 $0x0  }
0x12: {  	s1 =	sld [smem:$0x3F84];
	s0 =	simm.s32 @p0 $0x1  }
0x13: {  	[smem:$0x3F9F] =	sst s0;
	s0 =	simm.s32 @!p1 $0x0  }
0x14: {  	s2 =	sld [smem:$0x3F83];
	s0 =	simm.s32 @p1 $0x1  }
0x15: {  	[smem:$0x3FA0] =	sst s0;
	s0 =	simm.s32 @!p2 $0x0  }
0x16: {  	s3 =	sld [smem:$0x3FDB];
	s0 =	simm.s32 @p2 $0x1  }
0x17: {  	s4 =	simm.s32 $0x1BF5;
	[smem:$0x3FA2] =	sst s0  }
0x18: {  	s0 =	sld [smem:$0x3F85];
	_ =	swait.ge [sflag:s4], $0x0  }
0x19: {  	s7 =	sld [smem:$0x3F86]  }
0x1a: {  	s8 =	sadd.s32 $0xFFFFE003, lr  }
0x1b: {  	s9 =	sadd.s32 $0xFFFFFEF7, lr;
	s5 =	simm.s32 $0xFFFFFFFF;
	p2 =	slt.u32 s8, $0xFFFFF086  }
0x1c: {  	p1 =	slt.u32 s9, $0xF7A;
	s5 =	simm.s32 @!p2 $0x0  }
0x1d: {  	s5 =	simm.s32 @p1 $0x1;
	p0 =	seq.s32 s7, s2  }
0x1e: {  	s7 =	smul.u32 @!p0 $0xF7A, s2;
	p2 =	seq.s32 @!p0 s5, $0x0  }
0x1f: {  	s9 =	smul.u32 $0xF7A, s1;
	s8 =	simm.s32 @!p0 $0x1BF5;
	p2 =	por !p2, p0  }
0x20: {  	[sflag:s8] =	ssyncset.s32 @!p0 $0xFFFFF086;
	s6 =	sadd.s32 @!p0 s3, s7;
	s7 =	simm.s32 @!p0 $0x108  }
0x21: {  	s3 =	sadd.s32 s3, s9;
	s6 =	sadd.s32 @!p0 $0x88, s6;
	s7 =	simm.s32 @p2 $0x1082  }
0x22: {  	[simem:s7], [sflag:s8] =	dma.local @!p0 [hbm:s6], $0xF7A  }
0x23: {  	s9 =	sor.u32 $0xD0000000, s2;
	s6 =	simm.s32 $0x108;
	_ =	swait.ge @!p0 [sflag:s8], $0x0  }
0x24: {  	s3 =	sadd.s32 $0x88, s3;
	s6 =	simm.s32 @!p1 $0x1082;
	[sflag:s4] =	ssyncset.s32 $0xFFFFF086  }
0x25: {  	[simem:s6], [sflag:s4] =	dma.local [hbm:s3], $0xF7A  }
0x26: {  	[smem:$0x3F86] =	sst s1;
	(tag) =	ssettag s2;
	_ =	strace s9  }
0x27: {  	s1 =	sld [smem:$0x3F96]  }
0x28: {  	s2 =	sld [smem:$0x3F97]  }
0x29: {  	s4 =	sld [smem:$0x3F99]  }
0x2a: {  	p0 =	seq.s32 s5, $0x0;
	s5 =	sld [smem:$0x3F9A]  }
0x2b: {  	s6 =	sld [smem:$0x3F9B]  }
0x2c: {  	s7 =	sld [smem:$0x3F9C]  }
0x2d: {  	s3 =	simm.s32 $0x108;
	s8 =	sld [smem:$0x3F9D]  }
0x2e: {  	s3 =	simm.s32 @!p0 $0x1082;
	s9 =	sld [smem:$0x3F9E]  }
0x2f: {  	lr =	sadd.s32 s0, s3;
	s0 =	sld [smem:$0x3F95]  }
0x30: {  	s3 =	sld [smem:$0x3F98]  }
0x31: {  	[smem:$0x3FA1] =	sst s10  }
0x32: {  	s10 =	sld [smem:$0x3F9F];
	_ =	sdelay $0x3  }
0x33: {  	p0 =	seq.s32 s10, $0x1;
	s10 =	sld [smem:$0x3FA1];
	_ =	sdelay $0x3  }
0x34: {  	[smem:$0x3FA1] =	sst s10  }
0x35: {  	s10 =	sld [smem:$0x3FA0];
	_ =	sdelay $0x3  }
0x36: {  	p1 =	seq.s32 s10, $0x1;
	s10 =	sld [smem:$0x3FA1];
	_ =	sdelay $0x3  }
0x37: {  	[smem:$0x3FA1] =	sst s10  }
0x38: {  	s10 =	sld [smem:$0x3FA2]  }
0x39: {  	_ = 	snop;
	(pc) =	sbr.ind lr, $3  }
0x3a: {  	_ = 	snop  }
0x3b: {  	_ = 	snop  }
0x3c: {  	p2 =	seq.s32 s10, $0x1;
	s10 =	sld [smem:$0x3FA1]  }
0x3d: {  	_ =	shalt  }
0x3e: {  	_ =	shalt  }
0x3f: {  	_ =	shalt  }
0x40: {  	_ =	shalt  }
0x41: {  	_ =	shalt  }
0x42: {  	_ =	shalt  }
0x43: {  	_ =	shalt  }
0x44: {  	_ =	shalt  }
0x45: {  	_ =	shalt  }
0x46: {  	_ =	shalt  }
0x47: {  	_ =	shalt  }
0x48: {  	_ =	shalt  }
0x49: {  	_ =	shalt  }
0x4a: {  	_ =	shalt  }
0x4b: {  	_ =	shalt  }
0x4c: {  	_ =	shalt  }
0x4d: {  	_ =	shalt  }
0x4e: {  	_ =	shalt  }
0x4f: {  	_ =	shalt  }
0x50: {  	_ =	shalt  }
0x51: {  	_ =	shalt  }
0x52: {  	_ =	shalt  }
0x53: {  	_ =	shalt  }
0x54: {  	_ =	shalt  }
0x55: {  	_ =	shalt  }
0x56: {  	_ =	shalt  }
0x57: {  	_ =	shalt  }
0x58: {  	_ =	shalt  }
0x59: {  	_ =	shalt  }
0x5a: {  	_ =	shalt  }
0x5b: {  	_ =	shalt  }
0x5c: {  	_ =	shalt  }
0x5d: {  	_ =	shalt  }
0x5e: {  	_ =	shalt  }
0x5f: {  	_ =	shalt  }
0x60: {  	_ =	shalt  }
0x61: {  	_ =	shalt  }
0x62: {  	_ =	shalt  }
0x63: {  	_ =	shalt  }
0x64: {  	_ =	shalt  }
0x65: {  	_ =	shalt  }
0x66: {  	_ =	shalt  }
0x67: {  	_ =	shalt  }
0x68: {  	_ =	shalt  }
0x69: {  	_ =	shalt  }
0x6a: {  	_ =	shalt  }
0x6b: {  	_ =	shalt  }
0x6c: {  	_ =	shalt  }
0x6d: {  	_ =	shalt  }
0x6e: {  	_ =	shalt  }
0x6f: {  	_ =	shalt  }
0x70: {  	_ =	shalt  }
0x71: {  	_ =	shalt  }
0x72: {  	_ =	shalt  }
0x73: {  	_ =	shalt  }
0x74: {  	_ =	shalt  }
0x75: {  	_ =	shalt  }
0x76: {  	_ =	shalt  }
0x77: {  	_ =	shalt  }
0x78: {  	_ =	shalt  }
0x79: {  	_ =	shalt  }
0x7a: {  	_ =	shalt  }
0x7b: {  	_ =	shalt  }
0x7c: {  	_ =	shalt  }
0x7d: {  	_ =	shalt  }
0x7e: {  	_ =	shalt  }
0x7f: {  	_ =	shalt  }
0x80: {  	_ =	shalt  }
0x81: {  	_ =	shalt  }
0x82: {  	_ =	shalt  }
0x83: {  	_ =	shalt  }
0x84: {  	_ =	shalt  }
0x85: {  	_ =	shalt  }
0x86: {  	_ =	shalt  }
0x87: {  	_ =	shalt  }
.Lfunc_end0:
.L_simem_size_0:
called_computation_lowered:
.L_overlay_start_0:
0x88: {  	s2 =	sld [smem:$0x3FD9]  }
0x89: {  	s3 =	sld [smem:$0x3FFE];
	_ =	sdelay $0x1  }
0x8a: {  	s1 =	srdreg.scid  }
0x8b: {  	s0 =	sand.u32 $0x1, s1  }
0x8c: {  	s17 =	sshll.u32 s0, $0xA;
	s2 =	sadd.s32 s3, s2  }
0x8d: {  	s2 =	sadd.s32 s2, s17  }
0x8e: {  	[smem:$0x3FAD] =	sst s2  }
0x8f: {  	_ = 	snop  }
0x90: {  	s2 =	sld [smem:$0x3FD0];
	(tm) =	ssettm $0x1  }
0x91: {  	s18 =	sld [smem:$0x3FFB];
	_ =	sdelay $0x3  }
0x92: {  	_ =	strace s18  }
0x93: {  	s3 =	sld [smem:$0x3FFC];
	_ =	sdelay $0x3  }
0x94: {  	_ =	strace s3  }
0x95: {  	s3 =	sld [smem:$0x3FFD];
	_ =	sdelay $0x3  }
0x96: {  	_ =	strace s3  }
0x97: {  	_ =	strace $0x8FFFFFFF  }
0x98: {  	s19 =	sld [smem:$0x3FDB];
	_ =	sdelay $0x1  }
0x99: {  	s4 =	simm.s32 $_scs_section_size  }
0x9a: {  	s5 =	simm.s32 $_size__tile_overlayer_lowered;
	s6 =	simm.s32 $_tile_overlayer_lowered  }
0x9b: {  	s22 =	simm.s32 $0x1BFF;
	s21 =	sshll.u32 s6, $0x1;
	s3 =	sadd.s32 s4, s19  }
0x9c: {  	s7 =	simm.s32 $0x0;
	s20 =	sshll.u32 s5, $0x1;
	s5 =	sadd.s32 s21, s3  }
0x9d: {  	[timem:s7], [sflag:s22] =	dma.local [hbm:s5], s20  }
0x9e: {  	_ =	swait.ge [sflag:s22], s20  }
0x9f: {  	s4 =	ssub.s32 $0x0, s20;
	[sflag:s22] =	ssyncset.done $0x0  }
0xa0: {  	[sflag:s22] =	ssyncadd.s32 s4;
	_ =	sdelay $0x1  }
0xa1: {  	s23 =	simm.s32 $0x1B8B  }
0xa2: {  	_ =	swait.ge [sflag:s23], $0x1  }
0xa3: {  	[sflag:s23] =	ssyncset.done $0x0  }
0xa4: {  	s25 =	simm.s32 $0x1B8E;
	s24 =	sld [smem:$0x3FFE];
	[sflag:s23] =	ssyncadd.s32 $0xFFFFFFFF  }
0xa5: {  	s26 =	simm.s32 $execute0_lowered;
	[smem:$0x3FD2] =	sst s25  }
0xa6: {  	s5 =	sshll.u32 s26, $0x1;
	_ =	strace $0x80000046;
	[dreg:$0x1] =	wrdreg $0xFFFFFFFF  }
0xa7: {  	s28 =	simm.s32 $_size_execute0_lowered;
	s3 =	sadd.s32 s3, s5;
	[dreg:$0x0] =	wrdreg $0x0  }
0xa8: {  	s5 =	sshll.u32 s28, $0x1;
	[dreg:$0x2] =	wrdreg s3  }
0xa9: {  	[dreg:$0x3] =	wrdreg s5  }
0xaa: {  	[dreg:$0x4] =	wrdreg $0xC0  }
0xab: {  	_ =	task [dreg:s7], $0x5FFFF  }
0xac: {  	[dreg:$0x1] =	wrdreg $0xFFFFFFFF  }
0xad: {  	[dreg:$0x0] =	wrdreg $0x60  }
0xae: {  	[dreg:$0x2] =	wrdreg s24  }
0xaf: {  	[dreg:$0x3] =	wrdreg s2  }
0xb0: {  	[dreg:$0x4] =	wrdreg $0x84000  }
0xb1: {  	[dreg:$0x5] =	wrdreg $0x9  }
0xb2: {  	_ =	task.clear_ibuf [dreg:s7], $0x6FFFF;
	_ =	strace $0x90000046  }
0xb3: {  	s29 =	simm.s32 $0x9;
	_ =	strace $0x80000048  }
0xb4: {  	_ =	swait.ge [sflag:s29], $0x1  }
0xb5: {  	[sflag:s29] =	ssyncadd.s32 $0xFFFFFFFF  }
0xb6: {  	_ =	strace $0x90000048  }
0xb7: {  	_ =	sfence  }
0xb8: {  	s30 =	sld [smem:$0x0];
	_ =	sdelay $0x2  }
0xb9: {  	s31 =	sshll.u32 s1, $0xD;
	s1 =	sshrl.u32 s1, $0x2  }
0xba: {  	s3 =	sand.u32 $0x4000, s31;
	s1 =	sadd.s32 s1, s30  }
0xbb: {  	s0 =	sor.u32 s3, s0;
	s1 =	sshll.u32 s1, $0x11  }
0xbc: {  	s0 =	sor.u32 s1, s0  }
0xbd: {  	s0 =	sadd.s32 $0x8F2B, s0  }
0xbe: {  	[sflag:s0] =	ssyncadd.remote.s32 $0x1  }
0xbf: {  	_ =	sfence.sel $0xFFFF  }
0xc0: {  	[dreg:$0x0] =	wrdreg $0xFFFFFFFF;
	(pc) =	sbr.abs _section_cstart, $3  }
0xc1: {  	[dreg:$0x1] =	wrdreg $0xFFFFFFFF  }
0xc2: {  	_ =	task.clear_ibuf [dreg:s7], $0x2FFFF;
	_ =	strace $0x9FFFFFFF  }
0xc3: {  	(tm) =	ssettm $0x7FFFFFFF  }
tec
execute0_lowered:
.L_overlay_start_1:
0x0: {  	(tag) =	ssettag $0x1  }
0x1: {  	s0 =	rddreg [dreg:$0x0];
	s10 =	stileid.u32  }
0x2: {  	s28 =	rddreg [dreg:$0x1];
	s18 =	smul.u32 $0x50000, s10  }
0x3: {  	s9 =	rddreg [dreg:$0x2];
	s3 =	simm.s32 $0x0  }
0x4: {  	s1 =	srdreg.scid;
	[smem:$0x7FF] =	sst s3;
	s3 =	sshrl.u32 s18, $0x2  }
0x5: {  	s1 =	sand.u32 $0x1, s1;
	s17 =	smul.u32 $0x14000, s10;
	s11 =	sadd.s32 s3, s9  }
0x6: {  	_ =	strace $0x80000047;
	s3 =	sadd.s32 $0x1000, s11;
	[dreg:$0x4] =	wrdreg s11  }
0x7: {  	s5 =	sadd.s32 $0x2C200, s0;
	s20 =	sadd.s32 $0x2000, s11;
	[dreg:$0x5] =	wrdreg s3  }
0x8: {  	s6 =	sadd.s32 $0x4FAA00, s0;
	s22 =	sadd.s32 $0x3000, s11;
	[dreg:$0x6] =	wrdreg s20  }
0x9: {  	s7 =	sadd.s32 $0x4E7000, s0;
	s23 =	sadd.s32 $0x4000, s11;
	[dreg:$0x7] =	wrdreg s22  }
0xa: {  	s24 =	smul.u32 $0x271000, s10;
	s9 =	sadd.s32 $0x5000, s11;
	[dreg:$0x8] =	wrdreg s23  }
0xb: {  	s2 =	smul.u32 $0x140000, s1;
	s25 =	sadd.s32 $0x6000, s11;
	[dreg:$0x9] =	wrdreg s9  }
0xc: {  	s4 =	ssub.s32 $0x2, s1;
	s26 =	sadd.s32 $0x7000, s11;
	[dreg:$0xa] =	wrdreg s25  }
0xd: {  	s21 =	smul.u32 $0x2710000, s1;
	s30 =	sadd.s32 $0x8000, s11;
	[dreg:$0xb] =	wrdreg s26  }
0xe: {  	s19 =	sshrl.u32 s4, $0x1;
	s14 =	sadd.s32 $0x9000, s11;
	[dreg:$0xc] =	wrdreg s30  }
0xf: {  	v0 =	vimm.s32 $0xEFCDAB89;
	v1 =	vimm.s32 $0x67452301;
	s2 =	sadd.s32 s17, s2;
	s15 =	sadd.s32 $0xA000, s11;
	[dreg:$0x11] =	wrdreg s14  }
0x10: {  	v2 =	vimm.s32 $0xDCFE98BA;
	v3 =	vimm.s32 $0x54761032;
	s18 =	sadd.s32 s24, s21;
	s16 =	sadd.s32 $0xB000, s11;
	[dreg:$0x12] =	wrdreg s15  }
0x11: {  	v4 =	vimm.s32 $0xBA98FEDC;
	v5 =	vimm.s32 $0x32107654;
	s2 =	sshrl.u32 s2, $0x3;
	s17 =	sadd.s32 $0xC000, s11;
	[dreg:$0x13] =	wrdreg s16  }
0x12: {  	vm0 =	vcmask $0x704;
	v8 =	vimm.s32 $0x0;
	vm1 =	vcmask $0xF0C;
	s21 =	sadd.s32 $0xF000, s11;
	s0 =	sadd.s32 s2, s0;
	[dreg:$0x14] =	wrdreg s17  }
0x13: {  	vm2 =	vcmask $0x1714;
	vm3 =	vcmask $0x1F1C;
	v9 =	vlaneseq.u32;
	s2 =	ssub.s32 s4, s19;
	s19 =	sadd.s32 $0xD000, s11;
	[dreg:$0x17] =	wrdreg s21  }
0x14: {  	s29 =	simm.s32 $0x300;
	vm4 =	vmmov $0xff;
	v0 =	vunpack.c.l.s4.s8 v0;
	v1 =	vunpack.c.l.s4.s8 v1;
	s20 =	sadd.s32 $0xE000, s11;
	[dreg:$0x15] =	wrdreg s19  }
0x15: {  	s8 =	smul.u32 $0x4E20, s10;
	v2 =	vunpack.c.l.s4.s8 v2;
	v3 =	vunpack.c.l.s4.s8 v3;
	v48 =	vsel vm1, $0x8, v8;
	s22 =	sadd.s32 $0x10000, s11;
	[dreg:$0x16] =	wrdreg s20  }
0x16: {  	v4 =	vunpack.c.l.s4.s8 v4;
	v5 =	vunpack.c.l.s4.s8 v5;
	v11 =	vsel vm3, $0x8, v8;
	s10 =	smul.u32 $0x2710, s1;
	[tilespmem:$0x1FFB0] =	vst v48;
	s25 =	sadd.s32 $0x11000, s11;
	[dreg:$0x18] =	wrdreg s22  }
0x17: {  	vm1 =	vcmask $0x720;
	v10 =	vsel vm2, $0x8, v8;
	v12 =	vshrl.u32 v9, $0x3;
	s12 =	sshll.u32 s1, $0x6;
	[tilespmem:$0x1FFD0] =	vst v11;
	s26 =	sadd.s32 $0x12000, s11;
	[dreg:$0x19] =	wrdreg s25  }
0x18: {  	vm2 =	vcmask $0xF20;
	v45 =	vor.u32 $0x2, v12;
	v44 =	vor.u32 $0x4, v12;
	[tilespmem:$0x1FFE0] =	vst v10;
	s31 =	sshrl.u32 s8, $0x3;
	s30 =	sadd.s32 $0x13000, s11;
	[dreg:$0x1a] =	wrdreg s26  }
0x19: {  	[tilespmem:$0x1FFF0] =	vst v12;
	v0 =	vunpack.c.0.s8.s32 v0;
	v1 =	vunpack.c.0.s8.s32 v1;
	v2 =	vunpack.c.0.s8.s32 v2;
	s9 =	sadd.s32 s7, s31;
	s4 =	sshrl.u32 s18, $0x3;
	[dreg:$0x1b] =	wrdreg s30  }
0x1a: {  	s1 =	simm.s32 $0x0;
	v3 =	vunpack.c.0.s8.s32 v3;
	v4 =	vunpack.c.0.s8.s32 v4;
	v5 =	vunpack.c.0.s8.s32 v5;
	[tilespmem:$0x1FF90] =	vst v45;
	s4 =	sadd.s32 s6, s4;
	[dreg:$0xd] =	wrdreg s9  }
0x1b: {  	vm3 =	vcmask $0x1720;
	v51 =	vor.u32 $0x6, v12;
	[tilespmem:$0x1FFA0] =	vst v44;
	s24 =	sor.u32 $0x3480, s12;
	v6 =	vcombine.low v1, v0;
	s0 =	sadd.s32 $0x7A400, s0;
	[dreg:$0xe] =	wrdreg s4  }
0x1c: {  	[tilespmem:$0x1FFC0] =	vst v51;
	v0 =	vmov s10;
	v3 =	vcombine.low v3, v2;
	v4 =	vcombine.low v5, v4;
	s23 =	sor.u32 $0x2480, s12;
	s13 =	smax.u32 s2, $0x1;
	[dreg:$0xf] =	wrdreg s0  }
0x1d: {  	v1 =	vsel vm0, $0x8, v8;
	vm0 =	vmmov $0x3;
	[tilespmem:$0x1FF70] =	vst v0;
	v0 =	vimm.f32 $0.0e+00;
	s3 =	simm.s32 $0x9;
	s31 =	sadd.s32 $0x9C40, s9;
	[dreg:$0x10] =	wrdreg s13  }
0x1e: {  	s16 =	simm.s32 $0x20;
	[tilespmem:$0x1FF80] =	vst v1;
	s21 =	simm.s32 $0x380;
	v2 =	vand.u32 $0xF, v6;
	v3 =	vand.u32 $0xF, v3;
	v4 =	vand.u32 $0xF, v4;
	[dreg:$0x1c] =	wrdreg s31  }
.LBB2_1:
0x1f: {  	[dreg:$0x1d] =	wrdreg s1;
	s0 =	simm.s32 $0x0;
	s1 =	simm.s32 $0x200  }
.LBB2_2:
0x20: {  	p0 =	sne.s32 s1, $0x3E00;
	[tilespmem:s0+$0x7470] =	vst v0  }
0x21: {  	[tilespmem:s0+$0x6400] =	vst v0  }
0x22: {  	[tilespmem:s0+$0x7400] =	vst v0  }
0x23: {  	[tilespmem:s0+$0x6410] =	vst v0  }
0x24: {  	[tilespmem:s0+$0x7410] =	vst v0  }
0x25: {  	[tilespmem:s0+$0x6420] =	vst v0  }
0x26: {  	[tilespmem:s0+$0x7420] =	vst v0  }
0x27: {  	[tilespmem:s0+$0x6430] =	vst v0  }
0x28: {  	[tilespmem:s0+$0x7430] =	vst v0  }
0x29: {  	[tilespmem:s0+$0x6440] =	vst v0  }
0x2a: {  	[tilespmem:s0+$0x7440] =	vst v0  }
.Ltmp0:
0x2b: {  	[tilespmem:s0+$0x6450] =	vst v0;
	(pc) =	sbr.rel @p0 .LBB2_2-.Ltmp0, $4  }
0x2c: {  	[tilespmem:s0+$0x7450] =	vst v0  }
0x2d: {  	[tilespmem:s0+$0x6460] =	vst v0  }
0x2e: {  	[tilespmem:s0+$0x7460] =	vst v0  }
0x2f: {  	[tilespmem:s0+$0x6470] =	vst v0;
	s0 =	sshra.s32 s1, $0x2;
	s1 =	sadd.s32 $0x200, s1  }
0x30: {  	[tilespmem:s0+$0x7470] =	vst v0  }
0x31: {  	[tilespmem:s0+$0x6400] =	vst v0  }
0x32: {  	[tilespmem:s0+$0x7400] =	vst v0  }
0x33: {  	[tilespmem:s0+$0x6410] =	vst v0  }
0x34: {  	[tilespmem:s0+$0x7410] =	vst v0  }
0x35: {  	[tilespmem:s0+$0x6420] =	vst v0  }
0x36: {  	[tilespmem:s0+$0x7420] =	vst v0  }
0x37: {  	[tilespmem:s0+$0x6430] =	vst v0  }
0x38: {  	[tilespmem:s0+$0x7430] =	vst v0  }
0x39: {  	[tilespmem:s0+$0x6440] =	vst v0  }
0x3a: {  	[tilespmem:s0+$0x7440] =	vst v0  }
0x3b: {  	[tilespmem:s0+$0x6450] =	vst v0  }
0x3c: {  	[tilespmem:s0+$0x7450] =	vst v0  }
0x3d: {  	[tilespmem:s0+$0x6460] =	vst v0  }
0x3e: {  	[tilespmem:s0+$0x7460] =	vst v0  }
0x3f: {  	[tilespmem:s0+$0x6470] =	vst v0;
	s1 =	simm.s32 $0x6400  }
0x40: {  	[spmem:s11] =	stream.linear.scatter [tilespmem:s1], [sflag:$0x9], $0x1000, $0x38;
	[tilespmem:$0x1C400] =	vst v63  }
0x41: {  	_ =	swait.ge [sflag:s3], $0x1000  }
0x42: {  	[sflag:s3] =	ssyncset.done $0x0  }
0x43: {  	s13 =	rddreg [dreg:$0x5];
	[sflag:s3] =	ssyncadd.s32 $0xFFFFF000  }
0x44: {  	[spmem:s13] =	stream.linear.scatter [tilespmem:s1], [sflag:$0x9], $0x1000, $0x38;
	[tilespmem:$0x1C400] =	vst v63  }
0x45: {  	_ =	swait.ge [sflag:s3], $0x1000  }
0x46: {  	[sflag:s3] =	ssyncset.done $0x0  }
0x47: {  	s14 =	rddreg [dreg:$0x6];
	[sflag:s3] =	ssyncadd.s32 $0xFFFFF000  }
0x48: {  	[spmem:s14] =	stream.linear.scatter [tilespmem:s1], [sflag:$0x9], $0x1000, $0x38;
	[tilespmem:$0x1C400] =	vst v63  }
0x49: {  	_ =	swait.ge [sflag:s3], $0x1000  }
0x4a: {  	[sflag:s3] =	ssyncset.done $0x0  }
0x4b: {  	s15 =	rddreg [dreg:$0x7];
	[sflag:s3] =	ssyncadd.s32 $0xFFFFF000  }
0x4c: {  	[spmem:s15] =	stream.linear.scatter [tilespmem:s1], [sflag:$0x9], $0x1000, $0x38;
	[tilespmem:$0x1C400] =	vst v63  }
0x4d: {  	_ =	swait.ge [sflag:s3], $0x1000  }
0x4e: {  	[sflag:s3] =	ssyncset.done $0x0  }
0x4f: {  	s17 =	rddreg [dreg:$0x8];
	[sflag:s3] =	ssyncadd.s32 $0xFFFFF000  }
0x50: {  	[spmem:s17] =	stream.linear.scatter [tilespmem:s1], [sflag:$0x9], $0x1000, $0x38;
	[tilespmem:$0x1C400] =	vst v63  }
0x51: {  	_ =	swait.ge [sflag:s3], $0x1000  }
0x52: {  	[sflag:s3] =	ssyncset.done $0x0  }
0x53: {  	s19 =	rddreg [dreg:$0x9];
	[sflag:s3] =	ssyncadd.s32 $0xFFFFF000  }
0x54: {  	[spmem:s19] =	stream.linear.scatter [tilespmem:s1], [sflag:$0x9], $0x1000, $0x38;
	[tilespmem:$0x1C400] =	vst v63  }
0x55: {  	_ =	swait.ge [sflag:s3], $0x1000  }
0x56: {  	[sflag:s3] =	ssyncset.done $0x0  }
0x57: {  	s20 =	rddreg [dreg:$0xa];
	[sflag:s3] =	ssyncadd.s32 $0xFFFFF000  }
0x58: {  	[spmem:s20] =	stream.linear.scatter [tilespmem:s1], [sflag:$0x9], $0x1000, $0x38;
	[tilespmem:$0x1C400] =	vst v63  }
0x59: {  	_ =	swait.ge [sflag:s3], $0x1000  }
0x5a: {  	[sflag:s3] =	ssyncset.done $0x0  }
0x5b: {  	s22 =	rddreg [dreg:$0xb];
	[sflag:s3] =	ssyncadd.s32 $0xFFFFF000  }
0x5c: {  	[spmem:s22] =	stream.linear.scatter [tilespmem:s1], [sflag:$0x9], $0x1000, $0x38;
	[tilespmem:$0x1C400] =	vst v63  }
0x5d: {  	_ =	swait.ge [sflag:s3], $0x1000  }
0x5e: {  	[sflag:s3] =	ssyncset.done $0x0  }
0x5f: {  	s25 =	rddreg [dreg:$0xc];
	[sflag:s3] =	ssyncadd.s32 $0xFFFFF000  }
0x60: {  	[spmem:s25] =	stream.linear.scatter [tilespmem:s1], [sflag:$0x9], $0x1000, $0x38;
	[tilespmem:$0x1C400] =	vst v63  }
0x61: {  	_ =	swait.ge [sflag:s3], $0x1000  }
0x62: {  	[sflag:s3] =	ssyncset.done $0x0  }
0x63: {  	s26 =	rddreg [dreg:$0x11];
	[sflag:s3] =	ssyncadd.s32 $0xFFFFF000  }
0x64: {  	[spmem:s26] =	stream.linear.scatter [tilespmem:s1], [sflag:$0x9], $0x1000, $0x38;
	[tilespmem:$0x1C400] =	vst v63  }
0x65: {  	_ =	swait.ge [sflag:s3], $0x1000  }
0x66: {  	[sflag:s3] =	ssyncset.done $0x0  }
0x67: {  	s30 =	rddreg [dreg:$0x12];
	[sflag:s3] =	ssyncadd.s32 $0xFFFFF000  }
0x68: {  	[spmem:s30] =	stream.linear.scatter [tilespmem:s1], [sflag:$0x9], $0x1000, $0x38;
	[tilespmem:$0x1C400] =	vst v63  }
0x69: {  	_ =	swait.ge [sflag:s3], $0x1000  }
0x6a: {  	[sflag:s3] =	ssyncset.done $0x0  }
0x6b: {  	s31 =	rddreg [dreg:$0x13];
	[sflag:s3] =	ssyncadd.s32 $0xFFFFF000  }
0x6c: {  	[spmem:s31] =	stream.linear.scatter [tilespmem:s1], [sflag:$0x9], $0x1000, $0x38;
	[tilespmem:$0x1C400] =	vst v63  }
0x6d: {  	_ =	swait.ge [sflag:s3], $0x1000  }
0x6e: {  	[sflag:s3] =	ssyncset.done $0x0  }
0x6f: {  	s2 =	rddreg [dreg:$0x14];
	[sflag:s3] =	ssyncadd.s32 $0xFFFFF000  }
0x70: {  	[spmem:s2] =	stream.linear.scatter [tilespmem:s1], [sflag:$0x9], $0x1000, $0x38;
	[tilespmem:$0x1C400] =	vst v63  }
0x71: {  	_ =	swait.ge [sflag:s3], $0x1000  }
0x72: {  	[sflag:s3] =	ssyncset.done $0x0  }
0x73: {  	s4 =	rddreg [dreg:$0x15];
	[sflag:s3] =	ssyncadd.s32 $0xFFFFF000  }
0x74: {  	[spmem:s4] =	stream.linear.scatter [tilespmem:s1], [sflag:$0x9], $0x1000, $0x38;
	[tilespmem:$0x1C400] =	vst v63  }
0x75: {  	_ =	swait.ge [sflag:s3], $0x1000  }
0x76: {  	[sflag:s3] =	ssyncset.done $0x0  }
0x77: {  	s9 =	rddreg [dreg:$0x16];
	[sflag:s3] =	ssyncadd.s32 $0xFFFFF000  }
0x78: {  	[spmem:s9] =	stream.linear.scatter [tilespmem:s1], [sflag:$0x9], $0x1000, $0x38;
	[tilespmem:$0x1C400] =	vst v63  }
0x79: {  	_ =	swait.ge [sflag:s3], $0x1000  }
0x7a: {  	[sflag:s3] =	ssyncset.done $0x0  }
0x7b: {  	s10 =	rddreg [dreg:$0x17];
	[sflag:s3] =	ssyncadd.s32 $0xFFFFF000  }
0x7c: {  	[spmem:s10] =	stream.linear.scatter [tilespmem:s1], [sflag:$0x9], $0x1000, $0x38;
	[tilespmem:$0x1C400] =	vst v63  }
0x7d: {  	_ =	swait.ge [sflag:s3], $0x1000  }
0x7e: {  	[sflag:s3] =	ssyncset.done $0x0  }
0x7f: {  	s11 =	rddreg [dreg:$0x18];
	[sflag:s3] =	ssyncadd.s32 $0xFFFFF000  }
0x80: {  	[spmem:s11] =	stream.linear.scatter [tilespmem:s1], [sflag:$0x9], $0x1000, $0x38;
	[tilespmem:$0x1C400] =	vst v63  }
0x81: {  	_ =	swait.ge [sflag:s3], $0x1000  }
0x82: {  	[sflag:s3] =	ssyncset.done $0x0  }
0x83: {  	s12 =	rddreg [dreg:$0x19];
	[sflag:s3] =	ssyncadd.s32 $0xFFFFF000  }
0x84: {  	[spmem:s12] =	stream.linear.scatter [tilespmem:s1], [sflag:$0x9], $0x1000, $0x38;
	[tilespmem:$0x1C400] =	vst v63  }
0x85: {  	_ =	swait.ge [sflag:s3], $0x1000  }
0x86: {  	[sflag:s3] =	ssyncset.done $0x0  }
0x87: {  	s13 =	rddreg [dreg:$0x1a];
	[sflag:s3] =	ssyncadd.s32 $0xFFFFF000  }
0x88: {  	[spmem:s13] =	stream.linear.scatter [tilespmem:s1], [sflag:$0x9], $0x1000, $0x38;
	[tilespmem:$0x1C400] =	vst v63  }
0x89: {  	_ =	swait.ge [sflag:s3], $0x1000  }
0x8a: {  	[sflag:s3] =	ssyncset.done $0x0  }
0x8b: {  	s14 =	rddreg [dreg:$0x1b];
	[sflag:s3] =	ssyncadd.s32 $0xFFFFF000  }
0x8c: {  	[spmem:s14] =	stream.linear.scatter [tilespmem:s1], [sflag:$0x9], $0x1000, $0x38;
	[tilespmem:$0x1C400] =	vst v63  }
0x8d: {  	_ =	swait.ge [sflag:s3], $0x1000  }
0x8e: {  	[sflag:s3] =	ssyncset.done $0x0  }
0x8f: {  	[sflag:s3] =	ssyncadd.s32 $0xFFFFF000  }
0x90: {  	[bflag:$0x0] =	sbarrier.arrive $0xFFFF  }
0x91: {  	s17 =	simm.s32 $0x0;
	s15 =	rddreg [dreg:$0xd]  }
0x92: {  	[tilespmem:s17], [sflag:$0x9] =	stream.linear.gather [hbm4b:s15+s17], $0xA0, $0x38;
	[tilespmem:$0x1C400] =	vst v63  }
0x93: {  	_ =	swait.ge [sflag:s3], $0xA0  }
0x94: {  	[sflag:s3] =	ssyncset.done $0x0  }
0x95: {  	s20 =	simm.s32 $0x100;
	s19 =	rddreg [dreg:$0x1c];
	[sflag:s3] =	ssyncadd.s32 $0xFFFFFF60  }
0x96: {  	[tilespmem:s20], [sflag:$0x9] =	stream.linear.gather [hbm4b:s19+s17], $0xA0, $0x38;
	[tilespmem:$0x1C400] =	vst v63  }
0x97: {  	_ =	swait.ge [sflag:s3], $0xA0  }
0x98: {  	[sflag:s3] =	ssyncset.done $0x0  }
0x99: {  	v0 =	vld [tilespmem:$0x1FF70];
	[sflag:s3] =	ssyncadd.s32 $0xFFFFFF60  }
0x9a: {  	v13 =	vld [tilespmem:$0x0]  }
0x9b: {  	v14 =	vld [tilespmem:$0x100]  }
0x9c: {  	v16 =	vld [tilespmem:$0x110]  }
0x9d: {  	v15 =	vld [tilespmem:$0x10];
	_ =	sdelay $0x2  }
0x9e: {  	[tilespmem:$0x300] =	vst v14  }
0x9f: {  	v13 =	vadd.s32 v0, v13;
	[tilespmem:$0x310] =	vst v16  }
0xa0: {  	[tilespmem:$0x200] =	vst v13;
	v13 =	vadd.s32 v0, v15  }
0xa1: {  	s22 =	simm.s32 $0x200;
	s25 =	simm.s32 $0x400;
	[tilespmem:$0x210] =	vst v13  }
0xa2: {  	[tilespmem:s25], [sflag:$0x1] =	stream.indirect.gather [hbm4b:s5+s16], $0x80, s22, s16, $0xb8;
	[tilespmem:$0x1C400] =	vst v63  }
0xa3: {  	s26 =	simm.s32 $0x2400  }
0xa4: {  	[tilespmem:s26], [sflag:$0x3] =	stream.indirect.gather [hbm4b:s28+s16], $0x80, s29, s16, $0xb8;
	[tilespmem:$0x1C400] =	vst v63  }
0xa5: {  	s31 =	simm.s32 $0x4400;
	s30 =	rddreg [dreg:$0xe]  }
0xa6: {  	[tilespmem:s31], [sflag:$0x5] =	stream.linear.gather [hbm4b:s30+s17], $0x1000, $0x38;
	[tilespmem:$0x1C400] =	vst v63  }
.LBB2_4:
0xa7: {  	s20 =	sshll.u32 s17, $0x1;
	p0 =	seq.s32 s17, $0x0  }
0xa8: {  	s0 =	sor.u32 @!p0 $0x1, s20  }
0xa9: {  	s2 =	simm.s32 $0x1;
	s1 =	smul.u32 @!p0 $0xCCCD, s0  }
0xaa: {  	_ =	swait.ge [sflag:s2], $0x1000  }
0xab: {  	[sflag:s2] =	ssyncset.done $0x0;
	s1 =	sshrl.u32 @!p0 s1, $0x12  }
0xac: {  	s4 =	simm.s32 $0x3;
	[sflag:s2] =	ssyncadd.s32 $0xFFFFF000;
	s1 =	smul.u32 @!p0 $0x5, s1  }
0xad: {  	_ =	swait.ge [sflag:s4], $0x1000  }
0xae: {  	[sflag:s4] =	ssyncset.done $0x0;
	s1 =	ssub.s32 @!p0 s0, s1  }
0xaf: {  	s9 =	simm.s32 $0x5;
	[sflag:s4] =	ssyncadd.s32 $0xFFFFF000;
	s1 =	sand.u32 @!p0 $0xFFFF, s1  }
0xb0: {  	_ =	swait.ge [sflag:s9], $0x1000;
	p2 =	sne.s32 @!p0 s1, $0x0  }
0xb1: {  	[sflag:s9] =	ssyncset.done $0x0;
	p1 =	por p2, p0  }
0xb2: {  	s2 =	simm.s32 @!p0 $0x8;
	[sflag:s9] =	ssyncadd.s32 $0xFFFFF000;
	s3 =	sshll.u32 @!p1 s0, $0x5  }
0xb3: {  	_ =	swait.ge @!p0 [sflag:s2], $0x1000;
	s3 =	sadd.s32 @!p1 s8, s3  }
0xb4: {  	[sflag:s2] =	ssyncset.done @!p0 $0x0;
	s4 =	simm.s32 @!p1 $0x9;
	s3 =	sshrl.u32 @!p1 s3, $0x3  }
0xb5: {  	[sflag:s2] =	ssyncadd.s32 @!p0 $0xFFFFF000;
	s2 =	sadd.s32 @!p1 s7, s3;
	s3 =	simm.s32 @!p1 $0x0  }
0xb6: {  	[tilespmem:s3], [sflag:$0x9] =	stream.linear.gather @!p1 [hbm4b:s2+s3], $0xA0, $0x38;
	[tilespmem:$0x1C400] =	vst v63  }
0xb7: {  	_ =	swait.ge @!p1 [sflag:s4], $0xA0  }
0xb8: {  	p2 =	por !p2, p0;
	[sflag:s4] =	ssyncset.done @!p1 $0x0  }
0xb9: {  	s9 =	simm.s32 @!p1 $0x100;
	s2 =	sadd.s32 @!p1 $0x9C40, s2;
	[sflag:s4] =	ssyncadd.s32 @!p1 $0xFFFFFF60  }
0xba: {  	[tilespmem:s9], [sflag:$0x9] =	stream.linear.gather @!p1 [hbm4b:s2+s3], $0xA0, $0x38;
	[tilespmem:$0x1C400] =	vst v63  }
0xbb: {  	s1 =	simm.s32 @p2 $0x0;
	_ =	swait.ge @!p1 [sflag:s4], $0xA0  }
0xbc: {  	s1 =	simm.s32 @p0 $0x1;
	[sflag:s4] =	ssyncset.done @!p1 $0x0  }
0xbd: {  	s1 =	sshll.u32 s1, $0x5;
	v0 =	vld [tilespmem:$0x1FF70];
	[sflag:s4] =	ssyncadd.s32 @!p1 $0xFFFFFF60  }
0xbe: {  	v13 =	vld [tilespmem:s1+$0x0];
	_ =	sdelay $0x4  }
0xbf: {  	v13 =	vadd.s32 v0, v13  }
0xc0: {  	[tilespmem:$0x280] =	vst v13  }
0xc1: {  	v13 =	vld [tilespmem:s1+$0x100];
	_ =	sdelay $0x4  }
0xc2: {  	[tilespmem:$0x380] =	vst v13  }
0xc3: {  	v13 =	vld [tilespmem:s1+$0x10];
	_ =	sdelay $0x4  }
0xc4: {  	v13 =	vadd.s32 v0, v13  }
0xc5: {  	[tilespmem:$0x290] =	vst v13  }
0xc6: {  	v13 =	vld [tilespmem:s1+$0x110];
	_ =	sdelay $0x2  }
0xc7: {  	s0 =	simm.s32 @p0 $0x1  }
0xc8: {  	s0 =	sshll.u32 s0, $0xC  }
0xc9: {  	s10 =	simm.s32 $0x280;
	s11 =	simm.s32 $0x1400;
	s0 =	sadd.s32 s0, s18;
	[tilespmem:$0x390] =	vst v13  }
0xca: {  	[tilespmem:s11], [sflag:$0x2] =	stream.indirect.gather [hbm4b:s5+s16], $0x80, s10, s16, $0xb8;
	[tilespmem:$0x1C400] =	vst v63  }
0xcb: {  	s12 =	simm.s32 $0x3400;
	s0 =	sshrl.u32 s0, $0x3  }
0xcc: {  	[tilespmem:s12], [sflag:$0x4] =	stream.indirect.gather [hbm4b:s28+s16], $0x80, s21, s16, $0xb8;
	[tilespmem:$0x1C400] =	vst v63  }
0xcd: {  	s13 =	simm.s32 $0x0;
	s14 =	simm.s32 $0x5400;
	s0 =	sadd.s32 s6, s0  }
0xce: {  	[tilespmem:s14], [sflag:$0x6] =	stream.linear.gather [hbm4b:s0+s13], $0x1000, $0x38;
	[tilespmem:$0x1C400] =	vst v63  }
0xcf: {  	s15 =	simm.s32 $0x4480;
	v13 =	vld [tilespmem:s23+$0x10]  }
0xd0: {  	v16 =	vld [tilespmem:s15+$0x30]  }
0xd1: {  	v15 =	vld [tilespmem:s23+$0x0]  }
0xd2: {  	v17 =	vld [tilespmem:s15+$0x20]  }
0xd3: {  	v22 =	vld [tilespmem:s15+$0x10]  }
0xd4: {  	s2 =	simm.s32 $0x480;
	v14 =	vld [tilespmem:s15+$0x0]  }
0xd5: {  	v18 =	vld [tilespmem:s2+$0x0]  }
0xd6: {  	v19 =	vld [tilespmem:s2+$0x10]  }
0xd7: {  	v20 =	vld [tilespmem:s2+$0x20]  }
0xd8: {  	v21 =	vld [tilespmem:s2+$0x30]  }
0xd9: {  	v23 =	vld [tilespmem:s23+$0x20]  }
0xda: {  	v24 =	vld [tilespmem:s23+$0x30];
	v18 =	vadd.f32 v18, v14  }
0xdb: {  	v19 =	vadd.f32 v19, v22  }
0xdc: {  	v15 =	vmul.f32 v18, v15;
	v18 =	vadd.f32 v20, v17  }
0xdd: {  	v20 =	vadd.f32 v21, v16;
	v13 =	vmul.f32 v19, v13  }
0xde: {  	v0 =	vld [tilespmem:s15+$0xFFFFFF90];
	v19 =	vperm.xlane v15, v2;
	v18 =	vmul.f32 v18, v23  }
0xdf: {  	v20 =	vmul.f32 v20, v24  }
0xe0: {  	v15 =	vadd.f32 v15, v19;
	v19 =	vperm.xlane v18, v2  }
0xe1: {  	v21 =	vperm.xlane v13, v2;
	v23 =	vperm.xlane v20, v2  }
0xe2: {  	v18 =	vadd.f32 v18, v19;
	v19 =	vld [tilespmem:s2+$0xFFFFFF80]  }
0xe3: {  	v13 =	vadd.f32 v13, v21;
	v23 =	vadd.f32 v20, v23;
	v20 =	vld [tilespmem:s15+$0xFFFFFF80];
	[tilespmem:$0x1FF30] =	vst v0  }
0xe4: {  	v21 =	vperm.xlane v15, v3;
	v1 =	vld [tilespmem:s15+$0xFFFFFFA0]  }
0xe5: {  	v24 =	vperm.xlane v13, v3  }
0xe6: {  	v15 =	vadd.f32 v15, v21;
	v21 =	vperm.xlane v18, v3  }
0xe7: {  	v8 =	vld [tilespmem:$0x1FF80];
	v25 =	vperm.xlane v23, v3;
	v13 =	vadd.f32 v13, v24  }
0xe8: {  	v24 =	vld [tilespmem:s2+$0xFFFFFF90];
	v26 =	vperm.xlane v15, v4;
	v18 =	vadd.f32 v18, v21  }
0xe9: {  	v21 =	vld [tilespmem:s23+$0xFFFFFF80];
	v25 =	vadd.f32 v23, v25;
	v27 =	vperm.xlane v13, v4;
	[tilespmem:$0x1FF40] =	vst v1  }
0xea: {  	v15 =	vadd.f32 v15, v26;
	v26 =	vperm.xlane v18, v4;
	v29 =	vld [tilespmem:s2+$0xFFFFFFA0]  }
0xeb: {  	v27 =	vadd.f32 v13, v27;
	v30 =	vperm.xlane v25, v4;
	v31 =	vld [tilespmem:s23+$0xFFFFFF90]  }
0xec: {  	v13 =	vld [tilespmem:s15+$0xFFFFFFB0];
	v15 =	vperm.xlane v15, v8;
	v18 =	vadd.f32 v18, v26  }
0xed: {  	v19 =	vadd.f32 v19, v20;
	v26 =	vperm.xlane v27, v48;
	v25 =	vadd.f32 v25, v30;
	v27 =	vld [tilespmem:s2+$0xFFFFFFB0]  }
0xee: {  	v24 =	vadd.f32 v24, v0;
	v30 =	vld [tilespmem:s23+$0xFFFFFFA0];
	v15 =	vnsel vm0, $0x0, v15;
	v18 =	vperm.xlane v18, v10  }
0xef: {  	v19 =	vmul.f32 v19, v21;
	v21 =	vld [tilespmem:s23+$0xFFFFFFB0];
	v25 =	vperm.xlane v25, v11;
	v15 =	vsel vm1, v15, v26  }
0xf0: {  	s25 =	simm.s32 $0x580;
	v15 =	vsel vm2, v15, v18;
	v18 =	vmul.f32 v24, v31  }
0xf1: {  	v34 =	vld [tilespmem:s25+$0x10];
	v24 =	vperm.xlane v19, v2;
	v15 =	vsel vm3, v15, v25;
	v25 =	vadd.f32 v29, v1  }
0xf2: {  	s9 =	sadd.s32 $0x100, s23;
	v38 =	vld [tilespmem:s25+$0x30];
	v26 =	vadd.f32 v27, v13;
	v15 =	vmul.f32 $1.442695020e+00, v15  }
0xf3: {  	s19 =	simm.s32 $0x4580;
	v47 =	vld [tilespmem:s9+$0x30];
	v27 =	vperm.xlane v18, v2;
	v19 =	vadd.f32 v19, v24;
	v25 =	vmul.f32 v25, v30  }
0xf4: {  	v24 =	vld [tilespmem:s19+$0x30];
	(erf) = vpow2.f32 v15;
	v15 =	vmul.f32 v26, v21  }
0xf5: {  	v26 =	vadd.f32 v18, v27;
	v31 =	vperm.xlane v19, v3;
	v18 =	vld [tilespmem:s19+$0x10];
	v30 =	vperm.xlane v25, v2  }
0xf6: {  	v29 =	vld [tilespmem:s9+$0x10];
	v32 =	vperm.xlane v15, v2  }
0xf7: {  	v33 =	vperm.xlane v26, v3;
	v25 =	vadd.f32 v25, v30;
	v30 =	vadd.f32 v19, v31;
	v19 =	vld [tilespmem:s19+$0x0]  }
0xf8: {  	v31 =	vld [tilespmem:s25+$0x0];
	v15 =	vadd.f32 v15, v32  }
0xf9: {  	v37 =	vld [tilespmem:s25+$0x20];
	v50 =	vadd.f32 v38, v24;
	v26 =	vadd.f32 v26, v33;
	v42 =	vperm.xlane v25, v3  }
0xfa: {  	v27 =	vld [tilespmem:s9+$0x0];
	v43 =	vperm.xlane v30, v4;
	v34 =	vadd.f32 v34, v18;
	v35 =	vperm.xlane v15, v3  }
0xfb: {  	v21 =	vld [tilespmem:s19+$0x20];
	v53 =	vmul.f32 v50, v47;
	v36 =	vperm.xlane v26, v4;
	v32 =	vadd.f32 v25, v42  }
0xfc: {  	v30 =	vadd.f32 v30, v43;
	v29 =	vmul.f32 v34, v29;
	v15 =	vadd.f32 v15, v35  }
0xfd: {  	v46 =	vld [tilespmem:s9+$0x20];
	v58 =	vperm.xlane v53, v2;
	v26 =	vadd.f32 v26, v36;
	v31 =	vadd.f32 v31, v19;
	v25 =	vpop (erf)  }
0xfe: {  	s22 =	simm.s32 $0x6480;
	v49 =	vperm.xlane v32, v4;
	v30 =	vperm.xlane v30, v8;
	v39 =	vnsel vm4, $0x0, v25  }
0xff: {  	v54 =	vperm.xlane v29, v2;
	v40 =	vperm.xlane v15, v4;
	[tilespmem:s22+$0x40] =	vst v39  }
0x100: {  	v26 =	vperm.xlane v26, v48;
	v27 =	vmul.f32 v31, v27;
	v31 =	vadd.f32 v37, v21;
	v39 =	vld [tilespmem:s2+$0x40]  }
0x101: {  	v55 =	vperm.xlane v25, v12;
	v42 =	vperm.xlane v25, v45  }
0x102: {  	v52 =	vperm.xlane v27, v2;
	v31 =	vmul.f32 v31, v46  }
0x103: {  	v32 =	vadd.f32 v32, v49;
	v30 =	vnsel vm0, $0x0, v30;
	v35 =	vadd.f32 v29, v54  }
0x104: {  	v57 =	vld [tilespmem:s25+$0xFFFFFF80];
	v15 =	vadd.f32 v15, v40;
	v27 =	vadd.f32 v27, v52;
	v56 =	vperm.xlane v31, v2  }
0x105: {  	v29 =	vld [tilespmem:s19+$0xFFFFFF80];
	v26 =	vsel vm1, v30, v26;
	v59 =	vperm.xlane v32, v10;
	v14 =	vadd.f32 v39, v14  }
0x106: {  	v30 =	vld [tilespmem:s25+$0xFFFFFF90];
	v61 =	vperm.xlane v35, v3;
	v60 =	vperm.xlane v27, v3;
	v31 =	vadd.f32 v31, v56  }
0x107: {  	v33 =	vadd.f32 v53, v58;
	v32 =	vld [tilespmem:s19+$0xFFFFFF90];
	v15 =	vperm.xlane v15, v11;
	v14 =	vmul.f32 v14, v55  }
0x108: {  	v63 =	vld [tilespmem:s9+$0xFFFFFF80];
	v26 =	vsel vm2, v26, v59;
	v27 =	vadd.f32 v27, v60;
	v62 =	vperm.xlane v31, v3  }
0x109: {  	v47 =	vld [tilespmem:s25+$0xFFFFFFA0];
	v34 =	vadd.f32 v35, v61;
	v26 =	vsel vm3, v26, v15;
	[tilespmem:s22+$0x0] =	vst v14;
	v14 =	vperm.xlane v33, v3  }
0x10a: {  	v37 =	vadd.f32 v57, v29;
	v46 =	vperm.xlane v27, v4;
	v31 =	vadd.f32 v31, v62;
	v9 =	vld [tilespmem:s2+$0x50]  }
0x10b: {  	v50 =	vld [tilespmem:s9+$0xFFFFFF90];
	v26 =	vmul.f32 $1.442695020e+00, v26;
	v33 =	vadd.f32 v33, v14;
	v14 =	vperm.xlane v34, v4  }
0x10c: {  	v52 =	vld [tilespmem:s25+$0xFFFFFFB0];
	v30 =	vadd.f32 v30, v32;
	v27 =	vadd.f32 v27, v46;
	v49 =	vperm.xlane v31, v4  }
0x10d: {  	v15 =	vld [tilespmem:s19+$0xFFFFFFA0];
	(erf) = vpow2.f32 v26;
	v34 =	vadd.f32 v34, v14;
	v41 =	vperm.xlane v33, v4  }
0x10e: {  	v26 =	vmul.f32 v37, v63;
	v27 =	vperm.xlane v27, v8;
	v31 =	vadd.f32 v31, v49;
	v14 =	vld [tilespmem:s19+$0xFFFFFFB0]  }
0x10f: {  	v53 =	vld [tilespmem:s9+$0xFFFFFFA0];
	v22 =	vadd.f32 v9, v22;
	v34 =	vperm.xlane v34, v48;
	v33 =	vadd.f32 v33, v41  }
0x110: {  	v54 =	vld [tilespmem:s9+$0xFFFFFFB0];
	v30 =	vmul.f32 v30, v50;
	v27 =	vnsel vm0, $0x0, v27;
	v31 =	vperm.xlane v31, v10  }
0x111: {  	v22 =	vmul.f32 v22, v42;
	v27 =	vsel vm1, v27, v34;
	v33 =	vperm.xlane v33, v11  }
0x112: {  	s14 =	simm.s32 $0x680;
	v57 =	vperm.xlane v30, v2;
	v27 =	vsel vm2, v27, v31;
	v31 =	vadd.f32 v47, v15  }
0x113: {  	s21 =	simm.s32 $0x4680;
	v59 =	vld [tilespmem:s14+$0x30];
	v55 =	vadd.f32 v52, v14;
	[tilespmem:s22+$0x10] =	vst v22;
	v22 =	vsel vm3, v27, v33;
	v27 =	vperm.xlane v26, v2  }
0x114: {  	v34 =	vld [tilespmem:s21+$0x30];
	v22 =	vmul.f32 $1.442695020e+00, v22;
	v31 =	vmul.f32 v31, v53  }
0x115: {  	v56 =	vld [tilespmem:s2+$0x60];
	v33 =	vmul.f32 v55, v54;
	v26 =	vadd.f32 v26, v27  }
0x116: {  	v52 =	vld [tilespmem:s14+$0x0];
	v27 =	vadd.f32 v30, v57;
	(erf) = vpow2.f32 v22;
	v22 =	vperm.xlane v31, v2  }
0x117: {  	v53 =	vld [tilespmem:s14+$0x10];
	v30 =	vperm.xlane v33, v2;
	v58 =	vperm.xlane v26, v3  }
0x118: {  	v62 =	vperm.xlane v25, v44;
	v55 =	vld [tilespmem:s14+$0x20];
	v60 =	vadd.f32 v31, v22;
	v22 =	vperm.xlane v27, v3  }
0x119: {  	v25 =	vperm.xlane v25, v51;
	v33 =	vadd.f32 v33, v30;
	v30 =	vld [tilespmem:s21+$0x20];
	v26 =	vadd.f32 v26, v58  }
0x11a: {  	v17 =	vadd.f32 v56, v17;
	v63 =	vadd.f32 v27, v22;
	v9 =	vperm.xlane v60, v3;
	v27 =	vld [tilespmem:s21+$0x10]  }
0x11b: {  	s10 =	sadd.s32 $0x100, s9;
	v49 =	vperm.xlane v33, v3;
	v22 =	vld [tilespmem:s21+$0x0];
	v43 =	vperm.xlane v26, v4  }
0x11c: {  	v57 =	vld [tilespmem:s10+$0x20];
	v59 =	vadd.f32 v59, v34;
	v17 =	vmul.f32 v17, v62;
	v36 =	vadd.f32 v60, v9  }
0x11d: {  	v61 =	vld [tilespmem:s10+$0x0];
	v31 =	vpop (erf);
	v50 =	vperm.xlane v63, v4;
	v33 =	vadd.f32 v33, v49;
	v43 =	vadd.f32 v26, v43  }
0x11e: {  	v39 =	vld [tilespmem:s10+$0x10];
	v38 =	vperm.xlane v31, v12;
	v42 =	vadd.f32 v55, v30;
	v54 =	vperm.xlane v36, v4  }
0x11f: {  	v37 =	vld [tilespmem:s10+$0x30];
	[tilespmem:s22+$0x20] =	vst v17;
	v17 =	vadd.f32 v63, v50;
	v56 =	vperm.xlane v33, v4;
	v26 =	vpop (erf);
	v43 =	vperm.xlane v43, v8  }
0x120: {  	v6 =	vmovc v48;
	s4 =	simm.s32 $0x6580;
	v1 =	vmovc v45;
	v47 =	vld [tilespmem:s2+$0x70];
	v45 =	vadd.f32 v52, v22;
	v60 =	vadd.f32 v53, v27;
	v49 =	vnsel vm4, $0x0, v26  }
0x121: {  	v63 =	vmul.f32 v42, v57;
	v17 =	vperm.xlane v17, v6;
	v36 =	vadd.f32 v36, v54;
	[tilespmem:s4+$0x40] =	vst v49  }
0x122: {  	v33 =	vadd.f32 v33, v56;
	v52 =	vperm.xlane v26, v12;
	v41 =	vmul.f32 v45, v61;
	v58 =	vld [tilespmem:s25+$0x40]  }
0x123: {  	v43 =	vnsel vm0, $0x0, v43;
	v61 =	vmul.f32 v60, v39;
	v55 =	vperm.xlane v63, v2  }
0x124: {  	v50 =	vperm.xlane v36, v10;
	v17 =	vsel vm1, v43, v17;
	v33 =	vperm.xlane v33, v11  }
0x125: {  	v5 =	vmovc v44;
	v9 =	vld [tilespmem:s14+$0xFFFFFF80];
	v44 =	vadd.f32 v47, v16;
	v16 =	vmul.f32 v59, v37;
	v62 =	vperm.xlane v41, v2  }
0x126: {  	v36 =	vld [tilespmem:s21+$0xFFFFFF80];
	v54 =	vperm.xlane v61, v2;
	v40 =	vadd.f32 v63, v55;
	v17 =	vsel vm2, v17, v50  }
0x127: {  	v57 =	vld [tilespmem:s10+$0xFFFFFF80];
	v39 =	vadd.f32 v41, v62;
	v56 =	vperm.xlane v16, v2;
	v53 =	vadd.f32 v58, v19  }
0x128: {  	v37 =	vadd.f32 v61, v54;
	v17 =	vsel vm3, v17, v33;
	v33 =	vld [tilespmem:s14+$0xFFFFFF90];
	v62 =	vperm.xlane v40, v3  }
0x129: {  	v60 =	vmul.f32 $1.442695020e+00, v17;
	v17 =	vld [tilespmem:s21+$0xFFFFFFA0];
	v43 =	vmul.f32 v53, v52  }
0x12a: {  	v19 =	vld [tilespmem:s21+$0xFFFFFF90];
	v58 =	vperm.xlane v39, v3;
	v16 =	vadd.f32 v16, v56;
	v59 =	vperm.xlane v37, v3  }
0x12b: {  	v0 =	vmul.f32 v44, v25;
	v42 =	vadd.f32 v9, v36;
	v9 =	vld [tilespmem:s14+$0xFFFFFFA0];
	v40 =	vadd.f32 v40, v62;
	[tilespmem:s4+$0x0] =	vst v43  }
0x12c: {  	v39 =	vadd.f32 v39, v58;
	v63 =	vperm.xlane v16, v3;
	v37 =	vadd.f32 v37, v59;
	v61 =	vld [tilespmem:s25+$0x50]  }
0x12d: {  	v46 =	vnsel vm4, $0x0, v31;
	v42 =	vmul.f32 v42, v57;
	v58 =	vperm.xlane v40, v4;
	v59 =	vld [tilespmem:s14+$0xFFFFFFB0]  }
0x12e: {  	v53 =	vperm.xlane v39, v4;
	v55 =	vadd.f32 v16, v63;
	v56 =	vperm.xlane v37, v4;
	v16 =	vld [tilespmem:s21+$0xFFFFFFB0]  }
0x12f: {  	v54 =	vld [tilespmem:s10+$0xFFFFFF90];
	(erf) = vpow2.f32 v60;
	v57 =	vperm.xlane v26, v1;
	v40 =	vadd.f32 v40, v58  }
0x130: {  	v63 =	vld [tilespmem:s10+$0xFFFFFFB0];
	v52 =	vperm.xlane v42, v2;
	v39 =	vadd.f32 v39, v53;
	v37 =	vadd.f32 v37, v56  }
0x131: {  	v33 =	vadd.f32 v33, v19;
	v60 =	vperm.xlane v55, v4;
	v18 =	vadd.f32 v61, v18  }
0x132: {  	[tilespmem:s22+$0xFFFFFFC0] =	vst v46;
	v41 =	vadd.f32 v9, v17;
	v39 =	vperm.xlane v39, v8;
	v37 =	vperm.xlane v37, v6  }
0x133: {  	v46 =	vld [tilespmem:s2+$0xFFFFFFC0];
	v62 =	vadd.f32 v55, v60;
	v53 =	vadd.f32 v59, v16;
	v18 =	vmul.f32 v18, v57  }
0x134: {  	s31 =	sadd.s32 $0x100, s10;
	v40 =	vperm.xlane v40, v10;
	v33 =	vmul.f32 v33, v54;
	v61 =	vld [tilespmem:s10+$0xFFFFFFA0];
	v39 =	vnsel vm0, $0x0, v39  }
0x135: {  	v50 =	vld [tilespmem:s31+$0x10];
	v9 =	vperm.xlane v62, v11;
	v56 =	vmul.f32 v53, v63;
	[tilespmem:s4+$0x10] =	vst v18;
	v18 =	vsel vm1, v39, v37  }
0x136: {  	s26 =	simm.s32 $0x4780;
	v35 =	vperm.xlane v31, v1;
	v55 =	vperm.xlane v33, v2;
	v54 =	vld [tilespmem:s25+$0x60];
	v18 =	vsel vm2, v18, v40;
	[tilespmem:$0x1FF50] =	vst v0  }
0x137: {  	v25 =	vadd.f32 v42, v52;
	v47 =	vperm.xlane v56, v2;
	v18 =	vsel vm3, v18, v9;
	v9 =	vld [tilespmem:s26+$0x30]  }
0x138: {  	v43 =	vperm.xlane v31, v5;
	v33 =	vadd.f32 v33, v55;
	v45 =	vld [tilespmem:s31+$0x0];
	v18 =	vmul.f32 $1.442695020e+00, v18  }
0x139: {  	s1 =	simm.s32 $0x780;
	v58 =	vperm.xlane v25, v3;
	v41 =	vmul.f32 v41, v61;
	v42 =	vadd.f32 v56, v47;
	v37 =	vld [tilespmem:s26+$0x20]  }
0x13a: {  	v60 =	vperm.xlane v33, v3;
	v63 =	vld [tilespmem:s1+$0x0];
	(erf) = vpow2.f32 v18  }
0x13b: {  	v20 =	vadd.f32 v46, v20;
	v52 =	vld [tilespmem:s1+$0x10];
	v57 =	vperm.xlane v41, v2;
	v53 =	vperm.xlane v42, v3  }
0x13c: {  	v7 =	vmovc v51;
	v25 =	vadd.f32 v25, v58;
	v39 =	vperm.xlane v26, v5;
	v61 =	vadd.f32 v33, v60;
	v56 =	vld [tilespmem:s1+$0x20]  }
0x13d: {  	v59 =	vadd.f32 v41, v57;
	v18 =	vperm.xlane v31, v7;
	v31 =	vld [tilespmem:s26+$0x0];
	v46 =	vadd.f32 v42, v53  }
0x13e: {  	v40 =	vperm.xlane v25, v4;
	v41 =	vld [tilespmem:s26+$0x10];
	v21 =	vadd.f32 v54, v21;
	v54 =	vperm.xlane v61, v4  }
0x13f: {  	v60 =	vld [tilespmem:s31+$0x20];
	v62 =	vperm.xlane v59, v3;
	v47 =	vperm.xlane v46, v4  }
0x140: {  	v25 =	vadd.f32 v25, v40;
	v51 =	vmul.f32 v21, v39;
	v21 =	vld [tilespmem:s1+$0x30];
	v42 =	vadd.f32 v61, v54  }
0x141: {  	v44 =	vmul.f32 v20, v38;
	v55 =	vadd.f32 v59, v62;
	v46 =	vadd.f32 v46, v47  }
0x142: {  	v33 =	vpop (erf);
	v25 =	vperm.xlane v25, v8;
	v61 =	vld [tilespmem:s31+$0x30];
	v20 =	vadd.f32 v63, v31;
	v63 =	vadd.f32 v56, v37  }
0x143: {  	v52 =	vadd.f32 v52, v41;
	v56 =	vperm.xlane v42, v6;
	v62 =	vperm.xlane v55, v4;
	v38 =	vpop (erf)  }
0x144: {  	s0 =	simm.s32 $0x6680;
	v20 =	vmul.f32 v20, v45;
	v45 =	vmul.f32 v63, v60;
	v57 =	vnsel vm4, $0x0, v38  }
0x145: {  	v46 =	vperm.xlane v46, v11;
	v50 =	vmul.f32 v52, v50;
	v21 =	vadd.f32 v21, v9;
	[tilespmem:s0+$0x40] =	vst v57  }
0x146: {  	v60 =	vadd.f32 v55, v62;
	v39 =	vperm.xlane v20, v2;
	v62 =	vperm.xlane v45, v2;
	v52 =	vld [tilespmem:s14+$0x40]  }
0x147: {  	v55 =	vnsel vm0, $0x0, v25;
	v21 =	vmul.f32 v21, v61;
	v61 =	vperm.xlane v50, v2  }
0x148: {  	v58 =	vperm.xlane v38, v12;
	v48 =	vperm.xlane v60, v10;
	v20 =	vadd.f32 v20, v39  }
0x149: {  	v53 =	vld [tilespmem:s1+$0xFFFFFF80];
	v63 =	vperm.xlane v21, v2;
	v50 =	vadd.f32 v50, v61;
	v61 =	vsel vm1, v55, v56  }
0x14a: {  	v25 =	vld [tilespmem:s26+$0xFFFFFF80];
	v45 =	vadd.f32 v45, v62;
	v59 =	vperm.xlane v20, v3;
	v47 =	vsel vm2, v61, v48  }
0x14b: {  	v57 =	vld [tilespmem:s1+$0xFFFFFF90];
	v54 =	vadd.f32 v21, v63;
	v21 =	vperm.xlane v50, v3;
	v52 =	vadd.f32 v52, v22  }
0x14c: {  	v39 =	vperm.xlane v45, v3;
	v48 =	vld [tilespmem:s1+$0xFFFFFFA0];
	v46 =	vsel vm3, v47, v46  }
0x14d: {  	v47 =	vld [tilespmem:s31+$0xFFFFFF90];
	v20 =	vadd.f32 v20, v59;
	v50 =	vadd.f32 v50, v21;
	v52 =	vmul.f32 v52, v58  }
0x14e: {  	v59 =	vld [tilespmem:s31+$0xFFFFFF80];
	v45 =	vadd.f32 v45, v39;
	v40 =	vperm.xlane v54, v3  }
0x14f: {  	v22 =	vld [tilespmem:s26+$0xFFFFFF90];
	v60 =	vperm.xlane v20, v4;
	v63 =	vperm.xlane v50, v4;
	[tilespmem:s0+$0x0] =	vst v52  }
0x150: {  	v53 =	vadd.f32 v53, v25;
	v62 =	vadd.f32 v54, v40;
	v40 =	vperm.xlane v45, v4;
	v39 =	vld [tilespmem:s14+$0x50]  }
0x151: {  	v56 =	vperm.xlane v38, v1;
	v21 =	vld [tilespmem:s26+$0xFFFFFFA0];
	v20 =	vadd.f32 v20, v60;
	v50 =	vadd.f32 v50, v63  }
0x152: {  	v46 =	vmul.f32 $1.442695020e+00, v46;
	v54 =	vld [tilespmem:s1+$0xFFFFFFB0];
	v60 =	vperm.xlane v62, v4;
	v45 =	vadd.f32 v45, v40  }
0x153: {  	v61 =	vperm.xlane v20, v8;
	v20 =	vld [tilespmem:s26+$0xFFFFFFB0];
	v50 =	vperm.xlane v50, v6  }
0x154: {  	[tilespmem:s4+$0x20] =	vst v51;
	v52 =	vadd.f32 v62, v60;
	v45 =	vperm.xlane v45, v10;
	v60 =	vld [tilespmem:s31+$0xFFFFFFA0];
	v62 =	vmul.f32 v53, v59  }
0x155: {  	v40 =	vadd.f32 v57, v22;
	v58 =	vnsel vm0, $0x0, v61;
	v27 =	vadd.f32 v39, v27;
	v39 =	vld [tilespmem:s25+$0x70]  }
0x156: {  	(erf) = vpow2.f32 v46;
	v63 =	vld [tilespmem:s31+$0xFFFFFFB0];
	v50 =	vsel vm1, v58, v50;
	v52 =	vperm.xlane v52, v11  }
0x157: {  	v57 =	vperm.xlane v62, v2;
	v47 =	vmul.f32 v40, v47;
	v45 =	vsel vm2, v50, v45  }
0x158: {  	v45 =	vsel vm3, v45, v52;
	v27 =	vmul.f32 v27, v56;
	v56 =	vadd.f32 v48, v21  }
0x159: {  	v58 =	vadd.f32 v54, v20;
	v59 =	vperm.xlane v47, v2;
	v45 =	vmul.f32 $1.442695020e+00, v45  }
0x15a: {  	s3 =	sadd.s32 $0x100, s31;
	[tilespmem:s0+$0x10] =	vst v27;
	v27 =	vmul.f32 v56, v60;
	v60 =	vperm.xlane v26, v7;
	v24 =	vadd.f32 v39, v24  }
0x15b: {  	v55 =	vld [tilespmem:s3+$0x10];
	v46 =	vmul.f32 v58, v63;
	(erf) = vpow2.f32 v45  }
0x15c: {  	s11 =	simm.s32 $0x4880;
	v52 =	vld [tilespmem:s3+$0x30];
	v48 =	vadd.f32 v62, v57;
	v0 =	vmul.f32 v24, v60  }
0x15d: {  	v45 =	vadd.f32 v47, v59;
	v62 =	vperm.xlane v46, v2;
	v26 =	vld [tilespmem:s11+$0x30]  }
0x15e: {  	s21 =	simm.s32 $0x880;
	v49 =	vperm.xlane v33, v12;
	v54 =	vld [tilespmem:s14+$0x60];
	v39 =	vperm.xlane v48, v3;
	[tilespmem:$0x1FF60] =	vst v0  }
0x15f: {  	v63 =	vperm.xlane v45, v3;
	v51 =	vadd.f32 v46, v62;
	v61 =	vperm.xlane v27, v2;
	v56 =	vld [tilespmem:s21+$0x30]  }
0x160: {  	v42 =	vperm.xlane v33, v1;
	v62 =	vperm.xlane v38, v5;
	v53 =	vadd.f32 v48, v39;
	v58 =	vld [tilespmem:s3+$0x0]  }
0x161: {  	v59 =	vadd.f32 v45, v63;
	v40 =	vadd.f32 v27, v61;
	v61 =	vperm.xlane v51, v3;
	v45 =	vld [tilespmem:s11+$0x10]  }
0x162: {  	v24 =	vperm.xlane v33, v7;
	v63 =	vperm.xlane v53, v4;
	v46 =	vld [tilespmem:s11+$0x0]  }
0x163: {  	v50 =	vpop (erf);
	v27 =	vperm.xlane v33, v5;
	v39 =	vperm.xlane v40, v3;
	v60 =	vadd.f32 v51, v61;
	v61 =	vld [tilespmem:s21+$0x0]  }
0x164: {  	v0 =	vperm.xlane v59, v4;
	v30 =	vadd.f32 v54, v30;
	v54 =	vld [tilespmem:s21+$0x10];
	v51 =	vpop (erf);
	v53 =	vadd.f32 v53, v63  }
0x165: {  	s15 =	simm.s32 $0x6780;
	v48 =	vld [tilespmem:s11+$0x20];
	v57 =	vadd.f32 v40, v39;
	v40 =	vnsel vm4, $0x0, v51;
	v23 =	vperm.xlane v60, v4  }
0x166: {  	v33 =	vnsel vm4, $0x0, v33;
	v0 =	vadd.f32 v59, v0;
	v39 =	vld [tilespmem:s21+$0x20];
	v62 =	vmul.f32 v30, v62;
	[tilespmem:s15+$0x40] =	vst v40  }
0x167: {  	v30 =	vperm.xlane v53, v8;
	v47 =	vperm.xlane v57, v4;
	v53 =	vld [tilespmem:s1+$0x40];
	v23 =	vadd.f32 v60, v23  }
0x168: {  	v59 =	vld [tilespmem:s3+$0x20];
	v0 =	vperm.xlane v0, v6;
	v40 =	vadd.f32 v61, v46;
	v56 =	vadd.f32 v56, v26  }
0x169: {  	v30 =	vnsel vm0, $0x0, v30;
	v54 =	vadd.f32 v54, v45;
	v57 =	vadd.f32 v57, v47  }
0x16a: {  	[tilespmem:s4+$0xFFFFFFC0] =	vst v33;
	v33 =	vld [tilespmem:s11+$0xFFFFFF80];
	v0 =	vsel vm1, v30, v0;
	v58 =	vmul.f32 v40, v58;
	v52 =	vmul.f32 v56, v52  }
0x16b: {  	v47 =	vadd.f32 v39, v48;
	v54 =	vmul.f32 v54, v55;
	v56 =	vld [tilespmem:s21+$0xFFFFFF80];
	v57 =	vperm.xlane v57, v10  }
0x16c: {  	v39 =	vperm.xlane v51, v12;
	v31 =	vadd.f32 v53, v31;
	v30 =	vperm.xlane v58, v2  }
0x16d: {  	v23 =	vperm.xlane v23, v11;
	v53 =	vld [tilespmem:s25+$0xFFFFFFC0];
	v55 =	vmul.f32 v47, v59;
	v0 =	vsel vm2, v0, v57  }
0x16e: {  	v59 =	vld [tilespmem:s3+$0xFFFFFF80];
	v57 =	vperm.xlane v54, v2;
	v40 =	vmul.f32 v31, v39;
	v30 =	vadd.f32 v58, v30  }
0x16f: {  	v47 =	vperm.xlane v55, v2;
	v39 =	vperm.xlane v52, v2;
	v0 =	vsel vm3, v0, v23  }
0x170: {  	v31 =	vld [tilespmem:s11+$0xFFFFFF90];
	v23 =	vadd.f32 v54, v57;
	v0 =	vmul.f32 $1.442695020e+00, v0;
	v56 =	vadd.f32 v56, v33;
	[tilespmem:s15+$0x0] =	vst v40  }
0x171: {  	v40 =	vperm.xlane v30, v3;
	v55 =	vadd.f32 v55, v47;
	v52 =	vadd.f32 v52, v39;
	v57 =	vld [tilespmem:s1+$0x50]  }
0x172: {  	v29 =	vadd.f32 v53, v29;
	v53 =	vld [tilespmem:s21+$0xFFFFFF90];
	v47 =	vperm.xlane v23, v3;
	(erf) = vpow2.f32 v0  }
0x173: {  	v56 =	vmul.f32 v56, v59;
	v54 =	vadd.f32 v30, v40;
	v39 =	vperm.xlane v55, v3  }
0x174: {  	v60 =	vld [tilespmem:s3+$0xFFFFFF90];
	v40 =	vperm.xlane v52, v3;
	v49 =	vmul.f32 v29, v49;
	v0 =	vadd.f32 v23, v47  }
0x175: {  	v28 =	vld [tilespmem:s21+$0xFFFFFFA0];
	v23 =	vperm.xlane v51, v1;
	v58 =	vperm.xlane v54, v4;
	v55 =	vadd.f32 v55, v39  }
0x176: {  	v30 =	vld [tilespmem:s11+$0xFFFFFFA0];
	v52 =	vadd.f32 v52, v40;
	v47 =	vperm.xlane v0, v4;
	v41 =	vadd.f32 v57, v41  }
0x177: {  	v29 =	vld [tilespmem:s11+$0xFFFFFFB0];
	v54 =	vadd.f32 v54, v58;
	v57 =	vperm.xlane v55, v4;
	v53 =	vadd.f32 v53, v31  }
0x178: {  	v58 =	vld [tilespmem:s21+$0xFFFFFFB0];
	v0 =	vadd.f32 v0, v47;
	v47 =	vperm.xlane v52, v4;
	v23 =	vmul.f32 v41, v23  }
0x179: {  	[tilespmem:s22+$0xFFFFFF80] =	vst v44;
	v61 =	vnsel vm4, $0x0, v50;
	v59 =	vld [tilespmem:s3+$0xFFFFFFA0];
	v54 =	vperm.xlane v54, v8;
	v53 =	vmul.f32 v53, v60  }
0x17a: {  	[tilespmem:s0+$0x20] =	vst v62;
	v55 =	vadd.f32 v55, v57;
	v57 =	vld [tilespmem:s3+$0xFFFFFFB0];
	v60 =	vperm.xlane v56, v2;
	v0 =	vperm.xlane v0, v6  }
0x17b: {  	v44 =	vld [tilespmem:s14+$0x70];
	v41 =	vadd.f32 v52, v47;
	[tilespmem:s15+$0x10] =	vst v23;
	v23 =	vadd.f32 v28, v30;
	v28 =	vnsel vm0, $0x0, v54  }
0x17c: {  	s13 =	simm.s32 $0x980;
	v47 =	vperm.xlane v51, v5;
	v63 =	vperm.xlane v55, v10;
	v52 =	vld [tilespmem:s1+$0x60];
	v0 =	vsel vm1, v28, v0  }
0x17d: {  	v39 =	vld [tilespmem:s13+$0x20];
	v28 =	vperm.xlane v41, v11;
	v62 =	vadd.f32 v58, v29;
	v41 =	vadd.f32 v56, v60  }
0x17e: {  	[tilespmem:s4+$0xFFFFFF80] =	vst v49;
	v54 =	vld [tilespmem:s2+$0xFFFFFFD0];
	v0 =	vsel vm2, v0, v63;
	v23 =	vmul.f32 v23, v59;
	v63 =	vperm.xlane v53, v2  }
0x17f: {  	[tilespmem:s0+$0xFFFFFFC0] =	vst v61;
	v56 =	vld [tilespmem:s25+$0xFFFFFFD0];
	v0 =	vsel vm3, v0, v28;
	v55 =	vmul.f32 v62, v57;
	v62 =	vperm.xlane v41, v3  }
0x180: {  	v34 =	vadd.f32 v44, v34;
	v59 =	vld [tilespmem:$0x1FF30];
	v0 =	vmul.f32 $1.442695020e+00, v0;
	v28 =	vperm.xlane v23, v2  }
0x181: {  	s30 =	sadd.s32 $0x100, s3;
	v49 =	vld [tilespmem:s14+$0xFFFFFFC0];
	v57 =	vperm.xlane v50, v12;
	v61 =	vperm.xlane v55, v2;
	v37 =	vadd.f32 v52, v37  }
0x182: {  	s12 =	simm.s32 $0x4980;
	v58 =	vld [tilespmem:s30+$0x10];
	(erf) = vpow2.f32 v0;
	v0 =	vadd.f32 v53, v63;
	v23 =	vadd.f32 v23, v28  }
0x183: {  	v41 =	vadd.f32 v41, v62;
	v28 =	vld [tilespmem:s12+$0x30];
	v53 =	vadd.f32 v55, v61;
	v37 =	vmul.f32 v37, v47  }
0x184: {  	v32 =	vadd.f32 v56, v32;
	v56 =	vld [tilespmem:s13+$0xFFFFFF80];
	v63 =	vperm.xlane v0, v3;
	v40 =	vperm.xlane v23, v3  }
0x185: {  	v60 =	vadd.f32 v54, v59;
	v59 =	vld [tilespmem:s30+$0x30];
	v55 =	vperm.xlane v41, v4;
	v47 =	vperm.xlane v53, v3  }
0x186: {  	v54 =	vld [tilespmem:s13+$0x30];
	[tilespmem:s15+$0x20] =	vst v37;
	v37 =	vperm.xlane v38, v7;
	v0 =	vadd.f32 v0, v63;
	v23 =	vadd.f32 v23, v40  }
0x187: {  	v52 =	vmul.f32 v60, v35;
	v40 =	vadd.f32 v49, v36;
	v63 =	vadd.f32 v41, v55;
	v41 =	vld [tilespmem:s12+$0x0]  }
0x188: {  	v55 =	vld [tilespmem:s13+$0x10];
	v38 =	vperm.xlane v50, v1;
	v49 =	vadd.f32 v53, v47;
	v62 =	vmul.f32 v34, v37  }
0x189: {  	v44 =	vld [tilespmem:s1+$0x70];
	v36 =	vperm.xlane v0, v4;
	v47 =	vperm.xlane v23, v4  }
0x18a: {  	v37 =	vld [tilespmem:s12+$0x10];
	v57 =	vmul.f32 v40, v57;
	v40 =	vperm.xlane v49, v4  }
0x18b: {  	v53 =	vpop (erf);
	v60 =	vperm.xlane v63, v8;
	v63 =	vld [tilespmem:s13+$0x0];
	v0 =	vadd.f32 v0, v36;
	v23 =	vadd.f32 v23, v47  }
0x18c: {  	v61 =	vld [tilespmem:s30+$0x0];
	v54 =	vadd.f32 v54, v28;
	v36 =	vperm.xlane v50, v5;
	v34 =	vpop (erf);
	v49 =	vadd.f32 v49, v40  }
0x18d: {  	s11 =	simm.s32 $0x6880;
	v35 =	vld [tilespmem:s12+$0x20];
	v47 =	vnsel vm4, $0x0, v34;
	v0 =	vperm.xlane v0, v6;
	v23 =	vperm.xlane v23, v10  }
0x18e: {  	[tilespmem:s11+$0x40] =	vst v47;
	v47 =	vnsel vm0, $0x0, v60;
	v60 =	vmul.f32 v32, v42;
	v32 =	vperm.xlane v50, v7;
	v50 =	vld [tilespmem:s30+$0x20]  }
0x18f: {  	v42 =	vadd.f32 v44, v9;
	v9 =	vperm.xlane v51, v7;
	v55 =	vadd.f32 v55, v37;
	v44 =	vld [tilespmem:s12+$0xFFFFFF80]  }
0x190: {  	[tilespmem:s22+$0xFFFFFF90] =	vst v52;
	v49 =	vperm.xlane v49, v11;
	v40 =	vld [tilespmem:s21+$0x40];
	v0 =	vsel vm1, v47, v0;
	v47 =	vadd.f32 v63, v41  }
0x191: {  	v52 =	vld [tilespmem:s2+$0xFFFFFFE0];
	v0 =	vsel vm2, v0, v23;
	v23 =	vmul.f32 v54, v59;
	v54 =	vmul.f32 v55, v58  }
0x192: {  	v39 =	vadd.f32 v39, v35;
	v63 =	vmul.f32 v42, v9;
	v59 =	vld [tilespmem:$0x1FF40];
	v51 =	vmul.f32 v47, v61  }
0x193: {  	v55 =	vperm.xlane v34, v12;
	v58 =	vperm.xlane v54, v2  }
0x194: {  	v42 =	vld [tilespmem:s12+$0xFFFFFF90];
	v0 =	vsel vm3, v0, v49;
	v39 =	vmul.f32 v39, v50;
	v9 =	vperm.xlane v51, v2  }
0x195: {  	v49 =	vld [tilespmem:s30+$0xFFFFFF80];
	v0 =	vmul.f32 $1.442695020e+00, v0;
	v56 =	vadd.f32 v56, v44;
	v40 =	vadd.f32 v40, v46  }
0x196: {  	v50 =	vld [tilespmem:s13+$0xFFFFFF90];
	v54 =	vadd.f32 v54, v58;
	v47 =	vperm.xlane v39, v2;
	v51 =	vadd.f32 v51, v9  }
0x197: {  	(erf) = vpow2.f32 v0;
	v0 =	vld [tilespmem:s13+$0xFFFFFFA0];
	v61 =	vadd.f32 v52, v59;
	v9 =	vperm.xlane v23, v2  }
0x198: {  	v55 =	vmul.f32 v40, v55;
	v40 =	vld [tilespmem:s12+$0xFFFFFFA0];
	v39 =	vadd.f32 v39, v47;
	v46 =	vperm.xlane v51, v3  }
0x199: {  	v61 =	vmul.f32 v61, v43;
	v43 =	vld [tilespmem:s30+$0xFFFFFF90];
	v52 =	vadd.f32 v23, v9;
	v23 =	vperm.xlane v54, v3  }
0x19a: {  	v49 =	vmul.f32 v56, v49;
	v56 =	vld [tilespmem:s30+$0xFFFFFFA0];
	[tilespmem:s11+$0x0] =	vst v55;
	v9 =	vperm.xlane v39, v3;
	v46 =	vadd.f32 v51, v46  }
0x19b: {  	v55 =	vld [tilespmem:s21+$0x50];
	v47 =	vperm.xlane v52, v3;
	v54 =	vadd.f32 v54, v23  }
0x19c: {  	v50 =	vadd.f32 v50, v42;
	v39 =	vadd.f32 v39, v9;
	v9 =	vperm.xlane v46, v4  }
0x19d: {  	v51 =	vadd.f32 v52, v47;
	v52 =	vperm.xlane v54, v4;
	v0 =	vadd.f32 v0, v40  }
0x19e: {  	v23 =	vld [tilespmem:s12+$0xFFFFFFB0];
	v50 =	vmul.f32 v50, v43;
	v43 =	vperm.xlane v34, v1  }
0x19f: {  	v58 =	vadd.f32 v46, v9;
	v9 =	vperm.xlane v39, v4;
	v0 =	vmul.f32 v0, v56;
	v56 =	vld [tilespmem:$0x1FF50]  }
0x1a0: {  	v52 =	vadd.f32 v54, v52;
	v46 =	vperm.xlane v53, v1;
	v45 =	vadd.f32 v55, v45;
	v55 =	vld [tilespmem:s13+$0xFFFFFFB0]  }
0x1a1: {  	v47 =	vadd.f32 v39, v9;
	v39 =	vperm.xlane v53, v7;
	v9 =	vperm.xlane v58, v8  }
0x1a2: {  	v54 =	vld [tilespmem:s30+$0xFFFFFFB0];
	v58 =	vperm.xlane v49, v2;
	v52 =	vperm.xlane v52, v6  }
0x1a3: {  	v59 =	vmul.f32 v45, v43;
	v43 =	vperm.xlane v51, v4  }
0x1a4: {  	v45 =	vperm.xlane v53, v12;
	v47 =	vperm.xlane v47, v10;
	[tilespmem:s22+$0x30] =	vst v56  }
0x1a5: {  	v51 =	vadd.f32 v51, v43;
	v43 =	vperm.xlane v53, v5;
	v1 =	vld [tilespmem:$0x1FF60];
	v55 =	vadd.f32 v55, v23;
	[tilespmem:s11+$0x10] =	vst v59  }
0x1a6: {  	v53 =	vnsel vm4, $0x0, v53;
	v56 =	vnsel vm0, $0x0, v9;
	v9 =	vperm.xlane v50, v2;
	[tilespmem:s0+$0x30] =	vst v62  }
0x1a7: {  	[tilespmem:s15+$0xFFFFFFC0] =	vst v53;
	v62 =	vsel vm1, v56, v52;
	v10 =	vperm.xlane v51, v11;
	v55 =	vmul.f32 v55, v54;
	v54 =	vld [tilespmem:s21+$0x60]  }
0x1a8: {  	[tilespmem:s0+$0xFFFFFF80] =	vst v57;
	v57 =	vadd.f32 v49, v58;
	v47 =	vsel vm2, v62, v47  }
0x1a9: {  	[tilespmem:s4+$0xFFFFFF90] =	vst v60;
	v52 =	vld [tilespmem:s1+$0xFFFFFFC0];
	v11 =	vperm.xlane v0, v2;
	v58 =	vadd.f32 v50, v9;
	v47 =	vsel vm3, v47, v10  }
0x1aa: {  	v12 =	vmov v8;
	[tilespmem:s22+$0xFFFFFFA0] =	vst v61;
	v53 =	vperm.xlane v34, v5;
	v51 =	vld [tilespmem:s14+$0xFFFFFFD0]  }
0x1ab: {  	s29 =	smov.u32 s28;
	s19 =	simm.s32 $0x980;
	[tilespmem:s15+$0x30] =	vst v63;
	v50 =	vld [tilespmem:s25+$0xFFFFFFE0];
	v61 =	vperm.xlane v57, v3;
	v56 =	vadd.f32 v0, v11;
	v62 =	vperm.xlane v58, v3  }
0x1ac: {  	s28 =	sadd.s32 $0x100, s30;
	s26 =	simm.s32 $0xA;
	v49 =	vld [tilespmem:s2+$0xFFFFFFF0];
	s2 =	simm.s32 $0x6880;
	v60 =	vperm.xlane v55, v2;
	v59 =	vmul.f32 $1.442695020e+00, v47;
	[tilespmem:s4+$0x30] =	vst v1;
	v47 =	vpop (erf);
	v54 =	vadd.f32 v54, v48  }
.LBB2_5:
0x1ad: {  	v0 =	vld [tilespmem:s28+$0x30]  }
0x1ae: {  	v7 =	vld [tilespmem:$0x1FFB0]  }
0x1af: {  	v6 =	vld [tilespmem:$0x1FF90]  }
0x1b0: {  	s12 =	sadd.s32 $0x100, s12;
	v48 =	vadd.f32 v57, v61;
	v57 =	vld [tilespmem:s28+$0x10]  }
0x1b1: {  	s13 =	sadd.s32 $0x100, s13;
	v11 =	vnsel vm4, $0x0, v47;
	v55 =	vadd.f32 v55, v60;
	v53 =	vmul.f32 v54, v53;
	v54 =	vld [tilespmem:s12+$0x30]  }
0x1b2: {  	v63 =	vld [tilespmem:s13+$0x30];
	[tilespmem:s11+$0xFFFFFFC0] =	vst v11;
	v9 =	vperm.xlane v48, v4  }
0x1b3: {  	v5 =	vadd.f32 v52, v25;
	v8 =	vperm.xlane v56, v3;
	v11 =	vld [tilespmem:$0x1FFF0];
	v10 =	vperm.xlane v55, v3;
	[tilespmem:s11+$0x20] =	vst v53  }
0x1b4: {  	(erf) = vpow2.f32 v59;
	v58 =	vadd.f32 v58, v62;
	v59 =	vld [tilespmem:s21+$0x70];
	v52 =	vadd.f32 v48, v9  }
0x1b5: {  	v56 =	vadd.f32 v56, v8;
	v60 =	vld [tilespmem:s28+$0x0];
	v53 =	vadd.f32 v55, v10;
	v10 =	vmul.f32 v5, v45  }
0x1b6: {  	v19 =	vadd.f32 v51, v19;
	v1 =	vperm.xlane v58, v4;
	v51 =	vld [tilespmem:s12+$0x10];
	v5 =	vperm.xlane v52, v12  }
0x1b7: {  	v25 =	vmov v33;
	v9 =	vperm.xlane v56, v4;
	v33 =	vperm.xlane v53, v4;
	[tilespmem:s15+$0xFFFFFF80] =	vst v10;
	v10 =	vld [tilespmem:$0x1FFE0]  }
0x1b8: {  	v61 =	vnsel vm0, $0x0, v5;
	v5 =	vld [tilespmem:$0x1FFC0]  }
0x1b9: {  	v1 =	vadd.f32 v58, v1;
	v55 =	vadd.f32 v56, v9;
	v9 =	vld [tilespmem:$0x1FFD0]  }
0x1ba: {  	v58 =	vld [tilespmem:s12+$0x0];
	v8 =	vperm.xlane v47, v11  }
0x1bb: {  	v19 =	vmul.f32 v19, v38;
	v1 =	vperm.xlane v1, v7;
	v52 =	vadd.f32 v53, v33;
	v33 =	vmovc v44;
	v44 =	vld [tilespmem:s13+$0x0]  }
0x1bc: {  	v38 =	vmov v46;
	v48 =	vld [tilespmem:s12+$0x20];
	v45 =	vmov v8  }
0x1bd: {  	[tilespmem:s0+$0xFFFFFF90] =	vst v19;
	v19 =	vld [tilespmem:s13+$0x20];
	v1 =	vsel vm1, v61, v1;
	v46 =	vperm.xlane v55, v10;
	v53 =	vperm.xlane v34, v5;
	v34 =	vpop (erf)  }
0x1be: {  	s11 =	sadd.s32 $0x100, s11;
	v55 =	vadd.f32 v59, v26;
	v59 =	vld [tilespmem:s13+$0x10];
	v52 =	vperm.xlane v52, v9;
	v26 =	vmovc v28;
	v28 =	vmovc v54;
	v8 =	vnsel vm4, $0x0, v34  }
0x1bf: {  	v15 =	vadd.f32 v50, v15;
	v63 =	vadd.f32 v63, v28;
	v1 =	vsel vm2, v1, v46;
	[tilespmem:s11+$0x40] =	vst v8;
	v8 =	vld [tilespmem:$0x1FFA0]  }
0x1c0: {  	v1 =	vsel vm3, v1, v52;
	v53 =	vmul.f32 v55, v53;
	v62 =	vadd.f32 v44, v58;
	v44 =	vld [tilespmem:s12+$0xFFFFFF80]  }
0x1c1: {  	v13 =	vadd.f32 v49, v13;
	v15 =	vmul.f32 v15, v27;
	v1 =	vmul.f32 $1.442695020e+00, v1;
	v50 =	vld [tilespmem:s19+$0x40]  }
0x1c2: {  	v56 =	vperm.xlane v47, v6;
	v0 =	vmul.f32 v63, v0;
	v49 =	vld [tilespmem:s28+$0x20];
	[tilespmem:s2+$0x30] =	vst v53  }
0x1c3: {  	v53 =	vld [tilespmem:s13+$0xFFFFFF80];
	(erf) = vpow2.f32 v1;
	[tilespmem:s4+$0xFFFFFFA0] =	vst v15;
	v1 =	vmul.f32 v13, v18  }
0x1c4: {  	v6 =	vperm.xlane v34, v6;
	v13 =	vld [tilespmem:s12+$0xFFFFFF90];
	v61 =	vperm.xlane v47, v8  }
0x1c5: {  	v27 =	vmovc v36;
	v36 =	vmov v43;
	v15 =	vmul.f32 v62, v60;
	v62 =	vperm.xlane v34, v11;
	v54 =	vld [tilespmem:s13+$0xFFFFFF90];
	[tilespmem:s22+$0xFFFFFFB0] =	vst v1  }
0x1c6: {  	v47 =	vperm.xlane v47, v5;
	v5 =	vadd.f32 v19, v48;
	v43 =	vmovc v61;
	v61 =	vadd.f32 v59, v51  }
0x1c7: {  	v11 =	vperm.xlane v0, v2;
	v63 =	vperm.xlane v15, v2;
	v1 =	vld [tilespmem:s28+$0xFFFFFF80];
	v50 =	vadd.f32 v50, v41  }
0x1c8: {  	v46 =	vmovc v56;
	v18 =	vmov v24;
	v55 =	vld [tilespmem:s13+$0xFFFFFFA0];
	v49 =	vmul.f32 v5, v49;
	v52 =	vmul.f32 v61, v57  }
0x1c9: {  	v24 =	vmovc v32;
	v32 =	vmovc v39;
	v0 =	vadd.f32 v0, v11;
	v60 =	vld [tilespmem:s28+$0xFFFFFF90];
	v41 =	vmov v58;
	v50 =	vmul.f32 v50, v62  }
0x1ca: {  	v56 =	vadd.f32 v15, v63;
	v39 =	vmovc v47;
	v57 =	vld [tilespmem:s12+$0xFFFFFFA0];
	v58 =	vperm.xlane v49, v2;
	v47 =	vperm.xlane v52, v2  }
0x1cb: {  	v19 =	vmovc v22;
	v22 =	vmov v31;
	v31 =	vmov v42;
	v63 =	vld [tilespmem:s28+$0xFFFFFFA0];
	v53 =	vadd.f32 v53, v44;
	[tilespmem:s11+$0x0] =	vst v50  }
0x1cc: {  	v42 =	vmovc v13;
	v13 =	vperm.xlane v56, v3;
	v49 =	vadd.f32 v49, v58;
	v50 =	vld [tilespmem:s19+$0x50];
	v52 =	vadd.f32 v52, v47  }
0x1cd: {  	v59 =	vld [tilespmem:s13+$0xFFFFFFB0];
	v61 =	vperm.xlane v0, v3;
	v1 =	vmul.f32 v53, v1;
	v53 =	vadd.f32 v54, v42  }
0x1ce: {  	v15 =	vmovc v17;
	v54 =	vld [tilespmem:s12+$0xFFFFFFB0];
	v56 =	vadd.f32 v56, v13;
	v11 =	vperm.xlane v49, v3;
	v58 =	vperm.xlane v52, v3  }
0x1cf: {  	v17 =	vmovc v21;
	v21 =	vmovc v30;
	v30 =	vmov v40;
	v0 =	vadd.f32 v0, v61;
	v55 =	vadd.f32 v55, v57  }
0x1d0: {  	v5 =	vperm.xlane v56, v4;
	v40 =	vmovc v57;
	v57 =	vld [tilespmem:s28+$0xFFFFFFB0];
	v49 =	vadd.f32 v49, v11;
	v58 =	vadd.f32 v52, v58  }
0x1d1: {  	v62 =	vperm.xlane v1, v2;
	v53 =	vmul.f32 v53, v60;
	v50 =	vadd.f32 v50, v37  }
0x1d2: {  	v5 =	vadd.f32 v56, v5;
	v37 =	vmovc v51;
	v51 =	vld [tilespmem:s1+$0xFFFFFFD0];
	v56 =	vperm.xlane v49, v4;
	v11 =	vperm.xlane v58, v4  }
0x1d3: {  	v59 =	vadd.f32 v59, v54;
	v63 =	vmul.f32 v55, v63;
	v52 =	vld [tilespmem:s21+$0xFFFFFFC0];
	v6 =	vmul.f32 v50, v6  }
0x1d4: {  	s26 =	sadd.s32 $0x2, s26;
	v56 =	vadd.f32 v49, v56;
	v49 =	vld [tilespmem:s25+$0xFFFFFFF0];
	s25 =	smov.u32 s14;
	v58 =	vadd.f32 v58, v11;
	v11 =	vperm.xlane v0, v4  }
0x1d5: {  	v5 =	vperm.xlane v5, v12;
	v50 =	vld [tilespmem:s14+$0xFFFFFFE0];
	s14 =	smov.u32 s1;
	s1 =	smov.u32 s21;
	s21 =	smov.u32 s19;
	v55 =	vmul.f32 v59, v57;
	v57 =	vadd.f32 v1, v62;
	[tilespmem:s11+$0x10] =	vst v6  }
0x1d6: {  	p0 =	slt.u32 s26, $0x1E;
	v13 =	vmovc v14;
	v1 =	vperm.xlane v63, v2;
	v58 =	vperm.xlane v58, v7;
	v0 =	vadd.f32 v0, v11;
	v7 =	vld [tilespmem:s21+$0x60]  }
.Ltmp1:
0x1d7: {  	v14 =	vmovc v16;
	v16 =	vmovc v20;
	v5 =	vnsel vm0, $0x0, v5;
	v6 =	vperm.xlane v53, v2;
	v56 =	vperm.xlane v56, v10;
	(pc) =	sbr.rel @p0 .LBB2_5-.Ltmp1, $4  }
0x1d8: {  	v20 =	vmovc v29;
	v60 =	vperm.xlane v55, v2;
	v5 =	vsel vm1, v5, v58;
	v0 =	vperm.xlane v0, v9  }
0x1d9: {  	s22 =	smov.u32 s4;
	v29 =	vmovc v23;
	v61 =	vperm.xlane v57, v3;
	v58 =	vadd.f32 v53, v6;
	v5 =	vsel vm2, v5, v56  }
0x1da: {  	s4 =	smov.u32 s0;
	s0 =	smov.u32 s15;
	s15 =	smov.u32 s2;
	v47 =	vpop (erf);
	v53 =	vperm.xlane v34, v8;
	v56 =	vadd.f32 v63, v1;
	v0 =	vsel vm3, v5, v0  }
0x1db: {  	s2 =	smov.u32 s11;
	s28 =	sadd.s32 $0x100, s28;
	v23 =	vmovc v54;
	s19 =	smov.u32 s13;
	v62 =	vperm.xlane v58, v3;
	v59 =	vmul.f32 $1.442695020e+00, v0;
	v54 =	vadd.f32 v7, v35;
	v35 =	vmovc v48  }
0x1dc: {  	v0 =	vadd.f32 v55, v60;
	_ =	sdelay $0x1  }
0x1dd: {  	v7 =	vperm.xlane v0, v3;
	_ =	sdelay $0x1  }
0x1de: {  	v1 =	vadd.f32 v57, v61;
	v5 =	vperm.xlane v56, v3;
	v0 =	vadd.f32 v0, v7  }
0x1df: {  	v6 =	vadd.f32 v58, v62  }
0x1e0: {  	v8 =	vld [tilespmem:$0x1FFB0];
	v48 =	vperm.xlane v1, v4;
	v5 =	vadd.f32 v56, v5;
	v62 =	vperm.xlane v0, v4  }
0x1e1: {  	v10 =	vld [tilespmem:$0x1FFE0];
	v61 =	vperm.xlane v6, v4  }
0x1e2: {  	v1 =	vadd.f32 v1, v48;
	v7 =	vperm.xlane v5, v4;
	v0 =	vadd.f32 v0, v62;
	v62 =	vld [tilespmem:$0x1FFD0]  }
0x1e3: {  	v6 =	vadd.f32 v6, v61  }
0x1e4: {  	v1 =	vperm.xlane v1, v12;
	v5 =	vadd.f32 v5, v7  }
0x1e5: {  	v6 =	vperm.xlane v6, v8  }
0x1e6: {  	v1 =	vnsel vm0, $0x0, v1;
	v5 =	vperm.xlane v5, v10  }
0x1e7: {  	v1 =	vsel vm1, v1, v6;
	v0 =	vperm.xlane v0, v62  }
0x1e8: {  	v1 =	vsel vm2, v1, v5  }
0x1e9: {  	v0 =	vsel vm3, v1, v0  }
0x1ea: {  	v0 =	vmul.f32 $1.442695020e+00, v0  }
0x1eb: {  	(erf) = vpow2.f32 v59  }
0x1ec: {  	(erf) = vpow2.f32 v0;
	_ =	sdelay $0x7  }
0x1ed: {  	v5 =	vnsel vm4, $0x0, v47;
	v0 =	vpop (erf)  }
0x1ee: {  	s12 =	sadd.s32 $0x100, s11;
	[tilespmem:s11+$0xFFFFFFC0] =	vst v5;
	v1 =	vnsel vm4, $0x0, v0;
	v6 =	vpop (erf)  }
0x1ef: {  	[tilespmem:s12+$0x40] =	vst v1;
	v5 =	vnsel vm4, $0x0, v6  }
0x1f0: {  	v1 =	vld [tilespmem:s19+$0x40];
	[tilespmem:s12+$0xFFFFFFC0] =	vst v5  }
0x1f1: {  	v11 =	vld [tilespmem:$0x1FFF0];
	_ =	sdelay $0x3  }
0x1f2: {  	v7 =	vld [tilespmem:s21+$0xFFFFFFC0]  }
0x1f3: {  	v1 =	vadd.f32 v1, v41;
	v63 =	vld [tilespmem:s19+$0xFFFFFFC0];
	v5 =	vperm.xlane v0, v11;
	_ =	sdelay $0x1  }
0x1f4: {  	v1 =	vmul.f32 v1, v5  }
0x1f5: {  	v5 =	vadd.f32 v52, v25  }
0x1f6: {  	v25 =	vperm.xlane v47, v11;
	[tilespmem:s12+$0x0] =	vst v1;
	v1 =	vadd.f32 v7, v33  }
0x1f7: {  	v9 =	vperm.xlane v6, v11;
	v41 =	vadd.f32 v63, v44;
	v5 =	vmul.f32 v5, v45  }
0x1f8: {  	v1 =	vmul.f32 v1, v25  }
0x1f9: {  	[tilespmem:s15+$0xFFFFFF80] =	vst v5;
	v5 =	vmul.f32 v41, v9  }
0x1fa: {  	[tilespmem:s2+$0xFFFFFF80] =	vst v1  }
0x1fb: {  	v7 =	vld [tilespmem:s19+$0x50];
	[tilespmem:s12+$0xFFFFFF80] =	vst v5  }
0x1fc: {  	v55 =	vld [tilespmem:$0x1FF90];
	_ =	sdelay $0x1  }
0x1fd: {  	v25 =	vld [tilespmem:s1+$0xFFFFFFD0]  }
0x1fe: {  	v1 =	vld [tilespmem:s21+$0xFFFFFFD0]  }
0x1ff: {  	v45 =	vld [tilespmem:s19+$0xFFFFFFD0]  }
0x200: {  	v19 =	vadd.f32 v51, v19;
	v7 =	vadd.f32 v7, v37;
	v5 =	vperm.xlane v0, v55;
	_ =	sdelay $0x1  }
0x201: {  	v19 =	vmul.f32 v19, v38;
	v5 =	vmul.f32 v7, v5;
	v7 =	vadd.f32 v25, v22  }
0x202: {  	v1 =	vadd.f32 v1, v31;
	v22 =	vperm.xlane v47, v55  }
0x203: {  	[tilespmem:s0+$0xFFFFFF90] =	vst v19;
	v31 =	vadd.f32 v45, v42;
	v25 =	vperm.xlane v6, v55;
	v7 =	vmul.f32 v7, v46  }
0x204: {  	[tilespmem:s12+$0x10] =	vst v5;
	v1 =	vmul.f32 v1, v22  }
0x205: {  	[tilespmem:s15+$0xFFFFFF90] =	vst v7;
	v7 =	vmul.f32 v31, v25  }
0x206: {  	v19 =	vld [tilespmem:s14+$0xFFFFFFE0];
	[tilespmem:s2+$0xFFFFFF90] =	vst v1  }
0x207: {  	v5 =	vld [tilespmem:s19+$0x60];
	[tilespmem:s12+$0xFFFFFF90] =	vst v7  }
0x208: {  	v57 =	vld [tilespmem:$0x1FFA0]  }
0x209: {  	v22 =	vld [tilespmem:s1+$0xFFFFFFE0];
	_ =	sdelay $0x2  }
0x20a: {  	v15 =	vadd.f32 v50, v15;
	v7 =	vmul.f32 v54, v53  }
0x20b: {  	v5 =	vadd.f32 v5, v35;
	v25 =	vperm.xlane v0, v57  }
0x20c: {  	v15 =	vmul.f32 v15, v27;
	[tilespmem:s11+$0x20] =	vst v7;
	v7 =	vadd.f32 v19, v17;
	v19 =	vadd.f32 v22, v21  }
0x20d: {  	v1 =	vld [tilespmem:s21+$0xFFFFFFE0];
	v5 =	vmul.f32 v5, v25  }
0x20e: {  	[tilespmem:s4+$0xFFFFFFA0] =	vst v15;
	v19 =	vmul.f32 v19, v43  }
0x20f: {  	v31 =	vld [tilespmem:s19+$0xFFFFFFE0];
	[tilespmem:s12+$0x20] =	vst v5;
	v5 =	vmul.f32 v7, v36  }
0x210: {  	[tilespmem:s15+$0xFFFFFFA0] =	vst v19  }
0x211: {  	v17 =	vld [tilespmem:s21+$0x70];
	[tilespmem:s0+$0xFFFFFFA0] =	vst v5  }
0x212: {  	v1 =	vadd.f32 v1, v30;
	v21 =	vperm.xlane v47, v57;
	v63 =	vld [tilespmem:$0x1FFC0]  }
0x213: {  	v25 =	vld [tilespmem:s25+$0xFFFFFFF0]  }
0x214: {  	v15 =	vperm.xlane v6, v57;
	v22 =	vadd.f32 v31, v40;
	v1 =	vmul.f32 v1, v21;
	v7 =	vld [tilespmem:s19+$0x70];
	_ =	sdelay $0x1  }
0x215: {  	v15 =	vmul.f32 v22, v15;
	v5 =	vld [tilespmem:s14+$0xFFFFFFF0];
	[tilespmem:s2+$0xFFFFFFA0] =	vst v1;
	v1 =	vadd.f32 v49, v13  }
0x216: {  	v17 =	vadd.f32 v17, v26;
	v21 =	vld [tilespmem:s1+$0xFFFFFFF0];
	v19 =	vperm.xlane v34, v63  }
0x217: {  	[tilespmem:s12+$0xFFFFFFA0] =	vst v15;
	v14 =	vadd.f32 v25, v14;
	v13 =	vld [tilespmem:s21+$0xFFFFFFF0];
	v1 =	vmul.f32 v1, v18  }
0x218: {  	v7 =	vadd.f32 v7, v28;
	v0 =	vperm.xlane v0, v63;
	v15 =	vmul.f32 v17, v19;
	v17 =	vld [tilespmem:s19+$0xFFFFFFF0]  }
0x219: {  	[tilespmem:s22+$0xFFFFFFB0] =	vst v1;
	v1 =	vmul.f32 v14, v24  }
0x21a: {  	v5 =	vadd.f32 v5, v16;
	v0 =	vmul.f32 v7, v0  }
0x21b: {  	[tilespmem:s4+$0xFFFFFFB0] =	vst v1;
	v7 =	vadd.f32 v21, v20  }
0x21c: {  	v14 =	vperm.xlane v47, v63;
	[tilespmem:s12+$0x30] =	vst v0;
	v0 =	vmul.f32 v5, v32;
	v5 =	vadd.f32 v13, v29  }
0x21d: {  	v6 =	vperm.xlane v6, v63;
	[tilespmem:s2+$0x30] =	vst v15;
	v1 =	vmul.f32 v7, v39;
	v7 =	vadd.f32 v17, v23  }
0x21e: {  	[tilespmem:s0+$0xFFFFFFB0] =	vst v0;
	v0 =	vmul.f32 v5, v14  }
0x21f: {  	[tilespmem:s15+$0xFFFFFFB0] =	vst v1;
	v1 =	vmul.f32 v7, v6  }
0x220: {  	s13 =	simm.s32 $0x300;
	[tilespmem:s2+$0xFFFFFFB0] =	vst v0  }
0x221: {  	s14 =	simm.s32 $0x6400;
	s15 =	simm.s32 $0x2;
	[tilespmem:s12+$0xFFFFFFB0] =	vst v1;
	s12 =	rddreg [dreg:$0x2]  }
0x222: {  	[spmem:s12] =	stream.indirect.scatter.add.f32 [tilespmem:s14], [sflag:$0x7], $0x80, s13, s16, $0xb8;
	[tilespmem:$0x1C400] =	vst v63  }
0x223: {  	s0 =	sadd.s32 $0x2, s20;
	_ =	swait.ge [sflag:s15], $0x1000  }
0x224: {  	s19 =	smulhi.u32 $0x66666667, s0;
	[sflag:s15] =	ssyncset.done $0x0  }
0x225: {  	s20 =	simm.s32 $0x4;
	[sflag:s15] =	ssyncadd.s32 $0xFFFFF000  }
0x226: {  	s1 =	sshrl.u32 s19, $0x1;
	_ =	swait.ge [sflag:s20], $0x1000  }
0x227: {  	s1 =	smul.u32 $0x5, s1;
	[sflag:s20] =	ssyncset.done $0x0  }
0x228: {  	s21 =	simm.s32 $0x6;
	[sflag:s20] =	ssyncadd.s32 $0xFFFFF000  }
0x229: {  	s1 =	ssub.s32 s0, s1;
	_ =	swait.ge [sflag:s21], $0x1000  }
0x22a: {  	p0 =	sne.s32 s1, $0x0;
	[sflag:s21] =	ssyncset.done $0x0  }
0x22b: {  	s22 =	simm.s32 $0x7;
	s2 =	sshll.u32 @!p0 s0, $0x5;
	[sflag:s21] =	ssyncadd.s32 $0xFFFFF000  }
0x22c: {  	s2 =	sadd.s32 @!p0 s8, s2;
	_ =	swait.ge [sflag:s22], $0x1000  }
0x22d: {  	s4 =	simm.s32 @!p0 $0x0;
	s2 =	sshrl.u32 @!p0 s2, $0x3;
	[sflag:s22] =	ssyncset.done $0x0  }
0x22e: {  	s11 =	simm.s32 @!p0 $0x9;
	s2 =	sadd.s32 @!p0 s7, s2;
	[sflag:s22] =	ssyncadd.s32 $0xFFFFF000  }
0x22f: {  	[tilespmem:s4], [sflag:$0x9] =	stream.linear.gather @!p0 [hbm4b:s2+s4], $0xA0, $0x38;
	[tilespmem:$0x1C400] =	vst v63  }
0x230: {  	_ =	swait.ge @!p0 [sflag:s11], $0xA0  }
0x231: {  	[sflag:s11] =	ssyncset.done @!p0 $0x0  }
0x232: {  	s12 =	simm.s32 @!p0 $0x100;
	s2 =	sadd.s32 @!p0 $0x9C40, s2;
	[sflag:s11] =	ssyncadd.s32 @!p0 $0xFFFFFF60  }
0x233: {  	[tilespmem:s12], [sflag:$0x9] =	stream.linear.gather @!p0 [hbm4b:s2+s4], $0xA0, $0x38;
	[tilespmem:$0x1C400] =	vst v63  }
0x234: {  	_ =	swait.ge @!p0 [sflag:s11], $0xA0  }
0x235: {  	[sflag:s11] =	ssyncset.done @!p0 $0x0  }
0x236: {  	s1 =	sshll.u32 s1, $0x5;
	v1 =	vld [tilespmem:$0x1FF70];
	[sflag:s11] =	ssyncadd.s32 @!p0 $0xFFFFFF60  }
0x237: {  	v0 =	vld [tilespmem:s1+$0x0];
	_ =	sdelay $0x4  }
0x238: {  	v0 =	vadd.s32 v1, v0  }
0x239: {  	[tilespmem:$0x200] =	vst v0  }
0x23a: {  	v0 =	vld [tilespmem:s1+$0x100];
	_ =	sdelay $0x4  }
0x23b: {  	[tilespmem:$0x300] =	vst v0  }
0x23c: {  	v0 =	vld [tilespmem:s1+$0x10];
	_ =	sdelay $0x4  }
0x23d: {  	v0 =	vadd.s32 v1, v0  }
0x23e: {  	[tilespmem:$0x210] =	vst v0  }
0x23f: {  	v0 =	vld [tilespmem:s1+$0x110];
	_ =	sdelay $0x3  }
0x240: {  	s0 =	sshll.u32 s0, $0xC  }
0x241: {  	s26 =	simm.s32 $0x400;
	s25 =	simm.s32 $0x200;
	s0 =	sadd.s32 s0, s18;
	[tilespmem:$0x310] =	vst v0  }
0x242: {  	[tilespmem:s26], [sflag:$0x1] =	stream.indirect.gather [hbm4b:s5+s16], $0x80, s25, s16, $0xb8;
	[tilespmem:$0x1C400] =	vst v63  }
0x243: {  	s28 =	smov.u32 s29;
	s0 =	sshrl.u32 s0, $0x3;
	s2 =	simm.s32 $0x2400  }
0x244: {  	[tilespmem:s2], [sflag:$0x3] =	stream.indirect.gather [hbm4b:s28+s16], $0x80, s13, s16, $0xb8;
	[tilespmem:$0x1C400] =	vst v63  }
0x245: {  	s0 =	sadd.s32 s6, s0;
	s4 =	simm.s32 $0x0;
	s11 =	simm.s32 $0x4400  }
0x246: {  	[tilespmem:s11], [sflag:$0x5] =	stream.linear.gather [hbm4b:s0+s4], $0x1000, $0x38;
	[tilespmem:$0x1C400] =	vst v63  }
0x247: {  	s12 =	simm.s32 $0x5480;
	v0 =	vld [tilespmem:s24+$0x10]  }
0x248: {  	v16 =	vld [tilespmem:s12+$0x30]  }
0x249: {  	v1 =	vld [tilespmem:s24+$0x0]  }
0x24a: {  	v17 =	vld [tilespmem:s12+$0x20]  }
0x24b: {  	v22 =	vld [tilespmem:s12+$0x10]  }
0x24c: {  	s2 =	simm.s32 $0x1480;
	v14 =	vld [tilespmem:s12+$0x0]  }
0x24d: {  	v5 =	vld [tilespmem:s2+$0x0]  }
0x24e: {  	v6 =	vld [tilespmem:s2+$0x10]  }
0x24f: {  	v7 =	vld [tilespmem:s2+$0x20]  }
0x250: {  	v13 =	vld [tilespmem:s2+$0x30]  }
0x251: {  	v15 =	vld [tilespmem:s24+$0x20]  }
0x252: {  	v18 =	vld [tilespmem:s24+$0x30];
	v5 =	vadd.f32 v5, v14  }
0x253: {  	v6 =	vadd.f32 v6, v22  }
0x254: {  	v1 =	vmul.f32 v5, v1;
	v5 =	vadd.f32 v7, v17  }
0x255: {  	v7 =	vadd.f32 v13, v16;
	v0 =	vmul.f32 v6, v0  }
0x256: {  	v6 =	vperm.xlane v1, v2;
	v5 =	vmul.f32 v5, v15  }
0x257: {  	v7 =	vmul.f32 v7, v18;
	v13 =	vperm.xlane v0, v2  }
0x258: {  	v1 =	vadd.f32 v1, v6;
	v6 =	vperm.xlane v5, v2  }
0x259: {  	v15 =	vperm.xlane v7, v2;
	v0 =	vadd.f32 v0, v13  }
0x25a: {  	v9 =	vld [tilespmem:s12+$0xFFFFFFA0];
	v13 =	vperm.xlane v1, v3;
	v5 =	vadd.f32 v5, v6  }
0x25b: {  	v20 =	vld [tilespmem:s12+$0xFFFFFF80];
	v7 =	vadd.f32 v7, v15;
	v15 =	vperm.xlane v0, v3  }
0x25c: {  	v28 =	vld [tilespmem:s12+$0xFFFFFF90];
	v1 =	vadd.f32 v1, v13;
	v13 =	vperm.xlane v5, v3  }
0x25d: {  	v21 =	vld [tilespmem:s24+$0xFFFFFF80];
	v18 =	vperm.xlane v7, v3;
	v0 =	vadd.f32 v0, v15  }
0x25e: {  	v6 =	vld [tilespmem:s2+$0xFFFFFF80];
	v19 =	vperm.xlane v1, v4;
	v5 =	vadd.f32 v5, v13  }
0x25f: {  	v15 =	vld [tilespmem:s2+$0xFFFFFF90];
	[tilespmem:$0x1FEF0] =	vst v9;
	v7 =	vadd.f32 v7, v18;
	v13 =	vperm.xlane v0, v4  }
0x260: {  	v25 =	vld [tilespmem:s24+$0xFFFFFF90];
	v1 =	vadd.f32 v1, v19;
	v18 =	vperm.xlane v5, v4  }
0x261: {  	v19 =	vld [tilespmem:s2+$0xFFFFFFA0];
	v0 =	vadd.f32 v0, v13;
	v24 =	vperm.xlane v7, v4  }
0x262: {  	v13 =	vld [tilespmem:s12+$0xFFFFFFB0];
	v1 =	vperm.xlane v1, v12;
	v5 =	vadd.f32 v5, v18  }
0x263: {  	v0 =	vperm.xlane v0, v8;
	v7 =	vadd.f32 v7, v24;
	v18 =	vld [tilespmem:s2+$0xFFFFFFB0]  }
0x264: {  	v6 =	vadd.f32 v6, v20;
	v24 =	vld [tilespmem:s24+$0xFFFFFFA0];
	v1 =	vnsel vm0, $0x0, v1;
	v5 =	vperm.xlane v5, v10  }
0x265: {  	v15 =	vadd.f32 v15, v28;
	v0 =	vsel vm1, v1, v0;
	v1 =	vperm.xlane v7, v62  }
0x266: {  	v6 =	vmul.f32 v6, v21;
	v7 =	vld [tilespmem:s24+$0xFFFFFFB0];
	v0 =	vsel vm2, v0, v5  }
0x267: {  	v5 =	vmul.f32 v15, v25;
	v15 =	vadd.f32 v19, v9;
	v0 =	vsel vm3, v0, v1  }
0x268: {  	s13 =	sadd.s32 $0x100, s24;
	v0 =	vmul.f32 $1.442695020e+00, v0  }
0x269: {  	s22 =	simm.s32 $0x1580;
	v26 =	vld [tilespmem:s13+$0x10];
	v1 =	vperm.xlane v6, v2;
	v18 =	vadd.f32 v18, v13;
	v15 =	vmul.f32 v15, v24  }
0x26a: {  	v29 =	vld [tilespmem:s22+$0x10];
	v19 =	vperm.xlane v5, v2;
	(erf) = vpow2.f32 v0  }
0x26b: {  	s14 =	simm.s32 $0x5580;
	v48 =	vld [tilespmem:s22+$0x20];
	v1 =	vadd.f32 v6, v1;
	v0 =	vmul.f32 v18, v7;
	v7 =	vperm.xlane v15, v2  }
0x26c: {  	v5 =	vadd.f32 v5, v19;
	v18 =	vld [tilespmem:s14+$0x10]  }
0x26d: {  	v49 =	vld [tilespmem:s22+$0x30];
	v19 =	vperm.xlane v1, v3;
	v25 =	vperm.xlane v0, v2;
	v7 =	vadd.f32 v15, v7  }
0x26e: {  	v27 =	vperm.xlane v5, v3;
	v15 =	vld [tilespmem:s22+$0x0]  }
0x26f: {  	v1 =	vadd.f32 v1, v19;
	v19 =	vld [tilespmem:s14+$0x0];
	v0 =	vadd.f32 v0, v25;
	v25 =	vperm.xlane v7, v3  }
0x270: {  	v21 =	vld [tilespmem:s14+$0x20];
	v5 =	vadd.f32 v5, v27  }
0x271: {  	v6 =	vld [tilespmem:s13+$0x0];
	v27 =	vperm.xlane v1, v4;
	v29 =	vadd.f32 v29, v18  }
0x272: {  	v24 =	vld [tilespmem:s14+$0x30];
	v30 =	vperm.xlane v0, v3;
	v31 =	vperm.xlane v5, v4  }
0x273: {  	v7 =	vadd.f32 v7, v25;
	v1 =	vadd.f32 v1, v27;
	v27 =	vld [tilespmem:s13+$0x20];
	v26 =	vmul.f32 v29, v26;
	v25 =	vpop (erf)  }
0x274: {  	s20 =	simm.s32 $0x7480;
	v0 =	vadd.f32 v0, v30;
	v30 =	vld [tilespmem:s13+$0x30];
	v15 =	vadd.f32 v15, v19;
	v50 =	vnsel vm4, $0x0, v25  }
0x275: {  	v5 =	vadd.f32 v5, v31;
	v31 =	vperm.xlane v7, v4;
	v1 =	vperm.xlane v1, v12;
	[tilespmem:s20+$0x40] =	vst v50  }
0x276: {  	v51 =	vperm.xlane v0, v4;
	v6 =	vmul.f32 v15, v6;
	v15 =	vadd.f32 v48, v21;
	v34 =	vld [tilespmem:s2+$0x40]  }
0x277: {  	v5 =	vperm.xlane v5, v8;
	v7 =	vadd.f32 v7, v31;
	v31 =	vadd.f32 v49, v24  }
0x278: {  	v1 =	vnsel vm0, $0x0, v1;
	v29 =	vperm.xlane v6, v2;
	v15 =	vmul.f32 v15, v27  }
0x279: {  	v0 =	vadd.f32 v0, v51;
	v27 =	vmul.f32 v31, v30;
	v30 =	vperm.xlane v26, v2  }
0x27a: {  	v31 =	vperm.xlane v25, v11;
	v6 =	vadd.f32 v6, v29;
	v52 =	vperm.xlane v15, v2  }
0x27b: {  	v53 =	vld [tilespmem:s22+$0xFFFFFF80];
	v54 =	vperm.xlane v27, v2;
	v26 =	vadd.f32 v26, v30;
	v14 =	vadd.f32 v34, v14  }
0x27c: {  	v32 =	vld [tilespmem:s14+$0xFFFFFF90];
	v7 =	vperm.xlane v7, v10;
	v30 =	vperm.xlane v6, v3;
	v15 =	vadd.f32 v15, v52  }
0x27d: {  	v56 =	vld [tilespmem:s13+$0xFFFFFF80];
	v27 =	vadd.f32 v27, v54;
	v14 =	vmul.f32 v14, v31;
	v31 =	vperm.xlane v26, v3  }
0x27e: {  	v58 =	vld [tilespmem:s13+$0xFFFFFF90];
	v1 =	vsel vm1, v1, v5;
	v6 =	vadd.f32 v6, v30;
	v30 =	vperm.xlane v15, v3  }
0x27f: {  	v5 =	vld [tilespmem:s22+$0xFFFFFF90];
	v0 =	vperm.xlane v0, v62;
	[tilespmem:s20+$0x0] =	vst v14;
	v14 =	vperm.xlane v27, v3;
	v26 =	vadd.f32 v26, v31  }
0x280: {  	v29 =	vld [tilespmem:s14+$0xFFFFFF80];
	v1 =	vsel vm2, v1, v7;
	v30 =	vadd.f32 v15, v30;
	v31 =	vperm.xlane v6, v4  }
0x281: {  	v0 =	vsel vm3, v1, v0;
	v7 =	vld [tilespmem:s2+$0x50];
	v1 =	vadd.f32 v27, v14;
	v14 =	vperm.xlane v26, v4  }
0x282: {  	v15 =	vld [tilespmem:s14+$0xFFFFFFA0];
	v6 =	vadd.f32 v6, v31;
	v31 =	vperm.xlane v30, v4  }
0x283: {  	v60 =	vperm.xlane v25, v55;
	v0 =	vmul.f32 $1.442695020e+00, v0;
	v27 =	vld [tilespmem:s22+$0xFFFFFFA0]  }
0x284: {  	v49 =	vperm.xlane v25, v57;
	v26 =	vadd.f32 v26, v14;
	v30 =	vadd.f32 v30, v31;
	v31 =	vld [tilespmem:s22+$0xFFFFFFB0]  }
0x285: {  	v33 =	vadd.f32 v53, v29;
	(erf) = vpow2.f32 v0;
	v59 =	vperm.xlane v1, v4;
	v14 =	vmovc v12;
	v12 =	vld [tilespmem:s14+$0xFFFFFFB0]  }
0x286: {  	v7 =	vadd.f32 v7, v22;
	v22 =	vperm.xlane v26, v8;
	v26 =	vld [tilespmem:s13+$0xFFFFFFA0];
	v6 =	vperm.xlane v6, v14  }
0x287: {  	v5 =	vadd.f32 v5, v32;
	v0 =	vmul.f32 v33, v56;
	v1 =	vadd.f32 v1, v59  }
0x288: {  	v61 =	vld [tilespmem:s13+$0xFFFFFFB0];
	v30 =	vperm.xlane v30, v10;
	v7 =	vmul.f32 v7, v60;
	v6 =	vnsel vm0, $0x0, v6  }
0x289: {  	s15 =	simm.s32 $0x5680;
	v1 =	vperm.xlane v1, v62;
	v6 =	vsel vm1, v6, v22;
	v22 =	vadd.f32 v27, v15  }
0x28a: {  	v34 =	vld [tilespmem:s15+$0x30];
	v5 =	vmul.f32 v5, v58;
	[tilespmem:s20+$0x10] =	vst v7;
	v6 =	vsel vm2, v6, v30;
	v7 =	vadd.f32 v31, v12  }
0x28b: {  	s14 =	simm.s32 $0x1680;
	v27 =	vld [tilespmem:s2+$0x60];
	v1 =	vsel vm3, v6, v1;
	v6 =	vperm.xlane v0, v2;
	v22 =	vmul.f32 v22, v26  }
0x28c: {  	v9 =	vld [tilespmem:s14+$0x30];
	v26 =	vperm.xlane v5, v2;
	v1 =	vmul.f32 $1.442695020e+00, v1  }
0x28d: {  	v25 =	vperm.xlane v25, v63;
	v53 =	vld [tilespmem:s14+$0x0];
	v7 =	vmul.f32 v7, v61;
	v0 =	vadd.f32 v0, v6  }
0x28e: {  	v54 =	vld [tilespmem:s14+$0x10];
	v31 =	vpop (erf);
	v6 =	vperm.xlane v22, v2;
	v5 =	vadd.f32 v5, v26;
	(erf) = vpow2.f32 v1  }
0x28f: {  	v56 =	vld [tilespmem:s14+$0x20];
	v41 =	vnsel vm4, $0x0, v31;
	v26 =	vperm.xlane v7, v2;
	v30 =	vperm.xlane v0, v3  }
0x290: {  	v6 =	vadd.f32 v22, v6;
	v22 =	vperm.xlane v5, v3;
	v17 =	vadd.f32 v27, v17;
	v27 =	vld [tilespmem:s15+$0x10]  }
0x291: {  	v38 =	vperm.xlane v31, v11;
	v7 =	vadd.f32 v7, v26;
	v0 =	vadd.f32 v0, v30;
	v30 =	vld [tilespmem:s15+$0x20]  }
0x292: {  	s0 =	sadd.s32 $0x100, s13;
	v35 =	vperm.xlane v31, v55;
	v5 =	vadd.f32 v5, v22;
	v26 =	vperm.xlane v6, v3;
	v22 =	vld [tilespmem:s15+$0x0]  }
0x293: {  	v36 =	vadd.f32 v9, v34;
	v1 =	vld [tilespmem:s0+$0x10];
	v17 =	vmul.f32 v17, v49;
	v51 =	vperm.xlane v7, v3  }
0x294: {  	v48 =	vld [tilespmem:s0+$0x0];
	v50 =	vperm.xlane v0, v4;
	v52 =	vperm.xlane v5, v4;
	v6 =	vadd.f32 v6, v26  }
0x295: {  	v43 =	vperm.xlane v31, v57;
	[tilespmem:s20+$0x20] =	vst v17;
	v7 =	vadd.f32 v7, v51;
	v39 =	vadd.f32 v54, v27  }
0x296: {  	v58 =	vld [tilespmem:s2+$0x70];
	v0 =	vadd.f32 v0, v50;
	v5 =	vadd.f32 v5, v52;
	v17 =	vperm.xlane v6, v4  }
0x297: {  	v33 =	vld [tilespmem:s0+$0x30];
	v59 =	vperm.xlane v7, v4;
	v40 =	vadd.f32 v53, v22;
	v9 =	vadd.f32 v56, v30  }
0x298: {  	v1 =	vmul.f32 v39, v1;
	v26 =	vpop (erf);
	v0 =	vperm.xlane v0, v14;
	v6 =	vadd.f32 v6, v17;
	v17 =	vld [tilespmem:s0+$0x20]  }
0x299: {  	s4 =	simm.s32 $0x7580;
	v5 =	vperm.xlane v5, v8;
	v60 =	vnsel vm4, $0x0, v26;
	v37 =	vmul.f32 v40, v48  }
0x29a: {  	v45 =	vld [tilespmem:s14+$0xFFFFFF80];
	v7 =	vadd.f32 v7, v59;
	v46 =	vperm.xlane v26, v11;
	v48 =	vperm.xlane v1, v2;
	[tilespmem:s4+$0x40] =	vst v60  }
0x29b: {  	v0 =	vnsel vm0, $0x0, v0;
	v6 =	vperm.xlane v6, v10;
	v42 =	vadd.f32 v58, v16;
	v61 =	vld [tilespmem:s22+$0x40]  }
0x29c: {  	v16 =	vmul.f32 v36, v33;
	v36 =	vld [tilespmem:s15+$0xFFFFFF80];
	v0 =	vsel vm1, v0, v5;
	v5 =	vperm.xlane v37, v2  }
0x29d: {  	v7 =	vperm.xlane v7, v62;
	v1 =	vadd.f32 v1, v48;
	v17 =	vmul.f32 v9, v17  }
0x29e: {  	v59 =	vld [tilespmem:s0+$0xFFFFFF90];
	v50 =	vperm.xlane v16, v2;
	v0 =	vsel vm2, v0, v6;
	v5 =	vadd.f32 v37, v5  }
0x29f: {  	v6 =	vld [tilespmem:s0+$0xFFFFFF80];
	v0 =	vsel vm3, v0, v7;
	v52 =	vperm.xlane v1, v3;
	v49 =	vperm.xlane v17, v2  }
0x2a0: {  	[tilespmem:s20+$0xFFFFFFC0] =	vst v41;
	v7 =	vld [tilespmem:s14+$0xFFFFFF90];
	v16 =	vadd.f32 v16, v50;
	v0 =	vmul.f32 $1.442695020e+00, v0;
	v47 =	vadd.f32 v61, v19  }
0x2a1: {  	v51 =	vperm.xlane v5, v3;
	v33 =	vadd.f32 v45, v36;
	v45 =	vld [tilespmem:s2+$0xFFFFFFC0];
	v37 =	vadd.f32 v17, v49  }
0x2a2: {  	v1 =	vadd.f32 v1, v52;
	v19 =	vld [tilespmem:s15+$0xFFFFFF90];
	v56 =	vperm.xlane v16, v3;
	v39 =	vmul.f32 v47, v46  }
0x2a3: {  	(erf) = vpow2.f32 v0;
	v0 =	vld [tilespmem:s14+$0xFFFFFFA0];
	v5 =	vadd.f32 v5, v51;
	v54 =	vperm.xlane v37, v3  }
0x2a4: {  	v25 =	vmul.f32 v42, v25;
	v17 =	vld [tilespmem:s15+$0xFFFFFFA0];
	v61 =	vperm.xlane v1, v4;
	v60 =	vadd.f32 v16, v56;
	[tilespmem:s4+$0x0] =	vst v39  }
0x2a5: {  	v9 =	vperm.xlane v26, v55;
	v58 =	vperm.xlane v5, v4;
	v53 =	vld [tilespmem:s22+$0x50];
	v37 =	vadd.f32 v37, v54  }
0x2a6: {  	v6 =	vmul.f32 v33, v6;
	v1 =	vadd.f32 v1, v61;
	v50 =	vperm.xlane v60, v4  }
0x2a7: {  	v49 =	vld [tilespmem:s14+$0xFFFFFFB0];
	v5 =	vadd.f32 v5, v58;
	v7 =	vadd.f32 v7, v19;
	v48 =	vperm.xlane v37, v4  }
0x2a8: {  	v16 =	vld [tilespmem:s15+$0xFFFFFFB0];
	v20 =	vadd.f32 v45, v20;
	v1 =	vperm.xlane v1, v8;
	v33 =	vadd.f32 v60, v50  }
0x2a9: {  	v5 =	vperm.xlane v5, v14;
	v7 =	vmul.f32 v7, v59;
	v37 =	vadd.f32 v37, v48  }
0x2aa: {  	v51 =	vld [tilespmem:s0+$0xFFFFFFA0];
	v0 =	vadd.f32 v0, v17;
	v60 =	vperm.xlane v26, v57;
	v18 =	vadd.f32 v53, v18  }
0x2ab: {  	v52 =	vld [tilespmem:s0+$0xFFFFFFB0];
	v5 =	vnsel vm0, $0x0, v5;
	v56 =	vperm.xlane v7, v2;
	v37 =	vperm.xlane v37, v10  }
0x2ac: {  	v1 =	vsel vm1, v5, v1;
	v5 =	vperm.xlane v33, v62;
	v18 =	vmul.f32 v18, v9  }
0x2ad: {  	s19 =	sadd.s32 $0x100, s0;
	v44 =	vmul.f32 v20, v38;
	v53 =	vadd.f32 v49, v16;
	v1 =	vsel vm2, v1, v37  }
0x2ae: {  	v7 =	vadd.f32 v7, v56;
	[tilespmem:s4+$0x10] =	vst v18;
	v18 =	vperm.xlane v6, v2;
	v1 =	vsel vm3, v1, v5;
	v5 =	vld [tilespmem:s19+$0x10]  }
0x2af: {  	s21 =	simm.s32 $0x5780;
	v0 =	vmul.f32 v0, v51;
	v54 =	vld [tilespmem:s22+$0x60];
	[tilespmem:$0x1FF00] =	vst v25;
	v1 =	vmul.f32 $1.442695020e+00, v1  }
0x2b0: {  	s1 =	simm.s32 $0x1780;
	v59 =	vperm.xlane v7, v3;
	v25 =	vmul.f32 v53, v52;
	v6 =	vadd.f32 v6, v18;
	v41 =	vld [tilespmem:s21+$0x10]  }
0x2b1: {  	v18 =	vperm.xlane v0, v2;
	v9 =	vld [tilespmem:s1+$0x10];
	(erf) = vpow2.f32 v1  }
0x2b2: {  	v47 =	vld [tilespmem:s1+$0x0];
	v1 =	vperm.xlane v25, v2;
	v58 =	vperm.xlane v6, v3  }
0x2b3: {  	v33 =	vpop (erf);
	v7 =	vadd.f32 v7, v59;
	v0 =	vadd.f32 v0, v18;
	v18 =	vperm.xlane v31, v63;
	v31 =	vld [tilespmem:s21+$0x0]  }
0x2b4: {  	v49 =	vperm.xlane v33, v11;
	v40 =	vld [tilespmem:s21+$0x30];
	v1 =	vadd.f32 v25, v1;
	v6 =	vadd.f32 v6, v58  }
0x2b5: {  	v42 =	vld [tilespmem:s19+$0x0];
	v25 =	vperm.xlane v0, v3;
	v21 =	vadd.f32 v54, v21;
	v54 =	vperm.xlane v7, v4  }
0x2b6: {  	v37 =	vld [tilespmem:s21+$0x20];
	v39 =	vperm.xlane v1, v3;
	v48 =	vadd.f32 v9, v41;
	v61 =	vperm.xlane v6, v4  }
0x2b7: {  	v0 =	vadd.f32 v0, v25;
	v25 =	vld [tilespmem:s1+$0x20];
	v51 =	vmul.f32 v21, v60;
	v7 =	vadd.f32 v7, v54  }
0x2b8: {  	v21 =	vld [tilespmem:s1+$0x30];
	v1 =	vadd.f32 v1, v39;
	v20 =	vadd.f32 v47, v31;
	v5 =	vmul.f32 v48, v5  }
0x2b9: {  	v56 =	vld [tilespmem:s19+$0x20];
	v59 =	vperm.xlane v0, v4;
	v7 =	vperm.xlane v7, v8  }
0x2ba: {  	v58 =	vld [tilespmem:s19+$0x30];
	v6 =	vadd.f32 v6, v61;
	v47 =	vperm.xlane v1, v4;
	v20 =	vmul.f32 v20, v42  }
0x2bb: {  	v54 =	vperm.xlane v5, v2;
	v42 =	vperm.xlane v33, v55  }
0x2bc: {  	v6 =	vperm.xlane v6, v14;
	v38 =	vpop (erf);
	v0 =	vadd.f32 v0, v59;
	v25 =	vadd.f32 v25, v37  }
0x2bd: {  	s0 =	simm.s32 $0x7680;
	v60 =	vnsel vm4, $0x0, v38;
	v21 =	vadd.f32 v21, v40;
	v9 =	vperm.xlane v20, v2  }
0x2be: {  	v45 =	vld [tilespmem:s1+$0xFFFFFF80];
	v5 =	vadd.f32 v5, v54;
	v59 =	vperm.xlane v38, v11;
	[tilespmem:s0+$0x40] =	vst v60;
	v25 =	vmul.f32 v25, v56  }
0x2bf: {  	v1 =	vadd.f32 v1, v47;
	v6 =	vnsel vm0, $0x0, v6;
	v61 =	vld [tilespmem:s14+$0x40];
	v21 =	vmul.f32 v21, v58  }
0x2c0: {  	v53 =	vld [tilespmem:s1+$0xFFFFFF90];
	v0 =	vperm.xlane v0, v10;
	v20 =	vadd.f32 v20, v9;
	v56 =	vperm.xlane v25, v2  }
0x2c1: {  	v54 =	vld [tilespmem:s19+$0xFFFFFF80];
	v6 =	vsel vm1, v6, v7;
	v1 =	vperm.xlane v1, v62;
	v58 =	vperm.xlane v21, v2  }
0x2c2: {  	v0 =	vsel vm2, v6, v0;
	v6 =	vld [tilespmem:s1+$0xFFFFFFA0];
	v60 =	vperm.xlane v20, v3;
	v46 =	vadd.f32 v25, v56  }
0x2c3: {  	v0 =	vsel vm3, v0, v1;
	v25 =	vld [tilespmem:s21+$0xFFFFFF80];
	v50 =	vadd.f32 v21, v58;
	v21 =	vperm.xlane v5, v3  }
0x2c4: {  	v1 =	vld [tilespmem:s19+$0xFFFFFF90];
	v20 =	vadd.f32 v20, v60;
	v48 =	vadd.f32 v61, v22;
	v61 =	vperm.xlane v46, v3  }
0x2c5: {  	v0 =	vmul.f32 $1.442695020e+00, v0;
	v60 =	vld [tilespmem:s1+$0xFFFFFFB0];
	v9 =	vperm.xlane v50, v3;
	v5 =	vadd.f32 v5, v21  }
0x2c6: {  	v39 =	vmovc v11;
	v11 =	vperm.xlane v20, v4;
	v21 =	vld [tilespmem:s21+$0xFFFFFFA0];
	v48 =	vmul.f32 v48, v59;
	v46 =	vadd.f32 v46, v61  }
0x2c7: {  	v23 =	vmovc v55;
	v22 =	vld [tilespmem:s21+$0xFFFFFF90];
	(erf) = vpow2.f32 v0;
	v7 =	vadd.f32 v50, v9;
	v52 =	vperm.xlane v5, v4  }
0x2c8: {  	v20 =	vadd.f32 v20, v11;
	v9 =	vld [tilespmem:s19+$0xFFFFFFA0];
	[tilespmem:s0+$0x0] =	vst v48;
	v45 =	vadd.f32 v45, v25;
	v56 =	vperm.xlane v46, v4  }
0x2c9: {  	v61 =	vperm.xlane v38, v23;
	v48 =	vld [tilespmem:s14+$0x50];
	v5 =	vadd.f32 v5, v52;
	v58 =	vperm.xlane v7, v4  }
0x2ca: {  	v59 =	vperm.xlane v20, v14;
	v20 =	vld [tilespmem:s21+$0xFFFFFFB0];
	v45 =	vmul.f32 v45, v54;
	v46 =	vadd.f32 v46, v56  }
0x2cb: {  	v0 =	vadd.f32 v6, v21;
	v5 =	vperm.xlane v5, v8;
	v7 =	vadd.f32 v7, v58  }
0x2cc: {  	v11 =	vmovc v10;
	v52 =	vnsel vm0, $0x0, v59;
	v58 =	vadd.f32 v53, v22;
	v46 =	vperm.xlane v46, v10;
	v10 =	vld [tilespmem:s19+$0xFFFFFFB0]  }
0x2cd: {  	[tilespmem:s4+$0x20] =	vst v51;
	v6 =	vperm.xlane v45, v2;
	v5 =	vsel vm1, v52, v5;
	v7 =	vperm.xlane v7, v62  }
0x2ce: {  	v56 =	vld [tilespmem:s22+$0x70];
	v0 =	vmul.f32 v0, v9;
	v1 =	vmul.f32 v58, v1;
	v5 =	vsel vm2, v5, v46  }
0x2cf: {  	v27 =	vadd.f32 v48, v27;
	v5 =	vsel vm3, v5, v7;
	v7 =	vadd.f32 v60, v20  }
0x2d0: {  	s11 =	sadd.s32 $0x100, s19;
	v59 =	vperm.xlane v0, v2;
	v5 =	vmul.f32 $1.442695020e+00, v5  }
0x2d1: {  	s25 =	simm.s32 $0x5880;
	v54 =	vld [tilespmem:s11+$0x10];
	v6 =	vadd.f32 v45, v6;
	v27 =	vmul.f32 v27, v61;
	v7 =	vmul.f32 v7, v10  }
0x2d2: {  	s21 =	simm.s32 $0x1880;
	v48 =	vld [tilespmem:s25+$0x20];
	(erf) = vpow2.f32 v5;
	v5 =	vperm.xlane v1, v2  }
0x2d3: {  	v55 =	vld [tilespmem:s21+$0x30];
	v24 =	vadd.f32 v56, v24;
	v60 =	vperm.xlane v6, v3;
	v0 =	vadd.f32 v0, v59  }
0x2d4: {  	v53 =	vld [tilespmem:s11+$0x30];
	[tilespmem:s0+$0x10] =	vst v27;
	v27 =	vperm.xlane v26, v63;
	v1 =	vadd.f32 v1, v5;
	v5 =	vperm.xlane v7, v2  }
0x2d5: {  	v26 =	vld [tilespmem:s25+$0x30];
	v6 =	vadd.f32 v6, v60;
	v51 =	vperm.xlane v0, v3  }
0x2d6: {  	v52 =	vld [tilespmem:s14+$0x60];
	v47 =	vmul.f32 v24, v27;
	v61 =	vperm.xlane v1, v3;
	v5 =	vadd.f32 v7, v5  }
0x2d7: {  	v27 =	vperm.xlane v33, v57;
	v24 =	vperm.xlane v33, v63;
	v7 =	vld [tilespmem:s11+$0x0];
	[tilespmem:$0x1FF20] =	vst v48  }
0x2d8: {  	v60 =	vperm.xlane v6, v4;
	v45 =	vld [tilespmem:s25+$0x10];
	v1 =	vadd.f32 v1, v61;
	v9 =	vperm.xlane v5, v3  }
0x2d9: {  	v10 =	vmovc v57;
	v57 =	vperm.xlane v38, v57;
	v0 =	vadd.f32 v0, v51;
	v33 =	vnsel vm4, $0x0, v33;
	v46 =	vld [tilespmem:s25+$0x0]  }
0x2da: {  	v50 =	vpop (erf);
	v6 =	vadd.f32 v6, v60;
	v56 =	vld [tilespmem:s21+$0x0];
	v61 =	vperm.xlane v1, v4;
	v5 =	vadd.f32 v5, v9  }
0x2db: {  	v59 =	vperm.xlane v0, v4;
	v55 =	vadd.f32 v55, v26;
	v30 =	vadd.f32 v52, v30;
	v52 =	vld [tilespmem:s21+$0x10];
	v51 =	vpop (erf)  }
0x2dc: {  	s15 =	simm.s32 $0x7780;
	v9 =	vnsel vm4, $0x0, v51;
	v1 =	vadd.f32 v1, v61;
	v60 =	vperm.xlane v5, v4  }
0x2dd: {  	v6 =	vperm.xlane v6, v14;
	v0 =	vadd.f32 v0, v59;
	v53 =	vmul.f32 v55, v53;
	[tilespmem:s15+$0x40] =	vst v9;
	v9 =	vld [tilespmem:s21+$0x20]  }
0x2de: {  	v57 =	vmul.f32 v30, v57;
	v30 =	vld [tilespmem:s1+$0x40];
	v1 =	vperm.xlane v1, v8;
	v5 =	vadd.f32 v5, v60  }
0x2df: {  	v59 =	vld [tilespmem:s11+$0x20];
	v6 =	vnsel vm0, $0x0, v6;
	v0 =	vperm.xlane v0, v11;
	v56 =	vadd.f32 v56, v46  }
0x2e0: {  	[tilespmem:s20+$0xFFFFFF80] =	vst v44;
	v52 =	vadd.f32 v52, v45;
	v5 =	vperm.xlane v5, v62;
	v1 =	vsel vm1, v6, v1  }
0x2e1: {  	v44 =	vld [tilespmem:s2+$0xFFFFFFD0];
	v61 =	vperm.xlane v51, v39;
	v7 =	vmul.f32 v56, v7;
	v0 =	vsel vm2, v1, v0  }
0x2e2: {  	[tilespmem:s4+$0xFFFFFFC0] =	vst v33;
	v33 =	vld [tilespmem:s25+$0xFFFFFF80];
	v52 =	vmul.f32 v52, v54;
	v60 =	vadd.f32 v9, v48;
	v0 =	vsel vm3, v0, v5  }
0x2e3: {  	v6 =	vperm.xlane v7, v2;
	v9 =	vld [tilespmem:s22+$0xFFFFFFC0];
	v30 =	vadd.f32 v30, v31;
	v0 =	vmul.f32 $1.442695020e+00, v0  }
0x2e4: {  	v1 =	vld [tilespmem:s21+$0xFFFFFF80];
	v48 =	vmul.f32 v60, v59;
	v60 =	vperm.xlane v52, v2  }
0x2e5: {  	v54 =	vld [tilespmem:s21+$0xFFFFFF90];
	v6 =	vadd.f32 v7, v6;
	v30 =	vmul.f32 v30, v61;
	v61 =	vperm.xlane v53, v2  }
0x2e6: {  	v28 =	vadd.f32 v44, v28;
	v56 =	vld [tilespmem:s11+$0xFFFFFF80];
	v7 =	vperm.xlane v48, v2;
	v5 =	vadd.f32 v52, v60  }
0x2e7: {  	v31 =	vld [tilespmem:s25+$0xFFFFFF90];
	(erf) = vpow2.f32 v0;
	[tilespmem:s15+$0x0] =	vst v30;
	v30 =	vperm.xlane v6, v3;
	v52 =	vadd.f32 v53, v61  }
0x2e8: {  	v29 =	vadd.f32 v9, v29;
	v7 =	vadd.f32 v48, v7;
	v53 =	vld [tilespmem:s1+$0x50];
	v55 =	vperm.xlane v5, v3  }
0x2e9: {  	v1 =	vadd.f32 v1, v33;
	v6 =	vadd.f32 v6, v30;
	v9 =	vperm.xlane v52, v3;
	v30 =	vld [tilespmem:s25+$0xFFFFFFA0]  }
0x2ea: {  	v49 =	vmul.f32 v29, v49;
	v29 =	vld [tilespmem:s25+$0xFFFFFFB0];
	v58 =	vperm.xlane v7, v3;
	v0 =	vadd.f32 v5, v55  }
0x2eb: {  	v59 =	vnsel vm4, $0x0, v50;
	v1 =	vmul.f32 v1, v56;
	v5 =	vld [tilespmem:s21+$0xFFFFFFA0];
	v48 =	vperm.xlane v6, v4  }
0x2ec: {  	v55 =	vld [tilespmem:s21+$0xFFFFFFB0];
	v52 =	vadd.f32 v52, v9;
	v7 =	vadd.f32 v7, v58;
	v60 =	vperm.xlane v0, v4  }
0x2ed: {  	v9 =	vperm.xlane v51, v23;
	v58 =	vld [tilespmem:s11+$0xFFFFFF90];
	v41 =	vadd.f32 v53, v41;
	v6 =	vadd.f32 v6, v48  }
0x2ee: {  	v56 =	vld [tilespmem:s11+$0xFFFFFFA0];
	v48 =	vperm.xlane v7, v4;
	v0 =	vadd.f32 v0, v60;
	v60 =	vperm.xlane v51, v10  }
0x2ef: {  	v61 =	vadd.f32 v54, v31;
	v54 =	vld [tilespmem:s11+$0xFFFFFFB0];
	v41 =	vmul.f32 v41, v9;
	v9 =	vperm.xlane v52, v4  }
0x2f0: {  	v6 =	vperm.xlane v6, v14;
	v5 =	vadd.f32 v5, v30;
	v7 =	vadd.f32 v7, v48  }
0x2f1: {  	[tilespmem:s0+$0x20] =	vst v57;
	v55 =	vadd.f32 v55, v29;
	v0 =	vperm.xlane v0, v8;
	v52 =	vadd.f32 v52, v9  }
0x2f2: {  	[tilespmem:s15+$0x10] =	vst v41;
	v6 =	vnsel vm0, $0x0, v6;
	v53 =	vmul.f32 v61, v58;
	v7 =	vperm.xlane v7, v11  }
0x2f3: {  	s26 =	sadd.s32 $0x100, s11;
	[tilespmem:s0+$0xFFFFFFC0] =	vst v59;
	v61 =	vperm.xlane v1, v2;
	v41 =	vld [tilespmem:s1+$0x60];
	v0 =	vsel vm1, v6, v0;
	v6 =	vperm.xlane v52, v62  }
0x2f4: {  	v57 =	vld [tilespmem:s26+$0x30];
	[tilespmem:s4+$0xFFFFFF80] =	vst v49;
	v5 =	vmul.f32 v5, v56;
	v49 =	vmul.f32 v55, v54;
	v0 =	vsel vm2, v0, v7  }
0x2f5: {  	v55 =	vperm.xlane v50, v39;
	v56 =	vmul.f32 v28, v35;
	v0 =	vsel vm3, v0, v6;
	v6 =	vld [tilespmem:s14+$0xFFFFFFC0]  }
0x2f6: {  	s13 =	simm.s32 $0x1980;
	v9 =	vmovc v11;
	v11 =	vmov v62;
	v62 =	vperm.xlane v53, v2;
	v7 =	vld [tilespmem:s14+$0x70];
	v0 =	vmul.f32 $1.442695020e+00, v0  }
0x2f7: {  	s12 =	simm.s32 $0x5980;
	v44 =	vld [tilespmem:s13+$0x30];
	v1 =	vadd.f32 v1, v61;
	v54 =	vperm.xlane v5, v2;
	v61 =	vperm.xlane v49, v2  }
0x2f8: {  	v28 =	vld [tilespmem:s12+$0x30];
	v37 =	vadd.f32 v41, v37;
	(erf) = vpow2.f32 v0;
	v0 =	vadd.f32 v53, v62  }
0x2f9: {  	v58 =	vld [tilespmem:s26+$0x0];
	v5 =	vadd.f32 v5, v54;
	v41 =	vadd.f32 v49, v61;
	v62 =	vperm.xlane v1, v3  }
0x2fa: {  	v35 =	vld [tilespmem:s12+$0x20];
	v37 =	vmul.f32 v37, v60;
	v60 =	vperm.xlane v0, v3;
	v6 =	vadd.f32 v6, v36  }
0x2fb: {  	v52 =	vld [tilespmem:s22+$0xFFFFFFD0];
	v61 =	vperm.xlane v5, v3;
	v7 =	vadd.f32 v7, v34;
	v1 =	vadd.f32 v1, v62  }
0x2fc: {  	v53 =	vld [tilespmem:s26+$0x10];
	[tilespmem:s15+$0x20] =	vst v37;
	v37 =	vperm.xlane v38, v63;
	v0 =	vadd.f32 v0, v60;
	v6 =	vmul.f32 v6, v55  }
0x2fd: {  	v5 =	vadd.f32 v5, v61;
	v49 =	vld [tilespmem:s1+$0x70];
	v62 =	vperm.xlane v1, v4;
	v60 =	vperm.xlane v41, v3  }
0x2fe: {  	v7 =	vmul.f32 v7, v37;
	v37 =	vld [tilespmem:s12+$0x10];
	v61 =	vperm.xlane v0, v4;
	[tilespmem:$0x1FF10] =	vst v6  }
0x2ff: {  	v1 =	vadd.f32 v1, v62;
	v36 =	vadd.f32 v41, v60;
	v62 =	vperm.xlane v5, v4;
	v41 =	vld [tilespmem:s12+$0x0]  }
0x300: {  	v54 =	vpop (erf);
	v32 =	vadd.f32 v52, v32;
	v38 =	vperm.xlane v50, v23;
	v52 =	vld [tilespmem:s13+$0x10];
	v0 =	vadd.f32 v0, v61  }
0x301: {  	v59 =	vld [tilespmem:s13+$0x0];
	v1 =	vperm.xlane v1, v14;
	v55 =	vperm.xlane v36, v4;
	v5 =	vadd.f32 v5, v62;
	v34 =	vpop (erf)  }
0x302: {  	s11 =	simm.s32 $0x7880;
	v61 =	vld [tilespmem:s13+$0x20];
	v40 =	vadd.f32 v49, v40;
	v60 =	vnsel vm4, $0x0, v34;
	v0 =	vperm.xlane v0, v8  }
0x303: {  	v55 =	vadd.f32 v36, v55;
	v36 =	vperm.xlane v50, v10;
	v5 =	vperm.xlane v5, v9;
	[tilespmem:s11+$0x40] =	vst v60  }
0x304: {  	v48 =	vmovc v8;
	v1 =	vnsel vm0, $0x0, v1;
	v8 =	vperm.xlane v51, v63;
	v60 =	vmul.f32 v32, v42;
	v62 =	vld [tilespmem:s21+$0x40]  }
0x305: {  	[tilespmem:s20+$0xFFFFFF90] =	vst v56;
	v32 =	vperm.xlane v50, v63;
	v0 =	vsel vm1, v1, v0;
	v1 =	vld [tilespmem:s26+$0x20];
	v52 =	vadd.f32 v52, v37  }
0x306: {  	v49 =	vld [tilespmem:s2+$0xFFFFFFE0];
	v50 =	vadd.f32 v59, v41;
	v51 =	vperm.xlane v55, v11;
	v55 =	vadd.f32 v44, v28  }
0x307: {  	v6 =	vmovc v23;
	v8 =	vmul.f32 v40, v8;
	v23 =	vld [tilespmem:$0x1FEF0];
	v59 =	vadd.f32 v61, v35;
	v52 =	vmul.f32 v52, v53  }
0x308: {  	v0 =	vsel vm2, v0, v5;
	v61 =	vperm.xlane v34, v39;
	v50 =	vmul.f32 v50, v58  }
0x309: {  	v5 =	vmul.f32 v55, v57;
	v57 =	vperm.xlane v52, v2;
	v46 =	vadd.f32 v62, v46  }
0x30a: {  	v0 =	vsel vm3, v0, v51;
	v1 =	vmul.f32 v59, v1;
	v62 =	vperm.xlane v50, v2  }
0x30b: {  	v56 =	vld [tilespmem:s13+$0xFFFFFF80];
	v0 =	vmul.f32 $1.442695020e+00, v0;
	v52 =	vadd.f32 v52, v57;
	v46 =	vmul.f32 v46, v61  }
0x30c: {  	v40 =	vld [tilespmem:s12+$0xFFFFFFA0];
	v23 =	vadd.f32 v49, v23;
	v61 =	vperm.xlane v1, v2;
	v50 =	vadd.f32 v50, v62  }
0x30d: {  	(erf) = vpow2.f32 v0;
	v0 =	vld [tilespmem:s13+$0xFFFFFFA0];
	v53 =	vperm.xlane v52, v3;
	[tilespmem:s11+$0x0] =	vst v46  }
0x30e: {  	v59 =	vmul.f32 v23, v43;
	v1 =	vadd.f32 v1, v61;
	v23 =	vperm.xlane v50, v3;
	v46 =	vld [tilespmem:s21+$0x50]  }
0x30f: {  	v52 =	vadd.f32 v52, v53;
	v53 =	vld [tilespmem:s26+$0xFFFFFFA0]  }
0x310: {  	v44 =	vld [tilespmem:s12+$0xFFFFFF80];
	v61 =	vperm.xlane v1, v3;
	v50 =	vadd.f32 v50, v23;
	_ =	sdelay $0x1  }
0x311: {  	v42 =	vld [tilespmem:s12+$0xFFFFFF90];
	v0 =	vadd.f32 v0, v40;
	v1 =	vadd.f32 v1, v61;
	v61 =	vperm.xlane v50, v4  }
0x312: {  	v58 =	vperm.xlane v34, v6;
	v49 =	vld [tilespmem:s13+$0xFFFFFF90];
	v62 =	vperm.xlane v5, v2;
	v45 =	vadd.f32 v46, v45  }
0x313: {  	v50 =	vadd.f32 v50, v61;
	v61 =	vperm.xlane v1, v4;
	v0 =	vmul.f32 v0, v53;
	v53 =	vld [tilespmem:$0x1FF00]  }
0x314: {  	v51 =	vld [tilespmem:s26+$0xFFFFFF80];
	v55 =	vadd.f32 v56, v44;
	v5 =	vadd.f32 v5, v62;
	[tilespmem:s4+$0x30] =	vst v47  }
0x315: {  	v43 =	vld [tilespmem:s26+$0xFFFFFF90];
	[tilespmem:s0+$0x30] =	vst v7;
	v56 =	vmul.f32 v45, v58;
	v1 =	vadd.f32 v1, v61;
	v61 =	vnsel vm4, $0x0, v54  }
0x316: {  	[tilespmem:s15+$0xFFFFFFC0] =	vst v61  }
0x317: {  	v57 =	vld [tilespmem:s13+$0xFFFFFFB0];
	v62 =	vperm.xlane v5, v3;
	[tilespmem:s11+$0x10] =	vst v56  }
0x318: {  	v49 =	vadd.f32 v49, v42;
	v23 =	vld [tilespmem:s12+$0xFFFFFFB0];
	[tilespmem:s20+$0x30] =	vst v53  }
0x319: {  	v51 =	vmul.f32 v55, v51;
	v5 =	vadd.f32 v5, v62;
	v62 =	vperm.xlane v52, v4;
	v53 =	vld [tilespmem:$0x1FF10]  }
0x31a: {  	v49 =	vmul.f32 v49, v43;
	v43 =	vperm.xlane v54, v10  }
0x31b: {  	v55 =	vld [tilespmem:s26+$0xFFFFFFB0];
	v52 =	vadd.f32 v52, v62;
	v62 =	vperm.xlane v5, v4;
	v46 =	vperm.xlane v54, v6;
	[tilespmem:s4+$0xFFFFFF90] =	vst v60  }
0x31c: {  	v45 =	vperm.xlane v54, v39;
	v39 =	vperm.xlane v54, v63;
	[tilespmem:s20+$0xFFFFFFA0] =	vst v59  }
0x31d: {  	v5 =	vadd.f32 v5, v62;
	v50 =	vperm.xlane v50, v14;
	v54 =	vperm.xlane v0, v2;
	[tilespmem:s15+$0x30] =	vst v8  }
0x31e: {  	v58 =	vadd.f32 v57, v23;
	v62 =	vperm.xlane v51, v2;
	v52 =	vperm.xlane v52, v48;
	v6 =	vld [tilespmem:s21+$0x60];
	[tilespmem:s0+$0xFFFFFF80] =	vst v53  }
0x31f: {  	v63 =	vperm.xlane v49, v2;
	v1 =	vperm.xlane v1, v9;
	v56 =	vadd.f32 v0, v54;
	v0 =	vld [tilespmem:$0x1FF20]  }
0x320: {  	v7 =	vnsel vm0, $0x0, v50;
	v55 =	vmul.f32 v58, v55;
	v5 =	vperm.xlane v5, v11  }
0x321: {  	v57 =	vadd.f32 v51, v62;
	v58 =	vadd.f32 v49, v63;
	v7 =	vsel vm1, v7, v52;
	v52 =	vld [tilespmem:s1+$0xFFFFFFC0]  }
0x322: {  	v1 =	vsel vm2, v7, v1;
	v60 =	vperm.xlane v55, v2;
	v50 =	vld [tilespmem:s22+$0xFFFFFFE0]  }
0x323: {  	s29 =	simm.s32 $0x300;
	s19 =	simm.s32 $0x1980;
	v61 =	vperm.xlane v57, v3;
	v62 =	vperm.xlane v58, v3;
	v1 =	vsel vm3, v1, v5;
	v49 =	vld [tilespmem:s2+$0xFFFFFFF0]  }
0x324: {  	s25 =	simm.s32 $0xA;
	s26 =	sadd.s32 $0x100, s26;
	v47 =	vpop (erf);
	s2 =	simm.s32 $0x7880;
	v59 =	vmul.f32 $1.442695020e+00, v1;
	v53 =	vperm.xlane v34, v10;
	v51 =	vld [tilespmem:s14+$0xFFFFFFD0];
	v54 =	vadd.f32 v6, v0  }
.LBB2_7:
0x325: {  	v0 =	vld [tilespmem:s26+$0x30]  }
0x326: {  	v6 =	vld [tilespmem:s26+$0x10]  }
0x327: {  	v14 =	vld [tilespmem:$0x1FFB0]  }
0x328: {  	s12 =	sadd.s32 $0x100, s12;
	v10 =	vld [tilespmem:$0x1FFE0]  }
0x329: {  	s13 =	sadd.s32 $0x100, s13;
	v8 =	vadd.f32 v52, v25;
	v53 =	vmul.f32 v54, v53;
	v54 =	vld [tilespmem:s12+$0x30]  }
0x32a: {  	(erf) = vpow2.f32 v59;
	v7 =	vadd.f32 v58, v62;
	v58 =	vnsel vm4, $0x0, v47;
	v59 =	vld [tilespmem:s13+$0x30]  }
0x32b: {  	v1 =	vadd.f32 v57, v61;
	v61 =	vld [tilespmem:$0x1FFF0];
	[tilespmem:s11+$0xFFFFFFC0] =	vst v58  }
0x32c: {  	v5 =	vadd.f32 v55, v60;
	v48 =	vperm.xlane v56, v3;
	v58 =	vmul.f32 v8, v45;
	v8 =	vld [tilespmem:$0x1FF80];
	[tilespmem:s11+$0x20] =	vst v53  }
0x32d: {  	v19 =	vadd.f32 v51, v19;
	v53 =	vld [tilespmem:s21+$0x70]  }
0x32e: {  	v57 =	vperm.xlane v5, v3;
	v60 =	vperm.xlane v7, v4;
	v56 =	vadd.f32 v56, v48;
	v51 =	vld [tilespmem:s12+$0x10]  }
0x32f: {  	v55 =	vperm.xlane v1, v4;
	[tilespmem:s15+$0xFFFFFF80] =	vst v58;
	v58 =	vld [tilespmem:s13+$0x10]  }
0x330: {  	v5 =	vadd.f32 v5, v57;
	v7 =	vadd.f32 v7, v60;
	v62 =	vperm.xlane v56, v4;
	v60 =	vld [tilespmem:$0x1FFC0]  }
0x331: {  	v25 =	vmov v33;
	v11 =	vld [tilespmem:$0x1FFD0];
	v19 =	vmul.f32 v19, v38;
	v1 =	vadd.f32 v1, v55  }
0x332: {  	v33 =	vmovc v44;
	v63 =	vperm.xlane v47, v61;
	v9 =	vperm.xlane v5, v4;
	v52 =	vadd.f32 v56, v62;
	v62 =	vld [tilespmem:$0x1FF90]  }
0x333: {  	v15 =	vadd.f32 v50, v15;
	v38 =	vmovc v46;
	v48 =	vld [tilespmem:s12+$0x20];
	v1 =	vperm.xlane v1, v8;
	v7 =	vperm.xlane v7, v14  }
0x334: {  	v44 =	vld [tilespmem:s13+$0x0];
	v45 =	vmovc v63;
	v5 =	vadd.f32 v5, v9;
	v46 =	vperm.xlane v52, v10;
	v53 =	vadd.f32 v53, v26  }
0x335: {  	v55 =	vld [tilespmem:s26+$0x0];
	v1 =	vnsel vm0, $0x0, v1;
	v26 =	vmovc v28;
	v28 =	vmovc v54;
	v58 =	vadd.f32 v58, v51;
	v63 =	vperm.xlane v34, v60  }
0x336: {  	v57 =	vld [tilespmem:s12+$0x0];
	v34 =	vpop (erf);
	v1 =	vsel vm1, v1, v7;
	v59 =	vadd.f32 v59, v28;
	v5 =	vperm.xlane v5, v11  }
0x337: {  	s11 =	sadd.s32 $0x100, s11;
	[tilespmem:s0+$0xFFFFFF90] =	vst v19;
	v19 =	vld [tilespmem:s13+$0x20];
	v7 =	vnsel vm4, $0x0, v34;
	v6 =	vmul.f32 v58, v6;
	v56 =	vperm.xlane v47, v62  }
0x338: {  	v9 =	vld [tilespmem:$0x1FFA0];
	v1 =	vsel vm2, v1, v46;
	[tilespmem:s11+$0x40] =	vst v7;
	v7 =	vmul.f32 v53, v63;
	v63 =	vperm.xlane v47, v60  }
0x339: {  	v0 =	vmul.f32 v59, v0;
	v59 =	vperm.xlane v34, v61;
	v1 =	vsel vm3, v1, v5;
	v5 =	vld [tilespmem:s19+$0x40]  }
0x33a: {  	v13 =	vadd.f32 v49, v13;
	v49 =	vld [tilespmem:s26+$0x20];
	v1 =	vmul.f32 $1.442695020e+00, v1;
	[tilespmem:s2+$0x30] =	vst v7;
	v7 =	vmul.f32 v15, v27  }
0x33b: {  	v52 =	vld [tilespmem:s13+$0xFFFFFF80];
	v62 =	vperm.xlane v34, v62;
	v61 =	vperm.xlane v6, v2;
	v15 =	vadd.f32 v44, v57  }
0x33c: {  	v44 =	vld [tilespmem:s12+$0xFFFFFF80];
	(erf) = vpow2.f32 v1;
	[tilespmem:s4+$0xFFFFFFA0] =	vst v7;
	v1 =	vmul.f32 v13, v18  }
0x33d: {  	v50 =	vperm.xlane v47, v9;
	v13 =	vmul.f32 v15, v55;
	v15 =	vadd.f32 v19, v48;
	v7 =	vld [tilespmem:s12+$0xFFFFFF90]  }
0x33e: {  	v46 =	vmovc v56;
	v27 =	vmov v36;
	v6 =	vadd.f32 v6, v61;
	v53 =	vld [tilespmem:s13+$0xFFFFFF90];
	v5 =	vadd.f32 v5, v41;
	[tilespmem:s20+$0xFFFFFFB0] =	vst v1  }
0x33f: {  	v36 =	vmovc v43;
	v43 =	vmovc v50;
	v18 =	vmov v24;
	v60 =	vperm.xlane v13, v2;
	v49 =	vmul.f32 v15, v49;
	v1 =	vld [tilespmem:s26+$0xFFFFFF80]  }
0x340: {  	v24 =	vmovc v32;
	v32 =	vmovc v39;
	v39 =	vmov v63;
	v19 =	vmov v22;
	v54 =	vld [tilespmem:s12+$0xFFFFFFA0];
	v5 =	vmul.f32 v5, v59  }
0x341: {  	v22 =	vmovc v31;
	v55 =	vld [tilespmem:s13+$0xFFFFFFA0];
	v13 =	vadd.f32 v13, v60;
	v63 =	vperm.xlane v49, v2;
	v60 =	vperm.xlane v0, v2  }
0x342: {  	v31 =	vmovc v42;
	v41 =	vmovc v57;
	v52 =	vadd.f32 v52, v44;
	v57 =	vld [tilespmem:s26+$0xFFFFFF90];
	v15 =	vmov v17;
	v17 =	vmov v21;
	[tilespmem:s11+$0x0] =	vst v5  }
0x343: {  	v42 =	vmovc v7;
	v5 =	vperm.xlane v13, v3;
	v7 =	vadd.f32 v49, v63;
	v0 =	vadd.f32 v0, v60;
	v49 =	vld [tilespmem:s19+$0x50]  }
0x344: {  	v56 =	vld [tilespmem:s13+$0xFFFFFFB0];
	v21 =	vmovc v30;
	v50 =	vadd.f32 v53, v42;
	v1 =	vmul.f32 v52, v1;
	v52 =	vperm.xlane v6, v3  }
0x345: {  	v30 =	vmovc v40;
	v53 =	vld [tilespmem:s12+$0xFFFFFFB0];
	v5 =	vadd.f32 v13, v5;
	v63 =	vperm.xlane v7, v3;
	v58 =	vperm.xlane v0, v3  }
0x346: {  	v60 =	vld [tilespmem:s26+$0xFFFFFFA0];
	v55 =	vadd.f32 v55, v54;
	v40 =	vmovc v54;
	v13 =	vmovc v12;
	v12 =	vmov v16;
	v59 =	vperm.xlane v1, v2  }
0x347: {  	v54 =	vld [tilespmem:s26+$0xFFFFFFB0];
	v16 =	vmovc v20;
	v6 =	vadd.f32 v6, v52;
	v61 =	vperm.xlane v5, v4;
	v7 =	vadd.f32 v7, v63  }
0x348: {  	v20 =	vmovc v29;
	v0 =	vadd.f32 v0, v58;
	v63 =	vmul.f32 v50, v57;
	v49 =	vadd.f32 v49, v37  }
0x349: {  	v29 =	vmovc v23;
	v52 =	vld [tilespmem:s21+$0xFFFFFFC0];
	v58 =	vperm.xlane v6, v4;
	v5 =	vadd.f32 v5, v61;
	v57 =	vperm.xlane v7, v4  }
0x34a: {  	v50 =	vld [tilespmem:s14+$0xFFFFFFE0];
	v56 =	vadd.f32 v56, v53;
	v23 =	vmovc v53;
	v53 =	vperm.xlane v34, v9;
	v61 =	vmul.f32 v49, v62  }
0x34b: {  	s25 =	sadd.s32 $0x2, s25;
	v37 =	vmovc v51;
	v6 =	vadd.f32 v6, v58;
	v58 =	vperm.xlane v0, v4;
	v5 =	vperm.xlane v5, v8;
	v49 =	vld [tilespmem:s22+$0xFFFFFFF0];
	s22 =	smov.u32 s14  }
0x34c: {  	v51 =	vld [tilespmem:s1+$0xFFFFFFD0];
	v7 =	vadd.f32 v7, v57;
	s14 =	smov.u32 s1;
	s1 =	smov.u32 s21;
	v62 =	vmul.f32 v55, v60;
	s21 =	smov.u32 s19;
	v55 =	vmul.f32 v56, v54;
	[tilespmem:s11+$0x10] =	vst v61  }
0x34d: {  	p0 =	slt.u32 s25, $0x1E;
	v57 =	vadd.f32 v1, v59;
	v6 =	vperm.xlane v6, v14;
	v0 =	vadd.f32 v0, v58;
	v8 =	vld [tilespmem:s21+$0x60]  }
.Ltmp2:
0x34e: {  	v61 =	vperm.xlane v63, v2;
	v5 =	vnsel vm0, $0x0, v5;
	v7 =	vperm.xlane v7, v10;
	(pc) =	sbr.rel @p0 .LBB2_7-.Ltmp2, $4  }
0x34f: {  	v1 =	vperm.xlane v62, v2;
	v5 =	vsel vm1, v5, v6;
	v0 =	vperm.xlane v0, v11  }
0x350: {  	s20 =	smov.u32 s4;
	v60 =	vperm.xlane v55, v2;
	v58 =	vadd.f32 v63, v61;
	v5 =	vsel vm2, v5, v7  }
0x351: {  	s4 =	smov.u32 s0;
	s0 =	smov.u32 s15;
	s15 =	smov.u32 s2;
	v47 =	vpop (erf);
	v61 =	vperm.xlane v57, v3;
	v56 =	vadd.f32 v62, v1;
	v0 =	vsel vm3, v5, v0  }
0x352: {  	s2 =	smov.u32 s11;
	s26 =	sadd.s32 $0x100, s26;
	s19 =	smov.u32 s13;
	v62 =	vperm.xlane v58, v3;
	v59 =	vmul.f32 $1.442695020e+00, v0;
	v54 =	vadd.f32 v8, v35;
	v35 =	vmovc v48  }
0x353: {  	_ = 	snop  }
0x354: {  	v6 =	vadd.f32 v58, v62  }
0x355: {  	v0 =	vadd.f32 v55, v60  }
0x356: {  	v1 =	vadd.f32 v57, v61;
	v5 =	vperm.xlane v56, v3;
	v48 =	vperm.xlane v6, v4  }
0x357: {  	v62 =	vld [tilespmem:$0x1FF80];
	v7 =	vperm.xlane v0, v3  }
0x358: {  	v8 =	vperm.xlane v1, v4;
	v5 =	vadd.f32 v56, v5;
	v6 =	vadd.f32 v6, v48;
	v48 =	vld [tilespmem:$0x1FFB0]  }
0x359: {  	v10 =	vld [tilespmem:$0x1FFE0];
	v0 =	vadd.f32 v0, v7  }
0x35a: {  	v11 =	vld [tilespmem:$0x1FFD0];
	v1 =	vadd.f32 v1, v8;
	v7 =	vperm.xlane v5, v4  }
0x35b: {  	v8 =	vperm.xlane v0, v4  }
0x35c: {  	v1 =	vperm.xlane v1, v62;
	v5 =	vadd.f32 v5, v7  }
0x35d: {  	v0 =	vadd.f32 v0, v8;
	v6 =	vperm.xlane v6, v48  }
0x35e: {  	v1 =	vnsel vm0, $0x0, v1;
	v5 =	vperm.xlane v5, v10  }
0x35f: {  	v0 =	vperm.xlane v0, v11;
	v1 =	vsel vm1, v1, v6  }
0x360: {  	v1 =	vsel vm2, v1, v5  }
0x361: {  	v0 =	vsel vm3, v1, v0  }
0x362: {  	v0 =	vmul.f32 $1.442695020e+00, v0  }
0x363: {  	(erf) = vpow2.f32 v59  }
0x364: {  	(erf) = vpow2.f32 v0;
	_ =	sdelay $0x7  }
0x365: {  	v5 =	vnsel vm4, $0x0, v47;
	v0 =	vpop (erf)  }
0x366: {  	s12 =	sadd.s32 $0x100, s11;
	[tilespmem:s11+$0xFFFFFFC0] =	vst v5;
	v1 =	vnsel vm4, $0x0, v0;
	v6 =	vpop (erf)  }
0x367: {  	[tilespmem:s12+$0x40] =	vst v1;
	v5 =	vnsel vm4, $0x0, v6  }
0x368: {  	v1 =	vld [tilespmem:s19+$0x40];
	[tilespmem:s12+$0xFFFFFFC0] =	vst v5  }
0x369: {  	v55 =	vld [tilespmem:$0x1FFF0];
	_ =	sdelay $0x3  }
0x36a: {  	v7 =	vld [tilespmem:s21+$0xFFFFFFC0]  }
0x36b: {  	v1 =	vadd.f32 v1, v41;
	v8 =	vld [tilespmem:s19+$0xFFFFFFC0];
	v5 =	vperm.xlane v0, v55;
	_ =	sdelay $0x1  }
0x36c: {  	v1 =	vmul.f32 v1, v5  }
0x36d: {  	v5 =	vadd.f32 v52, v25  }
0x36e: {  	v63 =	vperm.xlane v47, v55;
	[tilespmem:s12+$0x0] =	vst v1;
	v1 =	vadd.f32 v7, v33  }
0x36f: {  	v41 =	vperm.xlane v6, v55;
	v8 =	vadd.f32 v8, v44;
	v5 =	vmul.f32 v5, v45  }
0x370: {  	v1 =	vmul.f32 v1, v63  }
0x371: {  	[tilespmem:s15+$0xFFFFFF80] =	vst v5;
	v5 =	vmul.f32 v8, v41  }
0x372: {  	[tilespmem:s2+$0xFFFFFF80] =	vst v1  }
0x373: {  	v7 =	vld [tilespmem:s19+$0x50];
	[tilespmem:s12+$0xFFFFFF80] =	vst v5  }
0x374: {  	v45 =	vld [tilespmem:$0x1FF90];
	_ =	sdelay $0x1  }
0x375: {  	v8 =	vld [tilespmem:s1+$0xFFFFFFD0]  }
0x376: {  	v1 =	vld [tilespmem:s21+$0xFFFFFFD0]  }
0x377: {  	v44 =	vld [tilespmem:s19+$0xFFFFFFD0]  }
0x378: {  	v19 =	vadd.f32 v51, v19;
	v7 =	vadd.f32 v7, v37;
	v5 =	vperm.xlane v0, v45;
	_ =	sdelay $0x1  }
0x379: {  	v19 =	vmul.f32 v19, v38;
	v5 =	vmul.f32 v7, v5;
	v7 =	vadd.f32 v8, v22  }
0x37a: {  	v1 =	vadd.f32 v1, v31;
	v8 =	vperm.xlane v47, v45  }
0x37b: {  	[tilespmem:s0+$0xFFFFFF90] =	vst v19;
	v51 =	vperm.xlane v6, v45;
	v25 =	vadd.f32 v44, v42;
	v7 =	vmul.f32 v7, v46  }
0x37c: {  	[tilespmem:s12+$0x10] =	vst v5;
	v1 =	vmul.f32 v1, v8  }
0x37d: {  	[tilespmem:s15+$0xFFFFFF90] =	vst v7;
	v7 =	vmul.f32 v25, v51  }
0x37e: {  	[tilespmem:s2+$0xFFFFFF90] =	vst v1  }
0x37f: {  	v5 =	vld [tilespmem:s19+$0x60];
	[tilespmem:s12+$0xFFFFFF90] =	vst v7  }
0x380: {  	v44 =	vld [tilespmem:$0x1FFA0]  }
0x381: {  	v52 =	vld [tilespmem:s1+$0xFFFFFFE0]  }
0x382: {  	v8 =	vld [tilespmem:s14+$0xFFFFFFE0];
	_ =	sdelay $0x1  }
0x383: {  	v15 =	vadd.f32 v50, v15  }
0x384: {  	v7 =	vmul.f32 v54, v53;
	v5 =	vadd.f32 v5, v35;
	v56 =	vperm.xlane v0, v44  }
0x385: {  	v15 =	vmul.f32 v15, v27;
	v58 =	vadd.f32 v52, v21  }
0x386: {  	v1 =	vld [tilespmem:s21+$0xFFFFFFE0];
	[tilespmem:s11+$0x20] =	vst v7;
	v7 =	vadd.f32 v8, v17;
	v5 =	vmul.f32 v5, v56  }
0x387: {  	v57 =	vld [tilespmem:s19+$0xFFFFFFE0];
	[tilespmem:s4+$0xFFFFFFA0] =	vst v15;
	v17 =	vmul.f32 v58, v43  }
0x388: {  	[tilespmem:s12+$0x20] =	vst v5;
	v5 =	vmul.f32 v7, v36  }
0x389: {  	[tilespmem:s15+$0xFFFFFFA0] =	vst v17  }
0x38a: {  	v8 =	vld [tilespmem:s21+$0x70];
	[tilespmem:s0+$0xFFFFFFA0] =	vst v5  }
0x38b: {  	v1 =	vadd.f32 v1, v30;
	v59 =	vperm.xlane v47, v44;
	v51 =	vld [tilespmem:$0x1FFC0]  }
0x38c: {  	v15 =	vperm.xlane v6, v44;
	v60 =	vadd.f32 v57, v40;
	v7 =	vld [tilespmem:s19+$0x70]  }
0x38d: {  	v61 =	vld [tilespmem:s22+$0xFFFFFFF0];
	v1 =	vmul.f32 v1, v59  }
0x38e: {  	v15 =	vmul.f32 v60, v15;
	v5 =	vld [tilespmem:s14+$0xFFFFFFF0]  }
0x38f: {  	v63 =	vld [tilespmem:s1+$0xFFFFFFF0];
	[tilespmem:s2+$0xFFFFFFA0] =	vst v1;
	v1 =	vadd.f32 v49, v13  }
0x390: {  	v8 =	vadd.f32 v8, v26;
	[tilespmem:s12+$0xFFFFFFA0] =	vst v15;
	v13 =	vld [tilespmem:s21+$0xFFFFFFF0];
	v62 =	vperm.xlane v34, v51  }
0x391: {  	v15 =	vld [tilespmem:s19+$0xFFFFFFF0];
	v1 =	vmul.f32 v1, v18;
	v7 =	vadd.f32 v7, v28;
	v0 =	vperm.xlane v0, v51  }
0x392: {  	v14 =	vadd.f32 v61, v12;
	v8 =	vmul.f32 v8, v62  }
0x393: {  	[tilespmem:s20+$0xFFFFFFB0] =	vst v1;
	v5 =	vadd.f32 v5, v16;
	v0 =	vmul.f32 v7, v0  }
0x394: {  	v1 =	vmul.f32 v14, v24;
	v7 =	vadd.f32 v63, v20;
	[tilespmem:s2+$0x30] =	vst v8  }
0x395: {  	s17 =	sadd.s32 $0x1, s17;
	v8 =	vperm.xlane v47, v51;
	[tilespmem:s12+$0x30] =	vst v0;
	v0 =	vmul.f32 v5, v32;
	v5 =	vadd.f32 v13, v29  }
0x396: {  	p0 =	sne.s32 s17, $0x138;
	v6 =	vperm.xlane v6, v51;
	[tilespmem:s4+$0xFFFFFFB0] =	vst v1;
	v1 =	vmul.f32 v7, v39;
	v7 =	vadd.f32 v15, v23  }
.Ltmp3:
0x397: {  	[tilespmem:s0+$0xFFFFFFB0] =	vst v0;
	v0 =	vmul.f32 v5, v8;
	(pc) =	sbr.rel @p0 .LBB2_4-.Ltmp3, $4  }
0x398: {  	[tilespmem:s15+$0xFFFFFFB0] =	vst v1;
	v1 =	vmul.f32 v7, v6  }
0x399: {  	[tilespmem:s2+$0xFFFFFFB0] =	vst v0  }
0x39a: {  	s25 =	rddreg [dreg:$0x2];
	s26 =	simm.s32 $0x7400;
	s21 =	simm.s32 $0x380;
	[tilespmem:s12+$0xFFFFFFB0] =	vst v1  }
0x39b: {  	v12 =	vmov v55;
	[spmem:s25] =	stream.indirect.scatter.add.f32 [tilespmem:s26], [sflag:$0x8], $0x80, s21, s16, $0xb8;
	[tilespmem:$0x1C400] =	vst v63  }
0x39c: {  	s0 =	simm.s32 $0x1  }
0x39d: {  	_ =	swait.ge [sflag:s0], $0x1000  }
0x39e: {  	[sflag:s0] =	ssyncset.done $0x0  }
0x39f: {  	s14 =	simm.s32 $0x3;
	[sflag:s0] =	ssyncadd.s32 $0xFFFFF000  }
0x3a0: {  	_ =	swait.ge [sflag:s14], $0x1000  }
0x3a1: {  	[sflag:s14] =	ssyncset.done $0x0  }
0x3a2: {  	s15 =	simm.s32 $0x5;
	[sflag:s14] =	ssyncadd.s32 $0xFFFFF000  }
0x3a3: {  	_ =	swait.ge [sflag:s15], $0x1000  }
0x3a4: {  	[sflag:s15] =	ssyncset.done $0x0  }
0x3a5: {  	s17 =	simm.s32 $0x8;
	[sflag:s15] =	ssyncadd.s32 $0xFFFFF000  }
0x3a6: {  	_ =	swait.ge [sflag:s17], $0x1000  }
0x3a7: {  	[sflag:s17] =	ssyncset.done $0x0  }
0x3a8: {  	[sflag:s17] =	ssyncadd.s32 $0xFFFFF000  }
0x3a9: {  	s1 =	simm.s32 $0x4480;
	v0 =	vld [tilespmem:s23+$0x10]  }
0x3aa: {  	v16 =	vld [tilespmem:s1+$0x30]  }
0x3ab: {  	v1 =	vld [tilespmem:s23+$0x0]  }
0x3ac: {  	v17 =	vld [tilespmem:s1+$0x20]  }
0x3ad: {  	v22 =	vld [tilespmem:s1+$0x10]  }
0x3ae: {  	s19 =	simm.s32 $0x480;
	v14 =	vld [tilespmem:s1+$0x0]  }
0x3af: {  	v5 =	vld [tilespmem:s19+$0x0]  }
0x3b0: {  	v6 =	vld [tilespmem:s19+$0x10]  }
0x3b1: {  	v7 =	vld [tilespmem:s19+$0x20]  }
0x3b2: {  	v8 =	vld [tilespmem:s19+$0x30]  }
0x3b3: {  	v13 =	vld [tilespmem:s23+$0x20]  }
0x3b4: {  	v15 =	vld [tilespmem:s23+$0x30];
	v5 =	vadd.f32 v5, v14  }
0x3b5: {  	v6 =	vadd.f32 v6, v22  }
0x3b6: {  	v1 =	vmul.f32 v5, v1;
	v5 =	vadd.f32 v7, v17  }
0x3b7: {  	v7 =	vadd.f32 v8, v16;
	v0 =	vmul.f32 v6, v0  }
0x3b8: {  	v6 =	vperm.xlane v1, v2;
	v5 =	vmul.f32 v5, v13  }
0x3b9: {  	v7 =	vmul.f32 v7, v15;
	v36 =	vperm.xlane v0, v2  }
0x3ba: {  	v1 =	vadd.f32 v1, v6;
	v6 =	vperm.xlane v5, v2  }
0x3bb: {  	v62 =	vld [tilespmem:$0x1FF80];
	v13 =	vperm.xlane v7, v2;
	v0 =	vadd.f32 v0, v36  }
0x3bc: {  	v23 =	vld [tilespmem:s1+$0xFFFFFFA0];
	v37 =	vperm.xlane v1, v3;
	v5 =	vadd.f32 v5, v6  }
0x3bd: {  	v20 =	vld [tilespmem:s1+$0xFFFFFF80];
	v7 =	vadd.f32 v7, v13;
	v13 =	vperm.xlane v0, v3  }
0x3be: {  	v28 =	vld [tilespmem:s1+$0xFFFFFF90];
	v1 =	vadd.f32 v1, v37;
	v38 =	vperm.xlane v5, v3  }
0x3bf: {  	v18 =	vld [tilespmem:s19+$0xFFFFFF90];
	v15 =	vperm.xlane v7, v3;
	v0 =	vadd.f32 v0, v13  }
0x3c0: {  	v6 =	vld [tilespmem:s19+$0xFFFFFF80];
	v13 =	vperm.xlane v1, v4;
	v5 =	vadd.f32 v5, v38  }
0x3c1: {  	v39 =	vld [tilespmem:s23+$0xFFFFFF80];
	[tilespmem:$0x1FEA0] =	vst v23;
	v7 =	vadd.f32 v7, v15;
	v15 =	vperm.xlane v0, v4  }
0x3c2: {  	v19 =	vld [tilespmem:s19+$0xFFFFFFA0];
	v1 =	vadd.f32 v1, v13;
	v13 =	vperm.xlane v5, v4  }
0x3c3: {  	v21 =	vld [tilespmem:s23+$0xFFFFFF90];
	v0 =	vadd.f32 v0, v15;
	v15 =	vperm.xlane v7, v4  }
0x3c4: {  	v24 =	vld [tilespmem:s23+$0xFFFFFFA0];
	v1 =	vperm.xlane v1, v62;
	v5 =	vadd.f32 v5, v13  }
0x3c5: {  	v6 =	vadd.f32 v6, v20;
	v13 =	vld [tilespmem:s1+$0xFFFFFFB0];
	v0 =	vperm.xlane v0, v48;
	v7 =	vadd.f32 v7, v15  }
0x3c6: {  	v15 =	vld [tilespmem:s19+$0xFFFFFFB0];
	v1 =	vnsel vm0, $0x0, v1;
	v5 =	vperm.xlane v5, v10  }
0x3c7: {  	v6 =	vmul.f32 v6, v39;
	v0 =	vsel vm1, v1, v0;
	v1 =	vperm.xlane v7, v11  }
0x3c8: {  	v18 =	vadd.f32 v18, v28;
	v7 =	vld [tilespmem:s23+$0xFFFFFFB0];
	v0 =	vsel vm2, v0, v5  }
0x3c9: {  	v40 =	vadd.f32 v19, v23;
	v0 =	vsel vm3, v0, v1;
	v1 =	vperm.xlane v6, v2  }
0x3ca: {  	v5 =	vmul.f32 v18, v21;
	v0 =	vmul.f32 $1.442695020e+00, v0  }
0x3cb: {  	s20 =	simm.s32 $0x580;
	v26 =	vld [tilespmem:s9+$0x10];
	v8 =	vmul.f32 v40, v24;
	v15 =	vadd.f32 v15, v13;
	v1 =	vadd.f32 v6, v1  }
0x3cc: {  	v41 =	vld [tilespmem:s20+$0x0];
	v18 =	vperm.xlane v5, v2;
	(erf) = vpow2.f32 v0  }
0x3cd: {  	s22 =	simm.s32 $0x4580;
	v31 =	vld [tilespmem:s20+$0x20];
	v0 =	vmul.f32 v15, v7;
	v15 =	vperm.xlane v1, v3  }
0x3ce: {  	v21 =	vld [tilespmem:s22+$0x20];
	v5 =	vadd.f32 v5, v18;
	v7 =	vperm.xlane v8, v2  }
0x3cf: {  	v19 =	vld [tilespmem:s22+$0x0];
	v24 =	vperm.xlane v0, v2;
	v1 =	vadd.f32 v1, v15  }
0x3d0: {  	v6 =	vld [tilespmem:s9+$0x0];
	v27 =	vperm.xlane v5, v3;
	v7 =	vadd.f32 v8, v7  }
0x3d1: {  	v18 =	vld [tilespmem:s22+$0x10];
	v0 =	vadd.f32 v0, v24;
	v24 =	vperm.xlane v1, v4  }
0x3d2: {  	v5 =	vadd.f32 v5, v27;
	v15 =	vperm.xlane v7, v3;
	v27 =	vld [tilespmem:s20+$0x10]  }
0x3d3: {  	v25 =	vld [tilespmem:s22+$0x30];
	v42 =	vadd.f32 v31, v21;
	v29 =	vperm.xlane v0, v3  }
0x3d4: {  	v32 =	vld [tilespmem:s20+$0x30];
	v8 =	vadd.f32 v41, v19;
	v30 =	vperm.xlane v5, v4;
	v7 =	vadd.f32 v7, v15  }
0x3d5: {  	v15 =	vld [tilespmem:s9+$0x20];
	v1 =	vadd.f32 v1, v24;
	v0 =	vadd.f32 v0, v29;
	v24 =	vpop (erf)  }
0x3d6: {  	s17 =	simm.s32 $0x6480;
	v5 =	vadd.f32 v5, v30;
	v29 =	vld [tilespmem:s9+$0x30];
	v30 =	vperm.xlane v7, v4;
	v33 =	vnsel vm4, $0x0, v24  }
0x3d7: {  	v6 =	vmul.f32 v8, v6;
	v1 =	vperm.xlane v1, v62;
	v27 =	vadd.f32 v27, v18;
	[tilespmem:s17+$0x40] =	vst v33  }
0x3d8: {  	v34 =	vperm.xlane v0, v4;
	v5 =	vperm.xlane v5, v48;
	v7 =	vadd.f32 v7, v30;
	v33 =	vld [tilespmem:s19+$0x40]  }
0x3d9: {  	v30 =	vadd.f32 v32, v25;
	v36 =	vperm.xlane v24, v45;
	v26 =	vmul.f32 v27, v26  }
0x3da: {  	v1 =	vnsel vm0, $0x0, v1;
	v27 =	vperm.xlane v6, v2;
	v8 =	vmul.f32 v42, v15  }
0x3db: {  	v0 =	vadd.f32 v0, v34;
	v15 =	vmul.f32 v30, v29;
	v29 =	vperm.xlane v26, v2  }
0x3dc: {  	v47 =	vld [tilespmem:s9+$0xFFFFFF80];
	v30 =	vperm.xlane v24, v12;
	v6 =	vadd.f32 v6, v27;
	v27 =	vperm.xlane v8, v2  }
0x3dd: {  	v49 =	vld [tilespmem:s9+$0xFFFFFF90];
	v43 =	vperm.xlane v15, v2;
	v26 =	vadd.f32 v26, v29;
	v14 =	vadd.f32 v33, v14  }
0x3de: {  	v31 =	vld [tilespmem:s20+$0xFFFFFF80];
	v7 =	vperm.xlane v7, v10;
	v46 =	vperm.xlane v6, v3;
	v8 =	vadd.f32 v8, v27  }
0x3df: {  	v32 =	vld [tilespmem:s22+$0xFFFFFF90];
	v27 =	vadd.f32 v15, v43;
	v15 =	vperm.xlane v26, v3;
	v14 =	vmul.f32 v14, v30  }
0x3e0: {  	v1 =	vsel vm1, v1, v5;
	v5 =	vld [tilespmem:s20+$0xFFFFFF90];
	v6 =	vadd.f32 v6, v46;
	v30 =	vperm.xlane v8, v3  }
0x3e1: {  	v0 =	vperm.xlane v0, v11;
	v29 =	vld [tilespmem:s22+$0xFFFFFF80];
	v26 =	vadd.f32 v26, v15;
	[tilespmem:s17+$0x0] =	vst v14;
	v14 =	vperm.xlane v27, v3  }
0x3e2: {  	v1 =	vsel vm2, v1, v7;
	v34 =	vperm.xlane v6, v4;
	v8 =	vadd.f32 v8, v30;
	v7 =	vld [tilespmem:s19+$0x50]  }
0x3e3: {  	v0 =	vsel vm3, v1, v0;
	v15 =	vld [tilespmem:s22+$0xFFFFFFA0];
	v1 =	vadd.f32 v27, v14;
	v14 =	vperm.xlane v26, v4  }
0x3e4: {  	v0 =	vmul.f32 $1.442695020e+00, v0;
	v6 =	vadd.f32 v6, v34;
	v27 =	vld [tilespmem:s20+$0xFFFFFFA0];
	v30 =	vperm.xlane v8, v4  }
0x3e5: {  	v5 =	vadd.f32 v5, v32;
	v26 =	vadd.f32 v26, v14;
	v35 =	vperm.xlane v1, v4;
	v14 =	vld [tilespmem:s22+$0xFFFFFFB0]  }
0x3e6: {  	v31 =	vadd.f32 v31, v29;
	v6 =	vperm.xlane v6, v62;
	v8 =	vadd.f32 v8, v30;
	v30 =	vld [tilespmem:s20+$0xFFFFFFB0]  }
0x3e7: {  	v7 =	vadd.f32 v7, v22;
	v22 =	vperm.xlane v26, v48;
	v1 =	vadd.f32 v1, v35;
	v26 =	vld [tilespmem:s9+$0xFFFFFFA0]  }
0x3e8: {  	(erf) = vpow2.f32 v0;
	v6 =	vnsel vm0, $0x0, v6;
	v8 =	vperm.xlane v8, v10  }
0x3e9: {  	v50 =	vld [tilespmem:s9+$0xFFFFFFB0];
	v0 =	vmul.f32 v31, v47;
	v6 =	vsel vm1, v6, v22;
	v1 =	vperm.xlane v1, v11  }
0x3ea: {  	v52 =	vadd.f32 v27, v15;
	v7 =	vmul.f32 v7, v36;
	v6 =	vsel vm2, v6, v8  }
0x3eb: {  	s25 =	simm.s32 $0x4680;
	v37 =	vld [tilespmem:s10+$0x0];
	v5 =	vmul.f32 v5, v49;
	v1 =	vsel vm3, v6, v1;
	v6 =	vperm.xlane v0, v2  }
0x3ec: {  	v34 =	vld [tilespmem:s25+$0x30];
	[tilespmem:s17+$0x10] =	vst v7;
	v7 =	vadd.f32 v30, v14;
	v8 =	vmul.f32 v52, v26  }
0x3ed: {  	s9 =	simm.s32 $0x680;
	v22 =	vld [tilespmem:s19+$0x60];
	v1 =	vmul.f32 $1.442695020e+00, v1;
	v26 =	vperm.xlane v5, v2;
	v0 =	vadd.f32 v0, v6  }
0x3ee: {  	v53 =	vld [tilespmem:s9+$0x30];
	v7 =	vmul.f32 v7, v50;
	v6 =	vperm.xlane v8, v2  }
0x3ef: {  	v58 =	vld [tilespmem:s9+$0x0];
	v5 =	vadd.f32 v5, v26;
	v27 =	vperm.xlane v0, v3  }
0x3f0: {  	v41 =	vld [tilespmem:s9+$0x10];
	(erf) = vpow2.f32 v1;
	v26 =	vperm.xlane v7, v2;
	v6 =	vadd.f32 v8, v6  }
0x3f1: {  	v55 =	vperm.xlane v24, v44;
	v59 =	vld [tilespmem:s9+$0x20];
	v54 =	vperm.xlane v5, v3;
	v0 =	vadd.f32 v0, v27  }
0x3f2: {  	v7 =	vadd.f32 v7, v26;
	v17 =	vadd.f32 v22, v17;
	v22 =	vld [tilespmem:s25+$0x0];
	v56 =	vperm.xlane v6, v3  }
0x3f3: {  	v26 =	vld [tilespmem:s25+$0x10];
	v5 =	vadd.f32 v5, v54;
	v27 =	vperm.xlane v0, v4  }
0x3f4: {  	v30 =	vld [tilespmem:s25+$0x20];
	v57 =	vperm.xlane v7, v3;
	v17 =	vmul.f32 v17, v55;
	v6 =	vadd.f32 v6, v56  }
0x3f5: {  	v36 =	vadd.f32 v53, v34;
	v1 =	vld [tilespmem:s10+$0x10];
	v38 =	vperm.xlane v5, v4  }
0x3f6: {  	v0 =	vadd.f32 v0, v27;
	v7 =	vadd.f32 v7, v57;
	[tilespmem:s17+$0x20] =	vst v17;
	v17 =	vperm.xlane v6, v4  }
0x3f7: {  	v24 =	vperm.xlane v24, v51;
	v5 =	vadd.f32 v5, v38;
	v42 =	vld [tilespmem:s19+$0x70];
	v8 =	vadd.f32 v58, v22  }
0x3f8: {  	v39 =	vpop (erf);
	v41 =	vadd.f32 v41, v26;
	v0 =	vperm.xlane v0, v62;
	v6 =	vadd.f32 v6, v17;
	v17 =	vld [tilespmem:s10+$0x20]  }
0x3f9: {  	v31 =	vld [tilespmem:s10+$0x30];
	v47 =	vadd.f32 v59, v30;
	v27 =	vpop (erf);
	v43 =	vperm.xlane v7, v4;
	v5 =	vperm.xlane v5, v48  }
0x3fa: {  	s4 =	simm.s32 $0x6580;
	v9 =	vnsel vm4, $0x0, v27;
	v8 =	vmul.f32 v8, v37;
	v1 =	vmul.f32 v41, v1  }
0x3fb: {  	v49 =	vperm.xlane v27, v12;
	[tilespmem:s4+$0x40] =	vst v9;
	v0 =	vnsel vm0, $0x0, v0;
	v7 =	vadd.f32 v7, v43  }
0x3fc: {  	v46 =	vld [tilespmem:s20+$0x40];
	v6 =	vperm.xlane v6, v10;
	v0 =	vsel vm1, v0, v5;
	v5 =	vperm.xlane v8, v2  }
0x3fd: {  	v37 =	vld [tilespmem:s25+$0xFFFFFF80];
	v52 =	vperm.xlane v1, v2;
	v38 =	vadd.f32 v42, v16;
	v17 =	vmul.f32 v47, v17  }
0x3fe: {  	v16 =	vmul.f32 v36, v31;
	v31 =	vld [tilespmem:s9+$0xFFFFFF80];
	v7 =	vperm.xlane v7, v11;
	v5 =	vadd.f32 v8, v5  }
0x3ff: {  	v1 =	vadd.f32 v1, v52;
	v0 =	vsel vm2, v0, v6;
	v53 =	vperm.xlane v17, v2  }
0x400: {  	v61 =	vld [tilespmem:s10+$0xFFFFFF90];
	v54 =	vperm.xlane v16, v2;
	v0 =	vsel vm3, v0, v7;
	v55 =	vperm.xlane v5, v3  }
0x401: {  	v6 =	vld [tilespmem:s10+$0xFFFFFF80];
	v56 =	vperm.xlane v1, v3;
	v50 =	vadd.f32 v46, v19;
	v8 =	vadd.f32 v17, v53  }
0x402: {  	v7 =	vld [tilespmem:s9+$0xFFFFFF90];
	v0 =	vmul.f32 $1.442695020e+00, v0;
	v16 =	vadd.f32 v16, v54;
	v5 =	vadd.f32 v5, v55  }
0x403: {  	v19 =	vld [tilespmem:s25+$0xFFFFFF90];
	v31 =	vadd.f32 v31, v37;
	v36 =	vmul.f32 v50, v49;
	v58 =	vperm.xlane v8, v3  }
0x404: {  	v1 =	vadd.f32 v1, v56;
	(erf) = vpow2.f32 v0;
	v0 =	vld [tilespmem:s9+$0xFFFFFFA0];
	v59 =	vperm.xlane v16, v3  }
0x405: {  	v40 =	vnsel vm4, $0x0, v39;
	v17 =	vld [tilespmem:s25+$0xFFFFFFA0];
	v60 =	vperm.xlane v5, v4;
	[tilespmem:s4+$0x0] =	vst v36;
	v8 =	vadd.f32 v8, v58  }
0x406: {  	v6 =	vmul.f32 v31, v6;
	v49 =	vperm.xlane v1, v4;
	v31 =	vadd.f32 v16, v59;
	v57 =	vld [tilespmem:s20+$0x50]  }
0x407: {  	v41 =	vmul.f32 v38, v24;
	v55 =	vld [tilespmem:s10+$0xFFFFFFA0];
	v5 =	vadd.f32 v5, v60;
	v52 =	vperm.xlane v8, v4  }
0x408: {  	v50 =	vperm.xlane v27, v45;
	v53 =	vld [tilespmem:s9+$0xFFFFFFB0];
	v1 =	vadd.f32 v1, v49;
	v54 =	vperm.xlane v31, v4  }
0x409: {  	v16 =	vld [tilespmem:s25+$0xFFFFFFB0];
	v7 =	vadd.f32 v7, v19;
	v5 =	vperm.xlane v5, v62;
	v8 =	vadd.f32 v8, v52  }
0x40a: {  	v1 =	vperm.xlane v1, v48;
	v0 =	vadd.f32 v0, v17;
	v31 =	vadd.f32 v31, v54  }
0x40b: {  	v56 =	vld [tilespmem:s10+$0xFFFFFFB0];
	v5 =	vnsel vm0, $0x0, v5;
	v18 =	vadd.f32 v57, v18;
	v8 =	vperm.xlane v8, v10  }
0x40c: {  	s26 =	simm.s32 $0x4780;
	v7 =	vmul.f32 v7, v61;
	v1 =	vsel vm1, v5, v1;
	v5 =	vperm.xlane v31, v11  }
0x40d: {  	v42 =	vld [tilespmem:s26+$0x30];
	v0 =	vmul.f32 v0, v55;
	v18 =	vmul.f32 v18, v50;
	v1 =	vsel vm2, v1, v8  }
0x40e: {  	s1 =	simm.s32 $0x780;
	[tilespmem:s17+$0xFFFFFFC0] =	vst v40;
	v38 =	vld [tilespmem:s26+$0x10];
	v58 =	vperm.xlane v7, v2;
	v31 =	vadd.f32 v53, v16;
	v1 =	vsel vm3, v1, v5  }
0x40f: {  	v47 =	vld [tilespmem:s1+$0x10];
	[tilespmem:s4+$0x10] =	vst v18;
	v18 =	vperm.xlane v6, v2;
	v1 =	vmul.f32 $1.442695020e+00, v1  }
0x410: {  	v46 =	vld [tilespmem:s19+$0xFFFFFFC0];
	v7 =	vadd.f32 v7, v58;
	v24 =	vmul.f32 v31, v56  }
0x411: {  	v36 =	vld [tilespmem:s26+$0x20];
	v6 =	vadd.f32 v6, v18;
	v18 =	vperm.xlane v0, v2;
	(erf) = vpow2.f32 v1  }
0x412: {  	v60 =	vld [tilespmem:s1+$0x0];
	v59 =	vperm.xlane v7, v3  }
0x413: {  	v57 =	vld [tilespmem:s20+$0x60];
	v31 =	vperm.xlane v6, v3;
	v1 =	vperm.xlane v24, v2;
	v0 =	vadd.f32 v0, v18  }
0x414: {  	v5 =	vld [tilespmem:s31+$0x10];
	v7 =	vadd.f32 v7, v59  }
0x415: {  	v6 =	vadd.f32 v6, v31;
	v31 =	vld [tilespmem:s26+$0x0];
	v1 =	vadd.f32 v24, v1;
	v24 =	vperm.xlane v0, v3  }
0x416: {  	v23 =	vmovc v44;
	v33 =	vperm.xlane v39, v12;
	v35 =	vperm.xlane v39, v45;
	v20 =	vadd.f32 v46, v20;
	v8 =	vld [tilespmem:s31+$0x0]  }
0x417: {  	v40 =	vperm.xlane v39, v23;
	v49 =	vperm.xlane v7, v4;
	v0 =	vadd.f32 v0, v24;
	v24 =	vld [tilespmem:s1+$0x20]  }
0x418: {  	v47 =	vadd.f32 v47, v38;
	v61 =	vperm.xlane v27, v23;
	v33 =	vmul.f32 v20, v33;
	v44 =	vpop (erf);
	v50 =	vld [tilespmem:s1+$0x30]  }
0x419: {  	v54 =	vld [tilespmem:s31+$0x20];
	v52 =	vmovc v48;
	v18 =	vperm.xlane v39, v51;
	v7 =	vadd.f32 v7, v49;
	v21 =	vadd.f32 v57, v21  }
0x41a: {  	v5 =	vmul.f32 v47, v5;
	v53 =	vperm.xlane v1, v3;
	v20 =	vadd.f32 v60, v31;
	v39 =	vpop (erf)  }
0x41b: {  	s2 =	simm.s32 $0x6680;
	v7 =	vperm.xlane v7, v52;
	v9 =	vperm.xlane v6, v4;
	v58 =	vnsel vm4, $0x0, v39  }
0x41c: {  	v55 =	vld [tilespmem:s31+$0x30];
	v1 =	vadd.f32 v1, v53;
	v8 =	vmul.f32 v20, v8;
	v20 =	vadd.f32 v24, v36;
	[tilespmem:s2+$0x40] =	vst v58  }
0x41d: {  	v21 =	vmul.f32 v21, v61;
	v6 =	vadd.f32 v6, v9;
	v24 =	vadd.f32 v50, v42;
	v50 =	vld [tilespmem:s9+$0x40]  }
0x41e: {  	v57 =	vperm.xlane v1, v4;
	v20 =	vmul.f32 v20, v54  }
0x41f: {  	v56 =	vperm.xlane v0, v4;
	v6 =	vperm.xlane v6, v62  }
0x420: {  	[tilespmem:s4+$0x20] =	vst v21;
	v1 =	vadd.f32 v1, v57;
	v57 =	vperm.xlane v39, v12;
	v21 =	vperm.xlane v20, v2  }
0x421: {  	v0 =	vadd.f32 v0, v56;
	v59 =	vperm.xlane v8, v2;
	v61 =	vmul.f32 v24, v55  }
0x422: {  	v24 =	vperm.xlane v5, v2;
	v20 =	vadd.f32 v20, v21;
	v21 =	vadd.f32 v50, v22  }
0x423: {  	v48 =	vld [tilespmem:s31+$0xFFFFFF80];
	v6 =	vnsel vm0, $0x0, v6;
	v0 =	vperm.xlane v0, v10;
	v8 =	vadd.f32 v8, v59  }
0x424: {  	v49 =	vld [tilespmem:s1+$0xFFFFFF80];
	v9 =	vmovc v51;
	v56 =	vperm.xlane v61, v2;
	v5 =	vadd.f32 v5, v24;
	v51 =	vmul.f32 v21, v57  }
0x425: {  	v63 =	vmovc v45;
	v60 =	vmov v52;
	v52 =	vld [tilespmem:s1+$0xFFFFFF90];
	v6 =	vsel vm1, v6, v7;
	v58 =	vperm.xlane v8, v3  }
0x426: {  	v0 =	vsel vm2, v6, v0;
	v6 =	vld [tilespmem:s1+$0xFFFFFFA0];
	v45 =	vadd.f32 v61, v56;
	v59 =	vperm.xlane v5, v3;
	[tilespmem:s2+$0x0] =	vst v51  }
0x427: {  	v1 =	vperm.xlane v1, v11;
	v8 =	vadd.f32 v8, v58;
	v61 =	vperm.xlane v20, v3;
	v57 =	vld [tilespmem:s9+$0x50]  }
0x428: {  	v27 =	vperm.xlane v27, v9;
	v24 =	vld [tilespmem:s26+$0xFFFFFF80];
	v53 =	vperm.xlane v45, v3;
	v5 =	vadd.f32 v5, v59  }
0x429: {  	v0 =	vsel vm3, v0, v1;
	v22 =	vld [tilespmem:s26+$0xFFFFFF90];
	v54 =	vperm.xlane v8, v4;
	v20 =	vadd.f32 v20, v61  }
0x42a: {  	v0 =	vmul.f32 $1.442695020e+00, v0;
	v21 =	vld [tilespmem:s26+$0xFFFFFFA0];
	v7 =	vadd.f32 v45, v53;
	v56 =	vperm.xlane v5, v4  }
0x42b: {  	v45 =	vld [tilespmem:s1+$0xFFFFFFB0];
	v53 =	vperm.xlane v39, v63;
	v8 =	vadd.f32 v8, v54;
	v58 =	vperm.xlane v20, v4  }
0x42c: {  	v61 =	vld [tilespmem:s31+$0xFFFFFFA0];
	v5 =	vadd.f32 v5, v56;
	v59 =	vperm.xlane v7, v4;
	v26 =	vadd.f32 v57, v26  }
0x42d: {  	(erf) = vpow2.f32 v0;
	v8 =	vperm.xlane v8, v62;
	v51 =	vadd.f32 v20, v58;
	v20 =	vld [tilespmem:s26+$0xFFFFFFB0]  }
0x42e: {  	v1 =	vld [tilespmem:s31+$0xFFFFFF90];
	v5 =	vperm.xlane v5, v60;
	v7 =	vadd.f32 v7, v59;
	v26 =	vmul.f32 v26, v53  }
0x42f: {  	v58 =	vld [tilespmem:s31+$0xFFFFFFB0];
	v0 =	vadd.f32 v6, v21;
	v8 =	vnsel vm0, $0x0, v8;
	v51 =	vperm.xlane v51, v10  }
0x430: {  	v46 =	vld [tilespmem:s20+$0x70];
	v49 =	vadd.f32 v49, v24;
	v7 =	vperm.xlane v7, v11;
	v5 =	vsel vm1, v8, v5;
	[tilespmem:s2+$0x10] =	vst v26  }
0x431: {  	v59 =	vadd.f32 v52, v22;
	v0 =	vmul.f32 v0, v61;
	v5 =	vsel vm2, v5, v51;
	v61 =	vld [tilespmem:s9+$0x60]  }
0x432: {  	v57 =	vmul.f32 v49, v48;
	v5 =	vsel vm3, v5, v7;
	v45 =	vadd.f32 v45, v20  }
0x433: {  	v1 =	vmul.f32 v59, v1;
	v5 =	vmul.f32 $1.442695020e+00, v5  }
0x434: {  	v47 =	vnsel vm4, $0x0, v44;
	v6 =	vperm.xlane v57, v2;
	v45 =	vmul.f32 v45, v58  }
0x435: {  	s11 =	simm.s32 $0x4880;
	v54 =	vld [tilespmem:s3+$0x0];
	(erf) = vpow2.f32 v5;
	v5 =	vadd.f32 v46, v25;
	v25 =	vperm.xlane v1, v2  }
0x436: {  	v56 =	vperm.xlane v0, v2;
	v6 =	vadd.f32 v57, v6;
	v30 =	vadd.f32 v61, v30;
	v61 =	vld [tilespmem:s11+$0x20]  }
0x437: {  	[tilespmem:s4+$0xFFFFFFC0] =	vst v47;
	v52 =	vld [tilespmem:s3+$0x30];
	v49 =	vmul.f32 v5, v27;
	v1 =	vadd.f32 v1, v25;
	v5 =	vperm.xlane v45, v2  }
0x438: {  	s10 =	simm.s32 $0x880;
	v43 =	vperm.xlane v44, v12;
	v7 =	vld [tilespmem:s20+$0xFFFFFFC0];
	v0 =	vadd.f32 v0, v56;
	v58 =	vperm.xlane v39, v23  }
0x439: {  	v8 =	vld [tilespmem:s10+$0x30];
	v25 =	vperm.xlane v6, v3;
	v57 =	vperm.xlane v1, v3;
	v5 =	vadd.f32 v45, v5  }
0x43a: {  	v53 =	vld [tilespmem:s3+$0x10];
	v46 =	vperm.xlane v44, v63;
	v59 =	vperm.xlane v0, v3  }
0x43b: {  	v26 =	vld [tilespmem:s11+$0x30];
	v6 =	vadd.f32 v6, v25;
	v1 =	vadd.f32 v1, v57;
	v47 =	vperm.xlane v5, v3;
	[tilespmem:$0x1FEE0] =	vst v61  }
0x43c: {  	v27 =	vperm.xlane v44, v23;
	v55 =	vmul.f32 v30, v58;
	v50 =	vld [tilespmem:s11+$0x10]  }
0x43d: {  	v7 =	vadd.f32 v7, v29;
	v30 =	vperm.xlane v6, v4;
	v56 =	vperm.xlane v1, v4;
	v51 =	vld [tilespmem:s11+$0x0]  }
0x43e: {  	v0 =	vadd.f32 v0, v59;
	v25 =	vperm.xlane v44, v9;
	v44 =	vpop (erf);
	v5 =	vadd.f32 v5, v47;
	v29 =	vld [tilespmem:s10+$0x0]  }
0x43f: {  	v48 =	vmov v10;
	v47 =	vpop (erf);
	v6 =	vadd.f32 v6, v30;
	v1 =	vadd.f32 v1, v56;
	v30 =	vld [tilespmem:s10+$0x10]  }
0x440: {  	s14 =	simm.s32 $0x6780;
	v10 =	vmovc v11;
	v11 =	vmovc v60;
	v39 =	vperm.xlane v39, v9;
	v7 =	vmul.f32 v7, v43;
	v57 =	vnsel vm4, $0x0, v47;
	v59 =	vld [tilespmem:s10+$0x20]  }
0x441: {  	v8 =	vadd.f32 v8, v26;
	v56 =	vperm.xlane v0, v4;
	[tilespmem:s14+$0x40] =	vst v57;
	v1 =	vperm.xlane v1, v60;
	v60 =	vld [tilespmem:s3+$0x20]  }
0x442: {  	v58 =	vperm.xlane v5, v4;
	v6 =	vperm.xlane v6, v62;
	v43 =	vld [tilespmem:s1+$0x40]  }
0x443: {  	v8 =	vmul.f32 v8, v52;
	v0 =	vadd.f32 v0, v56;
	v29 =	vadd.f32 v29, v51  }
0x444: {  	v5 =	vadd.f32 v5, v58;
	v6 =	vnsel vm0, $0x0, v6;
	v30 =	vadd.f32 v30, v50  }
0x445: {  	v0 =	vperm.xlane v0, v48;
	v59 =	vadd.f32 v59, v61;
	v29 =	vmul.f32 v29, v54  }
0x446: {  	[tilespmem:s17+$0xFFFFFF80] =	vst v33;
	v1 =	vsel vm1, v6, v1;
	v52 =	vmul.f32 v30, v53;
	v30 =	vperm.xlane v47, v12  }
0x447: {  	v31 =	vadd.f32 v43, v31;
	v43 =	vld [tilespmem:s19+$0xFFFFFFD0];
	v53 =	vmul.f32 v59, v60;
	v6 =	vperm.xlane v29, v2  }
0x448: {  	v33 =	vld [tilespmem:s11+$0xFFFFFF80];
	v5 =	vperm.xlane v5, v10;
	v0 =	vsel vm2, v1, v0;
	v54 =	vperm.xlane v52, v2  }
0x449: {  	v1 =	vld [tilespmem:s10+$0xFFFFFF80];
	v60 =	vmul.f32 v31, v30;
	v6 =	vadd.f32 v29, v6;
	v29 =	vperm.xlane v53, v2  }
0x44a: {  	v56 =	vld [tilespmem:s10+$0xFFFFFF90];
	v61 =	vperm.xlane v8, v2;
	v0 =	vsel vm3, v0, v5;
	v5 =	vadd.f32 v52, v54  }
0x44b: {  	v58 =	vld [tilespmem:s3+$0xFFFFFF80];
	v0 =	vmul.f32 $1.442695020e+00, v0;
	[tilespmem:s14+$0x0] =	vst v60;
	v60 =	vperm.xlane v6, v3;
	v53 =	vadd.f32 v53, v29  }
0x44c: {  	[tilespmem:s2+$0x20] =	vst v55;
	v8 =	vadd.f32 v8, v61;
	v43 =	vadd.f32 v43, v28;
	v54 =	vld [tilespmem:s1+$0x50];
	v28 =	vperm.xlane v5, v3  }
0x44d: {  	v55 =	vld [tilespmem:s9+$0x70];
	(erf) = vpow2.f32 v0;
	v6 =	vadd.f32 v6, v60;
	v52 =	vperm.xlane v53, v3  }
0x44e: {  	v31 =	vld [tilespmem:s11+$0xFFFFFF90];
	v59 =	vperm.xlane v8, v3;
	v1 =	vadd.f32 v1, v33;
	v0 =	vadd.f32 v5, v28  }
0x44f: {  	v45 =	vperm.xlane v44, v12;
	v29 =	vld [tilespmem:s11+$0xFFFFFFA0];
	v60 =	vperm.xlane v6, v4;
	v52 =	vadd.f32 v53, v52  }
0x450: {  	v8 =	vadd.f32 v8, v59;
	v1 =	vmul.f32 v1, v58;
	v5 =	vld [tilespmem:s10+$0xFFFFFFA0];
	v59 =	vperm.xlane v0, v4  }
0x451: {  	v58 =	vld [tilespmem:s3+$0xFFFFFFA0];
	v38 =	vadd.f32 v54, v38;
	v6 =	vadd.f32 v6, v60;
	v54 =	vperm.xlane v52, v4  }
0x452: {  	v61 =	vperm.xlane v47, v63;
	v28 =	vld [tilespmem:s11+$0xFFFFFFB0];
	v0 =	vadd.f32 v0, v59;
	v59 =	vperm.xlane v8, v4  }
0x453: {  	v34 =	vadd.f32 v55, v34;
	v53 =	vld [tilespmem:s3+$0xFFFFFF90];
	v6 =	vperm.xlane v6, v62;
	v52 =	vadd.f32 v52, v54  }
0x454: {  	v60 =	vld [tilespmem:s10+$0xFFFFFFB0];
	v38 =	vmul.f32 v38, v61;
	v0 =	vperm.xlane v0, v11;
	v8 =	vadd.f32 v8, v59  }
0x455: {  	v5 =	vadd.f32 v5, v29;
	v6 =	vnsel vm0, $0x0, v6;
	v61 =	vperm.xlane v52, v48  }
0x456: {  	v54 =	vadd.f32 v56, v31;
	v56 =	vld [tilespmem:s3+$0xFFFFFFB0];
	[tilespmem:s14+$0x10] =	vst v38;
	v0 =	vsel vm1, v6, v0;
	v6 =	vperm.xlane v8, v10  }
0x457: {  	v57 =	vnsel vm4, $0x0, v44;
	v34 =	vmul.f32 v34, v39;
	v52 =	vld [tilespmem:s1+$0x60];
	v0 =	vsel vm2, v0, v61  }
0x458: {  	v5 =	vmul.f32 v5, v58;
	v53 =	vmul.f32 v54, v53;
	v0 =	vsel vm3, v0, v6  }
0x459: {  	[tilespmem:s4+$0xFFFFFF80] =	vst v7;
	v59 =	vperm.xlane v1, v2;
	v60 =	vadd.f32 v60, v28;
	v0 =	vmul.f32 $1.442695020e+00, v0  }
0x45a: {  	[tilespmem:s2+$0xFFFFFFC0] =	vst v57;
	v57 =	vld [tilespmem:s30+$0x30];
	v54 =	vperm.xlane v5, v2;
	v61 =	vperm.xlane v53, v2  }
0x45b: {  	v1 =	vadd.f32 v1, v59;
	v8 =	vld [tilespmem:s20+$0xFFFFFFD0];
	v7 =	vmul.f32 v60, v56;
	(erf) = vpow2.f32 v0  }
0x45c: {  	v6 =	vld [tilespmem:s9+$0xFFFFFFC0];
	v60 =	vperm.xlane v47, v23;
	v36 =	vadd.f32 v52, v36;
	v0 =	vadd.f32 v53, v61  }
0x45d: {  	s11 =	simm.s32 $0x4980;
	v55 =	vperm.xlane v7, v2;
	v61 =	vperm.xlane v1, v3;
	v53 =	vld [tilespmem:s30+$0x10];
	[tilespmem:$0x1FEB0] =	vst v34  }
0x45e: {  	s12 =	simm.s32 $0x980;
	v5 =	vadd.f32 v5, v54;
	v36 =	vmul.f32 v36, v60;
	v34 =	vld [tilespmem:s11+$0x30];
	v60 =	vperm.xlane v0, v3  }
0x45f: {  	v30 =	vperm.xlane v44, v63;
	v7 =	vadd.f32 v7, v55;
	v54 =	vld [tilespmem:s12+$0x30];
	v1 =	vadd.f32 v1, v61  }
0x460: {  	v56 =	vmul.f32 v43, v35;
	v39 =	vld [tilespmem:s11+$0x10];
	v61 =	vperm.xlane v5, v3;
	v0 =	vadd.f32 v0, v60  }
0x461: {  	v8 =	vadd.f32 v8, v32;
	v43 =	vld [tilespmem:s11+$0x0];
	v52 =	vperm.xlane v1, v4;
	v60 =	vperm.xlane v7, v3  }
0x462: {  	v32 =	vld [tilespmem:s12+$0x10];
	v6 =	vadd.f32 v6, v37;
	[tilespmem:s14+$0x20] =	vst v36;
	v5 =	vadd.f32 v5, v61;
	v61 =	vperm.xlane v0, v4  }
0x463: {  	v59 =	vpop (erf);
	v35 =	vperm.xlane v44, v9;
	v55 =	vld [tilespmem:s1+$0x70];
	v1 =	vadd.f32 v1, v52;
	v7 =	vadd.f32 v7, v60  }
0x464: {  	v8 =	vmul.f32 v8, v46;
	v52 =	vmul.f32 v6, v45;
	v60 =	vld [tilespmem:s12+$0x0];
	v0 =	vadd.f32 v0, v61;
	v37 =	vpop (erf)  }
0x465: {  	s3 =	simm.s32 $0x6880;
	v58 =	vld [tilespmem:s30+$0x0];
	v1 =	vperm.xlane v1, v62;
	v45 =	vperm.xlane v7, v4;
	v61 =	vnsel vm4, $0x0, v37  }
0x466: {  	v38 =	vld [tilespmem:s11+$0x20];
	v46 =	vperm.xlane v47, v9;
	v0 =	vperm.xlane v0, v11;
	[tilespmem:s3+$0x40] =	vst v61  }
0x467: {  	v36 =	vperm.xlane v44, v23;
	v6 =	vmovc v62;
	v62 =	vld [tilespmem:s12+$0x20];
	v7 =	vadd.f32 v7, v45;
	v1 =	vnsel vm0, $0x0, v1;
	[tilespmem:$0x1FEC0] =	vst v8  }
0x468: {  	v44 =	vperm.xlane v5, v4;
	v42 =	vadd.f32 v55, v42;
	v0 =	vsel vm1, v1, v0;
	v61 =	vld [tilespmem:s10+$0x40]  }
0x469: {  	v1 =	vperm.xlane v7, v10;
	v7 =	vadd.f32 v60, v43;
	v60 =	vadd.f32 v32, v39;
	[tilespmem:s17+$0xFFFFFF90] =	vst v56;
	v55 =	vld [tilespmem:s30+$0x20]  }
0x46a: {  	v5 =	vadd.f32 v5, v44;
	v44 =	vperm.xlane v59, v12;
	v47 =	vmul.f32 v42, v46;
	v56 =	vld [tilespmem:s19+$0xFFFFFFE0]  }
0x46b: {  	v53 =	vmul.f32 v60, v53;
	v60 =	vperm.xlane v37, v12;
	v12 =	vld [tilespmem:$0x1FEA0]  }
0x46c: {  	v5 =	vperm.xlane v5, v48;
	v42 =	vadd.f32 v54, v34;
	[tilespmem:$0x1FED0] =	vst v47  }
0x46d: {  	v32 =	vperm.xlane v59, v23;
	v62 =	vadd.f32 v62, v38;
	v54 =	vld [tilespmem:s12+$0xFFFFFF80]  }
0x46e: {  	v0 =	vsel vm2, v0, v5;
	v5 =	vmul.f32 v42, v57;
	v47 =	vld [tilespmem:s11+$0xFFFFFF80];
	v51 =	vadd.f32 v61, v51  }
0x46f: {  	v7 =	vmul.f32 v7, v58;
	v0 =	vsel vm3, v0, v1;
	v46 =	vld [tilespmem:s11+$0xFFFFFF90];
	v55 =	vmul.f32 v62, v55  }
0x470: {  	v8 =	vmovc v23;
	v1 =	vld [tilespmem:s30+$0xFFFFFF80];
	v58 =	vperm.xlane v53, v2;
	v23 =	vadd.f32 v56, v12;
	v51 =	vmul.f32 v51, v60  }
0x471: {  	v57 =	vperm.xlane v7, v2;
	v56 =	vld [tilespmem:s12+$0xFFFFFF90];
	v60 =	vperm.xlane v55, v2  }
0x472: {  	v53 =	vadd.f32 v53, v58;
	v61 =	vmul.f32 v23, v40;
	v40 =	vld [tilespmem:s30+$0xFFFFFF90];
	[tilespmem:s3+$0x0] =	vst v51  }
0x473: {  	v7 =	vadd.f32 v7, v57;
	v23 =	vadd.f32 v55, v60;
	v55 =	vld [tilespmem:s10+$0x50]  }
0x474: {  	v60 =	vperm.xlane v53, v3  }
0x475: {  	v62 =	vperm.xlane v7, v3;
	v54 =	vadd.f32 v54, v47  }
0x476: {  	v57 =	vperm.xlane v5, v2;
	v53 =	vadd.f32 v53, v60;
	v60 =	vadd.f32 v56, v46  }
0x477: {  	v7 =	vadd.f32 v7, v62;
	v1 =	vmul.f32 v54, v1;
	v58 =	vperm.xlane v23, v3  }
0x478: {  	v54 =	vmul.f32 v60, v40;
	v60 =	vperm.xlane v37, v63;
	v50 =	vadd.f32 v55, v50  }
0x479: {  	v5 =	vadd.f32 v5, v57;
	v57 =	vadd.f32 v23, v58;
	v58 =	vperm.xlane v7, v4  }
0x47a: {  	[tilespmem:s17+$0x30] =	vst v41;
	v50 =	vmul.f32 v50, v60  }
0x47b: {  	[tilespmem:s4+$0x30] =	vst v49;
	v7 =	vadd.f32 v7, v58  }
0x47c: {  	v42 =	vld [tilespmem:s11+$0xFFFFFFA0];
	v0 =	vmul.f32 $1.442695020e+00, v0;
	[tilespmem:s3+$0x10] =	vst v50  }
0x47d: {  	v62 =	vperm.xlane v5, v3;
	v7 =	vperm.xlane v7, v6;
	v6 =	vld [tilespmem:$0x1FEB0]  }
0x47e: {  	(erf) = vpow2.f32 v0;
	v0 =	vld [tilespmem:s12+$0xFFFFFFA0]  }
0x47f: {  	v41 =	vnsel vm4, $0x0, v59;
	v5 =	vadd.f32 v5, v62  }
0x480: {  	v56 =	vld [tilespmem:s30+$0xFFFFFFA0];
	[tilespmem:s14+$0xFFFFFFC0] =	vst v41  }
0x481: {  	v45 =	vperm.xlane v59, v63;
	v63 =	vperm.xlane v5, v4;
	[tilespmem:s2+$0xFFFFFF80] =	vst v52  }
0x482: {  	[tilespmem:s2+$0x30] =	vst v6  }
0x483: {  	v0 =	vadd.f32 v0, v42;
	v5 =	vadd.f32 v5, v63;
	v63 =	vld [tilespmem:$0x1FEC0]  }
0x484: {  	v62 =	vperm.xlane v57, v4  }
0x485: {  	v0 =	vmul.f32 v0, v56;
	v60 =	vperm.xlane v1, v2  }
0x486: {  	v40 =	vperm.xlane v59, v9  }
0x487: {  	v9 =	vadd.f32 v57, v62;
	v57 =	vadd.f32 v1, v60;
	v1 =	vperm.xlane v0, v2;
	[tilespmem:s17+$0xFFFFFFA0] =	vst v61  }
0x488: {  	[tilespmem:s4+$0xFFFFFF90] =	vst v63  }
0x489: {  	v56 =	vadd.f32 v0, v1;
	v0 =	vld [tilespmem:$0x1FED0]  }
0x48a: {  	v23 =	vld [tilespmem:s11+$0xFFFFFFB0];
	v51 =	vperm.xlane v53, v4  }
0x48b: {  	v55 =	vld [tilespmem:s12+$0xFFFFFFB0]  }
0x48c: {  	v51 =	vadd.f32 v53, v51  }
0x48d: {  	v53 =	vld [tilespmem:s30+$0xFFFFFFB0]  }
0x48e: {  	v51 =	vperm.xlane v51, v11;
	v62 =	vperm.xlane v54, v2;
	v6 =	vld [tilespmem:s10+$0x60];
	[tilespmem:s14+$0x30] =	vst v0  }
0x48f: {  	v5 =	vperm.xlane v5, v10;
	v7 =	vnsel vm0, $0x0, v7;
	v49 =	vperm.xlane v9, v48;
	v0 =	vld [tilespmem:$0x1FEE0]  }
0x490: {  	v58 =	vadd.f32 v54, v62;
	v55 =	vadd.f32 v55, v23;
	v7 =	vsel vm1, v7, v51  }
0x491: {  	v52 =	vld [tilespmem:s1+$0xFFFFFFC0];
	v7 =	vsel vm2, v7, v49  }
0x492: {  	v51 =	vld [tilespmem:s9+$0xFFFFFFD0];
	v62 =	vperm.xlane v58, v3;
	v55 =	vmul.f32 v55, v53;
	v5 =	vsel vm3, v7, v5  }
0x493: {  	s13 =	simm.s32 $0x980;
	v12 =	vmov v10;
	v53 =	vperm.xlane v37, v8;
	v59 =	vmul.f32 $1.442695020e+00, v5;
	v49 =	vld [tilespmem:s19+$0xFFFFFFF0]  }
0x494: {  	s0 =	simm.s32 $0x6880;
	s15 =	simm.s32 $0xA;
	v41 =	vpop (erf);
	v60 =	vperm.xlane v55, v2;
	v61 =	vperm.xlane v57, v3;
	s19 =	sadd.s32 $0x100, s30;
	v50 =	vld [tilespmem:s20+$0xFFFFFFE0];
	v54 =	vadd.f32 v6, v0  }
.LBB2_10:
0x495: {  	v0 =	vld [tilespmem:s19+$0x30]  }
0x496: {  	v6 =	vld [tilespmem:s19+$0x10]  }
0x497: {  	s11 =	sadd.s32 $0x100, s11;
	v10 =	vld [tilespmem:$0x1FFE0]  }
0x498: {  	s12 =	sadd.s32 $0x100, s12;
	v48 =	vmul.f32 v54, v53;
	v53 =	vld [tilespmem:s11+$0x30]  }
0x499: {  	v7 =	vadd.f32 v58, v62;
	v58 =	vld [tilespmem:s12+$0x30]  }
0x49a: {  	v63 =	vnsel vm4, $0x0, v41;
	v1 =	vadd.f32 v57, v61;
	v5 =	vadd.f32 v55, v60;
	v60 =	vld [tilespmem:$0x1FFF0]  }
0x49b: {  	v9 =	vadd.f32 v52, v24;
	(erf) = vpow2.f32 v59;
	[tilespmem:s3+$0xFFFFFFC0] =	vst v63;
	v63 =	vld [tilespmem:$0x1FFB0]  }
0x49c: {  	v8 =	vperm.xlane v56, v3;
	v61 =	vld [tilespmem:$0x1FF90];
	v62 =	vperm.xlane v1, v4  }
0x49d: {  	v57 =	vmul.f32 v9, v44;
	v9 =	vld [tilespmem:$0x1FFA0];
	v55 =	vperm.xlane v5, v3  }
0x49e: {  	v59 =	vperm.xlane v7, v4;
	v8 =	vadd.f32 v56, v8;
	[tilespmem:s3+$0x20] =	vst v48;
	v1 =	vadd.f32 v1, v62;
	v62 =	vld [tilespmem:$0x1FF80]  }
0x49f: {  	v54 =	vld [tilespmem:s10+$0x70]  }
0x4a0: {  	v5 =	vadd.f32 v5, v55;
	v7 =	vadd.f32 v7, v59;
	v56 =	vperm.xlane v8, v4;
	v59 =	vld [tilespmem:$0x1FFC0]  }
0x4a1: {  	v19 =	vadd.f32 v51, v19;
	v48 =	vld [tilespmem:s11+$0x20]  }
0x4a2: {  	v24 =	vmov v33;
	v51 =	vld [tilespmem:s11+$0x10];
	v33 =	vperm.xlane v5, v4;
	v8 =	vadd.f32 v8, v56  }
0x4a3: {  	v19 =	vmul.f32 v19, v30;
	[tilespmem:s14+$0xFFFFFF80] =	vst v57;
	v57 =	vld [tilespmem:s12+$0x10];
	v1 =	vperm.xlane v1, v62  }
0x4a4: {  	v55 =	vld [tilespmem:s19+$0x0];
	v7 =	vperm.xlane v7, v63;
	v5 =	vadd.f32 v5, v33;
	v8 =	vperm.xlane v8, v10  }
0x4a5: {  	v56 =	vld [tilespmem:s11+$0x0];
	v54 =	vadd.f32 v54, v26;
	v11 =	vperm.xlane v37, v59;
	v37 =	vpop (erf);
	v1 =	vnsel vm0, $0x0, v1  }
0x4a6: {  	s3 =	sadd.s32 $0x100, s3;
	[tilespmem:s2+$0xFFFFFF90] =	vst v19;
	v33 =	vmovc v47;
	v47 =	vld [tilespmem:s12+$0x0];
	v5 =	vperm.xlane v5, v12;
	v1 =	vsel vm1, v1, v7;
	v7 =	vnsel vm4, $0x0, v37  }
0x4a7: {  	v19 =	vld [tilespmem:s12+$0x20];
	v1 =	vsel vm2, v1, v8;
	[tilespmem:s3+$0x40] =	vst v7;
	v7 =	vmul.f32 v54, v11;
	v54 =	vadd.f32 v50, v15  }
0x4a8: {  	v52 =	vperm.xlane v41, v60;
	v1 =	vsel vm3, v1, v5;
	v5 =	vld [tilespmem:s13+$0x40]  }
0x4a9: {  	v13 =	vadd.f32 v49, v13;
	v49 =	vld [tilespmem:s19+$0x20];
	v1 =	vmul.f32 $1.442695020e+00, v1;
	[tilespmem:s0+$0x30] =	vst v7;
	v7 =	vmul.f32 v54, v27  }
0x4aa: {  	v44 =	vmovc v52;
	v52 =	vperm.xlane v41, v61;
	v26 =	vmov v34;
	v15 =	vperm.xlane v41, v9;
	v8 =	vld [tilespmem:s12+$0xFFFFFF80]  }
0x4ab: {  	v34 =	vmovc v53;
	v11 =	vadd.f32 v47, v56;
	v47 =	vld [tilespmem:s11+$0xFFFFFF80];
	(erf) = vpow2.f32 v1;
	[tilespmem:s4+$0xFFFFFFA0] =	vst v7;
	v1 =	vmul.f32 v13, v18  }
0x4ac: {  	v58 =	vadd.f32 v58, v34;
	v60 =	vperm.xlane v37, v60;
	v61 =	vperm.xlane v37, v61;
	v7 =	vld [tilespmem:s11+$0xFFFFFF90]  }
0x4ad: {  	v30 =	vmovc v45;
	v27 =	vmovc v36;
	v36 =	vmov v32;
	v32 =	vmov v15;
	v15 =	vadd.f32 v57, v51;
	v50 =	vld [tilespmem:s12+$0xFFFFFF90];
	[tilespmem:s17+$0xFFFFFFB0] =	vst v1  }
0x4ae: {  	v45 =	vmovc v52;
	v41 =	vperm.xlane v41, v59;
	v13 =	vmul.f32 v11, v55;
	v11 =	vadd.f32 v19, v48;
	v1 =	vld [tilespmem:s19+$0xFFFFFF80]  }
0x4af: {  	v0 =	vmul.f32 v58, v0;
	v18 =	vmovc v25;
	v6 =	vmul.f32 v15, v6;
	v5 =	vadd.f32 v5, v43;
	v53 =	vld [tilespmem:s11+$0xFFFFFFA0]  }
0x4b0: {  	v25 =	vmovc v35;
	v35 =	vmovc v40;
	v40 =	vmov v41;
	v59 =	vperm.xlane v13, v2;
	v49 =	vmul.f32 v11, v49;
	v54 =	vld [tilespmem:s12+$0xFFFFFFA0]  }
0x4b1: {  	v19 =	vmovc v22;
	v22 =	vmovc v31;
	v31 =	vmov v46;
	v41 =	vperm.xlane v6, v2;
	v55 =	vld [tilespmem:s11+$0xFFFFFFB0];
	v5 =	vmul.f32 v5, v60  }
0x4b2: {  	v43 =	vmovc v56;
	v57 =	vld [tilespmem:s12+$0xFFFFFFB0];
	v13 =	vadd.f32 v13, v59;
	v52 =	vperm.xlane v49, v2;
	v60 =	vperm.xlane v0, v2  }
0x4b3: {  	v15 =	vmovc v17;
	v17 =	vmov v21;
	v8 =	vadd.f32 v8, v47;
	v56 =	vld [tilespmem:s19+$0xFFFFFF90];
	v6 =	vadd.f32 v6, v41;
	[tilespmem:s3+$0x0] =	vst v5  }
0x4b4: {  	v46 =	vmovc v7;
	v5 =	vperm.xlane v13, v3;
	v7 =	vadd.f32 v49, v52;
	v0 =	vadd.f32 v0, v60;
	v49 =	vld [tilespmem:s13+$0x50]  }
0x4b5: {  	v21 =	vmovc v29;
	v59 =	vld [tilespmem:s19+$0xFFFFFFA0];
	v1 =	vmul.f32 v8, v1;
	v8 =	vadd.f32 v50, v46;
	v50 =	vperm.xlane v6, v3  }
0x4b6: {  	v29 =	vmovc v42;
	v5 =	vadd.f32 v13, v5;
	v11 =	vperm.xlane v7, v3;
	v60 =	vperm.xlane v0, v3  }
0x4b7: {  	v54 =	vadd.f32 v54, v53;
	v42 =	vmovc v53;
	v53 =	vld [tilespmem:s19+$0xFFFFFFB0];
	v13 =	vmovc v14;
	v14 =	vmov v16;
	v57 =	vadd.f32 v57, v55  }
0x4b8: {  	v16 =	vmovc v20;
	v58 =	vperm.xlane v1, v2;
	v6 =	vadd.f32 v6, v50;
	v50 =	vperm.xlane v5, v4  }
0x4b9: {  	v20 =	vmovc v28;
	v7 =	vadd.f32 v7, v11;
	v8 =	vmul.f32 v8, v56;
	v49 =	vadd.f32 v49, v39  }
0x4ba: {  	v52 =	vld [tilespmem:s10+$0xFFFFFFC0];
	v28 =	vmovc v23;
	v0 =	vadd.f32 v0, v60;
	v54 =	vmul.f32 v54, v59;
	v60 =	vperm.xlane v6, v4  }
0x4bb: {  	v39 =	vmovc v51;
	v5 =	vadd.f32 v5, v50;
	v56 =	vperm.xlane v7, v4;
	v51 =	vld [tilespmem:s1+$0xFFFFFFD0];
	v61 =	vmul.f32 v49, v61  }
0x4bc: {  	s15 =	sadd.s32 $0x2, s15;
	v23 =	vmovc v55;
	v11 =	vperm.xlane v0, v4;
	v55 =	vmul.f32 v57, v53;
	v6 =	vadd.f32 v6, v60;
	v49 =	vld [tilespmem:s20+$0xFFFFFFF0];
	s20 =	smov.u32 s9  }
0x4bd: {  	v50 =	vld [tilespmem:s9+$0xFFFFFFE0];
	v57 =	vadd.f32 v1, v58;
	v5 =	vperm.xlane v5, v62;
	v7 =	vadd.f32 v7, v56;
	s9 =	smov.u32 s1;
	s1 =	smov.u32 s10;
	s10 =	smov.u32 s13;
	[tilespmem:s3+$0x10] =	vst v61  }
0x4be: {  	p0 =	slt.u32 s15, $0x1E;
	v1 =	vperm.xlane v54, v2;
	v0 =	vadd.f32 v0, v11;
	v6 =	vperm.xlane v6, v63;
	v11 =	vld [tilespmem:s10+$0x60]  }
.Ltmp4:
0x4bf: {  	v56 =	vperm.xlane v8, v2;
	v5 =	vnsel vm0, $0x0, v5;
	v7 =	vperm.xlane v7, v10;
	(pc) =	sbr.rel @p0 .LBB2_10-.Ltmp4, $4  }
0x4c0: {  	v53 =	vperm.xlane v37, v9;
	v0 =	vperm.xlane v0, v12;
	v5 =	vsel vm1, v5, v6  }
0x4c1: {  	s17 =	smov.u32 s4;
	v60 =	vperm.xlane v55, v2;
	v58 =	vadd.f32 v8, v56;
	v5 =	vsel vm2, v5, v7  }
0x4c2: {  	s4 =	smov.u32 s2;
	s2 =	smov.u32 s14;
	s14 =	smov.u32 s0;
	v41 =	vpop (erf);
	v61 =	vperm.xlane v57, v3;
	v56 =	vadd.f32 v54, v1;
	v0 =	vsel vm3, v5, v0  }
0x4c3: {  	s0 =	smov.u32 s3;
	s19 =	sadd.s32 $0x100, s19;
	s13 =	smov.u32 s12;
	v62 =	vperm.xlane v58, v3;
	v59 =	vmul.f32 $1.442695020e+00, v0;
	v54 =	vadd.f32 v11, v38;
	v38 =	vmovc v48  }
0x4c4: {  	_ = 	snop  }
0x4c5: {  	v6 =	vadd.f32 v58, v62  }
0x4c6: {  	v0 =	vadd.f32 v55, v60  }
0x4c7: {  	v1 =	vadd.f32 v57, v61;
	v5 =	vperm.xlane v56, v3;
	v48 =	vperm.xlane v6, v4  }
0x4c8: {  	v63 =	vld [tilespmem:$0x1FF80];
	v7 =	vperm.xlane v0, v3  }
0x4c9: {  	v8 =	vperm.xlane v1, v4;
	v5 =	vadd.f32 v56, v5;
	v6 =	vadd.f32 v6, v48;
	v48 =	vld [tilespmem:$0x1FFB0]  }
0x4ca: {  	v10 =	vld [tilespmem:$0x1FFE0];
	v0 =	vadd.f32 v0, v7  }
0x4cb: {  	v1 =	vadd.f32 v1, v8;
	v7 =	vperm.xlane v5, v4  }
0x4cc: {  	v8 =	vperm.xlane v0, v4  }
0x4cd: {  	v1 =	vperm.xlane v1, v63;
	v5 =	vadd.f32 v5, v7  }
0x4ce: {  	v0 =	vadd.f32 v0, v8;
	v6 =	vperm.xlane v6, v48  }
0x4cf: {  	v1 =	vnsel vm0, $0x0, v1;
	v5 =	vperm.xlane v5, v10  }
0x4d0: {  	v0 =	vperm.xlane v0, v12;
	v1 =	vsel vm1, v1, v6  }
0x4d1: {  	v1 =	vsel vm2, v1, v5  }
0x4d2: {  	v0 =	vsel vm3, v1, v0  }
0x4d3: {  	v0 =	vmul.f32 $1.442695020e+00, v0  }
0x4d4: {  	(erf) = vpow2.f32 v59  }
0x4d5: {  	(erf) = vpow2.f32 v0;
	_ =	sdelay $0x7  }
0x4d6: {  	v5 =	vnsel vm4, $0x0, v41;
	v0 =	vpop (erf)  }
0x4d7: {  	s11 =	sadd.s32 $0x100, s3;
	[tilespmem:s3+$0xFFFFFFC0] =	vst v5;
	v1 =	vnsel vm4, $0x0, v0;
	v6 =	vpop (erf)  }
0x4d8: {  	[tilespmem:s11+$0x40] =	vst v1;
	v5 =	vnsel vm4, $0x0, v6  }
0x4d9: {  	v1 =	vld [tilespmem:s13+$0x40];
	[tilespmem:s11+$0xFFFFFFC0] =	vst v5  }
0x4da: {  	v11 =	vmov v12;
	v12 =	vld [tilespmem:$0x1FFF0];
	_ =	sdelay $0x3  }
0x4db: {  	v7 =	vld [tilespmem:s10+$0xFFFFFFC0]  }
0x4dc: {  	v1 =	vadd.f32 v1, v43;
	v8 =	vld [tilespmem:s13+$0xFFFFFFC0];
	v5 =	vperm.xlane v0, v12;
	_ =	sdelay $0x1  }
0x4dd: {  	v1 =	vmul.f32 v1, v5  }
0x4de: {  	v5 =	vadd.f32 v52, v24  }
0x4df: {  	v43 =	vperm.xlane v41, v12;
	[tilespmem:s11+$0x0] =	vst v1;
	v1 =	vadd.f32 v7, v33  }
0x4e0: {  	v8 =	vadd.f32 v8, v47;
	v5 =	vmul.f32 v5, v44;
	v44 =	vperm.xlane v6, v12  }
0x4e1: {  	v1 =	vmul.f32 v1, v43  }
0x4e2: {  	[tilespmem:s14+$0xFFFFFF80] =	vst v5;
	v5 =	vmul.f32 v8, v44  }
0x4e3: {  	[tilespmem:s0+$0xFFFFFF80] =	vst v1  }
0x4e4: {  	v7 =	vld [tilespmem:s13+$0x50];
	[tilespmem:s11+$0xFFFFFF80] =	vst v5  }
0x4e5: {  	v9 =	vld [tilespmem:$0x1FF90];
	_ =	sdelay $0x1  }
0x4e6: {  	v8 =	vld [tilespmem:s1+$0xFFFFFFD0]  }
0x4e7: {  	v1 =	vld [tilespmem:s10+$0xFFFFFFD0]  }
0x4e8: {  	v47 =	vld [tilespmem:s13+$0xFFFFFFD0]  }
0x4e9: {  	v19 =	vadd.f32 v51, v19;
	v7 =	vadd.f32 v7, v39;
	v5 =	vperm.xlane v0, v9;
	_ =	sdelay $0x1  }
0x4ea: {  	v19 =	vmul.f32 v19, v30;
	v5 =	vmul.f32 v7, v5;
	v7 =	vadd.f32 v8, v22  }
0x4eb: {  	v1 =	vadd.f32 v1, v31;
	v8 =	vperm.xlane v41, v9  }
0x4ec: {  	[tilespmem:s2+$0xFFFFFF90] =	vst v19;
	v52 =	vperm.xlane v6, v9;
	v24 =	vadd.f32 v47, v46;
	v7 =	vmul.f32 v7, v45  }
0x4ed: {  	[tilespmem:s11+$0x10] =	vst v5;
	v1 =	vmul.f32 v1, v8  }
0x4ee: {  	[tilespmem:s14+$0xFFFFFF90] =	vst v7;
	v7 =	vmul.f32 v24, v52  }
0x4ef: {  	[tilespmem:s0+$0xFFFFFF90] =	vst v1  }
0x4f0: {  	v5 =	vld [tilespmem:s13+$0x60];
	[tilespmem:s11+$0xFFFFFF90] =	vst v7  }
0x4f1: {  	v44 =	vld [tilespmem:$0x1FFA0]  }
0x4f2: {  	v55 =	vld [tilespmem:s1+$0xFFFFFFE0]  }
0x4f3: {  	v8 =	vld [tilespmem:s9+$0xFFFFFFE0];
	_ =	sdelay $0x1  }
0x4f4: {  	v15 =	vadd.f32 v50, v15  }
0x4f5: {  	v7 =	vmul.f32 v54, v53;
	v5 =	vadd.f32 v5, v38;
	v56 =	vperm.xlane v0, v44  }
0x4f6: {  	v15 =	vmul.f32 v15, v27;
	v58 =	vadd.f32 v55, v21  }
0x4f7: {  	v1 =	vld [tilespmem:s10+$0xFFFFFFE0];
	[tilespmem:s3+$0x20] =	vst v7;
	v7 =	vadd.f32 v8, v17;
	v5 =	vmul.f32 v5, v56  }
0x4f8: {  	v57 =	vld [tilespmem:s13+$0xFFFFFFE0];
	[tilespmem:s4+$0xFFFFFFA0] =	vst v15;
	v17 =	vmul.f32 v58, v32  }
0x4f9: {  	[tilespmem:s11+$0x20] =	vst v5;
	v5 =	vmul.f32 v7, v36  }
0x4fa: {  	[tilespmem:s14+$0xFFFFFFA0] =	vst v17  }
0x4fb: {  	v8 =	vld [tilespmem:s10+$0x70];
	[tilespmem:s2+$0xFFFFFFA0] =	vst v5  }
0x4fc: {  	v1 =	vadd.f32 v1, v29;
	v59 =	vperm.xlane v41, v44;
	v51 =	vld [tilespmem:$0x1FFC0]  }
0x4fd: {  	v15 =	vperm.xlane v6, v44;
	v60 =	vadd.f32 v57, v42;
	v7 =	vld [tilespmem:s13+$0x70]  }
0x4fe: {  	v61 =	vld [tilespmem:s20+$0xFFFFFFF0];
	v1 =	vmul.f32 v1, v59  }
0x4ff: {  	v15 =	vmul.f32 v60, v15;
	v5 =	vld [tilespmem:s9+$0xFFFFFFF0]  }
0x500: {  	v63 =	vld [tilespmem:s1+$0xFFFFFFF0];
	[tilespmem:s0+$0xFFFFFFA0] =	vst v1;
	v1 =	vadd.f32 v49, v13  }
0x501: {  	v8 =	vadd.f32 v8, v26;
	[tilespmem:s11+$0xFFFFFFA0] =	vst v15;
	v13 =	vld [tilespmem:s10+$0xFFFFFFF0];
	v62 =	vperm.xlane v37, v51  }
0x502: {  	v15 =	vld [tilespmem:s13+$0xFFFFFFF0];
	v1 =	vmul.f32 v1, v18;
	v7 =	vadd.f32 v7, v34;
	v0 =	vperm.xlane v0, v51  }
0x503: {  	v14 =	vadd.f32 v61, v14;
	v8 =	vmul.f32 v8, v62  }
0x504: {  	[tilespmem:s17+$0xFFFFFFB0] =	vst v1;
	v5 =	vadd.f32 v5, v16;
	v0 =	vmul.f32 v7, v0  }
0x505: {  	v1 =	vmul.f32 v14, v25;
	v7 =	vadd.f32 v63, v20;
	[tilespmem:s0+$0x30] =	vst v8  }
0x506: {  	v8 =	vperm.xlane v41, v51;
	[tilespmem:s11+$0x30] =	vst v0;
	v0 =	vmul.f32 v5, v35;
	v5 =	vadd.f32 v13, v28  }
0x507: {  	v6 =	vperm.xlane v6, v51;
	[tilespmem:s4+$0xFFFFFFB0] =	vst v1;
	v1 =	vmul.f32 v7, v40;
	v7 =	vadd.f32 v15, v23  }
0x508: {  	[tilespmem:s2+$0xFFFFFFB0] =	vst v0;
	v0 =	vmul.f32 v5, v8  }
0x509: {  	[tilespmem:s14+$0xFFFFFFB0] =	vst v1;
	v1 =	vmul.f32 v7, v6  }
0x50a: {  	[tilespmem:s0+$0xFFFFFFB0] =	vst v0  }
0x50b: {  	s19 =	rddreg [dreg:$0x2];
	s20 =	simm.s32 $0x6400;
	s3 =	simm.s32 $0x9;
	[tilespmem:s11+$0xFFFFFFB0] =	vst v1  }
0x50c: {  	[spmem:s19] =	stream.indirect.scatter.add.f32 [tilespmem:s20], [sflag:$0x9], $0x80, s29, s16, $0xb8;
	[tilespmem:$0x1C400] =	vst v63  }
0x50d: {  	_ =	swait.ge [sflag:s3], $0x1000  }
0x50e: {  	[sflag:s3] =	ssyncset.done $0x0  }
0x50f: {  	[sflag:s3] =	ssyncadd.s32 $0xFFFFF000  }
0x510: {  	s22 =	stileid.u32;
	[bflag:$0x0] =	sbarrier.arrive $0xFFFF  }
0x511: {  	s0 =	sshll.u32 s22, $0x6;
	s11 =	rddreg [dreg:$0x4]  }
0x512: {  	s0 =	sor.u32 $0x1C09, s0;
	s26 =	rddreg [dreg:$0xf];
	s25 =	sshrl.u32 s11, $0x3  }
0x513: {  	[hbm:s26], [sflag:s0] =	dma.local [spmem:s25], $0x2800  }
0x514: {  	_ =	swait.ge [sflag:s3], $0x2800  }
0x515: {  	s30 =	rddreg [dreg:$0x1d]  }
0x516: {  	s31 =	rddreg [dreg:$0x10];
	s1 =	sadd.s32 $0x1, s30  }
0x517: {  	p0 =	sne.s32 s1, s31  }
.Ltmp5:
0x518: {  	_ = 	snop;
	(pc) =	sbr.rel @p0 .LBB2_1-.Ltmp5, $3  }
0x519: {  	_ =	sdelay $0x1  }
0x51a: {  	[sflag:s3] =	ssyncset.done $0x0  }
0x51b: {  	v45 =	vmov v9;
	v0 =	vimm.f32 $0.0e+00;
	[sflag:s3] =	ssyncadd.s32 $0xFFFFD800  }
0x51c: {  	_ =	sfence.sel $0x180000  }
0x51d: {  	[bflag:$0x0] =	sbarrier.arrive $0xFFFF  }
0x51e: {  	_ =	strace $0x90000047  }
0x51f: {  	s0 =	stileid.u32;
	[bflag:$0x2] =	sbarrier.arrive $0xFFFF  }
0x520: {  	p0 =	sne.s32 s0, $0x0;
	s0 =	rddreg [dreg:$0x3]  }
0x521: {  	s0 =	sadd.s32 @!p0 $0x100000, s0  }
0x522: {  	[sflag:s0] =	ssyncadd.tile.s32 @!p0 $0x1;
	_ =	shalt  }
.Lfunc_end2:
_tile_overlayer_lowered:
.L_overlay_start_2:
0x523: {  	(tag) =	ssettag $0x2  }
0x524: {  	s0 =	rddreg [dreg:$0x0];
	s2 =	stileid.u32  }
0x525: {  	s1 =	rddreg [dreg:$0x1];
	p0 =	sne.s32 s2, $0x0  }
0x526: {  	s3 =	rddreg [dreg:$0x2];
	[bflag:$0x3] =	sbarrier.arrive $0xFFFF;
	s2 =	simm.s32 @!p0 $0x1C09  }
0x527: {  	[timem:s3], [sflag:s2] =	dma.local @!p0 [hbm:s0], s1  }
0x528: {  	s0 =	simm.s32 @!p0 $0x9  }
0x529: {  	_ =	swait.ge @!p0 [sflag:s0], s1  }
0x52a: {  	s1 =	ssub.s32 @!p0 $0x0, s1;
	[sflag:s0] =	ssyncset.done @!p0 $0x0  }
0x52b: {  	[sflag:s0] =	ssyncadd.s32 @!p0 s1  }
0x52c: {  	[bflag:$0x3] =	sbarrier.arrive $0xFFFF  }
0x52d: {  	_ =	shalt  }

</sc_bundles>
